<compile_context>
chip_gen: v7x
topology: tpu7x:2x2x1
jax: 0.10.2.dev20260603
libtpu: 0.0.44.dev20260713+nightly
codegen_flags: <defaults>
</compile_context>

<pallas_src>
import jax
import jax.numpy as jnp
from jax import lax
from jax.experimental import pallas as pl
from jax.experimental.pallas import tpu as pltpu
from jax.experimental.pallas import tpu_sc as plsc

N = 10000
E = 320000
NT = 32
CH = 80
K = 128
EP = NT * CH * K
NACC = 10240
STRIPE = 640
SUB = 32
D1 = 128
D2 = 48
RB = 1000

_MESH = plsc.VectorSubcoreMesh(core_axis_name="c", subcore_axis_name="s")



def _deg_body(col3, zeros_hbm, ones_hbm, out, cbuf, ones_v, zbuf, acc):
    c = lax.axis_index("c")
    s = lax.axis_index("s")
    wid = c * 16 + s
    pltpu.sync_copy(zeros_hbm, zbuf)
    pltpu.sync_copy(ones_hbm, ones_v)
    pltpu.sync_copy(zbuf, acc.at[pl.ds(s * STRIPE, STRIPE)])
    plsc.subcore_barrier()
    pltpu.sync_copy(col3.at[wid], cbuf)

    def step(ch, carry):
        pltpu.sync_copy(ones_v, acc.at[cbuf.at[ch]], add=True)
        return carry

    lax.fori_loop(0, CH, step, 0)
    plsc.subcore_barrier()
    pltpu.sync_copy(acc.at[pl.ds(s * STRIPE, STRIPE)], zbuf)
    pltpu.sync_copy(zbuf, out.at[pl.ds(c * NACC + s * STRIPE, STRIPE)])


def _deg_call(col3, zeros16, ones16):
    return pl.kernel(
        _deg_body,
        out_type=jax.ShapeDtypeStruct((2 * NACC, 16), jnp.float32),
        mesh=_MESH,
        scratch_types=[
            pltpu.VMEM((CH, K), jnp.int32),
            pltpu.VMEM((K, 16), jnp.float32),
            pltpu.VMEM((STRIPE, 16), jnp.float32),
            pltpu.VMEM_SHARED((NACC, 16), jnp.float32),
        ],
        compiler_params=pltpu.CompilerParams(use_tc_tiling_on_sc=False),
    )(col3, zeros16, ones16)



def _prop_body(eb, z, zeros_hbm, out,
               ibuf, g0, g1, zbuf, acc, gs0, gs1, ss0, ss1):
    c = lax.axis_index("c")
    s = lax.axis_index("s")
    wid = c * 16 + s
    pltpu.sync_copy(zeros_hbm, zbuf)
    for kk in range(STRIPE // SUB):
        pltpu.sync_copy(zbuf, acc.at[pl.ds(s * STRIPE + kk * SUB, SUB)])
    plsc.subcore_barrier()

    gb = (g0, g1)
    gs = (gs0, gs1)
    ss = (ss0, ss1)
    pltpu.sync_copy(eb.at[wid, 0], ibuf.at[0])
    pltpu.async_copy(z.at[ibuf.at[0, 0]], g0, gs0)

    def pair(i, carry):
        for b in range(2):
            ch = 2 * i + b
            pltpu.make_async_copy(z.at[ibuf.at[b, 0]], gb[b], gs[b]).wait()
            pltpu.async_copy(gb[b], acc.at[ibuf.at[b, 1]], ss[b], add=True)

            @pl.when(ch >= 1)
            def _():
                pltpu.make_async_copy(gb[1 - b], acc.at[ibuf.at[1 - b, 1]],
                                      ss[1 - b]).wait()

            @pl.when(ch + 1 < CH)
            def _():
                pltpu.sync_copy(eb.at[wid, ch + 1], ibuf.at[1 - b])
                pltpu.async_copy(z.at[ibuf.at[1 - b, 0]], gb[1 - b], gs[1 - b])

            return_carry = carry
        return return_carry

    lax.fori_loop(0, CH // 2, pair, 0)
    pltpu.make_async_copy(gb[1], acc.at[ibuf.at[1, 1]], ss[1]).wait()
    plsc.subcore_barrier()
    for kk in range(STRIPE // SUB):
        off = s * STRIPE + kk * SUB
        pltpu.sync_copy(acc.at[pl.ds(off, SUB)], zbuf)
        pltpu.sync_copy(zbuf, out.at[pl.ds(c * NACC + off, SUB)])


def _prop_call(eb, z, zeros_d, d):
    return pl.kernel(
        _prop_body,
        out_type=jax.ShapeDtypeStruct((2 * NACC, d), jnp.float32),
        mesh=_MESH,
        scratch_types=[
            pltpu.VMEM((2, 2, K), jnp.int32),
            pltpu.VMEM((K, d), jnp.float32),
            pltpu.VMEM((K, d), jnp.float32),
            pltpu.VMEM((SUB, d), jnp.float32),
            pltpu.VMEM_SHARED((NACC, d), jnp.float32),
            pltpu.SemaphoreType.DMA,
            pltpu.SemaphoreType.DMA,
            pltpu.SemaphoreType.DMA,
            pltpu.SemaphoreType.DMA,
        ],
        compiler_params=pltpu.CompilerParams(use_tc_tiling_on_sc=False),
    )(eb, z, zeros_d)



def _tc_a_body(d0, d1, x, z1):
    dis = lax.rsqrt(d0[...] + d1[...] + 1.0)
    z1[...] = x[...] * dis


def _tc_b_body(d0, d1, s0, s1, z1v, w1, b1, w2, z2):
    dis = lax.rsqrt(d0[...] + d1[...] + 1.0)
    u = dis * (s0[...] + s1[...] + z1v[...])
    h = jnp.maximum(jnp.dot(u, w1[...], preferred_element_type=jnp.float32)
                    + b1[...], 0.0)
    y2 = jnp.dot(h, w2[...], preferred_element_type=jnp.float32)
    z2[...] = dis * y2


def _tc_c_body(d0, d1, t0, t1, z2v, b2, o):
    dis = lax.rsqrt(d0[...] + d1[...] + 1.0)
    v = jnp.maximum(dis * (t0[...] + t1[...] + z2v[...]) + b2[...], 0.0)
    mask = lax.broadcasted_iota(jnp.int32, (RB, D2), 1) < 40
    vm = jnp.where(mask, v, -1e30)
    m = jnp.max(vm, axis=-1, keepdims=True)
    lse = jnp.log(jnp.sum(jnp.exp(vm - m), axis=-1, keepdims=True))
    o[...] = vm - m - lse


def _col_spec(w):
    return pl.BlockSpec((RB, w), lambda i: (i, 0))


def _full_spec(r, w):
    return pl.BlockSpec((r, w), lambda i: (0, 0))


def _tc_a(d0, d1, x):
    return pl.pallas_call(
        _tc_a_body,
        grid=(N // RB,),
        in_specs=[_col_spec(1), _col_spec(1), _col_spec(D1)],
        out_specs=_col_spec(D1),
        out_shape=jax.ShapeDtypeStruct((N, D1), jnp.float32),
    )(d0, d1, x)


def _tc_b(d0, d1, s0, s1, z1, w1, b1, w2):
    return pl.pallas_call(
        _tc_b_body,
        grid=(N // RB,),
        in_specs=[_col_spec(1), _col_spec(1), _col_spec(D1), _col_spec(D1),
                  _col_spec(D1), _full_spec(D1, D1), _full_spec(1, D1),
                  _full_spec(D1, D2)],
        out_specs=_col_spec(D2),
        out_shape=jax.ShapeDtypeStruct((N, D2), jnp.float32),
    )(d0, d1, s0, s1, z1, w1, b1, w2)


def _tc_c(d0, d1, t0, t1, z2, b2):
    return pl.pallas_call(
        _tc_c_body,
        grid=(N // RB,),
        in_specs=[_col_spec(1), _col_spec(1), _col_spec(D2), _col_spec(D2),
                  _col_spec(D2), _full_spec(1, D2)],
        out_specs=_col_spec(D2),
        out_shape=jax.ShapeDtypeStruct((N, D2), jnp.float32),
    )(d0, d1, t0, t1, z2, b2)



def kernel(x, edge_index, W1, b1, W2, b2):
    ei = edge_index.astype(jnp.int32)
    pad_r = jnp.zeros((EP - E,), jnp.int32)
    pad_c = jnp.full((EP - E,), N, jnp.int32)
    row3 = jnp.concatenate([ei[0], pad_r]).reshape(NT, CH, K)
    col3 = jnp.concatenate([ei[1], pad_c]).reshape(NT, CH, K)
    eb = jnp.stack([row3, col3], axis=2)

    zeros16 = jnp.zeros((STRIPE, 16), jnp.float32)
    ones16 = jnp.ones((K, 16), jnp.float32)
    deg_out = _deg_call(col3, zeros16, ones16)
    d0 = deg_out[0:N, 0:1]
    d1 = deg_out[NACC:NACC + N, 0:1]

    z1 = _tc_a(d0, d1, x)
    s_out = _prop_call(eb, z1, jnp.zeros((SUB, D1), jnp.float32), D1)
    s0 = s_out[0:N]
    s1 = s_out[NACC:NACC + N]

    w2p = jnp.pad(W2, ((0, 0), (0, D2 - 40)))
    b2p = jnp.pad(b2, (0, D2 - 40)).reshape(1, D2)
    z2 = _tc_b(d0, d1, s0, s1, z1, W1, b1.reshape(1, D1), w2p)

    t_out = _prop_call(eb, z2, jnp.zeros((SUB, D2), jnp.float32), D2)
    t0 = t_out[0:N]
    t1 = t_out[NACC:NACC + N]

    o = _tc_c(d0, d1, t0, t1, z2, b2p)
    return o[:, :40]

# --- scband reference (transcript-rebuilt; emitter-appended) ---
"""Pipeline reference for scband-graph-conv-network-12532714569913 (READ-ONLY COPY).

The authoritative reference and input builder live on the scoring server;
editing this copy changes nothing except your own understanding.
"""

import jax, jax.numpy as jnp
import numpy as np

N_NODES = 10000


def gcn_conv(x, edge_index, W, b, num_nodes):
    # Linear transform first (PyG GCNConv applies lin before propagation)
    x = x @ W
    row = edge_index[0]
    col = edge_index[1]
    # add self-loops (GCNConv default add_self_loops=True)
    loop = jnp.arange(num_nodes, dtype=edge_index.dtype)
    row = jnp.concatenate([row, loop])
    col = jnp.concatenate([col, loop])
    # symmetric normalization: deg computed over target (col)
    deg = jax.ops.segment_sum(jnp.ones(col.shape[0], dtype=x.dtype), col, num_segments=num_nodes)
    deg_inv_sqrt = jnp.where(deg > 0, deg ** -0.5, 0.0)
    norm = deg_inv_sqrt[row] * deg_inv_sqrt[col]
    # gather source features, scale, scatter-add to targets
    msg = x[row] * norm[:, None]
    out = jax.ops.segment_sum(msg, col, num_segments=num_nodes)
    return out + b


def setup_inputs(seed: int = 0) -> dict:
    key = jax.random.key(seed)
    k1, k2, k3, k4, k5, k6 = jax.random.split(key, 6)
    x = jax.random.normal(k1, (N_NODES, 128), dtype=jnp.float32)
    edge_index = jax.random.randint(k2, (2, 320000), 0, N_NODES, dtype=jnp.int64)
    # layer 0: 128 -> 128; layer 1: 128 -> 40 (num_classes)
    W1 = jax.random.normal(k3, (128, 128), dtype=jnp.float32) * (1.0 / np.sqrt(128))
    b1 = jnp.zeros((128,), dtype=jnp.float32)
    W2 = jax.random.normal(k4, (128, 40), dtype=jnp.float32) * (1.0 / np.sqrt(128))
    b2 = jnp.zeros((40,), dtype=jnp.float32)
    return {"x": x, "edge_index": edge_index, "W1": W1, "b1": b1, "W2": W2, "b2": b2}


def reference(x, edge_index, W1, b1, W2, b2):
    num_nodes = x.shape[0]
    # layer 0
    h = gcn_conv(x, edge_index, W1, b1, num_nodes)
    h = jax.nn.relu(h)
    # dropout p=0.0 -> identity
    # layer 1
    h = gcn_conv(h, edge_index, W2, b2, num_nodes)
    h = jax.nn.relu(h)
    # dropout p=0.0 -> identity
    return jax.nn.log_softmax(h, axis=-1)

if __name__ == "__main__":
    import jax
    _d = setup_inputs()
    print(jax.jit(kernel)(*tuple(_d.values())))

</pallas_src>

<mosaic_0001>
#map = affine_map<(d0, d1) -> (0, 0, 0, 0)>
#map1 = affine_map<(d0, d1) -> (0, 0)>
module attributes {stable_mosaic.version = 14 : i64} {
  func.func @_prop_body(%arg0: i32, %arg1: i32, %arg2: memref<32x80x2x128xi32, #tpu.memory_space<hbm>>, %arg3: memref<10000x128xf32, #tpu.memory_space<hbm>>, %arg4: memref<32x128xf32, #tpu.memory_space<hbm>>, %arg5: memref<20480x128xf32, #tpu.memory_space<hbm>>, %arg6: memref<2x2x128xi32, #tpu.memory_space<vmem>>, %arg7: memref<128x128xf32, #tpu.memory_space<vmem>>, %arg8: memref<128x128xf32, #tpu.memory_space<vmem>>, %arg9: memref<32x128xf32, #tpu.memory_space<vmem>>, %arg10: memref<10240x128xf32, #tpu.memory_space<vmem_shared>>, %arg11: memref<!tpu.dma_semaphore, #tpu.memory_space<semaphore_mem>>, %arg12: memref<!tpu.dma_semaphore, #tpu.memory_space<semaphore_mem>>, %arg13: memref<!tpu.dma_semaphore, #tpu.memory_space<semaphore_mem>>, %arg14: memref<!tpu.dma_semaphore, #tpu.memory_space<semaphore_mem>>) attributes {dimension_semantics = [#tpu.dimension_semantics<core_parallel>, #tpu.dimension_semantics<subcore_parallel>], iteration_bounds = array<i64: 2, 16>, scalar_prefetch = 0 : i64, scratch_operands = 9 : i64, tpu.core_type = #tpu.core_type<sc_vector_subcore>, window_params = [{transform_indices = #map}, {transform_indices = #map1}, {transform_indices = #map1}, {transform_indices = #map1}]} {
    %mul3A = arith.constant 16 : i32
    %mul3A_0 = arith.muli %arg0, %mul3A : i32
    %add3A = arith.addi %mul3A_0, %arg1 : i32
    "tpu.region"() ({
      %run_scoped3A_242 = tpu.sem_alloc : memref<!tpu.dma_semaphore, #tpu.memory_space<semaphore_mem>>
      tpu.enqueue_dma source(%arg4 : memref<32x128xf32, #tpu.memory_space<hbm>>) target(%arg9 : memref<32x128xf32, #tpu.memory_space<vmem>>) target_semaphore(%run_scoped3A_242 : memref<!tpu.dma_semaphore, #tpu.memory_space<semaphore_mem>>)
      tpu.wait_dma2 semaphore(%run_scoped3A_242 : memref<!tpu.dma_semaphore, #tpu.memory_space<semaphore_mem>>) src(%arg4 : memref<32x128xf32, #tpu.memory_space<hbm>>) dst(%arg9 : memref<32x128xf32, #tpu.memory_space<vmem>>)
      tpu.yield
    }) : () -> ()
    %mul3A_1 = arith.constant 640 : i32
    %mul3A_2 = arith.muli %arg1, %mul3A_1 : i32
    %add3A_3 = arith.constant 0 : i32
    %add3A_4 = arith.addi %mul3A_2, %add3A_3 : i32
    "tpu.region"() ({
      %run_scoped3A_242 = tpu.sem_alloc : memref<!tpu.dma_semaphore, #tpu.memory_space<semaphore_mem>>
      %dma_start3A_243 = arith.constant 0 : i32
      %dma_start3A_244 = tpu.memref_slice %arg10[%add3A_4, %dma_start3A_243] : memref<10240x128xf32, #tpu.memory_space<vmem_shared>> -> memref<32x128xf32, #tpu.memory_space<vmem_shared>>
      %dma_start3A_245 = arith.constant 0 : i32
      %dma_start3A_246 = tpu.memref_slice %arg10[%add3A_4, %dma_start3A_245] : memref<10240x128xf32, #tpu.memory_space<vmem_shared>> -> memref<32x128xf32, #tpu.memory_space<vmem_shared>>
      tpu.enqueue_dma source(%arg9 : memref<32x128xf32, #tpu.memory_space<vmem>>) target(%dma_start3A_246 : memref<32x128xf32, #tpu.memory_space<vmem_shared>>) target_semaphore(%run_scoped3A_242 : memref<!tpu.dma_semaphore, #tpu.memory_space<semaphore_mem>>)
      %dma_wait3A_247 = arith.constant 0 : i32
      %dma_wait3A_248 = tpu.memref_slice %arg10[%add3A_4, %dma_wait3A_247] : memref<10240x128xf32, #tpu.memory_space<vmem_shared>> -> memref<32x128xf32, #tpu.memory_space<vmem_shared>>
      %dma_wait3A_249 = arith.constant 0 : i32
      %dma_wait3A_250 = tpu.memref_slice %arg10[%add3A_4, %dma_wait3A_249] : memref<10240x128xf32, #tpu.memory_space<vmem_shared>> -> memref<32x128xf32, #tpu.memory_space<vmem_shared>>
      tpu.wait_dma2 semaphore(%run_scoped3A_242 : memref<!tpu.dma_semaphore, #tpu.memory_space<semaphore_mem>>) src(%arg9 : memref<32x128xf32, #tpu.memory_space<vmem>>) dst(%dma_wait3A_250 : memref<32x128xf32, #tpu.memory_space<vmem_shared>>)
      tpu.yield
    }) : () -> ()
    %mul3A_5 = arith.constant 640 : i32
    %mul3A_6 = arith.muli %arg1, %mul3A_5 : i32
    %add3A_7 = arith.constant 32 : i32
    %add3A_8 = arith.addi %mul3A_6, %add3A_7 : i32
    "tpu.region"() ({
      %run_scoped3A_242 = tpu.sem_alloc : memref<!tpu.dma_semaphore, #tpu.memory_space<semaphore_mem>>
      %dma_start3A_243 = arith.constant 0 : i32
      %dma_start3A_244 = tpu.memref_slice %arg10[%add3A_8, %dma_start3A_243] : memref<10240x128xf32, #tpu.memory_space<vmem_shared>> -> memref<32x128xf32, #tpu.memory_space<vmem_shared>>
      %dma_start3A_245 = arith.constant 0 : i32
      %dma_start3A_246 = tpu.memref_slice %arg10[%add3A_8, %dma_start3A_245] : memref<10240x128xf32, #tpu.memory_space<vmem_shared>> -> memref<32x128xf32, #tpu.memory_space<vmem_shared>>
      tpu.enqueue_dma source(%arg9 : memref<32x128xf32, #tpu.memory_space<vmem>>) target(%dma_start3A_246 : memref<32x128xf32, #tpu.memory_space<vmem_shared>>) target_semaphore(%run_scoped3A_242 : memref<!tpu.dma_semaphore, #tpu.memory_space<semaphore_mem>>)
      %dma_wait3A_247 = arith.constant 0 : i32
      %dma_wait3A_248 = tpu.memref_slice %arg10[%add3A_8, %dma_wait3A_247] : memref<10240x128xf32, #tpu.memory_space<vmem_shared>> -> memref<32x128xf32, #tpu.memory_space<vmem_shared>>
      %dma_wait3A_249 = arith.constant 0 : i32
      %dma_wait3A_250 = tpu.memref_slice %arg10[%add3A_8, %dma_wait3A_249] : memref<10240x128xf32, #tpu.memory_space<vmem_shared>> -> memref<32x128xf32, #tpu.memory_space<vmem_shared>>
      tpu.wait_dma2 semaphore(%run_scoped3A_242 : memref<!tpu.dma_semaphore, #tpu.memory_space<semaphore_mem>>) src(%arg9 : memref<32x128xf32, #tpu.memory_space<vmem>>) dst(%dma_wait3A_250 : memref<32x128xf32, #tpu.memory_space<vmem_shared>>)
      tpu.yield
    }) : () -> ()
    %mul3A_9 = arith.constant 640 : i32
    %mul3A_10 = arith.muli %arg1, %mul3A_9 : i32
    %add3A_11 = arith.constant 64 : i32
    %add3A_12 = arith.addi %mul3A_10, %add3A_11 : i32
    "tpu.region"() ({
      %run_scoped3A_242 = tpu.sem_alloc : memref<!tpu.dma_semaphore, #tpu.memory_space<semaphore_mem>>
      %dma_start3A_243 = arith.constant 0 : i32
      %dma_start3A_244 = tpu.memref_slice %arg10[%add3A_12, %dma_start3A_243] : memref<10240x128xf32, #tpu.memory_space<vmem_shared>> -> memref<32x128xf32, #tpu.memory_space<vmem_shared>>
      %dma_start3A_245 = arith.constant 0 : i32
      %dma_start3A_246 = tpu.memref_slice %arg10[%add3A_12, %dma_start3A_245] : memref<10240x128xf32, #tpu.memory_space<vmem_shared>> -> memref<32x128xf32, #tpu.memory_space<vmem_shared>>
      tpu.enqueue_dma source(%arg9 : memref<32x128xf32, #tpu.memory_space<vmem>>) target(%dma_start3A_246 : memref<32x128xf32, #tpu.memory_space<vmem_shared>>) target_semaphore(%run_scoped3A_242 : memref<!tpu.dma_semaphore, #tpu.memory_space<semaphore_mem>>)
      %dma_wait3A_247 = arith.constant 0 : i32
      %dma_wait3A_248 = tpu.memref_slice %arg10[%add3A_12, %dma_wait3A_247] : memref<10240x128xf32, #tpu.memory_space<vmem_shared>> -> memref<32x128xf32, #tpu.memory_space<vmem_shared>>
      %dma_wait3A_249 = arith.constant 0 : i32
      %dma_wait3A_250 = tpu.memref_slice %arg10[%add3A_12, %dma_wait3A_249] : memref<10240x128xf32, #tpu.memory_space<vmem_shared>> -> memref<32x128xf32, #tpu.memory_space<vmem_shared>>
      tpu.wait_dma2 semaphore(%run_scoped3A_242 : memref<!tpu.dma_semaphore, #tpu.memory_space<semaphore_mem>>) src(%arg9 : memref<32x128xf32, #tpu.memory_space<vmem>>) dst(%dma_wait3A_250 : memref<32x128xf32, #tpu.memory_space<vmem_shared>>)
      tpu.yield
    }) : () -> ()
    %mul3A_13 = arith.constant 640 : i32
    %mul3A_14 = arith.muli %arg1, %mul3A_13 : i32
    %add3A_15 = arith.constant 96 : i32
    %add3A_16 = arith.addi %mul3A_14, %add3A_15 : i32
    "tpu.region"() ({
      %run_scoped3A_242 = tpu.sem_alloc : memref<!tpu.dma_semaphore, #tpu.memory_space<semaphore_mem>>
      %dma_start3A_243 = arith.constant 0 : i32
      %dma_start3A_244 = tpu.memref_slice %arg10[%add3A_16, %dma_start3A_243] : memref<10240x128xf32, #tpu.memory_space<vmem_shared>> -> memref<32x128xf32, #tpu.memory_space<vmem_shared>>
      %dma_start3A_245 = arith.constant 0 : i32
      %dma_start3A_246 = tpu.memref_slice %arg10[%add3A_16, %dma_start3A_245] : memref<10240x128xf32, #tpu.memory_space<vmem_shared>> -> memref<32x128xf32, #tpu.memory_space<vmem_shared>>
      tpu.enqueue_dma source(%arg9 : memref<32x128xf32, #tpu.memory_space<vmem>>) target(%dma_start3A_246 : memref<32x128xf32, #tpu.memory_space<vmem_shared>>) target_semaphore(%run_scoped3A_242 : memref<!tpu.dma_semaphore, #tpu.memory_space<semaphore_mem>>)
      %dma_wait3A_247 = arith.constant 0 : i32
      %dma_wait3A_248 = tpu.memref_slice %arg10[%add3A_16, %dma_wait3A_247] : memref<10240x128xf32, #tpu.memory_space<vmem_shared>> -> memref<32x128xf32, #tpu.memory_space<vmem_shared>>
      %dma_wait3A_249 = arith.constant 0 : i32
      %dma_wait3A_250 = tpu.memref_slice %arg10[%add3A_16, %dma_wait3A_249] : memref<10240x128xf32, #tpu.memory_space<vmem_shared>> -> memref<32x128xf32, #tpu.memory_space<vmem_shared>>
      tpu.wait_dma2 semaphore(%run_scoped3A_242 : memref<!tpu.dma_semaphore, #tpu.memory_space<semaphore_mem>>) src(%arg9 : memref<32x128xf32, #tpu.memory_space<vmem>>) dst(%dma_wait3A_250 : memref<32x128xf32, #tpu.memory_space<vmem_shared>>)
      tpu.yield
    }) : () -> ()
    %mul3A_17 = arith.constant 640 : i32
    %mul3A_18 = arith.muli %arg1, %mul3A_17 : i32
    %add3A_19 = arith.constant 128 : i32
    %add3A_20 = arith.addi %mul3A_18, %add3A_19 : i32
    "tpu.region"() ({
      %run_scoped3A_242 = tpu.sem_alloc : memref<!tpu.dma_semaphore, #tpu.memory_space<semaphore_mem>>
      %dma_start3A_243 = arith.constant 0 : i32
      %dma_start3A_244 = tpu.memref_slice %arg10[%add3A_20, %dma_start3A_243] : memref<10240x128xf32, #tpu.memory_space<vmem_shared>> -> memref<32x128xf32, #tpu.memory_space<vmem_shared>>
      %dma_start3A_245 = arith.constant 0 : i32
      %dma_start3A_246 = tpu.memref_slice %arg10[%add3A_20, %dma_start3A_245] : memref<10240x128xf32, #tpu.memory_space<vmem_shared>> -> memref<32x128xf32, #tpu.memory_space<vmem_shared>>
      tpu.enqueue_dma source(%arg9 : memref<32x128xf32, #tpu.memory_space<vmem>>) target(%dma_start3A_246 : memref<32x128xf32, #tpu.memory_space<vmem_shared>>) target_semaphore(%run_scoped3A_242 : memref<!tpu.dma_semaphore, #tpu.memory_space<semaphore_mem>>)
      %dma_wait3A_247 = arith.constant 0 : i32
      %dma_wait3A_248 = tpu.memref_slice %arg10[%add3A_20, %dma_wait3A_247] : memref<10240x128xf32, #tpu.memory_space<vmem_shared>> -> memref<32x128xf32, #tpu.memory_space<vmem_shared>>
      %dma_wait3A_249 = arith.constant 0 : i32
      %dma_wait3A_250 = tpu.memref_slice %arg10[%add3A_20, %dma_wait3A_249] : memref<10240x128xf32, #tpu.memory_space<vmem_shared>> -> memref<32x128xf32, #tpu.memory_space<vmem_shared>>
      tpu.wait_dma2 semaphore(%run_scoped3A_242 : memref<!tpu.dma_semaphore, #tpu.memory_space<semaphore_mem>>) src(%arg9 : memref<32x128xf32, #tpu.memory_space<vmem>>) dst(%dma_wait3A_250 : memref<32x128xf32, #tpu.memory_space<vmem_shared>>)
      tpu.yield
    }) : () -> ()
    %mul3A_21 = arith.constant 640 : i32
    %mul3A_22 = arith.muli %arg1, %mul3A_21 : i32
    %add3A_23 = arith.constant 160 : i32
    %add3A_24 = arith.addi %mul3A_22, %add3A_23 : i32
    "tpu.region"() ({
      %run_scoped3A_242 = tpu.sem_alloc : memref<!tpu.dma_semaphore, #tpu.memory_space<semaphore_mem>>
      %dma_start3A_243 = arith.constant 0 : i32
      %dma_start3A_244 = tpu.memref_slice %arg10[%add3A_24, %dma_start3A_243] : memref<10240x128xf32, #tpu.memory_space<vmem_shared>> -> memref<32x128xf32, #tpu.memory_space<vmem_shared>>
      %dma_start3A_245 = arith.constant 0 : i32
      %dma_start3A_246 = tpu.memref_slice %arg10[%add3A_24, %dma_start3A_245] : memref<10240x128xf32, #tpu.memory_space<vmem_shared>> -> memref<32x128xf32, #tpu.memory_space<vmem_shared>>
      tpu.enqueue_dma source(%arg9 : memref<32x128xf32, #tpu.memory_space<vmem>>) target(%dma_start3A_246 : memref<32x128xf32, #tpu.memory_space<vmem_shared>>) target_semaphore(%run_scoped3A_242 : memref<!tpu.dma_semaphore, #tpu.memory_space<semaphore_mem>>)
      %dma_wait3A_247 = arith.constant 0 : i32
      %dma_wait3A_248 = tpu.memref_slice %arg10[%add3A_24, %dma_wait3A_247] : memref<10240x128xf32, #tpu.memory_space<vmem_shared>> -> memref<32x128xf32, #tpu.memory_space<vmem_shared>>
      %dma_wait3A_249 = arith.constant 0 : i32
      %dma_wait3A_250 = tpu.memref_slice %arg10[%add3A_24, %dma_wait3A_249] : memref<10240x128xf32, #tpu.memory_space<vmem_shared>> -> memref<32x128xf32, #tpu.memory_space<vmem_shared>>
      tpu.wait_dma2 semaphore(%run_scoped3A_242 : memref<!tpu.dma_semaphore, #tpu.memory_space<semaphore_mem>>) src(%arg9 : memref<32x128xf32, #tpu.memory_space<vmem>>) dst(%dma_wait3A_250 : memref<32x128xf32, #tpu.memory_space<vmem_shared>>)
      tpu.yield
    }) : () -> ()
    %mul3A_25 = arith.constant 640 : i32
    %mul3A_26 = arith.muli %arg1, %mul3A_25 : i32
    %add3A_27 = arith.constant 192 : i32
    %add3A_28 = arith.addi %mul3A_26, %add3A_27 : i32
    "tpu.region"() ({
      %run_scoped3A_242 = tpu.sem_alloc : memref<!tpu.dma_semaphore, #tpu.memory_space<semaphore_mem>>
      %dma_start3A_243 = arith.constant 0 : i32
      %dma_start3A_244 = tpu.memref_slice %arg10[%add3A_28, %dma_start3A_243] : memref<10240x128xf32, #tpu.memory_space<vmem_shared>> -> memref<32x128xf32, #tpu.memory_space<vmem_shared>>
      %dma_start3A_245 = arith.constant 0 : i32
      %dma_start3A_246 = tpu.memref_slice %arg10[%add3A_28, %dma_start3A_245] : memref<10240x128xf32, #tpu.memory_space<vmem_shared>> -> memref<32x128xf32, #tpu.memory_space<vmem_shared>>
      tpu.enqueue_dma source(%arg9 : memref<32x128xf32, #tpu.memory_space<vmem>>) target(%dma_start3A_246 : memref<32x128xf32, #tpu.memory_space<vmem_shared>>) target_semaphore(%run_scoped3A_242 : memref<!tpu.dma_semaphore, #tpu.memory_space<semaphore_mem>>)
      %dma_wait3A_247 = arith.constant 0 : i32
      %dma_wait3A_248 = tpu.memref_slice %arg10[%add3A_28, %dma_wait3A_247] : memref<10240x128xf32, #tpu.memory_space<vmem_shared>> -> memref<32x128xf32, #tpu.memory_space<vmem_shared>>
      %dma_wait3A_249 = arith.constant 0 : i32
      %dma_wait3A_250 = tpu.memref_slice %arg10[%add3A_28, %dma_wait3A_249] : memref<10240x128xf32, #tpu.memory_space<vmem_shared>> -> memref<32x128xf32, #tpu.memory_space<vmem_shared>>
      tpu.wait_dma2 semaphore(%run_scoped3A_242 : memref<!tpu.dma_semaphore, #tpu.memory_space<semaphore_mem>>) src(%arg9 : memref<32x128xf32, #tpu.memory_space<vmem>>) dst(%dma_wait3A_250 : memref<32x128xf32, #tpu.memory_space<vmem_shared>>)
      tpu.yield
    }) : () -> ()
    %mul3A_29 = arith.constant 640 : i32
    %mul3A_30 = arith.muli %arg1, %mul3A_29 : i32
    %add3A_31 = arith.constant 224 : i32
    %add3A_32 = arith.addi %mul3A_30, %add3A_31 : i32
    "tpu.region"() ({
      %run_scoped3A_242 = tpu.sem_alloc : memref<!tpu.dma_semaphore, #tpu.memory_space<semaphore_mem>>
      %dma_start3A_243 = arith.constant 0 : i32
      %dma_start3A_244 = tpu.memref_slice %arg10[%add3A_32, %dma_start3A_243] : memref<10240x128xf32, #tpu.memory_space<vmem_shared>> -> memref<32x128xf32, #tpu.memory_space<vmem_shared>>
      %dma_start3A_245 = arith.constant 0 : i32
      %dma_start3A_246 = tpu.memref_slice %arg10[%add3A_32, %dma_start3A_245] : memref<10240x128xf32, #tpu.memory_space<vmem_shared>> -> memref<32x128xf32, #tpu.memory_space<vmem_shared>>
      tpu.enqueue_dma source(%arg9 : memref<32x128xf32, #tpu.memory_space<vmem>>) target(%dma_start3A_246 : memref<32x128xf32, #tpu.memory_space<vmem_shared>>) target_semaphore(%run_scoped3A_242 : memref<!tpu.dma_semaphore, #tpu.memory_space<semaphore_mem>>)
      %dma_wait3A_247 = arith.constant 0 : i32
      %dma_wait3A_248 = tpu.memref_slice %arg10[%add3A_32, %dma_wait3A_247] : memref<10240x128xf32, #tpu.memory_space<vmem_shared>> -> memref<32x128xf32, #tpu.memory_space<vmem_shared>>
      %dma_wait3A_249 = arith.constant 0 : i32
      %dma_wait3A_250 = tpu.memref_slice %arg10[%add3A_32, %dma_wait3A_249] : memref<10240x128xf32, #tpu.memory_space<vmem_shared>> -> memref<32x128xf32, #tpu.memory_space<vmem_shared>>
      tpu.wait_dma2 semaphore(%run_scoped3A_242 : memref<!tpu.dma_semaphore, #tpu.memory_space<semaphore_mem>>) src(%arg9 : memref<32x128xf32, #tpu.memory_space<vmem>>) dst(%dma_wait3A_250 : memref<32x128xf32, #tpu.memory_space<vmem_shared>>)
      tpu.yield
    }) : () -> ()
    %mul3A_33 = arith.constant 640 : i32
    %mul3A_34 = arith.muli %arg1, %mul3A_33 : i32
    %add3A_35 = arith.constant 256 : i32
    %add3A_36 = arith.addi %mul3A_34, %add3A_35 : i32
    "tpu.region"() ({
      %run_scoped3A_242 = tpu.sem_alloc : memref<!tpu.dma_semaphore, #tpu.memory_space<semaphore_mem>>
      %dma_start3A_243 = arith.constant 0 : i32
      %dma_start3A_244 = tpu.memref_slice %arg10[%add3A_36, %dma_start3A_243] : memref<10240x128xf32, #tpu.memory_space<vmem_shared>> -> memref<32x128xf32, #tpu.memory_space<vmem_shared>>
      %dma_start3A_245 = arith.constant 0 : i32
      %dma_start3A_246 = tpu.memref_slice %arg10[%add3A_36, %dma_start3A_245] : memref<10240x128xf32, #tpu.memory_space<vmem_shared>> -> memref<32x128xf32, #tpu.memory_space<vmem_shared>>
      tpu.enqueue_dma source(%arg9 : memref<32x128xf32, #tpu.memory_space<vmem>>) target(%dma_start3A_246 : memref<32x128xf32, #tpu.memory_space<vmem_shared>>) target_semaphore(%run_scoped3A_242 : memref<!tpu.dma_semaphore, #tpu.memory_space<semaphore_mem>>)
      %dma_wait3A_247 = arith.constant 0 : i32
      %dma_wait3A_248 = tpu.memref_slice %arg10[%add3A_36, %dma_wait3A_247] : memref<10240x128xf32, #tpu.memory_space<vmem_shared>> -> memref<32x128xf32, #tpu.memory_space<vmem_shared>>
      %dma_wait3A_249 = arith.constant 0 : i32
      %dma_wait3A_250 = tpu.memref_slice %arg10[%add3A_36, %dma_wait3A_249] : memref<10240x128xf32, #tpu.memory_space<vmem_shared>> -> memref<32x128xf32, #tpu.memory_space<vmem_shared>>
      tpu.wait_dma2 semaphore(%run_scoped3A_242 : memref<!tpu.dma_semaphore, #tpu.memory_space<semaphore_mem>>) src(%arg9 : memref<32x128xf32, #tpu.memory_space<vmem>>) dst(%dma_wait3A_250 : memref<32x128xf32, #tpu.memory_space<vmem_shared>>)
      tpu.yield
    }) : () -> ()
    %mul3A_37 = arith.constant 640 : i32
    %mul3A_38 = arith.muli %arg1, %mul3A_37 : i32
    %add3A_39 = arith.constant 288 : i32
    %add3A_40 = arith.addi %mul3A_38, %add3A_39 : i32
    "tpu.region"() ({
      %run_scoped3A_242 = tpu.sem_alloc : memref<!tpu.dma_semaphore, #tpu.memory_space<semaphore_mem>>
      %dma_start3A_243 = arith.constant 0 : i32
      %dma_start3A_244 = tpu.memref_slice %arg10[%add3A_40, %dma_start3A_243] : memref<10240x128xf32, #tpu.memory_space<vmem_shared>> -> memref<32x128xf32, #tpu.memory_space<vmem_shared>>
      %dma_start3A_245 = arith.constant 0 : i32
      %dma_start3A_246 = tpu.memref_slice %arg10[%add3A_40, %dma_start3A_245] : memref<10240x128xf32, #tpu.memory_space<vmem_shared>> -> memref<32x128xf32, #tpu.memory_space<vmem_shared>>
      tpu.enqueue_dma source(%arg9 : memref<32x128xf32, #tpu.memory_space<vmem>>) target(%dma_start3A_246 : memref<32x128xf32, #tpu.memory_space<vmem_shared>>) target_semaphore(%run_scoped3A_242 : memref<!tpu.dma_semaphore, #tpu.memory_space<semaphore_mem>>)
      %dma_wait3A_247 = arith.constant 0 : i32
      %dma_wait3A_248 = tpu.memref_slice %arg10[%add3A_40, %dma_wait3A_247] : memref<10240x128xf32, #tpu.memory_space<vmem_shared>> -> memref<32x128xf32, #tpu.memory_space<vmem_shared>>
      %dma_wait3A_249 = arith.constant 0 : i32
      %dma_wait3A_250 = tpu.memref_slice %arg10[%add3A_40, %dma_wait3A_249] : memref<10240x128xf32, #tpu.memory_space<vmem_shared>> -> memref<32x128xf32, #tpu.memory_space<vmem_shared>>
      tpu.wait_dma2 semaphore(%run_scoped3A_242 : memref<!tpu.dma_semaphore, #tpu.memory_space<semaphore_mem>>) src(%arg9 : memref<32x128xf32, #tpu.memory_space<vmem>>) dst(%dma_wait3A_250 : memref<32x128xf32, #tpu.memory_space<vmem_shared>>)
      tpu.yield
    }) : () -> ()
    %mul3A_41 = arith.constant 640 : i32
    %mul3A_42 = arith.muli %arg1, %mul3A_41 : i32
    %add3A_43 = arith.constant 320 : i32
    %add3A_44 = arith.addi %mul3A_42, %add3A_43 : i32
    "tpu.region"() ({
      %run_scoped3A_242 = tpu.sem_alloc : memref<!tpu.dma_semaphore, #tpu.memory_space<semaphore_mem>>
      %dma_start3A_243 = arith.constant 0 : i32
      %dma_start3A_244 = tpu.memref_slice %arg10[%add3A_44, %dma_start3A_243] : memref<10240x128xf32, #tpu.memory_space<vmem_shared>> -> memref<32x128xf32, #tpu.memory_space<vmem_shared>>
      %dma_start3A_245 = arith.constant 0 : i32
      %dma_start3A_246 = tpu.memref_slice %arg10[%add3A_44, %dma_start3A_245] : memref<10240x128xf32, #tpu.memory_space<vmem_shared>> -> memref<32x128xf32, #tpu.memory_space<vmem_shared>>
      tpu.enqueue_dma source(%arg9 : memref<32x128xf32, #tpu.memory_space<vmem>>) target(%dma_start3A_246 : memref<32x128xf32, #tpu.memory_space<vmem_shared>>) target_semaphore(%run_scoped3A_242 : memref<!tpu.dma_semaphore, #tpu.memory_space<semaphore_mem>>)
      %dma_wait3A_247 = arith.constant 0 : i32
      %dma_wait3A_248 = tpu.memref_slice %arg10[%add3A_44, %dma_wait3A_247] : memref<10240x128xf32, #tpu.memory_space<vmem_shared>> -> memref<32x128xf32, #tpu.memory_space<vmem_shared>>
      %dma_wait3A_249 = arith.constant 0 : i32
      %dma_wait3A_250 = tpu.memref_slice %arg10[%add3A_44, %dma_wait3A_249] : memref<10240x128xf32, #tpu.memory_space<vmem_shared>> -> memref<32x128xf32, #tpu.memory_space<vmem_shared>>
      tpu.wait_dma2 semaphore(%run_scoped3A_242 : memref<!tpu.dma_semaphore, #tpu.memory_space<semaphore_mem>>) src(%arg9 : memref<32x128xf32, #tpu.memory_space<vmem>>) dst(%dma_wait3A_250 : memref<32x128xf32, #tpu.memory_space<vmem_shared>>)
      tpu.yield
    }) : () -> ()
    %mul3A_45 = arith.constant 640 : i32
    %mul3A_46 = arith.muli %arg1, %mul3A_45 : i32
    %add3A_47 = arith.constant 352 : i32
    %add3A_48 = arith.addi %mul3A_46, %add3A_47 : i32
    "tpu.region"() ({
      %run_scoped3A_242 = tpu.sem_alloc : memref<!tpu.dma_semaphore, #tpu.memory_space<semaphore_mem>>
      %dma_start3A_243 = arith.constant 0 : i32
      %dma_start3A_244 = tpu.memref_slice %arg10[%add3A_48, %dma_start3A_243] : memref<10240x128xf32, #tpu.memory_space<vmem_shared>> -> memref<32x128xf32, #tpu.memory_space<vmem_shared>>
      %dma_start3A_245 = arith.constant 0 : i32
      %dma_start3A_246 = tpu.memref_slice %arg10[%add3A_48, %dma_start3A_245] : memref<10240x128xf32, #tpu.memory_space<vmem_shared>> -> memref<32x128xf32, #tpu.memory_space<vmem_shared>>
      tpu.enqueue_dma source(%arg9 : memref<32x128xf32, #tpu.memory_space<vmem>>) target(%dma_start3A_246 : memref<32x128xf32, #tpu.memory_space<vmem_shared>>) target_semaphore(%run_scoped3A_242 : memref<!tpu.dma_semaphore, #tpu.memory_space<semaphore_mem>>)
      %dma_wait3A_247 = arith.constant 0 : i32
      %dma_wait3A_248 = tpu.memref_slice %arg10[%add3A_48, %dma_wait3A_247] : memref<10240x128xf32, #tpu.memory_space<vmem_shared>> -> memref<32x128xf32, #tpu.memory_space<vmem_shared>>
      %dma_wait3A_249 = arith.constant 0 : i32
      %dma_wait3A_250 = tpu.memref_slice %arg10[%add3A_48, %dma_wait3A_249] : memref<10240x128xf32, #tpu.memory_space<vmem_shared>> -> memref<32x128xf32, #tpu.memory_space<vmem_shared>>
      tpu.wait_dma2 semaphore(%run_scoped3A_242 : memref<!tpu.dma_semaphore, #tpu.memory_space<semaphore_mem>>) src(%arg9 : memref<32x128xf32, #tpu.memory_space<vmem>>) dst(%dma_wait3A_250 : memref<32x128xf32, #tpu.memory_space<vmem_shared>>)
      tpu.yield
    }) : () -> ()
    %mul3A_49 = arith.constant 640 : i32
    %mul3A_50 = arith.muli %arg1, %mul3A_49 : i32
    %add3A_51 = arith.constant 384 : i32
    %add3A_52 = arith.addi %mul3A_50, %add3A_51 : i32
    "tpu.region"() ({
      %run_scoped3A_242 = tpu.sem_alloc : memref<!tpu.dma_semaphore, #tpu.memory_space<semaphore_mem>>
      %dma_start3A_243 = arith.constant 0 : i32
      %dma_start3A_244 = tpu.memref_slice %arg10[%add3A_52, %dma_start3A_243] : memref<10240x128xf32, #tpu.memory_space<vmem_shared>> -> memref<32x128xf32, #tpu.memory_space<vmem_shared>>
      %dma_start3A_245 = arith.constant 0 : i32
      %dma_start3A_246 = tpu.memref_slice %arg10[%add3A_52, %dma_start3A_245] : memref<10240x128xf32, #tpu.memory_space<vmem_shared>> -> memref<32x128xf32, #tpu.memory_space<vmem_shared>>
      tpu.enqueue_dma source(%arg9 : memref<32x128xf32, #tpu.memory_space<vmem>>) target(%dma_start3A_246 : memref<32x128xf32, #tpu.memory_space<vmem_shared>>) target_semaphore(%run_scoped3A_242 : memref<!tpu.dma_semaphore, #tpu.memory_space<semaphore_mem>>)
      %dma_wait3A_247 = arith.constant 0 : i32
      %dma_wait3A_248 = tpu.memref_slice %arg10[%add3A_52, %dma_wait3A_247] : memref<10240x128xf32, #tpu.memory_space<vmem_shared>> -> memref<32x128xf32, #tpu.memory_space<vmem_shared>>
      %dma_wait3A_249 = arith.constant 0 : i32
      %dma_wait3A_250 = tpu.memref_slice %arg10[%add3A_52, %dma_wait3A_249] : memref<10240x128xf32, #tpu.memory_space<vmem_shared>> -> memref<32x128xf32, #tpu.memory_space<vmem_shared>>
      tpu.wait_dma2 semaphore(%run_scoped3A_242 : memref<!tpu.dma_semaphore, #tpu.memory_space<semaphore_mem>>) src(%arg9 : memref<32x128xf32, #tpu.memory_space<vmem>>) dst(%dma_wait3A_250 : memref<32x128xf32, #tpu.memory_space<vmem_shared>>)
      tpu.yield
    }) : () -> ()
    %mul3A_53 = arith.constant 640 : i32
    %mul3A_54 = arith.muli %arg1, %mul3A_53 : i32
    %add3A_55 = arith.constant 416 : i32
    %add3A_56 = arith.addi %mul3A_54, %add3A_55 : i32
    "tpu.region"() ({
      %run_scoped3A_242 = tpu.sem_alloc : memref<!tpu.dma_semaphore, #tpu.memory_space<semaphore_mem>>
      %dma_start3A_243 = arith.constant 0 : i32
      %dma_start3A_244 = tpu.memref_slice %arg10[%add3A_56, %dma_start3A_243] : memref<10240x128xf32, #tpu.memory_space<vmem_shared>> -> memref<32x128xf32, #tpu.memory_space<vmem_shared>>
      %dma_start3A_245 = arith.constant 0 : i32
      %dma_start3A_246 = tpu.memref_slice %arg10[%add3A_56, %dma_start3A_245] : memref<10240x128xf32, #tpu.memory_space<vmem_shared>> -> memref<32x128xf32, #tpu.memory_space<vmem_shared>>
      tpu.enqueue_dma source(%arg9 : memref<32x128xf32, #tpu.memory_space<vmem>>) target(%dma_start3A_246 : memref<32x128xf32, #tpu.memory_space<vmem_shared>>) target_semaphore(%run_scoped3A_242 : memref<!tpu.dma_semaphore, #tpu.memory_space<semaphore_mem>>)
      %dma_wait3A_247 = arith.constant 0 : i32
      %dma_wait3A_248 = tpu.memref_slice %arg10[%add3A_56, %dma_wait3A_247] : memref<10240x128xf32, #tpu.memory_space<vmem_shared>> -> memref<32x128xf32, #tpu.memory_space<vmem_shared>>
      %dma_wait3A_249 = arith.constant 0 : i32
      %dma_wait3A_250 = tpu.memref_slice %arg10[%add3A_56, %dma_wait3A_249] : memref<10240x128xf32, #tpu.memory_space<vmem_shared>> -> memref<32x128xf32, #tpu.memory_space<vmem_shared>>
      tpu.wait_dma2 semaphore(%run_scoped3A_242 : memref<!tpu.dma_semaphore, #tpu.memory_space<semaphore_mem>>) src(%arg9 : memref<32x128xf32, #tpu.memory_space<vmem>>) dst(%dma_wait3A_250 : memref<32x128xf32, #tpu.memory_space<vmem_shared>>)
      tpu.yield
    }) : () -> ()
    %mul3A_57 = arith.constant 640 : i32
    %mul3A_58 = arith.muli %arg1, %mul3A_57 : i32
    %add3A_59 = arith.constant 448 : i32
    %add3A_60 = arith.addi %mul3A_58, %add3A_59 : i32
    "tpu.region"() ({
      %run_scoped3A_242 = tpu.sem_alloc : memref<!tpu.dma_semaphore, #tpu.memory_space<semaphore_mem>>
      %dma_start3A_243 = arith.constant 0 : i32
      %dma_start3A_244 = tpu.memref_slice %arg10[%add3A_60, %dma_start3A_243] : memref<10240x128xf32, #tpu.memory_space<vmem_shared>> -> memref<32x128xf32, #tpu.memory_space<vmem_shared>>
      %dma_start3A_245 = arith.constant 0 : i32
      %dma_start3A_246 = tpu.memref_slice %arg10[%add3A_60, %dma_start3A_245] : memref<10240x128xf32, #tpu.memory_space<vmem_shared>> -> memref<32x128xf32, #tpu.memory_space<vmem_shared>>
      tpu.enqueue_dma source(%arg9 : memref<32x128xf32, #tpu.memory_space<vmem>>) target(%dma_start3A_246 : memref<32x128xf32, #tpu.memory_space<vmem_shared>>) target_semaphore(%run_scoped3A_242 : memref<!tpu.dma_semaphore, #tpu.memory_space<semaphore_mem>>)
      %dma_wait3A_247 = arith.constant 0 : i32
      %dma_wait3A_248 = tpu.memref_slice %arg10[%add3A_60, %dma_wait3A_247] : memref<10240x128xf32, #tpu.memory_space<vmem_shared>> -> memref<32x128xf32, #tpu.memory_space<vmem_shared>>
      %dma_wait3A_249 = arith.constant 0 : i32
      %dma_wait3A_250 = tpu.memref_slice %arg10[%add3A_60, %dma_wait3A_249] : memref<10240x128xf32, #tpu.memory_space<vmem_shared>> -> memref<32x128xf32, #tpu.memory_space<vmem_shared>>
      tpu.wait_dma2 semaphore(%run_scoped3A_242 : memref<!tpu.dma_semaphore, #tpu.memory_space<semaphore_mem>>) src(%arg9 : memref<32x128xf32, #tpu.memory_space<vmem>>) dst(%dma_wait3A_250 : memref<32x128xf32, #tpu.memory_space<vmem_shared>>)
      tpu.yield
    }) : () -> ()
    %mul3A_61 = arith.constant 640 : i32
    %mul3A_62 = arith.muli %arg1, %mul3A_61 : i32
    %add3A_63 = arith.constant 480 : i32
    %add3A_64 = arith.addi %mul3A_62, %add3A_63 : i32
    "tpu.region"() ({
      %run_scoped3A_242 = tpu.sem_alloc : memref<!tpu.dma_semaphore, #tpu.memory_space<semaphore_mem>>
      %dma_start3A_243 = arith.constant 0 : i32
      %dma_start3A_244 = tpu.memref_slice %arg10[%add3A_64, %dma_start3A_243] : memref<10240x128xf32, #tpu.memory_space<vmem_shared>> -> memref<32x128xf32, #tpu.memory_space<vmem_shared>>
      %dma_start3A_245 = arith.constant 0 : i32
      %dma_start3A_246 = tpu.memref_slice %arg10[%add3A_64, %dma_start3A_245] : memref<10240x128xf32, #tpu.memory_space<vmem_shared>> -> memref<32x128xf32, #tpu.memory_space<vmem_shared>>
      tpu.enqueue_dma source(%arg9 : memref<32x128xf32, #tpu.memory_space<vmem>>) target(%dma_start3A_246 : memref<32x128xf32, #tpu.memory_space<vmem_shared>>) target_semaphore(%run_scoped3A_242 : memref<!tpu.dma_semaphore, #tpu.memory_space<semaphore_mem>>)
      %dma_wait3A_247 = arith.constant 0 : i32
      %dma_wait3A_248 = tpu.memref_slice %arg10[%add3A_64, %dma_wait3A_247] : memref<10240x128xf32, #tpu.memory_space<vmem_shared>> -> memref<32x128xf32, #tpu.memory_space<vmem_shared>>
      %dma_wait3A_249 = arith.constant 0 : i32
      %dma_wait3A_250 = tpu.memref_slice %arg10[%add3A_64, %dma_wait3A_249] : memref<10240x128xf32, #tpu.memory_space<vmem_shared>> -> memref<32x128xf32, #tpu.memory_space<vmem_shared>>
      tpu.wait_dma2 semaphore(%run_scoped3A_242 : memref<!tpu.dma_semaphore, #tpu.memory_space<semaphore_mem>>) src(%arg9 : memref<32x128xf32, #tpu.memory_space<vmem>>) dst(%dma_wait3A_250 : memref<32x128xf32, #tpu.memory_space<vmem_shared>>)
      tpu.yield
    }) : () -> ()
    %mul3A_65 = arith.constant 640 : i32
    %mul3A_66 = arith.muli %arg1, %mul3A_65 : i32
    %add3A_67 = arith.constant 512 : i32
    %add3A_68 = arith.addi %mul3A_66, %add3A_67 : i32
    "tpu.region"() ({
      %run_scoped3A_242 = tpu.sem_alloc : memref<!tpu.dma_semaphore, #tpu.memory_space<semaphore_mem>>
      %dma_start3A_243 = arith.constant 0 : i32
      %dma_start3A_244 = tpu.memref_slice %arg10[%add3A_68, %dma_start3A_243] : memref<10240x128xf32, #tpu.memory_space<vmem_shared>> -> memref<32x128xf32, #tpu.memory_space<vmem_shared>>
      %dma_start3A_245 = arith.constant 0 : i32
      %dma_start3A_246 = tpu.memref_slice %arg10[%add3A_68, %dma_start3A_245] : memref<10240x128xf32, #tpu.memory_space<vmem_shared>> -> memref<32x128xf32, #tpu.memory_space<vmem_shared>>
      tpu.enqueue_dma source(%arg9 : memref<32x128xf32, #tpu.memory_space<vmem>>) target(%dma_start3A_246 : memref<32x128xf32, #tpu.memory_space<vmem_shared>>) target_semaphore(%run_scoped3A_242 : memref<!tpu.dma_semaphore, #tpu.memory_space<semaphore_mem>>)
      %dma_wait3A_247 = arith.constant 0 : i32
      %dma_wait3A_248 = tpu.memref_slice %arg10[%add3A_68, %dma_wait3A_247] : memref<10240x128xf32, #tpu.memory_space<vmem_shared>> -> memref<32x128xf32, #tpu.memory_space<vmem_shared>>
      %dma_wait3A_249 = arith.constant 0 : i32
      %dma_wait3A_250 = tpu.memref_slice %arg10[%add3A_68, %dma_wait3A_249] : memref<10240x128xf32, #tpu.memory_space<vmem_shared>> -> memref<32x128xf32, #tpu.memory_space<vmem_shared>>
      tpu.wait_dma2 semaphore(%run_scoped3A_242 : memref<!tpu.dma_semaphore, #tpu.memory_space<semaphore_mem>>) src(%arg9 : memref<32x128xf32, #tpu.memory_space<vmem>>) dst(%dma_wait3A_250 : memref<32x128xf32, #tpu.memory_space<vmem_shared>>)
      tpu.yield
    }) : () -> ()
    %mul3A_69 = arith.constant 640 : i32
    %mul3A_70 = arith.muli %arg1, %mul3A_69 : i32
    %add3A_71 = arith.constant 544 : i32
    %add3A_72 = arith.addi %mul3A_70, %add3A_71 : i32
    "tpu.region"() ({
      %run_scoped3A_242 = tpu.sem_alloc : memref<!tpu.dma_semaphore, #tpu.memory_space<semaphore_mem>>
      %dma_start3A_243 = arith.constant 0 : i32
      %dma_start3A_244 = tpu.memref_slice %arg10[%add3A_72, %dma_start3A_243] : memref<10240x128xf32, #tpu.memory_space<vmem_shared>> -> memref<32x128xf32, #tpu.memory_space<vmem_shared>>
      %dma_start3A_245 = arith.constant 0 : i32
      %dma_start3A_246 = tpu.memref_slice %arg10[%add3A_72, %dma_start3A_245] : memref<10240x128xf32, #tpu.memory_space<vmem_shared>> -> memref<32x128xf32, #tpu.memory_space<vmem_shared>>
      tpu.enqueue_dma source(%arg9 : memref<32x128xf32, #tpu.memory_space<vmem>>) target(%dma_start3A_246 : memref<32x128xf32, #tpu.memory_space<vmem_shared>>) target_semaphore(%run_scoped3A_242 : memref<!tpu.dma_semaphore, #tpu.memory_space<semaphore_mem>>)
      %dma_wait3A_247 = arith.constant 0 : i32
      %dma_wait3A_248 = tpu.memref_slice %arg10[%add3A_72, %dma_wait3A_247] : memref<10240x128xf32, #tpu.memory_space<vmem_shared>> -> memref<32x128xf32, #tpu.memory_space<vmem_shared>>
      %dma_wait3A_249 = arith.constant 0 : i32
      %dma_wait3A_250 = tpu.memref_slice %arg10[%add3A_72, %dma_wait3A_249] : memref<10240x128xf32, #tpu.memory_space<vmem_shared>> -> memref<32x128xf32, #tpu.memory_space<vmem_shared>>
      tpu.wait_dma2 semaphore(%run_scoped3A_242 : memref<!tpu.dma_semaphore, #tpu.memory_space<semaphore_mem>>) src(%arg9 : memref<32x128xf32, #tpu.memory_space<vmem>>) dst(%dma_wait3A_250 : memref<32x128xf32, #tpu.memory_space<vmem_shared>>)
      tpu.yield
    }) : () -> ()
    %mul3A_73 = arith.constant 640 : i32
    %mul3A_74 = arith.muli %arg1, %mul3A_73 : i32
    %add3A_75 = arith.constant 576 : i32
    %add3A_76 = arith.addi %mul3A_74, %add3A_75 : i32
    "tpu.region"() ({
      %run_scoped3A_242 = tpu.sem_alloc : memref<!tpu.dma_semaphore, #tpu.memory_space<semaphore_mem>>
      %dma_start3A_243 = arith.constant 0 : i32
      %dma_start3A_244 = tpu.memref_slice %arg10[%add3A_76, %dma_start3A_243] : memref<10240x128xf32, #tpu.memory_space<vmem_shared>> -> memref<32x128xf32, #tpu.memory_space<vmem_shared>>
      %dma_start3A_245 = arith.constant 0 : i32
      %dma_start3A_246 = tpu.memref_slice %arg10[%add3A_76, %dma_start3A_245] : memref<10240x128xf32, #tpu.memory_space<vmem_shared>> -> memref<32x128xf32, #tpu.memory_space<vmem_shared>>
      tpu.enqueue_dma source(%arg9 : memref<32x128xf32, #tpu.memory_space<vmem>>) target(%dma_start3A_246 : memref<32x128xf32, #tpu.memory_space<vmem_shared>>) target_semaphore(%run_scoped3A_242 : memref<!tpu.dma_semaphore, #tpu.memory_space<semaphore_mem>>)
      %dma_wait3A_247 = arith.constant 0 : i32
      %dma_wait3A_248 = tpu.memref_slice %arg10[%add3A_76, %dma_wait3A_247] : memref<10240x128xf32, #tpu.memory_space<vmem_shared>> -> memref<32x128xf32, #tpu.memory_space<vmem_shared>>
      %dma_wait3A_249 = arith.constant 0 : i32
      %dma_wait3A_250 = tpu.memref_slice %arg10[%add3A_76, %dma_wait3A_249] : memref<10240x128xf32, #tpu.memory_space<vmem_shared>> -> memref<32x128xf32, #tpu.memory_space<vmem_shared>>
      tpu.wait_dma2 semaphore(%run_scoped3A_242 : memref<!tpu.dma_semaphore, #tpu.memory_space<semaphore_mem>>) src(%arg9 : memref<32x128xf32, #tpu.memory_space<vmem>>) dst(%dma_wait3A_250 : memref<32x128xf32, #tpu.memory_space<vmem_shared>>)
      tpu.yield
    }) : () -> ()
    %mul3A_77 = arith.constant 640 : i32
    %mul3A_78 = arith.muli %arg1, %mul3A_77 : i32
    %add3A_79 = arith.constant 608 : i32
    %add3A_80 = arith.addi %mul3A_78, %add3A_79 : i32
    "tpu.region"() ({
      %run_scoped3A_242 = tpu.sem_alloc : memref<!tpu.dma_semaphore, #tpu.memory_space<semaphore_mem>>
      %dma_start3A_243 = arith.constant 0 : i32
      %dma_start3A_244 = tpu.memref_slice %arg10[%add3A_80, %dma_start3A_243] : memref<10240x128xf32, #tpu.memory_space<vmem_shared>> -> memref<32x128xf32, #tpu.memory_space<vmem_shared>>
      %dma_start3A_245 = arith.constant 0 : i32
      %dma_start3A_246 = tpu.memref_slice %arg10[%add3A_80, %dma_start3A_245] : memref<10240x128xf32, #tpu.memory_space<vmem_shared>> -> memref<32x128xf32, #tpu.memory_space<vmem_shared>>
      tpu.enqueue_dma source(%arg9 : memref<32x128xf32, #tpu.memory_space<vmem>>) target(%dma_start3A_246 : memref<32x128xf32, #tpu.memory_space<vmem_shared>>) target_semaphore(%run_scoped3A_242 : memref<!tpu.dma_semaphore, #tpu.memory_space<semaphore_mem>>)
      %dma_wait3A_247 = arith.constant 0 : i32
      %dma_wait3A_248 = tpu.memref_slice %arg10[%add3A_80, %dma_wait3A_247] : memref<10240x128xf32, #tpu.memory_space<vmem_shared>> -> memref<32x128xf32, #tpu.memory_space<vmem_shared>>
      %dma_wait3A_249 = arith.constant 0 : i32
      %dma_wait3A_250 = tpu.memref_slice %arg10[%add3A_80, %dma_wait3A_249] : memref<10240x128xf32, #tpu.memory_space<vmem_shared>> -> memref<32x128xf32, #tpu.memory_space<vmem_shared>>
      tpu.wait_dma2 semaphore(%run_scoped3A_242 : memref<!tpu.dma_semaphore, #tpu.memory_space<semaphore_mem>>) src(%arg9 : memref<32x128xf32, #tpu.memory_space<vmem>>) dst(%dma_wait3A_250 : memref<32x128xf32, #tpu.memory_space<vmem_shared>>)
      tpu.yield
    }) : () -> ()
    %barrier3A = arith.constant 0 : index
    tpu.barrier barrier_id(%barrier3A)
    %run_scoped3A = arith.constant 0 : i32
    %run_scoped3A_81 = arith.constant 0 : i32
    "tpu.region"() ({
      %run_scoped3A_242 = tpu.sem_alloc : memref<!tpu.dma_semaphore, #tpu.memory_space<semaphore_mem>>
      %dma_start3A_243 = arith.constant 0 : i32
      %dma_start3A_244 = arith.constant 0 : i32
      %dma_start3A_245 = tpu.memref_slice %arg6[%run_scoped3A_81, %dma_start3A_243, %dma_start3A_244] : memref<2x2x128xi32, #tpu.memory_space<vmem>> -> memref<1x2x128xi32, #tpu.memory_space<vmem>>
      %dma_start3A_246 = tpu.memref_squeeze %dma_start3A_245 : memref<1x2x128xi32, #tpu.memory_space<vmem>> -> memref<2x128xi32, #tpu.memory_space<vmem>>
      %dma_start3A_247 = arith.constant 0 : i32
      %dma_start3A_248 = arith.constant 0 : i32
      %dma_start3A_249 = tpu.memref_slice %arg2[%add3A, %run_scoped3A, %dma_start3A_247, %dma_start3A_248] : memref<32x80x2x128xi32, #tpu.memory_space<hbm>> -> memref<1x1x2x128xi32, #tpu.memory_space<hbm>>
      %dma_start3A_250 = tpu.memref_squeeze %dma_start3A_249 : memref<1x1x2x128xi32, #tpu.memory_space<hbm>> -> memref<2x128xi32, #tpu.memory_space<hbm>>
      %dma_start3A_251 = arith.constant 0 : i32
      %dma_start3A_252 = arith.constant 0 : i32
      %dma_start3A_253 = tpu.memref_slice %arg6[%run_scoped3A_81, %dma_start3A_251, %dma_start3A_252] : memref<2x2x128xi32, #tpu.memory_space<vmem>> -> memref<1x2x128xi32, #tpu.memory_space<vmem>>
      %dma_start3A_254 = tpu.memref_squeeze %dma_start3A_253 : memref<1x2x128xi32, #tpu.memory_space<vmem>> -> memref<2x128xi32, #tpu.memory_space<vmem>>
      %dma_start3A_255 = arith.constant 0 : i32
      %dma_start3A_256 = arith.constant 0 : i32
      %dma_start3A_257 = tpu.memref_slice %arg2[%add3A, %run_scoped3A, %dma_start3A_255, %dma_start3A_256] : memref<32x80x2x128xi32, #tpu.memory_space<hbm>> -> memref<1x1x2x128xi32, #tpu.memory_space<hbm>>
      %dma_start3A_258 = tpu.memref_squeeze %dma_start3A_257 : memref<1x1x2x128xi32, #tpu.memory_space<hbm>> -> memref<2x128xi32, #tpu.memory_space<hbm>>
      tpu.enqueue_dma source(%dma_start3A_258 : memref<2x128xi32, #tpu.memory_space<hbm>>) target(%dma_start3A_254 : memref<2x128xi32, #tpu.memory_space<vmem>>) target_semaphore(%run_scoped3A_242 : memref<!tpu.dma_semaphore, #tpu.memory_space<semaphore_mem>>)
      %dma_wait3A_259 = arith.constant 0 : i32
      %dma_wait3A_260 = arith.constant 0 : i32
      %dma_wait3A_261 = tpu.memref_slice %arg6[%run_scoped3A_81, %dma_wait3A_259, %dma_wait3A_260] : memref<2x2x128xi32, #tpu.memory_space<vmem>> -> memref<1x2x128xi32, #tpu.memory_space<vmem>>
      %dma_wait3A_262 = tpu.memref_squeeze %dma_wait3A_261 : memref<1x2x128xi32, #tpu.memory_space<vmem>> -> memref<2x128xi32, #tpu.memory_space<vmem>>
      %dma_wait3A_263 = arith.constant 0 : i32
      %dma_wait3A_264 = arith.constant 0 : i32
      %dma_wait3A_265 = tpu.memref_slice %arg2[%add3A, %run_scoped3A, %dma_wait3A_263, %dma_wait3A_264] : memref<32x80x2x128xi32, #tpu.memory_space<hbm>> -> memref<1x1x2x128xi32, #tpu.memory_space<hbm>>
      %dma_wait3A_266 = tpu.memref_squeeze %dma_wait3A_265 : memref<1x1x2x128xi32, #tpu.memory_space<hbm>> -> memref<2x128xi32, #tpu.memory_space<hbm>>
      %dma_wait3A_267 = arith.constant 0 : i32
      %dma_wait3A_268 = arith.constant 0 : i32
      %dma_wait3A_269 = tpu.memref_slice %arg6[%run_scoped3A_81, %dma_wait3A_267, %dma_wait3A_268] : memref<2x2x128xi32, #tpu.memory_space<vmem>> -> memref<1x2x128xi32, #tpu.memory_space<vmem>>
      %dma_wait3A_270 = tpu.memref_squeeze %dma_wait3A_269 : memref<1x2x128xi32, #tpu.memory_space<vmem>> -> memref<2x128xi32, #tpu.memory_space<vmem>>
      %dma_wait3A_271 = arith.constant 0 : i32
      %dma_wait3A_272 = arith.constant 0 : i32
      %dma_wait3A_273 = tpu.memref_slice %arg2[%add3A, %run_scoped3A, %dma_wait3A_271, %dma_wait3A_272] : memref<32x80x2x128xi32, #tpu.memory_space<hbm>> -> memref<1x1x2x128xi32, #tpu.memory_space<hbm>>
      %dma_wait3A_274 = tpu.memref_squeeze %dma_wait3A_273 : memref<1x1x2x128xi32, #tpu.memory_space<hbm>> -> memref<2x128xi32, #tpu.memory_space<hbm>>
      tpu.wait_dma2 semaphore(%run_scoped3A_242 : memref<!tpu.dma_semaphore, #tpu.memory_space<semaphore_mem>>) src(%dma_wait3A_274 : memref<2x128xi32, #tpu.memory_space<hbm>>) dst(%dma_wait3A_270 : memref<2x128xi32, #tpu.memory_space<vmem>>)
      tpu.yield
    }) : () -> ()
    %dma_start3A = arith.constant 0 : i32
    %dma_start3A_82 = arith.constant 0 : i32
    %dma_start3A_83 = arith.constant 0 : i32
    %dma_start3A_84 = tpu.memref_slice %arg6[%dma_start3A, %dma_start3A_82, %dma_start3A_83] : memref<2x2x128xi32, #tpu.memory_space<vmem>> -> memref<1x1x128xi32, #tpu.memory_space<vmem>>
    %dma_start3A_85 = tpu.memref_squeeze %dma_start3A_84 : memref<1x1x128xi32, #tpu.memory_space<vmem>> -> memref<128xi32, #tpu.memory_space<vmem>>
    %dma_start3A_86 = arith.constant 0 : i32
    %dma_start3A_87 = arith.constant 0 : i32
    %dma_start3A_88 = tpu.memref_slice %arg3[%dma_start3A_86, %dma_start3A_87] : memref<10000x128xf32, #tpu.memory_space<hbm>> -> memref<10000x128xf32, #tpu.memory_space<hbm>>
    tpu.enqueue_indirect_dma source(%dma_start3A_88 : memref<10000x128xf32, #tpu.memory_space<hbm>>) target(%arg7 : memref<128x128xf32, #tpu.memory_space<vmem>>) offsets(%dma_start3A_85 : memref<128xi32, #tpu.memory_space<vmem>>) semaphore(%arg11 : memref<!tpu.dma_semaphore, #tpu.memory_space<semaphore_mem>>)
    %scan3A = arith.constant 0 : i32
    %scan3A_89 = arith.constant 0 : i32
    %scan3A_90 = arith.constant 40 : i32
    %scan3A_91 = arith.addi %scan3A_89, %scan3A_90 : i32
    %scan3A_92 = arith.constant 1 : i32
    scf.for %scan3A_242 = %scan3A_89 to %scan3A_91 step %scan3A_92  : i32 {
      %mul3A_243 = arith.constant 2 : i32
      %mul3A_244 = arith.muli %mul3A_243, %scan3A_242 : i32
      %add3A_245 = arith.constant 0 : i32
      %add3A_246 = arith.addi %mul3A_244, %add3A_245 : i32
      %dma_wait3A_247 = arith.constant 0 : i32
      %dma_wait3A_248 = arith.constant 0 : i32
      %dma_wait3A_249 = arith.constant 0 : i32
      %dma_wait3A_250 = tpu.memref_slice %arg6[%dma_wait3A_247, %dma_wait3A_248, %dma_wait3A_249] : memref<2x2x128xi32, #tpu.memory_space<vmem>> -> memref<1x1x128xi32, #tpu.memory_space<vmem>>
      %dma_wait3A_251 = tpu.memref_squeeze %dma_wait3A_250 : memref<1x1x128xi32, #tpu.memory_space<vmem>> -> memref<128xi32, #tpu.memory_space<vmem>>
      %dma_wait3A_252 = arith.constant 0 : i32
      %dma_wait3A_253 = arith.constant 0 : i32
      %dma_wait3A_254 = tpu.memref_slice %arg3[%dma_wait3A_252, %dma_wait3A_253] : memref<10000x128xf32, #tpu.memory_space<hbm>> -> memref<10000x128xf32, #tpu.memory_space<hbm>>
      tpu.wait_indirect_dma semaphore(%arg11 : memref<!tpu.dma_semaphore, #tpu.memory_space<semaphore_mem>>) src(%dma_wait3A_254 : memref<10000x128xf32, #tpu.memory_space<hbm>>) dst(%arg7 : memref<128x128xf32, #tpu.memory_space<vmem>>)
      %dma_start3A_255 = arith.constant 0 : i32
      %dma_start3A_256 = arith.constant 1 : i32
      %dma_start3A_257 = arith.constant 0 : i32
      %dma_start3A_258 = tpu.memref_slice %arg6[%dma_start3A_255, %dma_start3A_256, %dma_start3A_257] : memref<2x2x128xi32, #tpu.memory_space<vmem>> -> memref<1x1x128xi32, #tpu.memory_space<vmem>>
      %dma_start3A_259 = tpu.memref_squeeze %dma_start3A_258 : memref<1x1x128xi32, #tpu.memory_space<vmem>> -> memref<128xi32, #tpu.memory_space<vmem>>
      %dma_start3A_260 = arith.constant 0 : i32
      %dma_start3A_261 = arith.constant 0 : i32
      %dma_start3A_262 = tpu.memref_slice %arg10[%dma_start3A_260, %dma_start3A_261] : memref<10240x128xf32, #tpu.memory_space<vmem_shared>> -> memref<10240x128xf32, #tpu.memory_space<vmem_shared>>
      tpu.enqueue_indirect_dma source(%arg7 : memref<128x128xf32, #tpu.memory_space<vmem>>) target(%dma_start3A_262 : memref<10240x128xf32, #tpu.memory_space<vmem_shared>>) offsets(%dma_start3A_259 : memref<128xi32, #tpu.memory_space<vmem>>) semaphore(%arg13 : memref<!tpu.dma_semaphore, #tpu.memory_space<semaphore_mem>>) {add = true}
      %ge3A = arith.constant 1 : i32
      %ge3A_263 = arith.cmpi sge, %add3A_246, %ge3A : i32
      %convert_element_type3A = arith.extui %ge3A_263 : i1 to i32
      %cond3A = arith.constant 0 : i32
      %cond3A_264 = arith.cmpi ne, %convert_element_type3A, %cond3A : i32
      scf.if %cond3A_264 {
        %dma_wait3A_303 = arith.constant 1 : i32
        %dma_wait3A_304 = arith.constant 1 : i32
        %dma_wait3A_305 = arith.constant 0 : i32
        %dma_wait3A_306 = tpu.memref_slice %arg6[%dma_wait3A_303, %dma_wait3A_304, %dma_wait3A_305] : memref<2x2x128xi32, #tpu.memory_space<vmem>> -> memref<1x1x128xi32, #tpu.memory_space<vmem>>
        %dma_wait3A_307 = tpu.memref_squeeze %dma_wait3A_306 : memref<1x1x128xi32, #tpu.memory_space<vmem>> -> memref<128xi32, #tpu.memory_space<vmem>>
        %dma_wait3A_308 = arith.constant 0 : i32
        %dma_wait3A_309 = arith.constant 0 : i32
        %dma_wait3A_310 = tpu.memref_slice %arg10[%dma_wait3A_308, %dma_wait3A_309] : memref<10240x128xf32, #tpu.memory_space<vmem_shared>> -> memref<10240x128xf32, #tpu.memory_space<vmem_shared>>
        tpu.wait_indirect_dma semaphore(%arg14 : memref<!tpu.dma_semaphore, #tpu.memory_space<semaphore_mem>>) src(%arg8 : memref<128x128xf32, #tpu.memory_space<vmem>>) dst(%dma_wait3A_310 : memref<10240x128xf32, #tpu.memory_space<vmem_shared>>)
      } else {
      }
      %add3A_265 = arith.constant 1 : i32
      %add3A_266 = arith.addi %add3A_246, %add3A_265 : i32
      %lt3A = arith.constant 80 : i32
      %lt3A_267 = arith.cmpi slt, %add3A_266, %lt3A : i32
      %convert_element_type3A_268 = arith.extui %lt3A_267 : i1 to i32
      %cond3A_269 = arith.constant 0 : i32
      %cond3A_270 = arith.cmpi ne, %convert_element_type3A_268, %cond3A_269 : i32
      scf.if %cond3A_270 {
        %add3A_303 = arith.constant 1 : i32
        %add3A_304 = arith.addi %add3A_246, %add3A_303 : i32
        %run_scoped3A_305 = arith.constant 1 : i32
        "tpu.region"() ({
          %run_scoped3A_314 = tpu.sem_alloc : memref<!tpu.dma_semaphore, #tpu.memory_space<semaphore_mem>>
          %dma_start3A_315 = arith.constant 0 : i32
          %dma_start3A_316 = arith.constant 0 : i32
          %dma_start3A_317 = tpu.memref_slice %arg6[%run_scoped3A_305, %dma_start3A_315, %dma_start3A_316] : memref<2x2x128xi32, #tpu.memory_space<vmem>> -> memref<1x2x128xi32, #tpu.memory_space<vmem>>
          %dma_start3A_318 = tpu.memref_squeeze %dma_start3A_317 : memref<1x2x128xi32, #tpu.memory_space<vmem>> -> memref<2x128xi32, #tpu.memory_space<vmem>>
          %dma_start3A_319 = arith.constant 0 : i32
          %dma_start3A_320 = arith.constant 0 : i32
          %dma_start3A_321 = tpu.memref_slice %arg2[%add3A, %add3A_304, %dma_start3A_319, %dma_start3A_320] : memref<32x80x2x128xi32, #tpu.memory_space<hbm>> -> memref<1x1x2x128xi32, #tpu.memory_space<hbm>>
          %dma_start3A_322 = tpu.memref_squeeze %dma_start3A_321 : memref<1x1x2x128xi32, #tpu.memory_space<hbm>> -> memref<2x128xi32, #tpu.memory_space<hbm>>
          %dma_start3A_323 = arith.constant 0 : i32
          %dma_start3A_324 = arith.constant 0 : i32
          %dma_start3A_325 = tpu.memref_slice %arg6[%run_scoped3A_305, %dma_start3A_323, %dma_start3A_324] : memref<2x2x128xi32, #tpu.memory_space<vmem>> -> memref<1x2x128xi32, #tpu.memory_space<vmem>>
          %dma_start3A_326 = tpu.memref_squeeze %dma_start3A_325 : memref<1x2x128xi32, #tpu.memory_space<vmem>> -> memref<2x128xi32, #tpu.memory_space<vmem>>
          %dma_start3A_327 = arith.constant 0 : i32
          %dma_start3A_328 = arith.constant 0 : i32
          %dma_start3A_329 = tpu.memref_slice %arg2[%add3A, %add3A_304, %dma_start3A_327, %dma_start3A_328] : memref<32x80x2x128xi32, #tpu.memory_space<hbm>> -> memref<1x1x2x128xi32, #tpu.memory_space<hbm>>
          %dma_start3A_330 = tpu.memref_squeeze %dma_start3A_329 : memref<1x1x2x128xi32, #tpu.memory_space<hbm>> -> memref<2x128xi32, #tpu.memory_space<hbm>>
          tpu.enqueue_dma source(%dma_start3A_330 : memref<2x128xi32, #tpu.memory_space<hbm>>) target(%dma_start3A_326 : memref<2x128xi32, #tpu.memory_space<vmem>>) target_semaphore(%run_scoped3A_314 : memref<!tpu.dma_semaphore, #tpu.memory_space<semaphore_mem>>)
          %dma_wait3A_331 = arith.constant 0 : i32
          %dma_wait3A_332 = arith.constant 0 : i32
          %dma_wait3A_333 = tpu.memref_slice %arg6[%run_scoped3A_305, %dma_wait3A_331, %dma_wait3A_332] : memref<2x2x128xi32, #tpu.memory_space<vmem>> -> memref<1x2x128xi32, #tpu.memory_space<vmem>>
          %dma_wait3A_334 = tpu.memref_squeeze %dma_wait3A_333 : memref<1x2x128xi32, #tpu.memory_space<vmem>> -> memref<2x128xi32, #tpu.memory_space<vmem>>
          %dma_wait3A_335 = arith.constant 0 : i32
          %dma_wait3A_336 = arith.constant 0 : i32
          %dma_wait3A_337 = tpu.memref_slice %arg2[%add3A, %add3A_304, %dma_wait3A_335, %dma_wait3A_336] : memref<32x80x2x128xi32, #tpu.memory_space<hbm>> -> memref<1x1x2x128xi32, #tpu.memory_space<hbm>>
          %dma_wait3A_338 = tpu.memref_squeeze %dma_wait3A_337 : memref<1x1x2x128xi32, #tpu.memory_space<hbm>> -> memref<2x128xi32, #tpu.memory_space<hbm>>
          %dma_wait3A_339 = arith.constant 0 : i32
          %dma_wait3A_340 = arith.constant 0 : i32
          %dma_wait3A_341 = tpu.memref_slice %arg6[%run_scoped3A_305, %dma_wait3A_339, %dma_wait3A_340] : memref<2x2x128xi32, #tpu.memory_space<vmem>> -> memref<1x2x128xi32, #tpu.memory_space<vmem>>
          %dma_wait3A_342 = tpu.memref_squeeze %dma_wait3A_341 : memref<1x2x128xi32, #tpu.memory_space<vmem>> -> memref<2x128xi32, #tpu.memory_space<vmem>>
          %dma_wait3A_343 = arith.constant 0 : i32
          %dma_wait3A_344 = arith.constant 0 : i32
          %dma_wait3A_345 = tpu.memref_slice %arg2[%add3A, %add3A_304, %dma_wait3A_343, %dma_wait3A_344] : memref<32x80x2x128xi32, #tpu.memory_space<hbm>> -> memref<1x1x2x128xi32, #tpu.memory_space<hbm>>
          %dma_wait3A_346 = tpu.memref_squeeze %dma_wait3A_345 : memref<1x1x2x128xi32, #tpu.memory_space<hbm>> -> memref<2x128xi32, #tpu.memory_space<hbm>>
          tpu.wait_dma2 semaphore(%run_scoped3A_314 : memref<!tpu.dma_semaphore, #tpu.memory_space<semaphore_mem>>) src(%dma_wait3A_346 : memref<2x128xi32, #tpu.memory_space<hbm>>) dst(%dma_wait3A_342 : memref<2x128xi32, #tpu.memory_space<vmem>>)
          tpu.yield
        }) : () -> ()
        %dma_start3A_306 = arith.constant 1 : i32
        %dma_start3A_307 = arith.constant 0 : i32
        %dma_start3A_308 = arith.constant 0 : i32
        %dma_start3A_309 = tpu.memref_slice %arg6[%dma_start3A_306, %dma_start3A_307, %dma_start3A_308] : memref<2x2x128xi32, #tpu.memory_space<vmem>> -> memref<1x1x128xi32, #tpu.memory_space<vmem>>
        %dma_start3A_310 = tpu.memref_squeeze %dma_start3A_309 : memref<1x1x128xi32, #tpu.memory_space<vmem>> -> memref<128xi32, #tpu.memory_space<vmem>>
        %dma_start3A_311 = arith.constant 0 : i32
        %dma_start3A_312 = arith.constant 0 : i32
        %dma_start3A_313 = tpu.memref_slice %arg3[%dma_start3A_311, %dma_start3A_312] : memref<10000x128xf32, #tpu.memory_space<hbm>> -> memref<10000x128xf32, #tpu.memory_space<hbm>>
        tpu.enqueue_indirect_dma source(%dma_start3A_313 : memref<10000x128xf32, #tpu.memory_space<hbm>>) target(%arg8 : memref<128x128xf32, #tpu.memory_space<vmem>>) offsets(%dma_start3A_310 : memref<128xi32, #tpu.memory_space<vmem>>) semaphore(%arg12 : memref<!tpu.dma_semaphore, #tpu.memory_space<semaphore_mem>>)
      } else {
      }
      %mul3A_271 = arith.constant 2 : i32
      %mul3A_272 = arith.muli %mul3A_271, %scan3A_242 : i32
      %add3A_273 = arith.constant 1 : i32
      %add3A_274 = arith.addi %mul3A_272, %add3A_273 : i32
      %dma_wait3A_275 = arith.constant 1 : i32
      %dma_wait3A_276 = arith.constant 0 : i32
      %dma_wait3A_277 = arith.constant 0 : i32
      %dma_wait3A_278 = tpu.memref_slice %arg6[%dma_wait3A_275, %dma_wait3A_276, %dma_wait3A_277] : memref<2x2x128xi32, #tpu.memory_space<vmem>> -> memref<1x1x128xi32, #tpu.memory_space<vmem>>
      %dma_wait3A_279 = tpu.memref_squeeze %dma_wait3A_278 : memref<1x1x128xi32, #tpu.memory_space<vmem>> -> memref<128xi32, #tpu.memory_space<vmem>>
      %dma_wait3A_280 = arith.constant 0 : i32
      %dma_wait3A_281 = arith.constant 0 : i32
      %dma_wait3A_282 = tpu.memref_slice %arg3[%dma_wait3A_280, %dma_wait3A_281] : memref<10000x128xf32, #tpu.memory_space<hbm>> -> memref<10000x128xf32, #tpu.memory_space<hbm>>
      tpu.wait_indirect_dma semaphore(%arg12 : memref<!tpu.dma_semaphore, #tpu.memory_space<semaphore_mem>>) src(%dma_wait3A_282 : memref<10000x128xf32, #tpu.memory_space<hbm>>) dst(%arg8 : memref<128x128xf32, #tpu.memory_space<vmem>>)
      %dma_start3A_283 = arith.constant 1 : i32
      %dma_start3A_284 = arith.constant 1 : i32
      %dma_start3A_285 = arith.constant 0 : i32
      %dma_start3A_286 = tpu.memref_slice %arg6[%dma_start3A_283, %dma_start3A_284, %dma_start3A_285] : memref<2x2x128xi32, #tpu.memory_space<vmem>> -> memref<1x1x128xi32, #tpu.memory_space<vmem>>
      %dma_start3A_287 = tpu.memref_squeeze %dma_start3A_286 : memref<1x1x128xi32, #tpu.memory_space<vmem>> -> memref<128xi32, #tpu.memory_space<vmem>>
      %dma_start3A_288 = arith.constant 0 : i32
      %dma_start3A_289 = arith.constant 0 : i32
      %dma_start3A_290 = tpu.memref_slice %arg10[%dma_start3A_288, %dma_start3A_289] : memref<10240x128xf32, #tpu.memory_space<vmem_shared>> -> memref<10240x128xf32, #tpu.memory_space<vmem_shared>>
      tpu.enqueue_indirect_dma source(%arg8 : memref<128x128xf32, #tpu.memory_space<vmem>>) target(%dma_start3A_290 : memref<10240x128xf32, #tpu.memory_space<vmem_shared>>) offsets(%dma_start3A_287 : memref<128xi32, #tpu.memory_space<vmem>>) semaphore(%arg14 : memref<!tpu.dma_semaphore, #tpu.memory_space<semaphore_mem>>) {add = true}
      %ge3A_291 = arith.constant 1 : i32
      %ge3A_292 = arith.cmpi sge, %add3A_274, %ge3A_291 : i32
      %convert_element_type3A_293 = arith.extui %ge3A_292 : i1 to i32
      %cond3A_294 = arith.constant 0 : i32
      %cond3A_295 = arith.cmpi ne, %convert_element_type3A_293, %cond3A_294 : i32
      scf.if %cond3A_295 {
        %dma_wait3A_303 = arith.constant 0 : i32
        %dma_wait3A_304 = arith.constant 1 : i32
        %dma_wait3A_305 = arith.constant 0 : i32
        %dma_wait3A_306 = tpu.memref_slice %arg6[%dma_wait3A_303, %dma_wait3A_304, %dma_wait3A_305] : memref<2x2x128xi32, #tpu.memory_space<vmem>> -> memref<1x1x128xi32, #tpu.memory_space<vmem>>
        %dma_wait3A_307 = tpu.memref_squeeze %dma_wait3A_306 : memref<1x1x128xi32, #tpu.memory_space<vmem>> -> memref<128xi32, #tpu.memory_space<vmem>>
        %dma_wait3A_308 = arith.constant 0 : i32
        %dma_wait3A_309 = arith.constant 0 : i32
        %dma_wait3A_310 = tpu.memref_slice %arg10[%dma_wait3A_308, %dma_wait3A_309] : memref<10240x128xf32, #tpu.memory_space<vmem_shared>> -> memref<10240x128xf32, #tpu.memory_space<vmem_shared>>
        tpu.wait_indirect_dma semaphore(%arg13 : memref<!tpu.dma_semaphore, #tpu.memory_space<semaphore_mem>>) src(%arg7 : memref<128x128xf32, #tpu.memory_space<vmem>>) dst(%dma_wait3A_310 : memref<10240x128xf32, #tpu.memory_space<vmem_shared>>)
      } else {
      }
      %add3A_296 = arith.constant 1 : i32
      %add3A_297 = arith.addi %add3A_274, %add3A_296 : i32
      %lt3A_298 = arith.constant 80 : i32
      %lt3A_299 = arith.cmpi slt, %add3A_297, %lt3A_298 : i32
      %convert_element_type3A_300 = arith.extui %lt3A_299 : i1 to i32
      %cond3A_301 = arith.constant 0 : i32
      %cond3A_302 = arith.cmpi ne, %convert_element_type3A_300, %cond3A_301 : i32
      scf.if %cond3A_302 {
        %add3A_303 = arith.constant 1 : i32
        %add3A_304 = arith.addi %add3A_274, %add3A_303 : i32
        %run_scoped3A_305 = arith.constant 0 : i32
        "tpu.region"() ({
          %run_scoped3A_314 = tpu.sem_alloc : memref<!tpu.dma_semaphore, #tpu.memory_space<semaphore_mem>>
          %dma_start3A_315 = arith.constant 0 : i32
          %dma_start3A_316 = arith.constant 0 : i32
          %dma_start3A_317 = tpu.memref_slice %arg6[%run_scoped3A_305, %dma_start3A_315, %dma_start3A_316] : memref<2x2x128xi32, #tpu.memory_space<vmem>> -> memref<1x2x128xi32, #tpu.memory_space<vmem>>
          %dma_start3A_318 = tpu.memref_squeeze %dma_start3A_317 : memref<1x2x128xi32, #tpu.memory_space<vmem>> -> memref<2x128xi32, #tpu.memory_space<vmem>>
          %dma_start3A_319 = arith.constant 0 : i32
          %dma_start3A_320 = arith.constant 0 : i32
          %dma_start3A_321 = tpu.memref_slice %arg2[%add3A, %add3A_304, %dma_start3A_319, %dma_start3A_320] : memref<32x80x2x128xi32, #tpu.memory_space<hbm>> -> memref<1x1x2x128xi32, #tpu.memory_space<hbm>>
          %dma_start3A_322 = tpu.memref_squeeze %dma_start3A_321 : memref<1x1x2x128xi32, #tpu.memory_space<hbm>> -> memref<2x128xi32, #tpu.memory_space<hbm>>
          %dma_start3A_323 = arith.constant 0 : i32
          %dma_start3A_324 = arith.constant 0 : i32
          %dma_start3A_325 = tpu.memref_slice %arg6[%run_scoped3A_305, %dma_start3A_323, %dma_start3A_324] : memref<2x2x128xi32, #tpu.memory_space<vmem>> -> memref<1x2x128xi32, #tpu.memory_space<vmem>>
          %dma_start3A_326 = tpu.memref_squeeze %dma_start3A_325 : memref<1x2x128xi32, #tpu.memory_space<vmem>> -> memref<2x128xi32, #tpu.memory_space<vmem>>
          %dma_start3A_327 = arith.constant 0 : i32
          %dma_start3A_328 = arith.constant 0 : i32
          %dma_start3A_329 = tpu.memref_slice %arg2[%add3A, %add3A_304, %dma_start3A_327, %dma_start3A_328] : memref<32x80x2x128xi32, #tpu.memory_space<hbm>> -> memref<1x1x2x128xi32, #tpu.memory_space<hbm>>
          %dma_start3A_330 = tpu.memref_squeeze %dma_start3A_329 : memref<1x1x2x128xi32, #tpu.memory_space<hbm>> -> memref<2x128xi32, #tpu.memory_space<hbm>>
          tpu.enqueue_dma source(%dma_start3A_330 : memref<2x128xi32, #tpu.memory_space<hbm>>) target(%dma_start3A_326 : memref<2x128xi32, #tpu.memory_space<vmem>>) target_semaphore(%run_scoped3A_314 : memref<!tpu.dma_semaphore, #tpu.memory_space<semaphore_mem>>)
          %dma_wait3A_331 = arith.constant 0 : i32
          %dma_wait3A_332 = arith.constant 0 : i32
          %dma_wait3A_333 = tpu.memref_slice %arg6[%run_scoped3A_305, %dma_wait3A_331, %dma_wait3A_332] : memref<2x2x128xi32, #tpu.memory_space<vmem>> -> memref<1x2x128xi32, #tpu.memory_space<vmem>>
          %dma_wait3A_334 = tpu.memref_squeeze %dma_wait3A_333 : memref<1x2x128xi32, #tpu.memory_space<vmem>> -> memref<2x128xi32, #tpu.memory_space<vmem>>
          %dma_wait3A_335 = arith.constant 0 : i32
          %dma_wait3A_336 = arith.constant 0 : i32
          %dma_wait3A_337 = tpu.memref_slice %arg2[%add3A, %add3A_304, %dma_wait3A_335, %dma_wait3A_336] : memref<32x80x2x128xi32, #tpu.memory_space<hbm>> -> memref<1x1x2x128xi32, #tpu.memory_space<hbm>>
          %dma_wait3A_338 = tpu.memref_squeeze %dma_wait3A_337 : memref<1x1x2x128xi32, #tpu.memory_space<hbm>> -> memref<2x128xi32, #tpu.memory_space<hbm>>
          %dma_wait3A_339 = arith.constant 0 : i32
          %dma_wait3A_340 = arith.constant 0 : i32
          %dma_wait3A_341 = tpu.memref_slice %arg6[%run_scoped3A_305, %dma_wait3A_339, %dma_wait3A_340] : memref<2x2x128xi32, #tpu.memory_space<vmem>> -> memref<1x2x128xi32, #tpu.memory_space<vmem>>
          %dma_wait3A_342 = tpu.memref_squeeze %dma_wait3A_341 : memref<1x2x128xi32, #tpu.memory_space<vmem>> -> memref<2x128xi32, #tpu.memory_space<vmem>>
          %dma_wait3A_343 = arith.constant 0 : i32
          %dma_wait3A_344 = arith.constant 0 : i32
          %dma_wait3A_345 = tpu.memref_slice %arg2[%add3A, %add3A_304, %dma_wait3A_343, %dma_wait3A_344] : memref<32x80x2x128xi32, #tpu.memory_space<hbm>> -> memref<1x1x2x128xi32, #tpu.memory_space<hbm>>
          %dma_wait3A_346 = tpu.memref_squeeze %dma_wait3A_345 : memref<1x1x2x128xi32, #tpu.memory_space<hbm>> -> memref<2x128xi32, #tpu.memory_space<hbm>>
          tpu.wait_dma2 semaphore(%run_scoped3A_314 : memref<!tpu.dma_semaphore, #tpu.memory_space<semaphore_mem>>) src(%dma_wait3A_346 : memref<2x128xi32, #tpu.memory_space<hbm>>) dst(%dma_wait3A_342 : memref<2x128xi32, #tpu.memory_space<vmem>>)
          tpu.yield
        }) : () -> ()
        %dma_start3A_306 = arith.constant 0 : i32
        %dma_start3A_307 = arith.constant 0 : i32
        %dma_start3A_308 = arith.constant 0 : i32
        %dma_start3A_309 = tpu.memref_slice %arg6[%dma_start3A_306, %dma_start3A_307, %dma_start3A_308] : memref<2x2x128xi32, #tpu.memory_space<vmem>> -> memref<1x1x128xi32, #tpu.memory_space<vmem>>
        %dma_start3A_310 = tpu.memref_squeeze %dma_start3A_309 : memref<1x1x128xi32, #tpu.memory_space<vmem>> -> memref<128xi32, #tpu.memory_space<vmem>>
        %dma_start3A_311 = arith.constant 0 : i32
        %dma_start3A_312 = arith.constant 0 : i32
        %dma_start3A_313 = tpu.memref_slice %arg3[%dma_start3A_311, %dma_start3A_312] : memref<10000x128xf32, #tpu.memory_space<hbm>> -> memref<10000x128xf32, #tpu.memory_space<hbm>>
        tpu.enqueue_indirect_dma source(%dma_start3A_313 : memref<10000x128xf32, #tpu.memory_space<hbm>>) target(%arg7 : memref<128x128xf32, #tpu.memory_space<vmem>>) offsets(%dma_start3A_310 : memref<128xi32, #tpu.memory_space<vmem>>) semaphore(%arg11 : memref<!tpu.dma_semaphore, #tpu.memory_space<semaphore_mem>>)
      } else {
      }
    }
    %scan3A_93 = arith.constant 40 : i32
    %dma_wait3A = arith.constant 1 : i32
    %dma_wait3A_94 = arith.constant 1 : i32
    %dma_wait3A_95 = arith.constant 0 : i32
    %dma_wait3A_96 = tpu.memref_slice %arg6[%dma_wait3A, %dma_wait3A_94, %dma_wait3A_95] : memref<2x2x128xi32, #tpu.memory_space<vmem>> -> memref<1x1x128xi32, #tpu.memory_space<vmem>>
    %dma_wait3A_97 = tpu.memref_squeeze %dma_wait3A_96 : memref<1x1x128xi32, #tpu.memory_space<vmem>> -> memref<128xi32, #tpu.memory_space<vmem>>
    %dma_wait3A_98 = arith.constant 0 : i32
    %dma_wait3A_99 = arith.constant 0 : i32
    %dma_wait3A_100 = tpu.memref_slice %arg10[%dma_wait3A_98, %dma_wait3A_99] : memref<10240x128xf32, #tpu.memory_space<vmem_shared>> -> memref<10240x128xf32, #tpu.memory_space<vmem_shared>>
    tpu.wait_indirect_dma semaphore(%arg14 : memref<!tpu.dma_semaphore, #tpu.memory_space<semaphore_mem>>) src(%arg8 : memref<128x128xf32, #tpu.memory_space<vmem>>) dst(%dma_wait3A_100 : memref<10240x128xf32, #tpu.memory_space<vmem_shared>>)
    %barrier3A_101 = arith.constant 0 : index
    tpu.barrier barrier_id(%barrier3A_101)
    %mul3A_102 = arith.constant 640 : i32
    %mul3A_103 = arith.muli %arg1, %mul3A_102 : i32
    %add3A_104 = arith.constant 0 : i32
    %add3A_105 = arith.addi %mul3A_103, %add3A_104 : i32
    "tpu.region"() ({
      %run_scoped3A_242 = tpu.sem_alloc : memref<!tpu.dma_semaphore, #tpu.memory_space<semaphore_mem>>
      %dma_start3A_243 = arith.constant 0 : i32
      %dma_start3A_244 = tpu.memref_slice %arg10[%add3A_105, %dma_start3A_243] : memref<10240x128xf32, #tpu.memory_space<vmem_shared>> -> memref<32x128xf32, #tpu.memory_space<vmem_shared>>
      %dma_start3A_245 = arith.constant 0 : i32
      %dma_start3A_246 = tpu.memref_slice %arg10[%add3A_105, %dma_start3A_245] : memref<10240x128xf32, #tpu.memory_space<vmem_shared>> -> memref<32x128xf32, #tpu.memory_space<vmem_shared>>
      tpu.enqueue_dma source(%dma_start3A_246 : memref<32x128xf32, #tpu.memory_space<vmem_shared>>) target(%arg9 : memref<32x128xf32, #tpu.memory_space<vmem>>) target_semaphore(%run_scoped3A_242 : memref<!tpu.dma_semaphore, #tpu.memory_space<semaphore_mem>>)
      %dma_wait3A_247 = arith.constant 0 : i32
      %dma_wait3A_248 = tpu.memref_slice %arg10[%add3A_105, %dma_wait3A_247] : memref<10240x128xf32, #tpu.memory_space<vmem_shared>> -> memref<32x128xf32, #tpu.memory_space<vmem_shared>>
      %dma_wait3A_249 = arith.constant 0 : i32
      %dma_wait3A_250 = tpu.memref_slice %arg10[%add3A_105, %dma_wait3A_249] : memref<10240x128xf32, #tpu.memory_space<vmem_shared>> -> memref<32x128xf32, #tpu.memory_space<vmem_shared>>
      tpu.wait_dma2 semaphore(%run_scoped3A_242 : memref<!tpu.dma_semaphore, #tpu.memory_space<semaphore_mem>>) src(%dma_wait3A_250 : memref<32x128xf32, #tpu.memory_space<vmem_shared>>) dst(%arg9 : memref<32x128xf32, #tpu.memory_space<vmem>>)
      tpu.yield
    }) : () -> ()
    %mul3A_106 = arith.constant 10240 : i32
    %mul3A_107 = arith.muli %arg0, %mul3A_106 : i32
    %add3A_108 = arith.addi %mul3A_107, %add3A_105 : i32
    "tpu.region"() ({
      %run_scoped3A_242 = tpu.sem_alloc : memref<!tpu.dma_semaphore, #tpu.memory_space<semaphore_mem>>
      %dma_start3A_243 = arith.constant 0 : i32
      %dma_start3A_244 = tpu.memref_slice %arg5[%add3A_108, %dma_start3A_243] : memref<20480x128xf32, #tpu.memory_space<hbm>> -> memref<32x128xf32, #tpu.memory_space<hbm>>
      %dma_start3A_245 = arith.constant 0 : i32
      %dma_start3A_246 = tpu.memref_slice %arg5[%add3A_108, %dma_start3A_245] : memref<20480x128xf32, #tpu.memory_space<hbm>> -> memref<32x128xf32, #tpu.memory_space<hbm>>
      tpu.enqueue_dma source(%arg9 : memref<32x128xf32, #tpu.memory_space<vmem>>) target(%dma_start3A_246 : memref<32x128xf32, #tpu.memory_space<hbm>>) target_semaphore(%run_scoped3A_242 : memref<!tpu.dma_semaphore, #tpu.memory_space<semaphore_mem>>)
      %dma_wait3A_247 = arith.constant 0 : i32
      %dma_wait3A_248 = tpu.memref_slice %arg5[%add3A_108, %dma_wait3A_247] : memref<20480x128xf32, #tpu.memory_space<hbm>> -> memref<32x128xf32, #tpu.memory_space<hbm>>
      %dma_wait3A_249 = arith.constant 0 : i32
      %dma_wait3A_250 = tpu.memref_slice %arg5[%add3A_108, %dma_wait3A_249] : memref<20480x128xf32, #tpu.memory_space<hbm>> -> memref<32x128xf32, #tpu.memory_space<hbm>>
      tpu.wait_dma2 semaphore(%run_scoped3A_242 : memref<!tpu.dma_semaphore, #tpu.memory_space<semaphore_mem>>) src(%arg9 : memref<32x128xf32, #tpu.memory_space<vmem>>) dst(%dma_wait3A_250 : memref<32x128xf32, #tpu.memory_space<hbm>>)
      tpu.yield
    }) : () -> ()
    %mul3A_109 = arith.constant 640 : i32
    %mul3A_110 = arith.muli %arg1, %mul3A_109 : i32
    %add3A_111 = arith.constant 32 : i32
    %add3A_112 = arith.addi %mul3A_110, %add3A_111 : i32
    "tpu.region"() ({
      %run_scoped3A_242 = tpu.sem_alloc : memref<!tpu.dma_semaphore, #tpu.memory_space<semaphore_mem>>
      %dma_start3A_243 = arith.constant 0 : i32
      %dma_start3A_244 = tpu.memref_slice %arg10[%add3A_112, %dma_start3A_243] : memref<10240x128xf32, #tpu.memory_space<vmem_shared>> -> memref<32x128xf32, #tpu.memory_space<vmem_shared>>
      %dma_start3A_245 = arith.constant 0 : i32
      %dma_start3A_246 = tpu.memref_slice %arg10[%add3A_112, %dma_start3A_245] : memref<10240x128xf32, #tpu.memory_space<vmem_shared>> -> memref<32x128xf32, #tpu.memory_space<vmem_shared>>
      tpu.enqueue_dma source(%dma_start3A_246 : memref<32x128xf32, #tpu.memory_space<vmem_shared>>) target(%arg9 : memref<32x128xf32, #tpu.memory_space<vmem>>) target_semaphore(%run_scoped3A_242 : memref<!tpu.dma_semaphore, #tpu.memory_space<semaphore_mem>>)
      %dma_wait3A_247 = arith.constant 0 : i32
      %dma_wait3A_248 = tpu.memref_slice %arg10[%add3A_112, %dma_wait3A_247] : memref<10240x128xf32, #tpu.memory_space<vmem_shared>> -> memref<32x128xf32, #tpu.memory_space<vmem_shared>>
      %dma_wait3A_249 = arith.constant 0 : i32
      %dma_wait3A_250 = tpu.memref_slice %arg10[%add3A_112, %dma_wait3A_249] : memref<10240x128xf32, #tpu.memory_space<vmem_shared>> -> memref<32x128xf32, #tpu.memory_space<vmem_shared>>
      tpu.wait_dma2 semaphore(%run_scoped3A_242 : memref<!tpu.dma_semaphore, #tpu.memory_space<semaphore_mem>>) src(%dma_wait3A_250 : memref<32x128xf32, #tpu.memory_space<vmem_shared>>) dst(%arg9 : memref<32x128xf32, #tpu.memory_space<vmem>>)
      tpu.yield
    }) : () -> ()
    %mul3A_113 = arith.constant 10240 : i32
    %mul3A_114 = arith.muli %arg0, %mul3A_113 : i32
    %add3A_115 = arith.addi %mul3A_114, %add3A_112 : i32
    "tpu.region"() ({
      %run_scoped3A_242 = tpu.sem_alloc : memref<!tpu.dma_semaphore, #tpu.memory_space<semaphore_mem>>
      %dma_start3A_243 = arith.constant 0 : i32
      %dma_start3A_244 = tpu.memref_slice %arg5[%add3A_115, %dma_start3A_243] : memref<20480x128xf32, #tpu.memory_space<hbm>> -> memref<32x128xf32, #tpu.memory_space<hbm>>
      %dma_start3A_245 = arith.constant 0 : i32
      %dma_start3A_246 = tpu.memref_slice %arg5[%add3A_115, %dma_start3A_245] : memref<20480x128xf32, #tpu.memory_space<hbm>> -> memref<32x128xf32, #tpu.memory_space<hbm>>
      tpu.enqueue_dma source(%arg9 : memref<32x128xf32, #tpu.memory_space<vmem>>) target(%dma_start3A_246 : memref<32x128xf32, #tpu.memory_space<hbm>>) target_semaphore(%run_scoped3A_242 : memref<!tpu.dma_semaphore, #tpu.memory_space<semaphore_mem>>)
      %dma_wait3A_247 = arith.constant 0 : i32
      %dma_wait3A_248 = tpu.memref_slice %arg5[%add3A_115, %dma_wait3A_247] : memref<20480x128xf32, #tpu.memory_space<hbm>> -> memref<32x128xf32, #tpu.memory_space<hbm>>
      %dma_wait3A_249 = arith.constant 0 : i32
      %dma_wait3A_250 = tpu.memref_slice %arg5[%add3A_115, %dma_wait3A_249] : memref<20480x128xf32, #tpu.memory_space<hbm>> -> memref<32x128xf32, #tpu.memory_space<hbm>>
      tpu.wait_dma2 semaphore(%run_scoped3A_242 : memref<!tpu.dma_semaphore, #tpu.memory_space<semaphore_mem>>) src(%arg9 : memref<32x128xf32, #tpu.memory_space<vmem>>) dst(%dma_wait3A_250 : memref<32x128xf32, #tpu.memory_space<hbm>>)
      tpu.yield
    }) : () -> ()
    %mul3A_116 = arith.constant 640 : i32
    %mul3A_117 = arith.muli %arg1, %mul3A_116 : i32
    %add3A_118 = arith.constant 64 : i32
    %add3A_119 = arith.addi %mul3A_117, %add3A_118 : i32
    "tpu.region"() ({
      %run_scoped3A_242 = tpu.sem_alloc : memref<!tpu.dma_semaphore, #tpu.memory_space<semaphore_mem>>
      %dma_start3A_243 = arith.constant 0 : i32
      %dma_start3A_244 = tpu.memref_slice %arg10[%add3A_119, %dma_start3A_243] : memref<10240x128xf32, #tpu.memory_space<vmem_shared>> -> memref<32x128xf32, #tpu.memory_space<vmem_shared>>
      %dma_start3A_245 = arith.constant 0 : i32
      %dma_start3A_246 = tpu.memref_slice %arg10[%add3A_119, %dma_start3A_245] : memref<10240x128xf32, #tpu.memory_space<vmem_shared>> -> memref<32x128xf32, #tpu.memory_space<vmem_shared>>
      tpu.enqueue_dma source(%dma_start3A_246 : memref<32x128xf32, #tpu.memory_space<vmem_shared>>) target(%arg9 : memref<32x128xf32, #tpu.memory_space<vmem>>) target_semaphore(%run_scoped3A_242 : memref<!tpu.dma_semaphore, #tpu.memory_space<semaphore_mem>>)
      %dma_wait3A_247 = arith.constant 0 : i32
      %dma_wait3A_248 = tpu.memref_slice %arg10[%add3A_119, %dma_wait3A_247] : memref<10240x128xf32, #tpu.memory_space<vmem_shared>> -> memref<32x128xf32, #tpu.memory_space<vmem_shared>>
      %dma_wait3A_249 = arith.constant 0 : i32
      %dma_wait3A_250 = tpu.memref_slice %arg10[%add3A_119, %dma_wait3A_249] : memref<10240x128xf32, #tpu.memory_space<vmem_shared>> -> memref<32x128xf32, #tpu.memory_space<vmem_shared>>
      tpu.wait_dma2 semaphore(%run_scoped3A_242 : memref<!tpu.dma_semaphore, #tpu.memory_space<semaphore_mem>>) src(%dma_wait3A_250 : memref<32x128xf32, #tpu.memory_space<vmem_shared>>) dst(%arg9 : memref<32x128xf32, #tpu.memory_space<vmem>>)
      tpu.yield
    }) : () -> ()
    %mul3A_120 = arith.constant 10240 : i32
    %mul3A_121 = arith.muli %arg0, %mul3A_120 : i32
    %add3A_122 = arith.addi %mul3A_121, %add3A_119 : i32
    "tpu.region"() ({
      %run_scoped3A_242 = tpu.sem_alloc : memref<!tpu.dma_semaphore, #tpu.memory_space<semaphore_mem>>
      %dma_start3A_243 = arith.constant 0 : i32
      %dma_start3A_244 = tpu.memref_slice %arg5[%add3A_122, %dma_start3A_243] : memref<20480x128xf32, #tpu.memory_space<hbm>> -> memref<32x128xf32, #tpu.memory_space<hbm>>
      %dma_start3A_245 = arith.constant 0 : i32
      %dma_start3A_246 = tpu.memref_slice %arg5[%add3A_122, %dma_start3A_245] : memref<20480x128xf32, #tpu.memory_space<hbm>> -> memref<32x128xf32, #tpu.memory_space<hbm>>
      tpu.enqueue_dma source(%arg9 : memref<32x128xf32, #tpu.memory_space<vmem>>) target(%dma_start3A_246 : memref<32x128xf32, #tpu.memory_space<hbm>>) target_semaphore(%run_scoped3A_242 : memref<!tpu.dma_semaphore, #tpu.memory_space<semaphore_mem>>)
      %dma_wait3A_247 = arith.constant 0 : i32
      %dma_wait3A_248 = tpu.memref_slice %arg5[%add3A_122, %dma_wait3A_247] : memref<20480x128xf32, #tpu.memory_space<hbm>> -> memref<32x128xf32, #tpu.memory_space<hbm>>
      %dma_wait3A_249 = arith.constant 0 : i32
      %dma_wait3A_250 = tpu.memref_slice %arg5[%add3A_122, %dma_wait3A_249] : memref<20480x128xf32, #tpu.memory_space<hbm>> -> memref<32x128xf32, #tpu.memory_space<hbm>>
      tpu.wait_dma2 semaphore(%run_scoped3A_242 : memref<!tpu.dma_semaphore, #tpu.memory_space<semaphore_mem>>) src(%arg9 : memref<32x128xf32, #tpu.memory_space<vmem>>) dst(%dma_wait3A_250 : memref<32x128xf32, #tpu.memory_space<hbm>>)
      tpu.yield
    }) : () -> ()
    %mul3A_123 = arith.constant 640 : i32
    %mul3A_124 = arith.muli %arg1, %mul3A_123 : i32
    %add3A_125 = arith.constant 96 : i32
    %add3A_126 = arith.addi %mul3A_124, %add3A_125 : i32
    "tpu.region"() ({
      %run_scoped3A_242 = tpu.sem_alloc : memref<!tpu.dma_semaphore, #tpu.memory_space<semaphore_mem>>
      %dma_start3A_243 = arith.constant 0 : i32
      %dma_start3A_244 = tpu.memref_slice %arg10[%add3A_126, %dma_start3A_243] : memref<10240x128xf32, #tpu.memory_space<vmem_shared>> -> memref<32x128xf32, #tpu.memory_space<vmem_shared>>
      %dma_start3A_245 = arith.constant 0 : i32
      %dma_start3A_246 = tpu.memref_slice %arg10[%add3A_126, %dma_start3A_245] : memref<10240x128xf32, #tpu.memory_space<vmem_shared>> -> memref<32x128xf32, #tpu.memory_space<vmem_shared>>
      tpu.enqueue_dma source(%dma_start3A_246 : memref<32x128xf32, #tpu.memory_space<vmem_shared>>) target(%arg9 : memref<32x128xf32, #tpu.memory_space<vmem>>) target_semaphore(%run_scoped3A_242 : memref<!tpu.dma_semaphore, #tpu.memory_space<semaphore_mem>>)
      %dma_wait3A_247 = arith.constant 0 : i32
      %dma_wait3A_248 = tpu.memref_slice %arg10[%add3A_126, %dma_wait3A_247] : memref<10240x128xf32, #tpu.memory_space<vmem_shared>> -> memref<32x128xf32, #tpu.memory_space<vmem_shared>>
      %dma_wait3A_249 = arith.constant 0 : i32
      %dma_wait3A_250 = tpu.memref_slice %arg10[%add3A_126, %dma_wait3A_249] : memref<10240x128xf32, #tpu.memory_space<vmem_shared>> -> memref<32x128xf32, #tpu.memory_space<vmem_shared>>
      tpu.wait_dma2 semaphore(%run_scoped3A_242 : memref<!tpu.dma_semaphore, #tpu.memory_space<semaphore_mem>>) src(%dma_wait3A_250 : memref<32x128xf32, #tpu.memory_space<vmem_shared>>) dst(%arg9 : memref<32x128xf32, #tpu.memory_space<vmem>>)
      tpu.yield
    }) : () -> ()
    %mul3A_127 = arith.constant 10240 : i32
    %mul3A_128 = arith.muli %arg0, %mul3A_127 : i32
    %add3A_129 = arith.addi %mul3A_128, %add3A_126 : i32
    "tpu.region"() ({
      %run_scoped3A_242 = tpu.sem_alloc : memref<!tpu.dma_semaphore, #tpu.memory_space<semaphore_mem>>
      %dma_start3A_243 = arith.constant 0 : i32
      %dma_start3A_244 = tpu.memref_slice %arg5[%add3A_129, %dma_start3A_243] : memref<20480x128xf32, #tpu.memory_space<hbm>> -> memref<32x128xf32, #tpu.memory_space<hbm>>
      %dma_start3A_245 = arith.constant 0 : i32
      %dma_start3A_246 = tpu.memref_slice %arg5[%add3A_129, %dma_start3A_245] : memref<20480x128xf32, #tpu.memory_space<hbm>> -> memref<32x128xf32, #tpu.memory_space<hbm>>
      tpu.enqueue_dma source(%arg9 : memref<32x128xf32, #tpu.memory_space<vmem>>) target(%dma_start3A_246 : memref<32x128xf32, #tpu.memory_space<hbm>>) target_semaphore(%run_scoped3A_242 : memref<!tpu.dma_semaphore, #tpu.memory_space<semaphore_mem>>)
      %dma_wait3A_247 = arith.constant 0 : i32
      %dma_wait3A_248 = tpu.memref_slice %arg5[%add3A_129, %dma_wait3A_247] : memref<20480x128xf32, #tpu.memory_space<hbm>> -> memref<32x128xf32, #tpu.memory_space<hbm>>
      %dma_wait3A_249 = arith.constant 0 : i32
      %dma_wait3A_250 = tpu.memref_slice %arg5[%add3A_129, %dma_wait3A_249] : memref<20480x128xf32, #tpu.memory_space<hbm>> -> memref<32x128xf32, #tpu.memory_space<hbm>>
      tpu.wait_dma2 semaphore(%run_scoped3A_242 : memref<!tpu.dma_semaphore, #tpu.memory_space<semaphore_mem>>) src(%arg9 : memref<32x128xf32, #tpu.memory_space<vmem>>) dst(%dma_wait3A_250 : memref<32x128xf32, #tpu.memory_space<hbm>>)
      tpu.yield
    }) : () -> ()
    %mul3A_130 = arith.constant 640 : i32
    %mul3A_131 = arith.muli %arg1, %mul3A_130 : i32
    %add3A_132 = arith.constant 128 : i32
    %add3A_133 = arith.addi %mul3A_131, %add3A_132 : i32
    "tpu.region"() ({
      %run_scoped3A_242 = tpu.sem_alloc : memref<!tpu.dma_semaphore, #tpu.memory_space<semaphore_mem>>
      %dma_start3A_243 = arith.constant 0 : i32
      %dma_start3A_244 = tpu.memref_slice %arg10[%add3A_133, %dma_start3A_243] : memref<10240x128xf32, #tpu.memory_space<vmem_shared>> -> memref<32x128xf32, #tpu.memory_space<vmem_shared>>
      %dma_start3A_245 = arith.constant 0 : i32
      %dma_start3A_246 = tpu.memref_slice %arg10[%add3A_133, %dma_start3A_245] : memref<10240x128xf32, #tpu.memory_space<vmem_shared>> -> memref<32x128xf32, #tpu.memory_space<vmem_shared>>
      tpu.enqueue_dma source(%dma_start3A_246 : memref<32x128xf32, #tpu.memory_space<vmem_shared>>) target(%arg9 : memref<32x128xf32, #tpu.memory_space<vmem>>) target_semaphore(%run_scoped3A_242 : memref<!tpu.dma_semaphore, #tpu.memory_space<semaphore_mem>>)
      %dma_wait3A_247 = arith.constant 0 : i32
      %dma_wait3A_248 = tpu.memref_slice %arg10[%add3A_133, %dma_wait3A_247] : memref<10240x128xf32, #tpu.memory_space<vmem_shared>> -> memref<32x128xf32, #tpu.memory_space<vmem_shared>>
      %dma_wait3A_249 = arith.constant 0 : i32
      %dma_wait3A_250 = tpu.memref_slice %arg10[%add3A_133, %dma_wait3A_249] : memref<10240x128xf32, #tpu.memory_space<vmem_shared>> -> memref<32x128xf32, #tpu.memory_space<vmem_shared>>
      tpu.wait_dma2 semaphore(%run_scoped3A_242 : memref<!tpu.dma_semaphore, #tpu.memory_space<semaphore_mem>>) src(%dma_wait3A_250 : memref<32x128xf32, #tpu.memory_space<vmem_shared>>) dst(%arg9 : memref<32x128xf32, #tpu.memory_space<vmem>>)
      tpu.yield
    }) : () -> ()
    %mul3A_134 = arith.constant 10240 : i32
    %mul3A_135 = arith.muli %arg0, %mul3A_134 : i32
    %add3A_136 = arith.addi %mul3A_135, %add3A_133 : i32
    "tpu.region"() ({
      %run_scoped3A_242 = tpu.sem_alloc : memref<!tpu.dma_semaphore, #tpu.memory_space<semaphore_mem>>
      %dma_start3A_243 = arith.constant 0 : i32
      %dma_start3A_244 = tpu.memref_slice %arg5[%add3A_136, %dma_start3A_243] : memref<20480x128xf32, #tpu.memory_space<hbm>> -> memref<32x128xf32, #tpu.memory_space<hbm>>
      %dma_start3A_245 = arith.constant 0 : i32
      %dma_start3A_246 = tpu.memref_slice %arg5[%add3A_136, %dma_start3A_245] : memref<20480x128xf32, #tpu.memory_space<hbm>> -> memref<32x128xf32, #tpu.memory_space<hbm>>
      tpu.enqueue_dma source(%arg9 : memref<32x128xf32, #tpu.memory_space<vmem>>) target(%dma_start3A_246 : memref<32x128xf32, #tpu.memory_space<hbm>>) target_semaphore(%run_scoped3A_242 : memref<!tpu.dma_semaphore, #tpu.memory_space<semaphore_mem>>)
      %dma_wait3A_247 = arith.constant 0 : i32
      %dma_wait3A_248 = tpu.memref_slice %arg5[%add3A_136, %dma_wait3A_247] : memref<20480x128xf32, #tpu.memory_space<hbm>> -> memref<32x128xf32, #tpu.memory_space<hbm>>
      %dma_wait3A_249 = arith.constant 0 : i32
      %dma_wait3A_250 = tpu.memref_slice %arg5[%add3A_136, %dma_wait3A_249] : memref<20480x128xf32, #tpu.memory_space<hbm>> -> memref<32x128xf32, #tpu.memory_space<hbm>>
      tpu.wait_dma2 semaphore(%run_scoped3A_242 : memref<!tpu.dma_semaphore, #tpu.memory_space<semaphore_mem>>) src(%arg9 : memref<32x128xf32, #tpu.memory_space<vmem>>) dst(%dma_wait3A_250 : memref<32x128xf32, #tpu.memory_space<hbm>>)
      tpu.yield
    }) : () -> ()
    %mul3A_137 = arith.constant 640 : i32
    %mul3A_138 = arith.muli %arg1, %mul3A_137 : i32
    %add3A_139 = arith.constant 160 : i32
    %add3A_140 = arith.addi %mul3A_138, %add3A_139 : i32
    "tpu.region"() ({
      %run_scoped3A_242 = tpu.sem_alloc : memref<!tpu.dma_semaphore, #tpu.memory_space<semaphore_mem>>
      %dma_start3A_243 = arith.constant 0 : i32
      %dma_start3A_244 = tpu.memref_slice %arg10[%add3A_140, %dma_start3A_243] : memref<10240x128xf32, #tpu.memory_space<vmem_shared>> -> memref<32x128xf32, #tpu.memory_space<vmem_shared>>
      %dma_start3A_245 = arith.constant 0 : i32
      %dma_start3A_246 = tpu.memref_slice %arg10[%add3A_140, %dma_start3A_245] : memref<10240x128xf32, #tpu.memory_space<vmem_shared>> -> memref<32x128xf32, #tpu.memory_space<vmem_shared>>
      tpu.enqueue_dma source(%dma_start3A_246 : memref<32x128xf32, #tpu.memory_space<vmem_shared>>) target(%arg9 : memref<32x128xf32, #tpu.memory_space<vmem>>) target_semaphore(%run_scoped3A_242 : memref<!tpu.dma_semaphore, #tpu.memory_space<semaphore_mem>>)
      %dma_wait3A_247 = arith.constant 0 : i32
      %dma_wait3A_248 = tpu.memref_slice %arg10[%add3A_140, %dma_wait3A_247] : memref<10240x128xf32, #tpu.memory_space<vmem_shared>> -> memref<32x128xf32, #tpu.memory_space<vmem_shared>>
      %dma_wait3A_249 = arith.constant 0 : i32
      %dma_wait3A_250 = tpu.memref_slice %arg10[%add3A_140, %dma_wait3A_249] : memref<10240x128xf32, #tpu.memory_space<vmem_shared>> -> memref<32x128xf32, #tpu.memory_space<vmem_shared>>
      tpu.wait_dma2 semaphore(%run_scoped3A_242 : memref<!tpu.dma_semaphore, #tpu.memory_space<semaphore_mem>>) src(%dma_wait3A_250 : memref<32x128xf32, #tpu.memory_space<vmem_shared>>) dst(%arg9 : memref<32x128xf32, #tpu.memory_space<vmem>>)
      tpu.yield
    }) : () -> ()
    %mul3A_141 = arith.constant 10240 : i32
    %mul3A_142 = arith.muli %arg0, %mul3A_141 : i32
    %add3A_143 = arith.addi %mul3A_142, %add3A_140 : i32
    "tpu.region"() ({
      %run_scoped3A_242 = tpu.sem_alloc : memref<!tpu.dma_semaphore, #tpu.memory_space<semaphore_mem>>
      %dma_start3A_243 = arith.constant 0 : i32
      %dma_start3A_244 = tpu.memref_slice %arg5[%add3A_143, %dma_start3A_243] : memref<20480x128xf32, #tpu.memory_space<hbm>> -> memref<32x128xf32, #tpu.memory_space<hbm>>
      %dma_start3A_245 = arith.constant 0 : i32
      %dma_start3A_246 = tpu.memref_slice %arg5[%add3A_143, %dma_start3A_245] : memref<20480x128xf32, #tpu.memory_space<hbm>> -> memref<32x128xf32, #tpu.memory_space<hbm>>
      tpu.enqueue_dma source(%arg9 : memref<32x128xf32, #tpu.memory_space<vmem>>) target(%dma_start3A_246 : memref<32x128xf32, #tpu.memory_space<hbm>>) target_semaphore(%run_scoped3A_242 : memref<!tpu.dma_semaphore, #tpu.memory_space<semaphore_mem>>)
      %dma_wait3A_247 = arith.constant 0 : i32
      %dma_wait3A_248 = tpu.memref_slice %arg5[%add3A_143, %dma_wait3A_247] : memref<20480x128xf32, #tpu.memory_space<hbm>> -> memref<32x128xf32, #tpu.memory_space<hbm>>
      %dma_wait3A_249 = arith.constant 0 : i32
      %dma_wait3A_250 = tpu.memref_slice %arg5[%add3A_143, %dma_wait3A_249] : memref<20480x128xf32, #tpu.memory_space<hbm>> -> memref<32x128xf32, #tpu.memory_space<hbm>>
      tpu.wait_dma2 semaphore(%run_scoped3A_242 : memref<!tpu.dma_semaphore, #tpu.memory_space<semaphore_mem>>) src(%arg9 : memref<32x128xf32, #tpu.memory_space<vmem>>) dst(%dma_wait3A_250 : memref<32x128xf32, #tpu.memory_space<hbm>>)
      tpu.yield
    }) : () -> ()
    %mul3A_144 = arith.constant 640 : i32
    %mul3A_145 = arith.muli %arg1, %mul3A_144 : i32
    %add3A_146 = arith.constant 192 : i32
    %add3A_147 = arith.addi %mul3A_145, %add3A_146 : i32
    "tpu.region"() ({
      %run_scoped3A_242 = tpu.sem_alloc : memref<!tpu.dma_semaphore, #tpu.memory_space<semaphore_mem>>
      %dma_start3A_243 = arith.constant 0 : i32
      %dma_start3A_244 = tpu.memref_slice %arg10[%add3A_147, %dma_start3A_243] : memref<10240x128xf32, #tpu.memory_space<vmem_shared>> -> memref<32x128xf32, #tpu.memory_space<vmem_shared>>
      %dma_start3A_245 = arith.constant 0 : i32
      %dma_start3A_246 = tpu.memref_slice %arg10[%add3A_147, %dma_start3A_245] : memref<10240x128xf32, #tpu.memory_space<vmem_shared>> -> memref<32x128xf32, #tpu.memory_space<vmem_shared>>
      tpu.enqueue_dma source(%dma_start3A_246 : memref<32x128xf32, #tpu.memory_space<vmem_shared>>) target(%arg9 : memref<32x128xf32, #tpu.memory_space<vmem>>) target_semaphore(%run_scoped3A_242 : memref<!tpu.dma_semaphore, #tpu.memory_space<semaphore_mem>>)
      %dma_wait3A_247 = arith.constant 0 : i32
      %dma_wait3A_248 = tpu.memref_slice %arg10[%add3A_147, %dma_wait3A_247] : memref<10240x128xf32, #tpu.memory_space<vmem_shared>> -> memref<32x128xf32, #tpu.memory_space<vmem_shared>>
      %dma_wait3A_249 = arith.constant 0 : i32
      %dma_wait3A_250 = tpu.memref_slice %arg10[%add3A_147, %dma_wait3A_249] : memref<10240x128xf32, #tpu.memory_space<vmem_shared>> -> memref<32x128xf32, #tpu.memory_space<vmem_shared>>
      tpu.wait_dma2 semaphore(%run_scoped3A_242 : memref<!tpu.dma_semaphore, #tpu.memory_space<semaphore_mem>>) src(%dma_wait3A_250 : memref<32x128xf32, #tpu.memory_space<vmem_shared>>) dst(%arg9 : memref<32x128xf32, #tpu.memory_space<vmem>>)
      tpu.yield
    }) : () -> ()
    %mul3A_148 = arith.constant 10240 : i32
    %mul3A_149 = arith.muli %arg0, %mul3A_148 : i32
    %add3A_150 = arith.addi %mul3A_149, %add3A_147 : i32
    "tpu.region"() ({
      %run_scoped3A_242 = tpu.sem_alloc : memref<!tpu.dma_semaphore, #tpu.memory_space<semaphore_mem>>
      %dma_start3A_243 = arith.constant 0 : i32
      %dma_start3A_244 = tpu.memref_slice %arg5[%add3A_150, %dma_start3A_243] : memref<20480x128xf32, #tpu.memory_space<hbm>> -> memref<32x128xf32, #tpu.memory_space<hbm>>
      %dma_start3A_245 = arith.constant 0 : i32
      %dma_start3A_246 = tpu.memref_slice %arg5[%add3A_150, %dma_start3A_245] : memref<20480x128xf32, #tpu.memory_space<hbm>> -> memref<32x128xf32, #tpu.memory_space<hbm>>
      tpu.enqueue_dma source(%arg9 : memref<32x128xf32, #tpu.memory_space<vmem>>) target(%dma_start3A_246 : memref<32x128xf32, #tpu.memory_space<hbm>>) target_semaphore(%run_scoped3A_242 : memref<!tpu.dma_semaphore, #tpu.memory_space<semaphore_mem>>)
      %dma_wait3A_247 = arith.constant 0 : i32
      %dma_wait3A_248 = tpu.memref_slice %arg5[%add3A_150, %dma_wait3A_247] : memref<20480x128xf32, #tpu.memory_space<hbm>> -> memref<32x128xf32, #tpu.memory_space<hbm>>
      %dma_wait3A_249 = arith.constant 0 : i32
      %dma_wait3A_250 = tpu.memref_slice %arg5[%add3A_150, %dma_wait3A_249] : memref<20480x128xf32, #tpu.memory_space<hbm>> -> memref<32x128xf32, #tpu.memory_space<hbm>>
      tpu.wait_dma2 semaphore(%run_scoped3A_242 : memref<!tpu.dma_semaphore, #tpu.memory_space<semaphore_mem>>) src(%arg9 : memref<32x128xf32, #tpu.memory_space<vmem>>) dst(%dma_wait3A_250 : memref<32x128xf32, #tpu.memory_space<hbm>>)
      tpu.yield
    }) : () -> ()
    %mul3A_151 = arith.constant 640 : i32
    %mul3A_152 = arith.muli %arg1, %mul3A_151 : i32
    %add3A_153 = arith.constant 224 : i32
    %add3A_154 = arith.addi %mul3A_152, %add3A_153 : i32
    "tpu.region"() ({
      %run_scoped3A_242 = tpu.sem_alloc : memref<!tpu.dma_semaphore, #tpu.memory_space<semaphore_mem>>
      %dma_start3A_243 = arith.constant 0 : i32
      %dma_start3A_244 = tpu.memref_slice %arg10[%add3A_154, %dma_start3A_243] : memref<10240x128xf32, #tpu.memory_space<vmem_shared>> -> memref<32x128xf32, #tpu.memory_space<vmem_shared>>
      %dma_start3A_245 = arith.constant 0 : i32
      %dma_start3A_246 = tpu.memref_slice %arg10[%add3A_154, %dma_start3A_245] : memref<10240x128xf32, #tpu.memory_space<vmem_shared>> -> memref<32x128xf32, #tpu.memory_space<vmem_shared>>
      tpu.enqueue_dma source(%dma_start3A_246 : memref<32x128xf32, #tpu.memory_space<vmem_shared>>) target(%arg9 : memref<32x128xf32, #tpu.memory_space<vmem>>) target_semaphore(%run_scoped3A_242 : memref<!tpu.dma_semaphore, #tpu.memory_space<semaphore_mem>>)
      %dma_wait3A_247 = arith.constant 0 : i32
      %dma_wait3A_248 = tpu.memref_slice %arg10[%add3A_154, %dma_wait3A_247] : memref<10240x128xf32, #tpu.memory_space<vmem_shared>> -> memref<32x128xf32, #tpu.memory_space<vmem_shared>>
      %dma_wait3A_249 = arith.constant 0 : i32
      %dma_wait3A_250 = tpu.memref_slice %arg10[%add3A_154, %dma_wait3A_249] : memref<10240x128xf32, #tpu.memory_space<vmem_shared>> -> memref<32x128xf32, #tpu.memory_space<vmem_shared>>
      tpu.wait_dma2 semaphore(%run_scoped3A_242 : memref<!tpu.dma_semaphore, #tpu.memory_space<semaphore_mem>>) src(%dma_wait3A_250 : memref<32x128xf32, #tpu.memory_space<vmem_shared>>) dst(%arg9 : memref<32x128xf32, #tpu.memory_space<vmem>>)
      tpu.yield
    }) : () -> ()
    %mul3A_155 = arith.constant 10240 : i32
    %mul3A_156 = arith.muli %arg0, %mul3A_155 : i32
    %add3A_157 = arith.addi %mul3A_156, %add3A_154 : i32
    "tpu.region"() ({
      %run_scoped3A_242 = tpu.sem_alloc : memref<!tpu.dma_semaphore, #tpu.memory_space<semaphore_mem>>
      %dma_start3A_243 = arith.constant 0 : i32
      %dma_start3A_244 = tpu.memref_slice %arg5[%add3A_157, %dma_start3A_243] : memref<20480x128xf32, #tpu.memory_space<hbm>> -> memref<32x128xf32, #tpu.memory_space<hbm>>
      %dma_start3A_245 = arith.constant 0 : i32
      %dma_start3A_246 = tpu.memref_slice %arg5[%add3A_157, %dma_start3A_245] : memref<20480x128xf32, #tpu.memory_space<hbm>> -> memref<32x128xf32, #tpu.memory_space<hbm>>
      tpu.enqueue_dma source(%arg9 : memref<32x128xf32, #tpu.memory_space<vmem>>) target(%dma_start3A_246 : memref<32x128xf32, #tpu.memory_space<hbm>>) target_semaphore(%run_scoped3A_242 : memref<!tpu.dma_semaphore, #tpu.memory_space<semaphore_mem>>)
      %dma_wait3A_247 = arith.constant 0 : i32
      %dma_wait3A_248 = tpu.memref_slice %arg5[%add3A_157, %dma_wait3A_247] : memref<20480x128xf32, #tpu.memory_space<hbm>> -> memref<32x128xf32, #tpu.memory_space<hbm>>
      %dma_wait3A_249 = arith.constant 0 : i32
      %dma_wait3A_250 = tpu.memref_slice %arg5[%add3A_157, %dma_wait3A_249] : memref<20480x128xf32, #tpu.memory_space<hbm>> -> memref<32x128xf32, #tpu.memory_space<hbm>>
      tpu.wait_dma2 semaphore(%run_scoped3A_242 : memref<!tpu.dma_semaphore, #tpu.memory_space<semaphore_mem>>) src(%arg9 : memref<32x128xf32, #tpu.memory_space<vmem>>) dst(%dma_wait3A_250 : memref<32x128xf32, #tpu.memory_space<hbm>>)
      tpu.yield
    }) : () -> ()
    %mul3A_158 = arith.constant 640 : i32
    %mul3A_159 = arith.muli %arg1, %mul3A_158 : i32
    %add3A_160 = arith.constant 256 : i32
    %add3A_161 = arith.addi %mul3A_159, %add3A_160 : i32
    "tpu.region"() ({
      %run_scoped3A_242 = tpu.sem_alloc : memref<!tpu.dma_semaphore, #tpu.memory_space<semaphore_mem>>
      %dma_start3A_243 = arith.constant 0 : i32
      %dma_start3A_244 = tpu.memref_slice %arg10[%add3A_161, %dma_start3A_243] : memref<10240x128xf32, #tpu.memory_space<vmem_shared>> -> memref<32x128xf32, #tpu.memory_space<vmem_shared>>
      %dma_start3A_245 = arith.constant 0 : i32
      %dma_start3A_246 = tpu.memref_slice %arg10[%add3A_161, %dma_start3A_245] : memref<10240x128xf32, #tpu.memory_space<vmem_shared>> -> memref<32x128xf32, #tpu.memory_space<vmem_shared>>
      tpu.enqueue_dma source(%dma_start3A_246 : memref<32x128xf32, #tpu.memory_space<vmem_shared>>) target(%arg9 : memref<32x128xf32, #tpu.memory_space<vmem>>) target_semaphore(%run_scoped3A_242 : memref<!tpu.dma_semaphore, #tpu.memory_space<semaphore_mem>>)
      %dma_wait3A_247 = arith.constant 0 : i32
      %dma_wait3A_248 = tpu.memref_slice %arg10[%add3A_161, %dma_wait3A_247] : memref<10240x128xf32, #tpu.memory_space<vmem_shared>> -> memref<32x128xf32, #tpu.memory_space<vmem_shared>>
      %dma_wait3A_249 = arith.constant 0 : i32
      %dma_wait3A_250 = tpu.memref_slice %arg10[%add3A_161, %dma_wait3A_249] : memref<10240x128xf32, #tpu.memory_space<vmem_shared>> -> memref<32x128xf32, #tpu.memory_space<vmem_shared>>
      tpu.wait_dma2 semaphore(%run_scoped3A_242 : memref<!tpu.dma_semaphore, #tpu.memory_space<semaphore_mem>>) src(%dma_wait3A_250 : memref<32x128xf32, #tpu.memory_space<vmem_shared>>) dst(%arg9 : memref<32x128xf32, #tpu.memory_space<vmem>>)
      tpu.yield
    }) : () -> ()
    %mul3A_162 = arith.constant 10240 : i32
    %mul3A_163 = arith.muli %arg0, %mul3A_162 : i32
    %add3A_164 = arith.addi %mul3A_163, %add3A_161 : i32
    "tpu.region"() ({
      %run_scoped3A_242 = tpu.sem_alloc : memref<!tpu.dma_semaphore, #tpu.memory_space<semaphore_mem>>
      %dma_start3A_243 = arith.constant 0 : i32
      %dma_start3A_244 = tpu.memref_slice %arg5[%add3A_164, %dma_start3A_243] : memref<20480x128xf32, #tpu.memory_space<hbm>> -> memref<32x128xf32, #tpu.memory_space<hbm>>
      %dma_start3A_245 = arith.constant 0 : i32
      %dma_start3A_246 = tpu.memref_slice %arg5[%add3A_164, %dma_start3A_245] : memref<20480x128xf32, #tpu.memory_space<hbm>> -> memref<32x128xf32, #tpu.memory_space<hbm>>
      tpu.enqueue_dma source(%arg9 : memref<32x128xf32, #tpu.memory_space<vmem>>) target(%dma_start3A_246 : memref<32x128xf32, #tpu.memory_space<hbm>>) target_semaphore(%run_scoped3A_242 : memref<!tpu.dma_semaphore, #tpu.memory_space<semaphore_mem>>)
      %dma_wait3A_247 = arith.constant 0 : i32
      %dma_wait3A_248 = tpu.memref_slice %arg5[%add3A_164, %dma_wait3A_247] : memref<20480x128xf32, #tpu.memory_space<hbm>> -> memref<32x128xf32, #tpu.memory_space<hbm>>
      %dma_wait3A_249 = arith.constant 0 : i32
      %dma_wait3A_250 = tpu.memref_slice %arg5[%add3A_164, %dma_wait3A_249] : memref<20480x128xf32, #tpu.memory_space<hbm>> -> memref<32x128xf32, #tpu.memory_space<hbm>>
      tpu.wait_dma2 semaphore(%run_scoped3A_242 : memref<!tpu.dma_semaphore, #tpu.memory_space<semaphore_mem>>) src(%arg9 : memref<32x128xf32, #tpu.memory_space<vmem>>) dst(%dma_wait3A_250 : memref<32x128xf32, #tpu.memory_space<hbm>>)
      tpu.yield
    }) : () -> ()
    %mul3A_165 = arith.constant 640 : i32
    %mul3A_166 = arith.muli %arg1, %mul3A_165 : i32
    %add3A_167 = arith.constant 288 : i32
    %add3A_168 = arith.addi %mul3A_166, %add3A_167 : i32
    "tpu.region"() ({
      %run_scoped3A_242 = tpu.sem_alloc : memref<!tpu.dma_semaphore, #tpu.memory_space<semaphore_mem>>
      %dma_start3A_243 = arith.constant 0 : i32
      %dma_start3A_244 = tpu.memref_slice %arg10[%add3A_168, %dma_start3A_243] : memref<10240x128xf32, #tpu.memory_space<vmem_shared>> -> memref<32x128xf32, #tpu.memory_space<vmem_shared>>
      %dma_start3A_245 = arith.constant 0 : i32
      %dma_start3A_246 = tpu.memref_slice %arg10[%add3A_168, %dma_start3A_245] : memref<10240x128xf32, #tpu.memory_space<vmem_shared>> -> memref<32x128xf32, #tpu.memory_space<vmem_shared>>
      tpu.enqueue_dma source(%dma_start3A_246 : memref<32x128xf32, #tpu.memory_space<vmem_shared>>) target(%arg9 : memref<32x128xf32, #tpu.memory_space<vmem>>) target_semaphore(%run_scoped3A_242 : memref<!tpu.dma_semaphore, #tpu.memory_space<semaphore_mem>>)
      %dma_wait3A_247 = arith.constant 0 : i32
      %dma_wait3A_248 = tpu.memref_slice %arg10[%add3A_168, %dma_wait3A_247] : memref<10240x128xf32, #tpu.memory_space<vmem_shared>> -> memref<32x128xf32, #tpu.memory_space<vmem_shared>>
      %dma_wait3A_249 = arith.constant 0 : i32
      %dma_wait3A_250 = tpu.memref_slice %arg10[%add3A_168, %dma_wait3A_249] : memref<10240x128xf32, #tpu.memory_space<vmem_shared>> -> memref<32x128xf32, #tpu.memory_space<vmem_shared>>
      tpu.wait_dma2 semaphore(%run_scoped3A_242 : memref<!tpu.dma_semaphore, #tpu.memory_space<semaphore_mem>>) src(%dma_wait3A_250 : memref<32x128xf32, #tpu.memory_space<vmem_shared>>) dst(%arg9 : memref<32x128xf32, #tpu.memory_space<vmem>>)
      tpu.yield
    }) : () -> ()
    %mul3A_169 = arith.constant 10240 : i32
    %mul3A_170 = arith.muli %arg0, %mul3A_169 : i32
    %add3A_171 = arith.addi %mul3A_170, %add3A_168 : i32
    "tpu.region"() ({
      %run_scoped3A_242 = tpu.sem_alloc : memref<!tpu.dma_semaphore, #tpu.memory_space<semaphore_mem>>
      %dma_start3A_243 = arith.constant 0 : i32
      %dma_start3A_244 = tpu.memref_slice %arg5[%add3A_171, %dma_start3A_243] : memref<20480x128xf32, #tpu.memory_space<hbm>> -> memref<32x128xf32, #tpu.memory_space<hbm>>
      %dma_start3A_245 = arith.constant 0 : i32
      %dma_start3A_246 = tpu.memref_slice %arg5[%add3A_171, %dma_start3A_245] : memref<20480x128xf32, #tpu.memory_space<hbm>> -> memref<32x128xf32, #tpu.memory_space<hbm>>
      tpu.enqueue_dma source(%arg9 : memref<32x128xf32, #tpu.memory_space<vmem>>) target(%dma_start3A_246 : memref<32x128xf32, #tpu.memory_space<hbm>>) target_semaphore(%run_scoped3A_242 : memref<!tpu.dma_semaphore, #tpu.memory_space<semaphore_mem>>)
      %dma_wait3A_247 = arith.constant 0 : i32
      %dma_wait3A_248 = tpu.memref_slice %arg5[%add3A_171, %dma_wait3A_247] : memref<20480x128xf32, #tpu.memory_space<hbm>> -> memref<32x128xf32, #tpu.memory_space<hbm>>
      %dma_wait3A_249 = arith.constant 0 : i32
      %dma_wait3A_250 = tpu.memref_slice %arg5[%add3A_171, %dma_wait3A_249] : memref<20480x128xf32, #tpu.memory_space<hbm>> -> memref<32x128xf32, #tpu.memory_space<hbm>>
      tpu.wait_dma2 semaphore(%run_scoped3A_242 : memref<!tpu.dma_semaphore, #tpu.memory_space<semaphore_mem>>) src(%arg9 : memref<32x128xf32, #tpu.memory_space<vmem>>) dst(%dma_wait3A_250 : memref<32x128xf32, #tpu.memory_space<hbm>>)
      tpu.yield
    }) : () -> ()
    %mul3A_172 = arith.constant 640 : i32
    %mul3A_173 = arith.muli %arg1, %mul3A_172 : i32
    %add3A_174 = arith.constant 320 : i32
    %add3A_175 = arith.addi %mul3A_173, %add3A_174 : i32
    "tpu.region"() ({
      %run_scoped3A_242 = tpu.sem_alloc : memref<!tpu.dma_semaphore, #tpu.memory_space<semaphore_mem>>
      %dma_start3A_243 = arith.constant 0 : i32
      %dma_start3A_244 = tpu.memref_slice %arg10[%add3A_175, %dma_start3A_243] : memref<10240x128xf32, #tpu.memory_space<vmem_shared>> -> memref<32x128xf32, #tpu.memory_space<vmem_shared>>
      %dma_start3A_245 = arith.constant 0 : i32
      %dma_start3A_246 = tpu.memref_slice %arg10[%add3A_175, %dma_start3A_245] : memref<10240x128xf32, #tpu.memory_space<vmem_shared>> -> memref<32x128xf32, #tpu.memory_space<vmem_shared>>
      tpu.enqueue_dma source(%dma_start3A_246 : memref<32x128xf32, #tpu.memory_space<vmem_shared>>) target(%arg9 : memref<32x128xf32, #tpu.memory_space<vmem>>) target_semaphore(%run_scoped3A_242 : memref<!tpu.dma_semaphore, #tpu.memory_space<semaphore_mem>>)
      %dma_wait3A_247 = arith.constant 0 : i32
      %dma_wait3A_248 = tpu.memref_slice %arg10[%add3A_175, %dma_wait3A_247] : memref<10240x128xf32, #tpu.memory_space<vmem_shared>> -> memref<32x128xf32, #tpu.memory_space<vmem_shared>>
      %dma_wait3A_249 = arith.constant 0 : i32
      %dma_wait3A_250 = tpu.memref_slice %arg10[%add3A_175, %dma_wait3A_249] : memref<10240x128xf32, #tpu.memory_space<vmem_shared>> -> memref<32x128xf32, #tpu.memory_space<vmem_shared>>
      tpu.wait_dma2 semaphore(%run_scoped3A_242 : memref<!tpu.dma_semaphore, #tpu.memory_space<semaphore_mem>>) src(%dma_wait3A_250 : memref<32x128xf32, #tpu.memory_space<vmem_shared>>) dst(%arg9 : memref<32x128xf32, #tpu.memory_space<vmem>>)
      tpu.yield
    }) : () -> ()
    %mul3A_176 = arith.constant 10240 : i32
    %mul3A_177 = arith.muli %arg0, %mul3A_176 : i32
    %add3A_178 = arith.addi %mul3A_177, %add3A_175 : i32
    "tpu.region"() ({
      %run_scoped3A_242 = tpu.sem_alloc : memref<!tpu.dma_semaphore, #tpu.memory_space<semaphore_mem>>
      %dma_start3A_243 = arith.constant 0 : i32
      %dma_start3A_244 = tpu.memref_slice %arg5[%add3A_178, %dma_start3A_243] : memref<20480x128xf32, #tpu.memory_space<hbm>> -> memref<32x128xf32, #tpu.memory_space<hbm>>
      %dma_start3A_245 = arith.constant 0 : i32
      %dma_start3A_246 = tpu.memref_slice %arg5[%add3A_178, %dma_start3A_245] : memref<20480x128xf32, #tpu.memory_space<hbm>> -> memref<32x128xf32, #tpu.memory_space<hbm>>
      tpu.enqueue_dma source(%arg9 : memref<32x128xf32, #tpu.memory_space<vmem>>) target(%dma_start3A_246 : memref<32x128xf32, #tpu.memory_space<hbm>>) target_semaphore(%run_scoped3A_242 : memref<!tpu.dma_semaphore, #tpu.memory_space<semaphore_mem>>)
      %dma_wait3A_247 = arith.constant 0 : i32
      %dma_wait3A_248 = tpu.memref_slice %arg5[%add3A_178, %dma_wait3A_247] : memref<20480x128xf32, #tpu.memory_space<hbm>> -> memref<32x128xf32, #tpu.memory_space<hbm>>
      %dma_wait3A_249 = arith.constant 0 : i32
      %dma_wait3A_250 = tpu.memref_slice %arg5[%add3A_178, %dma_wait3A_249] : memref<20480x128xf32, #tpu.memory_space<hbm>> -> memref<32x128xf32, #tpu.memory_space<hbm>>
      tpu.wait_dma2 semaphore(%run_scoped3A_242 : memref<!tpu.dma_semaphore, #tpu.memory_space<semaphore_mem>>) src(%arg9 : memref<32x128xf32, #tpu.memory_space<vmem>>) dst(%dma_wait3A_250 : memref<32x128xf32, #tpu.memory_space<hbm>>)
      tpu.yield
    }) : () -> ()
    %mul3A_179 = arith.constant 640 : i32
    %mul3A_180 = arith.muli %arg1, %mul3A_179 : i32
    %add3A_181 = arith.constant 352 : i32
    %add3A_182 = arith.addi %mul3A_180, %add3A_181 : i32
    "tpu.region"() ({
      %run_scoped3A_242 = tpu.sem_alloc : memref<!tpu.dma_semaphore, #tpu.memory_space<semaphore_mem>>
      %dma_start3A_243 = arith.constant 0 : i32
      %dma_start3A_244 = tpu.memref_slice %arg10[%add3A_182, %dma_start3A_243] : memref<10240x128xf32, #tpu.memory_space<vmem_shared>> -> memref<32x128xf32, #tpu.memory_space<vmem_shared>>
      %dma_start3A_245 = arith.constant 0 : i32
      %dma_start3A_246 = tpu.memref_slice %arg10[%add3A_182, %dma_start3A_245] : memref<10240x128xf32, #tpu.memory_space<vmem_shared>> -> memref<32x128xf32, #tpu.memory_space<vmem_shared>>
      tpu.enqueue_dma source(%dma_start3A_246 : memref<32x128xf32, #tpu.memory_space<vmem_shared>>) target(%arg9 : memref<32x128xf32, #tpu.memory_space<vmem>>) target_semaphore(%run_scoped3A_242 : memref<!tpu.dma_semaphore, #tpu.memory_space<semaphore_mem>>)
      %dma_wait3A_247 = arith.constant 0 : i32
      %dma_wait3A_248 = tpu.memref_slice %arg10[%add3A_182, %dma_wait3A_247] : memref<10240x128xf32, #tpu.memory_space<vmem_shared>> -> memref<32x128xf32, #tpu.memory_space<vmem_shared>>
      %dma_wait3A_249 = arith.constant 0 : i32
      %dma_wait3A_250 = tpu.memref_slice %arg10[%add3A_182, %dma_wait3A_249] : memref<10240x128xf32, #tpu.memory_space<vmem_shared>> -> memref<32x128xf32, #tpu.memory_space<vmem_shared>>
      tpu.wait_dma2 semaphore(%run_scoped3A_242 : memref<!tpu.dma_semaphore, #tpu.memory_space<semaphore_mem>>) src(%dma_wait3A_250 : memref<32x128xf32, #tpu.memory_space<vmem_shared>>) dst(%arg9 : memref<32x128xf32, #tpu.memory_space<vmem>>)
      tpu.yield
    }) : () -> ()
    %mul3A_183 = arith.constant 10240 : i32
    %mul3A_184 = arith.muli %arg0, %mul3A_183 : i32
    %add3A_185 = arith.addi %mul3A_184, %add3A_182 : i32
    "tpu.region"() ({
      %run_scoped3A_242 = tpu.sem_alloc : memref<!tpu.dma_semaphore, #tpu.memory_space<semaphore_mem>>
      %dma_start3A_243 = arith.constant 0 : i32
      %dma_start3A_244 = tpu.memref_slice %arg5[%add3A_185, %dma_start3A_243] : memref<20480x128xf32, #tpu.memory_space<hbm>> -> memref<32x128xf32, #tpu.memory_space<hbm>>
      %dma_start3A_245 = arith.constant 0 : i32
      %dma_start3A_246 = tpu.memref_slice %arg5[%add3A_185, %dma_start3A_245] : memref<20480x128xf32, #tpu.memory_space<hbm>> -> memref<32x128xf32, #tpu.memory_space<hbm>>
      tpu.enqueue_dma source(%arg9 : memref<32x128xf32, #tpu.memory_space<vmem>>) target(%dma_start3A_246 : memref<32x128xf32, #tpu.memory_space<hbm>>) target_semaphore(%run_scoped3A_242 : memref<!tpu.dma_semaphore, #tpu.memory_space<semaphore_mem>>)
      %dma_wait3A_247 = arith.constant 0 : i32
      %dma_wait3A_248 = tpu.memref_slice %arg5[%add3A_185, %dma_wait3A_247] : memref<20480x128xf32, #tpu.memory_space<hbm>> -> memref<32x128xf32, #tpu.memory_space<hbm>>
      %dma_wait3A_249 = arith.constant 0 : i32
      %dma_wait3A_250 = tpu.memref_slice %arg5[%add3A_185, %dma_wait3A_249] : memref<20480x128xf32, #tpu.memory_space<hbm>> -> memref<32x128xf32, #tpu.memory_space<hbm>>
      tpu.wait_dma2 semaphore(%run_scoped3A_242 : memref<!tpu.dma_semaphore, #tpu.memory_space<semaphore_mem>>) src(%arg9 : memref<32x128xf32, #tpu.memory_space<vmem>>) dst(%dma_wait3A_250 : memref<32x128xf32, #tpu.memory_space<hbm>>)
      tpu.yield
    }) : () -> ()
    %mul3A_186 = arith.constant 640 : i32
    %mul3A_187 = arith.muli %arg1, %mul3A_186 : i32
    %add3A_188 = arith.constant 384 : i32
    %add3A_189 = arith.addi %mul3A_187, %add3A_188 : i32
    "tpu.region"() ({
      %run_scoped3A_242 = tpu.sem_alloc : memref<!tpu.dma_semaphore, #tpu.memory_space<semaphore_mem>>
      %dma_start3A_243 = arith.constant 0 : i32
      %dma_start3A_244 = tpu.memref_slice %arg10[%add3A_189, %dma_start3A_243] : memref<10240x128xf32, #tpu.memory_space<vmem_shared>> -> memref<32x128xf32, #tpu.memory_space<vmem_shared>>
      %dma_start3A_245 = arith.constant 0 : i32
      %dma_start3A_246 = tpu.memref_slice %arg10[%add3A_189, %dma_start3A_245] : memref<10240x128xf32, #tpu.memory_space<vmem_shared>> -> memref<32x128xf32, #tpu.memory_space<vmem_shared>>
      tpu.enqueue_dma source(%dma_start3A_246 : memref<32x128xf32, #tpu.memory_space<vmem_shared>>) target(%arg9 : memref<32x128xf32, #tpu.memory_space<vmem>>) target_semaphore(%run_scoped3A_242 : memref<!tpu.dma_semaphore, #tpu.memory_space<semaphore_mem>>)
      %dma_wait3A_247 = arith.constant 0 : i32
      %dma_wait3A_248 = tpu.memref_slice %arg10[%add3A_189, %dma_wait3A_247] : memref<10240x128xf32, #tpu.memory_space<vmem_shared>> -> memref<32x128xf32, #tpu.memory_space<vmem_shared>>
      %dma_wait3A_249 = arith.constant 0 : i32
      %dma_wait3A_250 = tpu.memref_slice %arg10[%add3A_189, %dma_wait3A_249] : memref<10240x128xf32, #tpu.memory_space<vmem_shared>> -> memref<32x128xf32, #tpu.memory_space<vmem_shared>>
      tpu.wait_dma2 semaphore(%run_scoped3A_242 : memref<!tpu.dma_semaphore, #tpu.memory_space<semaphore_mem>>) src(%dma_wait3A_250 : memref<32x128xf32, #tpu.memory_space<vmem_shared>>) dst(%arg9 : memref<32x128xf32, #tpu.memory_space<vmem>>)
      tpu.yield
    }) : () -> ()
    %mul3A_190 = arith.constant 10240 : i32
    %mul3A_191 = arith.muli %arg0, %mul3A_190 : i32
    %add3A_192 = arith.addi %mul3A_191, %add3A_189 : i32
    "tpu.region"() ({
      %run_scoped3A_242 = tpu.sem_alloc : memref<!tpu.dma_semaphore, #tpu.memory_space<semaphore_mem>>
      %dma_start3A_243 = arith.constant 0 : i32
      %dma_start3A_244 = tpu.memref_slice %arg5[%add3A_192, %dma_start3A_243] : memref<20480x128xf32, #tpu.memory_space<hbm>> -> memref<32x128xf32, #tpu.memory_space<hbm>>
      %dma_start3A_245 = arith.constant 0 : i32
      %dma_start3A_246 = tpu.memref_slice %arg5[%add3A_192, %dma_start3A_245] : memref<20480x128xf32, #tpu.memory_space<hbm>> -> memref<32x128xf32, #tpu.memory_space<hbm>>
      tpu.enqueue_dma source(%arg9 : memref<32x128xf32, #tpu.memory_space<vmem>>) target(%dma_start3A_246 : memref<32x128xf32, #tpu.memory_space<hbm>>) target_semaphore(%run_scoped3A_242 : memref<!tpu.dma_semaphore, #tpu.memory_space<semaphore_mem>>)
      %dma_wait3A_247 = arith.constant 0 : i32
      %dma_wait3A_248 = tpu.memref_slice %arg5[%add3A_192, %dma_wait3A_247] : memref<20480x128xf32, #tpu.memory_space<hbm>> -> memref<32x128xf32, #tpu.memory_space<hbm>>
      %dma_wait3A_249 = arith.constant 0 : i32
      %dma_wait3A_250 = tpu.memref_slice %arg5[%add3A_192, %dma_wait3A_249] : memref<20480x128xf32, #tpu.memory_space<hbm>> -> memref<32x128xf32, #tpu.memory_space<hbm>>
      tpu.wait_dma2 semaphore(%run_scoped3A_242 : memref<!tpu.dma_semaphore, #tpu.memory_space<semaphore_mem>>) src(%arg9 : memref<32x128xf32, #tpu.memory_space<vmem>>) dst(%dma_wait3A_250 : memref<32x128xf32, #tpu.memory_space<hbm>>)
      tpu.yield
    }) : () -> ()
    %mul3A_193 = arith.constant 640 : i32
    %mul3A_194 = arith.muli %arg1, %mul3A_193 : i32
    %add3A_195 = arith.constant 416 : i32
    %add3A_196 = arith.addi %mul3A_194, %add3A_195 : i32
    "tpu.region"() ({
      %run_scoped3A_242 = tpu.sem_alloc : memref<!tpu.dma_semaphore, #tpu.memory_space<semaphore_mem>>
      %dma_start3A_243 = arith.constant 0 : i32
      %dma_start3A_244 = tpu.memref_slice %arg10[%add3A_196, %dma_start3A_243] : memref<10240x128xf32, #tpu.memory_space<vmem_shared>> -> memref<32x128xf32, #tpu.memory_space<vmem_shared>>
      %dma_start3A_245 = arith.constant 0 : i32
      %dma_start3A_246 = tpu.memref_slice %arg10[%add3A_196, %dma_start3A_245] : memref<10240x128xf32, #tpu.memory_space<vmem_shared>> -> memref<32x128xf32, #tpu.memory_space<vmem_shared>>
      tpu.enqueue_dma source(%dma_start3A_246 : memref<32x128xf32, #tpu.memory_space<vmem_shared>>) target(%arg9 : memref<32x128xf32, #tpu.memory_space<vmem>>) target_semaphore(%run_scoped3A_242 : memref<!tpu.dma_semaphore, #tpu.memory_space<semaphore_mem>>)
      %dma_wait3A_247 = arith.constant 0 : i32
      %dma_wait3A_248 = tpu.memref_slice %arg10[%add3A_196, %dma_wait3A_247] : memref<10240x128xf32, #tpu.memory_space<vmem_shared>> -> memref<32x128xf32, #tpu.memory_space<vmem_shared>>
      %dma_wait3A_249 = arith.constant 0 : i32
      %dma_wait3A_250 = tpu.memref_slice %arg10[%add3A_196, %dma_wait3A_249] : memref<10240x128xf32, #tpu.memory_space<vmem_shared>> -> memref<32x128xf32, #tpu.memory_space<vmem_shared>>
      tpu.wait_dma2 semaphore(%run_scoped3A_242 : memref<!tpu.dma_semaphore, #tpu.memory_space<semaphore_mem>>) src(%dma_wait3A_250 : memref<32x128xf32, #tpu.memory_space<vmem_shared>>) dst(%arg9 : memref<32x128xf32, #tpu.memory_space<vmem>>)
      tpu.yield
    }) : () -> ()
    %mul3A_197 = arith.constant 10240 : i32
    %mul3A_198 = arith.muli %arg0, %mul3A_197 : i32
    %add3A_199 = arith.addi %mul3A_198, %add3A_196 : i32
    "tpu.region"() ({
      %run_scoped3A_242 = tpu.sem_alloc : memref<!tpu.dma_semaphore, #tpu.memory_space<semaphore_mem>>
      %dma_start3A_243 = arith.constant 0 : i32
      %dma_start3A_244 = tpu.memref_slice %arg5[%add3A_199, %dma_start3A_243] : memref<20480x128xf32, #tpu.memory_space<hbm>> -> memref<32x128xf32, #tpu.memory_space<hbm>>
      %dma_start3A_245 = arith.constant 0 : i32
      %dma_start3A_246 = tpu.memref_slice %arg5[%add3A_199, %dma_start3A_245] : memref<20480x128xf32, #tpu.memory_space<hbm>> -> memref<32x128xf32, #tpu.memory_space<hbm>>
      tpu.enqueue_dma source(%arg9 : memref<32x128xf32, #tpu.memory_space<vmem>>) target(%dma_start3A_246 : memref<32x128xf32, #tpu.memory_space<hbm>>) target_semaphore(%run_scoped3A_242 : memref<!tpu.dma_semaphore, #tpu.memory_space<semaphore_mem>>)
      %dma_wait3A_247 = arith.constant 0 : i32
      %dma_wait3A_248 = tpu.memref_slice %arg5[%add3A_199, %dma_wait3A_247] : memref<20480x128xf32, #tpu.memory_space<hbm>> -> memref<32x128xf32, #tpu.memory_space<hbm>>
      %dma_wait3A_249 = arith.constant 0 : i32
      %dma_wait3A_250 = tpu.memref_slice %arg5[%add3A_199, %dma_wait3A_249] : memref<20480x128xf32, #tpu.memory_space<hbm>> -> memref<32x128xf32, #tpu.memory_space<hbm>>
      tpu.wait_dma2 semaphore(%run_scoped3A_242 : memref<!tpu.dma_semaphore, #tpu.memory_space<semaphore_mem>>) src(%arg9 : memref<32x128xf32, #tpu.memory_space<vmem>>) dst(%dma_wait3A_250 : memref<32x128xf32, #tpu.memory_space<hbm>>)
      tpu.yield
    }) : () -> ()
    %mul3A_200 = arith.constant 640 : i32
    %mul3A_201 = arith.muli %arg1, %mul3A_200 : i32
    %add3A_202 = arith.constant 448 : i32
    %add3A_203 = arith.addi %mul3A_201, %add3A_202 : i32
    "tpu.region"() ({
      %run_scoped3A_242 = tpu.sem_alloc : memref<!tpu.dma_semaphore, #tpu.memory_space<semaphore_mem>>
      %dma_start3A_243 = arith.constant 0 : i32
      %dma_start3A_244 = tpu.memref_slice %arg10[%add3A_203, %dma_start3A_243] : memref<10240x128xf32, #tpu.memory_space<vmem_shared>> -> memref<32x128xf32, #tpu.memory_space<vmem_shared>>
      %dma_start3A_245 = arith.constant 0 : i32
      %dma_start3A_246 = tpu.memref_slice %arg10[%add3A_203, %dma_start3A_245] : memref<10240x128xf32, #tpu.memory_space<vmem_shared>> -> memref<32x128xf32, #tpu.memory_space<vmem_shared>>
      tpu.enqueue_dma source(%dma_start3A_246 : memref<32x128xf32, #tpu.memory_space<vmem_shared>>) target(%arg9 : memref<32x128xf32, #tpu.memory_space<vmem>>) target_semaphore(%run_scoped3A_242 : memref<!tpu.dma_semaphore, #tpu.memory_space<semaphore_mem>>)
      %dma_wait3A_247 = arith.constant 0 : i32
      %dma_wait3A_248 = tpu.memref_slice %arg10[%add3A_203, %dma_wait3A_247] : memref<10240x128xf32, #tpu.memory_space<vmem_shared>> -> memref<32x128xf32, #tpu.memory_space<vmem_shared>>
      %dma_wait3A_249 = arith.constant 0 : i32
      %dma_wait3A_250 = tpu.memref_slice %arg10[%add3A_203, %dma_wait3A_249] : memref<10240x128xf32, #tpu.memory_space<vmem_shared>> -> memref<32x128xf32, #tpu.memory_space<vmem_shared>>
      tpu.wait_dma2 semaphore(%run_scoped3A_242 : memref<!tpu.dma_semaphore, #tpu.memory_space<semaphore_mem>>) src(%dma_wait3A_250 : memref<32x128xf32, #tpu.memory_space<vmem_shared>>) dst(%arg9 : memref<32x128xf32, #tpu.memory_space<vmem>>)
      tpu.yield
    }) : () -> ()
    %mul3A_204 = arith.constant 10240 : i32
    %mul3A_205 = arith.muli %arg0, %mul3A_204 : i32
    %add3A_206 = arith.addi %mul3A_205, %add3A_203 : i32
    "tpu.region"() ({
      %run_scoped3A_242 = tpu.sem_alloc : memref<!tpu.dma_semaphore, #tpu.memory_space<semaphore_mem>>
      %dma_start3A_243 = arith.constant 0 : i32
      %dma_start3A_244 = tpu.memref_slice %arg5[%add3A_206, %dma_start3A_243] : memref<20480x128xf32, #tpu.memory_space<hbm>> -> memref<32x128xf32, #tpu.memory_space<hbm>>
      %dma_start3A_245 = arith.constant 0 : i32
      %dma_start3A_246 = tpu.memref_slice %arg5[%add3A_206, %dma_start3A_245] : memref<20480x128xf32, #tpu.memory_space<hbm>> -> memref<32x128xf32, #tpu.memory_space<hbm>>
      tpu.enqueue_dma source(%arg9 : memref<32x128xf32, #tpu.memory_space<vmem>>) target(%dma_start3A_246 : memref<32x128xf32, #tpu.memory_space<hbm>>) target_semaphore(%run_scoped3A_242 : memref<!tpu.dma_semaphore, #tpu.memory_space<semaphore_mem>>)
      %dma_wait3A_247 = arith.constant 0 : i32
      %dma_wait3A_248 = tpu.memref_slice %arg5[%add3A_206, %dma_wait3A_247] : memref<20480x128xf32, #tpu.memory_space<hbm>> -> memref<32x128xf32, #tpu.memory_space<hbm>>
      %dma_wait3A_249 = arith.constant 0 : i32
      %dma_wait3A_250 = tpu.memref_slice %arg5[%add3A_206, %dma_wait3A_249] : memref<20480x128xf32, #tpu.memory_space<hbm>> -> memref<32x128xf32, #tpu.memory_space<hbm>>
      tpu.wait_dma2 semaphore(%run_scoped3A_242 : memref<!tpu.dma_semaphore, #tpu.memory_space<semaphore_mem>>) src(%arg9 : memref<32x128xf32, #tpu.memory_space<vmem>>) dst(%dma_wait3A_250 : memref<32x128xf32, #tpu.memory_space<hbm>>)
      tpu.yield
    }) : () -> ()
    %mul3A_207 = arith.constant 640 : i32
    %mul3A_208 = arith.muli %arg1, %mul3A_207 : i32
    %add3A_209 = arith.constant 480 : i32
    %add3A_210 = arith.addi %mul3A_208, %add3A_209 : i32
    "tpu.region"() ({
      %run_scoped3A_242 = tpu.sem_alloc : memref<!tpu.dma_semaphore, #tpu.memory_space<semaphore_mem>>
      %dma_start3A_243 = arith.constant 0 : i32
      %dma_start3A_244 = tpu.memref_slice %arg10[%add3A_210, %dma_start3A_243] : memref<10240x128xf32, #tpu.memory_space<vmem_shared>> -> memref<32x128xf32, #tpu.memory_space<vmem_shared>>
      %dma_start3A_245 = arith.constant 0 : i32
      %dma_start3A_246 = tpu.memref_slice %arg10[%add3A_210, %dma_start3A_245] : memref<10240x128xf32, #tpu.memory_space<vmem_shared>> -> memref<32x128xf32, #tpu.memory_space<vmem_shared>>
      tpu.enqueue_dma source(%dma_start3A_246 : memref<32x128xf32, #tpu.memory_space<vmem_shared>>) target(%arg9 : memref<32x128xf32, #tpu.memory_space<vmem>>) target_semaphore(%run_scoped3A_242 : memref<!tpu.dma_semaphore, #tpu.memory_space<semaphore_mem>>)
      %dma_wait3A_247 = arith.constant 0 : i32
      %dma_wait3A_248 = tpu.memref_slice %arg10[%add3A_210, %dma_wait3A_247] : memref<10240x128xf32, #tpu.memory_space<vmem_shared>> -> memref<32x128xf32, #tpu.memory_space<vmem_shared>>
      %dma_wait3A_249 = arith.constant 0 : i32
      %dma_wait3A_250 = tpu.memref_slice %arg10[%add3A_210, %dma_wait3A_249] : memref<10240x128xf32, #tpu.memory_space<vmem_shared>> -> memref<32x128xf32, #tpu.memory_space<vmem_shared>>
      tpu.wait_dma2 semaphore(%run_scoped3A_242 : memref<!tpu.dma_semaphore, #tpu.memory_space<semaphore_mem>>) src(%dma_wait3A_250 : memref<32x128xf32, #tpu.memory_space<vmem_shared>>) dst(%arg9 : memref<32x128xf32, #tpu.memory_space<vmem>>)
      tpu.yield
    }) : () -> ()
    %mul3A_211 = arith.constant 10240 : i32
    %mul3A_212 = arith.muli %arg0, %mul3A_211 : i32
    %add3A_213 = arith.addi %mul3A_212, %add3A_210 : i32
    "tpu.region"() ({
      %run_scoped3A_242 = tpu.sem_alloc : memref<!tpu.dma_semaphore, #tpu.memory_space<semaphore_mem>>
      %dma_start3A_243 = arith.constant 0 : i32
      %dma_start3A_244 = tpu.memref_slice %arg5[%add3A_213, %dma_start3A_243] : memref<20480x128xf32, #tpu.memory_space<hbm>> -> memref<32x128xf32, #tpu.memory_space<hbm>>
      %dma_start3A_245 = arith.constant 0 : i32
      %dma_start3A_246 = tpu.memref_slice %arg5[%add3A_213, %dma_start3A_245] : memref<20480x128xf32, #tpu.memory_space<hbm>> -> memref<32x128xf32, #tpu.memory_space<hbm>>
      tpu.enqueue_dma source(%arg9 : memref<32x128xf32, #tpu.memory_space<vmem>>) target(%dma_start3A_246 : memref<32x128xf32, #tpu.memory_space<hbm>>) target_semaphore(%run_scoped3A_242 : memref<!tpu.dma_semaphore, #tpu.memory_space<semaphore_mem>>)
      %dma_wait3A_247 = arith.constant 0 : i32
      %dma_wait3A_248 = tpu.memref_slice %arg5[%add3A_213, %dma_wait3A_247] : memref<20480x128xf32, #tpu.memory_space<hbm>> -> memref<32x128xf32, #tpu.memory_space<hbm>>
      %dma_wait3A_249 = arith.constant 0 : i32
      %dma_wait3A_250 = tpu.memref_slice %arg5[%add3A_213, %dma_wait3A_249] : memref<20480x128xf32, #tpu.memory_space<hbm>> -> memref<32x128xf32, #tpu.memory_space<hbm>>
      tpu.wait_dma2 semaphore(%run_scoped3A_242 : memref<!tpu.dma_semaphore, #tpu.memory_space<semaphore_mem>>) src(%arg9 : memref<32x128xf32, #tpu.memory_space<vmem>>) dst(%dma_wait3A_250 : memref<32x128xf32, #tpu.memory_space<hbm>>)
      tpu.yield
    }) : () -> ()
    %mul3A_214 = arith.constant 640 : i32
    %mul3A_215 = arith.muli %arg1, %mul3A_214 : i32
    %add3A_216 = arith.constant 512 : i32
    %add3A_217 = arith.addi %mul3A_215, %add3A_216 : i32
    "tpu.region"() ({
      %run_scoped3A_242 = tpu.sem_alloc : memref<!tpu.dma_semaphore, #tpu.memory_space<semaphore_mem>>
      %dma_start3A_243 = arith.constant 0 : i32
      %dma_start3A_244 = tpu.memref_slice %arg10[%add3A_217, %dma_start3A_243] : memref<10240x128xf32, #tpu.memory_space<vmem_shared>> -> memref<32x128xf32, #tpu.memory_space<vmem_shared>>
      %dma_start3A_245 = arith.constant 0 : i32
      %dma_start3A_246 = tpu.memref_slice %arg10[%add3A_217, %dma_start3A_245] : memref<10240x128xf32, #tpu.memory_space<vmem_shared>> -> memref<32x128xf32, #tpu.memory_space<vmem_shared>>
      tpu.enqueue_dma source(%dma_start3A_246 : memref<32x128xf32, #tpu.memory_space<vmem_shared>>) target(%arg9 : memref<32x128xf32, #tpu.memory_space<vmem>>) target_semaphore(%run_scoped3A_242 : memref<!tpu.dma_semaphore, #tpu.memory_space<semaphore_mem>>)
      %dma_wait3A_247 = arith.constant 0 : i32
      %dma_wait3A_248 = tpu.memref_slice %arg10[%add3A_217, %dma_wait3A_247] : memref<10240x128xf32, #tpu.memory_space<vmem_shared>> -> memref<32x128xf32, #tpu.memory_space<vmem_shared>>
      %dma_wait3A_249 = arith.constant 0 : i32
      %dma_wait3A_250 = tpu.memref_slice %arg10[%add3A_217, %dma_wait3A_249] : memref<10240x128xf32, #tpu.memory_space<vmem_shared>> -> memref<32x128xf32, #tpu.memory_space<vmem_shared>>
      tpu.wait_dma2 semaphore(%run_scoped3A_242 : memref<!tpu.dma_semaphore, #tpu.memory_space<semaphore_mem>>) src(%dma_wait3A_250 : memref<32x128xf32, #tpu.memory_space<vmem_shared>>) dst(%arg9 : memref<32x128xf32, #tpu.memory_space<vmem>>)
      tpu.yield
    }) : () -> ()
    %mul3A_218 = arith.constant 10240 : i32
    %mul3A_219 = arith.muli %arg0, %mul3A_218 : i32
    %add3A_220 = arith.addi %mul3A_219, %add3A_217 : i32
    "tpu.region"() ({
      %run_scoped3A_242 = tpu.sem_alloc : memref<!tpu.dma_semaphore, #tpu.memory_space<semaphore_mem>>
      %dma_start3A_243 = arith.constant 0 : i32
      %dma_start3A_244 = tpu.memref_slice %arg5[%add3A_220, %dma_start3A_243] : memref<20480x128xf32, #tpu.memory_space<hbm>> -> memref<32x128xf32, #tpu.memory_space<hbm>>
      %dma_start3A_245 = arith.constant 0 : i32
      %dma_start3A_246 = tpu.memref_slice %arg5[%add3A_220, %dma_start3A_245] : memref<20480x128xf32, #tpu.memory_space<hbm>> -> memref<32x128xf32, #tpu.memory_space<hbm>>
      tpu.enqueue_dma source(%arg9 : memref<32x128xf32, #tpu.memory_space<vmem>>) target(%dma_start3A_246 : memref<32x128xf32, #tpu.memory_space<hbm>>) target_semaphore(%run_scoped3A_242 : memref<!tpu.dma_semaphore, #tpu.memory_space<semaphore_mem>>)
      %dma_wait3A_247 = arith.constant 0 : i32
      %dma_wait3A_248 = tpu.memref_slice %arg5[%add3A_220, %dma_wait3A_247] : memref<20480x128xf32, #tpu.memory_space<hbm>> -> memref<32x128xf32, #tpu.memory_space<hbm>>
      %dma_wait3A_249 = arith.constant 0 : i32
      %dma_wait3A_250 = tpu.memref_slice %arg5[%add3A_220, %dma_wait3A_249] : memref<20480x128xf32, #tpu.memory_space<hbm>> -> memref<32x128xf32, #tpu.memory_space<hbm>>
      tpu.wait_dma2 semaphore(%run_scoped3A_242 : memref<!tpu.dma_semaphore, #tpu.memory_space<semaphore_mem>>) src(%arg9 : memref<32x128xf32, #tpu.memory_space<vmem>>) dst(%dma_wait3A_250 : memref<32x128xf32, #tpu.memory_space<hbm>>)
      tpu.yield
    }) : () -> ()
    %mul3A_221 = arith.constant 640 : i32
    %mul3A_222 = arith.muli %arg1, %mul3A_221 : i32
    %add3A_223 = arith.constant 544 : i32
    %add3A_224 = arith.addi %mul3A_222, %add3A_223 : i32
    "tpu.region"() ({
      %run_scoped3A_242 = tpu.sem_alloc : memref<!tpu.dma_semaphore, #tpu.memory_space<semaphore_mem>>
      %dma_start3A_243 = arith.constant 0 : i32
      %dma_start3A_244 = tpu.memref_slice %arg10[%add3A_224, %dma_start3A_243] : memref<10240x128xf32, #tpu.memory_space<vmem_shared>> -> memref<32x128xf32, #tpu.memory_space<vmem_shared>>
      %dma_start3A_245 = arith.constant 0 : i32
      %dma_start3A_246 = tpu.memref_slice %arg10[%add3A_224, %dma_start3A_245] : memref<10240x128xf32, #tpu.memory_space<vmem_shared>> -> memref<32x128xf32, #tpu.memory_space<vmem_shared>>
      tpu.enqueue_dma source(%dma_start3A_246 : memref<32x128xf32, #tpu.memory_space<vmem_shared>>) target(%arg9 : memref<32x128xf32, #tpu.memory_space<vmem>>) target_semaphore(%run_scoped3A_242 : memref<!tpu.dma_semaphore, #tpu.memory_space<semaphore_mem>>)
      %dma_wait3A_247 = arith.constant 0 : i32
      %dma_wait3A_248 = tpu.memref_slice %arg10[%add3A_224, %dma_wait3A_247] : memref<10240x128xf32, #tpu.memory_space<vmem_shared>> -> memref<32x128xf32, #tpu.memory_space<vmem_shared>>
      %dma_wait3A_249 = arith.constant 0 : i32
      %dma_wait3A_250 = tpu.memref_slice %arg10[%add3A_224, %dma_wait3A_249] : memref<10240x128xf32, #tpu.memory_space<vmem_shared>> -> memref<32x128xf32, #tpu.memory_space<vmem_shared>>
      tpu.wait_dma2 semaphore(%run_scoped3A_242 : memref<!tpu.dma_semaphore, #tpu.memory_space<semaphore_mem>>) src(%dma_wait3A_250 : memref<32x128xf32, #tpu.memory_space<vmem_shared>>) dst(%arg9 : memref<32x128xf32, #tpu.memory_space<vmem>>)
      tpu.yield
    }) : () -> ()
    %mul3A_225 = arith.constant 10240 : i32
    %mul3A_226 = arith.muli %arg0, %mul3A_225 : i32
    %add3A_227 = arith.addi %mul3A_226, %add3A_224 : i32
    "tpu.region"() ({
      %run_scoped3A_242 = tpu.sem_alloc : memref<!tpu.dma_semaphore, #tpu.memory_space<semaphore_mem>>
      %dma_start3A_243 = arith.constant 0 : i32
      %dma_start3A_244 = tpu.memref_slice %arg5[%add3A_227, %dma_start3A_243] : memref<20480x128xf32, #tpu.memory_space<hbm>> -> memref<32x128xf32, #tpu.memory_space<hbm>>
      %dma_start3A_245 = arith.constant 0 : i32
      %dma_start3A_246 = tpu.memref_slice %arg5[%add3A_227, %dma_start3A_245] : memref<20480x128xf32, #tpu.memory_space<hbm>> -> memref<32x128xf32, #tpu.memory_space<hbm>>
      tpu.enqueue_dma source(%arg9 : memref<32x128xf32, #tpu.memory_space<vmem>>) target(%dma_start3A_246 : memref<32x128xf32, #tpu.memory_space<hbm>>) target_semaphore(%run_scoped3A_242 : memref<!tpu.dma_semaphore, #tpu.memory_space<semaphore_mem>>)
      %dma_wait3A_247 = arith.constant 0 : i32
      %dma_wait3A_248 = tpu.memref_slice %arg5[%add3A_227, %dma_wait3A_247] : memref<20480x128xf32, #tpu.memory_space<hbm>> -> memref<32x128xf32, #tpu.memory_space<hbm>>
      %dma_wait3A_249 = arith.constant 0 : i32
      %dma_wait3A_250 = tpu.memref_slice %arg5[%add3A_227, %dma_wait3A_249] : memref<20480x128xf32, #tpu.memory_space<hbm>> -> memref<32x128xf32, #tpu.memory_space<hbm>>
      tpu.wait_dma2 semaphore(%run_scoped3A_242 : memref<!tpu.dma_semaphore, #tpu.memory_space<semaphore_mem>>) src(%arg9 : memref<32x128xf32, #tpu.memory_space<vmem>>) dst(%dma_wait3A_250 : memref<32x128xf32, #tpu.memory_space<hbm>>)
      tpu.yield
    }) : () -> ()
    %mul3A_228 = arith.constant 640 : i32
    %mul3A_229 = arith.muli %arg1, %mul3A_228 : i32
    %add3A_230 = arith.constant 576 : i32
    %add3A_231 = arith.addi %mul3A_229, %add3A_230 : i32
    "tpu.region"() ({
      %run_scoped3A_242 = tpu.sem_alloc : memref<!tpu.dma_semaphore, #tpu.memory_space<semaphore_mem>>
      %dma_start3A_243 = arith.constant 0 : i32
      %dma_start3A_244 = tpu.memref_slice %arg10[%add3A_231, %dma_start3A_243] : memref<10240x128xf32, #tpu.memory_space<vmem_shared>> -> memref<32x128xf32, #tpu.memory_space<vmem_shared>>
      %dma_start3A_245 = arith.constant 0 : i32
      %dma_start3A_246 = tpu.memref_slice %arg10[%add3A_231, %dma_start3A_245] : memref<10240x128xf32, #tpu.memory_space<vmem_shared>> -> memref<32x128xf32, #tpu.memory_space<vmem_shared>>
      tpu.enqueue_dma source(%dma_start3A_246 : memref<32x128xf32, #tpu.memory_space<vmem_shared>>) target(%arg9 : memref<32x128xf32, #tpu.memory_space<vmem>>) target_semaphore(%run_scoped3A_242 : memref<!tpu.dma_semaphore, #tpu.memory_space<semaphore_mem>>)
      %dma_wait3A_247 = arith.constant 0 : i32
      %dma_wait3A_248 = tpu.memref_slice %arg10[%add3A_231, %dma_wait3A_247] : memref<10240x128xf32, #tpu.memory_space<vmem_shared>> -> memref<32x128xf32, #tpu.memory_space<vmem_shared>>
      %dma_wait3A_249 = arith.constant 0 : i32
      %dma_wait3A_250 = tpu.memref_slice %arg10[%add3A_231, %dma_wait3A_249] : memref<10240x128xf32, #tpu.memory_space<vmem_shared>> -> memref<32x128xf32, #tpu.memory_space<vmem_shared>>
      tpu.wait_dma2 semaphore(%run_scoped3A_242 : memref<!tpu.dma_semaphore, #tpu.memory_space<semaphore_mem>>) src(%dma_wait3A_250 : memref<32x128xf32, #tpu.memory_space<vmem_shared>>) dst(%arg9 : memref<32x128xf32, #tpu.memory_space<vmem>>)
      tpu.yield
    }) : () -> ()
    %mul3A_232 = arith.constant 10240 : i32
    %mul3A_233 = arith.muli %arg0, %mul3A_232 : i32
    %add3A_234 = arith.addi %mul3A_233, %add3A_231 : i32
    "tpu.region"() ({
      %run_scoped3A_242 = tpu.sem_alloc : memref<!tpu.dma_semaphore, #tpu.memory_space<semaphore_mem>>
      %dma_start3A_243 = arith.constant 0 : i32
      %dma_start3A_244 = tpu.memref_slice %arg5[%add3A_234, %dma_start3A_243] : memref<20480x128xf32, #tpu.memory_space<hbm>> -> memref<32x128xf32, #tpu.memory_space<hbm>>
      %dma_start3A_245 = arith.constant 0 : i32
      %dma_start3A_246 = tpu.memref_slice %arg5[%add3A_234, %dma_start3A_245] : memref<20480x128xf32, #tpu.memory_space<hbm>> -> memref<32x128xf32, #tpu.memory_space<hbm>>
      tpu.enqueue_dma source(%arg9 : memref<32x128xf32, #tpu.memory_space<vmem>>) target(%dma_start3A_246 : memref<32x128xf32, #tpu.memory_space<hbm>>) target_semaphore(%run_scoped3A_242 : memref<!tpu.dma_semaphore, #tpu.memory_space<semaphore_mem>>)
      %dma_wait3A_247 = arith.constant 0 : i32
      %dma_wait3A_248 = tpu.memref_slice %arg5[%add3A_234, %dma_wait3A_247] : memref<20480x128xf32, #tpu.memory_space<hbm>> -> memref<32x128xf32, #tpu.memory_space<hbm>>
      %dma_wait3A_249 = arith.constant 0 : i32
      %dma_wait3A_250 = tpu.memref_slice %arg5[%add3A_234, %dma_wait3A_249] : memref<20480x128xf32, #tpu.memory_space<hbm>> -> memref<32x128xf32, #tpu.memory_space<hbm>>
      tpu.wait_dma2 semaphore(%run_scoped3A_242 : memref<!tpu.dma_semaphore, #tpu.memory_space<semaphore_mem>>) src(%arg9 : memref<32x128xf32, #tpu.memory_space<vmem>>) dst(%dma_wait3A_250 : memref<32x128xf32, #tpu.memory_space<hbm>>)
      tpu.yield
    }) : () -> ()
    %mul3A_235 = arith.constant 640 : i32
    %mul3A_236 = arith.muli %arg1, %mul3A_235 : i32
    %add3A_237 = arith.constant 608 : i32
    %add3A_238 = arith.addi %mul3A_236, %add3A_237 : i32
    "tpu.region"() ({
      %run_scoped3A_242 = tpu.sem_alloc : memref<!tpu.dma_semaphore, #tpu.memory_space<semaphore_mem>>
      %dma_start3A_243 = arith.constant 0 : i32
      %dma_start3A_244 = tpu.memref_slice %arg10[%add3A_238, %dma_start3A_243] : memref<10240x128xf32, #tpu.memory_space<vmem_shared>> -> memref<32x128xf32, #tpu.memory_space<vmem_shared>>
      %dma_start3A_245 = arith.constant 0 : i32
      %dma_start3A_246 = tpu.memref_slice %arg10[%add3A_238, %dma_start3A_245] : memref<10240x128xf32, #tpu.memory_space<vmem_shared>> -> memref<32x128xf32, #tpu.memory_space<vmem_shared>>
      tpu.enqueue_dma source(%dma_start3A_246 : memref<32x128xf32, #tpu.memory_space<vmem_shared>>) target(%arg9 : memref<32x128xf32, #tpu.memory_space<vmem>>) target_semaphore(%run_scoped3A_242 : memref<!tpu.dma_semaphore, #tpu.memory_space<semaphore_mem>>)
      %dma_wait3A_247 = arith.constant 0 : i32
      %dma_wait3A_248 = tpu.memref_slice %arg10[%add3A_238, %dma_wait3A_247] : memref<10240x128xf32, #tpu.memory_space<vmem_shared>> -> memref<32x128xf32, #tpu.memory_space<vmem_shared>>
      %dma_wait3A_249 = arith.constant 0 : i32
      %dma_wait3A_250 = tpu.memref_slice %arg10[%add3A_238, %dma_wait3A_249] : memref<10240x128xf32, #tpu.memory_space<vmem_shared>> -> memref<32x128xf32, #tpu.memory_space<vmem_shared>>
      tpu.wait_dma2 semaphore(%run_scoped3A_242 : memref<!tpu.dma_semaphore, #tpu.memory_space<semaphore_mem>>) src(%dma_wait3A_250 : memref<32x128xf32, #tpu.memory_space<vmem_shared>>) dst(%arg9 : memref<32x128xf32, #tpu.memory_space<vmem>>)
      tpu.yield
    }) : () -> ()
    %mul3A_239 = arith.constant 10240 : i32
    %mul3A_240 = arith.muli %arg0, %mul3A_239 : i32
    %add3A_241 = arith.addi %mul3A_240, %add3A_238 : i32
    "tpu.region"() ({
      %run_scoped3A_242 = tpu.sem_alloc : memref<!tpu.dma_semaphore, #tpu.memory_space<semaphore_mem>>
      %dma_start3A_243 = arith.constant 0 : i32
      %dma_start3A_244 = tpu.memref_slice %arg5[%add3A_241, %dma_start3A_243] : memref<20480x128xf32, #tpu.memory_space<hbm>> -> memref<32x128xf32, #tpu.memory_space<hbm>>
      %dma_start3A_245 = arith.constant 0 : i32
      %dma_start3A_246 = tpu.memref_slice %arg5[%add3A_241, %dma_start3A_245] : memref<20480x128xf32, #tpu.memory_space<hbm>> -> memref<32x128xf32, #tpu.memory_space<hbm>>
      tpu.enqueue_dma source(%arg9 : memref<32x128xf32, #tpu.memory_space<vmem>>) target(%dma_start3A_246 : memref<32x128xf32, #tpu.memory_space<hbm>>) target_semaphore(%run_scoped3A_242 : memref<!tpu.dma_semaphore, #tpu.memory_space<semaphore_mem>>)
      %dma_wait3A_247 = arith.constant 0 : i32
      %dma_wait3A_248 = tpu.memref_slice %arg5[%add3A_241, %dma_wait3A_247] : memref<20480x128xf32, #tpu.memory_space<hbm>> -> memref<32x128xf32, #tpu.memory_space<hbm>>
      %dma_wait3A_249 = arith.constant 0 : i32
      %dma_wait3A_250 = tpu.memref_slice %arg5[%add3A_241, %dma_wait3A_249] : memref<20480x128xf32, #tpu.memory_space<hbm>> -> memref<32x128xf32, #tpu.memory_space<hbm>>
      tpu.wait_dma2 semaphore(%run_scoped3A_242 : memref<!tpu.dma_semaphore, #tpu.memory_space<semaphore_mem>>) src(%arg9 : memref<32x128xf32, #tpu.memory_space<vmem>>) dst(%dma_wait3A_250 : memref<32x128xf32, #tpu.memory_space<hbm>>)
      tpu.yield
    }) : () -> ()
    return
  }
}

#map = affine_map<(d0, d1) -> (0, 0, 0)>
#map1 = affine_map<(d0, d1) -> (0, 0)>
module attributes {stable_mosaic.version = 14 : i64} {
  func.func @_deg_body(%arg0: i32, %arg1: i32, %arg2: memref<32x80x128xi32, #tpu.memory_space<hbm>>, %arg3: memref<640x16xf32, #tpu.memory_space<hbm>>, %arg4: memref<128x16xf32, #tpu.memory_space<hbm>>, %arg5: memref<20480x16xf32, #tpu.memory_space<hbm>>, %arg6: memref<80x128xi32, #tpu.memory_space<vmem>>, %arg7: memref<128x16xf32, #tpu.memory_space<vmem>>, %arg8: memref<640x16xf32, #tpu.memory_space<vmem>>, %arg9: memref<10240x16xf32, #tpu.memory_space<vmem_shared>>) attributes {dimension_semantics = [#tpu.dimension_semantics<core_parallel>, #tpu.dimension_semantics<subcore_parallel>], iteration_bounds = array<i64: 2, 16>, scalar_prefetch = 0 : i64, scratch_operands = 4 : i64, tpu.core_type = #tpu.core_type<sc_vector_subcore>, window_params = [{transform_indices = #map}, {transform_indices = #map1}, {transform_indices = #map1}, {transform_indices = #map1}]} {
    %mul3A = arith.constant 16 : i32
    %mul3A_0 = arith.muli %arg0, %mul3A : i32
    %add3A = arith.addi %mul3A_0, %arg1 : i32
    "tpu.region"() ({
      %run_scoped3A = tpu.sem_alloc : memref<!tpu.dma_semaphore, #tpu.memory_space<semaphore_mem>>
      tpu.enqueue_dma source(%arg3 : memref<640x16xf32, #tpu.memory_space<hbm>>) target(%arg8 : memref<640x16xf32, #tpu.memory_space<vmem>>) target_semaphore(%run_scoped3A : memref<!tpu.dma_semaphore, #tpu.memory_space<semaphore_mem>>)
      tpu.wait_dma2 semaphore(%run_scoped3A : memref<!tpu.dma_semaphore, #tpu.memory_space<semaphore_mem>>) src(%arg3 : memref<640x16xf32, #tpu.memory_space<hbm>>) dst(%arg8 : memref<640x16xf32, #tpu.memory_space<vmem>>)
      tpu.yield
    }) : () -> ()
    "tpu.region"() ({
      %run_scoped3A = tpu.sem_alloc : memref<!tpu.dma_semaphore, #tpu.memory_space<semaphore_mem>>
      tpu.enqueue_dma source(%arg4 : memref<128x16xf32, #tpu.memory_space<hbm>>) target(%arg7 : memref<128x16xf32, #tpu.memory_space<vmem>>) target_semaphore(%run_scoped3A : memref<!tpu.dma_semaphore, #tpu.memory_space<semaphore_mem>>)
      tpu.wait_dma2 semaphore(%run_scoped3A : memref<!tpu.dma_semaphore, #tpu.memory_space<semaphore_mem>>) src(%arg4 : memref<128x16xf32, #tpu.memory_space<hbm>>) dst(%arg7 : memref<128x16xf32, #tpu.memory_space<vmem>>)
      tpu.yield
    }) : () -> ()
    %mul3A_1 = arith.constant 640 : i32
    %mul3A_2 = arith.muli %arg1, %mul3A_1 : i32
    "tpu.region"() ({
      %run_scoped3A = tpu.sem_alloc : memref<!tpu.dma_semaphore, #tpu.memory_space<semaphore_mem>>
      %dma_start3A = arith.constant 0 : i32
      %dma_start3A_16 = tpu.memref_slice %arg9[%mul3A_2, %dma_start3A] : memref<10240x16xf32, #tpu.memory_space<vmem_shared>> -> memref<640x16xf32, #tpu.memory_space<vmem_shared>>
      %dma_start3A_17 = arith.constant 0 : i32
      %dma_start3A_18 = tpu.memref_slice %arg9[%mul3A_2, %dma_start3A_17] : memref<10240x16xf32, #tpu.memory_space<vmem_shared>> -> memref<640x16xf32, #tpu.memory_space<vmem_shared>>
      tpu.enqueue_dma source(%arg8 : memref<640x16xf32, #tpu.memory_space<vmem>>) target(%dma_start3A_18 : memref<640x16xf32, #tpu.memory_space<vmem_shared>>) target_semaphore(%run_scoped3A : memref<!tpu.dma_semaphore, #tpu.memory_space<semaphore_mem>>)
      %dma_wait3A = arith.constant 0 : i32
      %dma_wait3A_19 = tpu.memref_slice %arg9[%mul3A_2, %dma_wait3A] : memref<10240x16xf32, #tpu.memory_space<vmem_shared>> -> memref<640x16xf32, #tpu.memory_space<vmem_shared>>
      %dma_wait3A_20 = arith.constant 0 : i32
      %dma_wait3A_21 = tpu.memref_slice %arg9[%mul3A_2, %dma_wait3A_20] : memref<10240x16xf32, #tpu.memory_space<vmem_shared>> -> memref<640x16xf32, #tpu.memory_space<vmem_shared>>
      tpu.wait_dma2 semaphore(%run_scoped3A : memref<!tpu.dma_semaphore, #tpu.memory_space<semaphore_mem>>) src(%arg8 : memref<640x16xf32, #tpu.memory_space<vmem>>) dst(%dma_wait3A_21 : memref<640x16xf32, #tpu.memory_space<vmem_shared>>)
      tpu.yield
    }) : () -> ()
    %barrier3A = arith.constant 0 : index
    tpu.barrier barrier_id(%barrier3A)
    "tpu.region"() ({
      %run_scoped3A = tpu.sem_alloc : memref<!tpu.dma_semaphore, #tpu.memory_space<semaphore_mem>>
      %dma_start3A = arith.constant 0 : i32
      %dma_start3A_16 = arith.constant 0 : i32
      %dma_start3A_17 = tpu.memref_slice %arg2[%add3A, %dma_start3A, %dma_start3A_16] : memref<32x80x128xi32, #tpu.memory_space<hbm>> -> memref<1x80x128xi32, #tpu.memory_space<hbm>>
      %dma_start3A_18 = tpu.memref_squeeze %dma_start3A_17 : memref<1x80x128xi32, #tpu.memory_space<hbm>> -> memref<80x128xi32, #tpu.memory_space<hbm>>
      %dma_start3A_19 = arith.constant 0 : i32
      %dma_start3A_20 = arith.constant 0 : i32
      %dma_start3A_21 = tpu.memref_slice %arg2[%add3A, %dma_start3A_19, %dma_start3A_20] : memref<32x80x128xi32, #tpu.memory_space<hbm>> -> memref<1x80x128xi32, #tpu.memory_space<hbm>>
      %dma_start3A_22 = tpu.memref_squeeze %dma_start3A_21 : memref<1x80x128xi32, #tpu.memory_space<hbm>> -> memref<80x128xi32, #tpu.memory_space<hbm>>
      tpu.enqueue_dma source(%dma_start3A_22 : memref<80x128xi32, #tpu.memory_space<hbm>>) target(%arg6 : memref<80x128xi32, #tpu.memory_space<vmem>>) target_semaphore(%run_scoped3A : memref<!tpu.dma_semaphore, #tpu.memory_space<semaphore_mem>>)
      %dma_wait3A = arith.constant 0 : i32
      %dma_wait3A_23 = arith.constant 0 : i32
      %dma_wait3A_24 = tpu.memref_slice %arg2[%add3A, %dma_wait3A, %dma_wait3A_23] : memref<32x80x128xi32, #tpu.memory_space<hbm>> -> memref<1x80x128xi32, #tpu.memory_space<hbm>>
      %dma_wait3A_25 = tpu.memref_squeeze %dma_wait3A_24 : memref<1x80x128xi32, #tpu.memory_space<hbm>> -> memref<80x128xi32, #tpu.memory_space<hbm>>
      %dma_wait3A_26 = arith.constant 0 : i32
      %dma_wait3A_27 = arith.constant 0 : i32
      %dma_wait3A_28 = tpu.memref_slice %arg2[%add3A, %dma_wait3A_26, %dma_wait3A_27] : memref<32x80x128xi32, #tpu.memory_space<hbm>> -> memref<1x80x128xi32, #tpu.memory_space<hbm>>
      %dma_wait3A_29 = tpu.memref_squeeze %dma_wait3A_28 : memref<1x80x128xi32, #tpu.memory_space<hbm>> -> memref<80x128xi32, #tpu.memory_space<hbm>>
      tpu.wait_dma2 semaphore(%run_scoped3A : memref<!tpu.dma_semaphore, #tpu.memory_space<semaphore_mem>>) src(%dma_wait3A_29 : memref<80x128xi32, #tpu.memory_space<hbm>>) dst(%arg6 : memref<80x128xi32, #tpu.memory_space<vmem>>)
      tpu.yield
    }) : () -> ()
    %scan3A = arith.constant 0 : i32
    %scan3A_3 = arith.constant 0 : i32
    %scan3A_4 = arith.constant 80 : i32
    %scan3A_5 = arith.addi %scan3A_3, %scan3A_4 : i32
    %scan3A_6 = arith.constant 1 : i32
    scf.for %scan3A_16 = %scan3A_3 to %scan3A_5 step %scan3A_6  : i32 {
      "tpu.region"() ({
        %run_scoped3A = tpu.sem_alloc : memref<!tpu.dma_semaphore, #tpu.memory_space<semaphore_mem>>
        %dma_start3A = arith.constant 0 : i32
        %dma_start3A_17 = tpu.memref_slice %arg6[%scan3A_16, %dma_start3A] : memref<80x128xi32, #tpu.memory_space<vmem>> -> memref<1x128xi32, #tpu.memory_space<vmem>>
        %dma_start3A_18 = tpu.memref_squeeze %dma_start3A_17 : memref<1x128xi32, #tpu.memory_space<vmem>> -> memref<128xi32, #tpu.memory_space<vmem>>
        %dma_start3A_19 = arith.constant 0 : i32
        %dma_start3A_20 = arith.constant 0 : i32
        %dma_start3A_21 = tpu.memref_slice %arg9[%dma_start3A_19, %dma_start3A_20] : memref<10240x16xf32, #tpu.memory_space<vmem_shared>> -> memref<10240x16xf32, #tpu.memory_space<vmem_shared>>
        tpu.enqueue_indirect_dma source(%arg7 : memref<128x16xf32, #tpu.memory_space<vmem>>) target(%dma_start3A_21 : memref<10240x16xf32, #tpu.memory_space<vmem_shared>>) offsets(%dma_start3A_18 : memref<128xi32, #tpu.memory_space<vmem>>) semaphore(%run_scoped3A : memref<!tpu.dma_semaphore, #tpu.memory_space<semaphore_mem>>) {add = true}
        %dma_wait3A = arith.constant 0 : i32
        %dma_wait3A_22 = tpu.memref_slice %arg6[%scan3A_16, %dma_wait3A] : memref<80x128xi32, #tpu.memory_space<vmem>> -> memref<1x128xi32, #tpu.memory_space<vmem>>
        %dma_wait3A_23 = tpu.memref_squeeze %dma_wait3A_22 : memref<1x128xi32, #tpu.memory_space<vmem>> -> memref<128xi32, #tpu.memory_space<vmem>>
        %dma_wait3A_24 = arith.constant 0 : i32
        %dma_wait3A_25 = arith.constant 0 : i32
        %dma_wait3A_26 = tpu.memref_slice %arg9[%dma_wait3A_24, %dma_wait3A_25] : memref<10240x16xf32, #tpu.memory_space<vmem_shared>> -> memref<10240x16xf32, #tpu.memory_space<vmem_shared>>
        tpu.wait_indirect_dma semaphore(%run_scoped3A : memref<!tpu.dma_semaphore, #tpu.memory_space<semaphore_mem>>) src(%arg7 : memref<128x16xf32, #tpu.memory_space<vmem>>) dst(%dma_wait3A_26 : memref<10240x16xf32, #tpu.memory_space<vmem_shared>>)
        tpu.yield
      }) : () -> ()
    }
    %scan3A_7 = arith.constant 80 : i32
    %barrier3A_8 = arith.constant 0 : index
    tpu.barrier barrier_id(%barrier3A_8)
    %mul3A_9 = arith.constant 640 : i32
    %mul3A_10 = arith.muli %arg1, %mul3A_9 : i32
    "tpu.region"() ({
      %run_scoped3A = tpu.sem_alloc : memref<!tpu.dma_semaphore, #tpu.memory_space<semaphore_mem>>
      %dma_start3A = arith.constant 0 : i32
      %dma_start3A_16 = tpu.memref_slice %arg9[%mul3A_10, %dma_start3A] : memref<10240x16xf32, #tpu.memory_space<vmem_shared>> -> memref<640x16xf32, #tpu.memory_space<vmem_shared>>
      %dma_start3A_17 = arith.constant 0 : i32
      %dma_start3A_18 = tpu.memref_slice %arg9[%mul3A_10, %dma_start3A_17] : memref<10240x16xf32, #tpu.memory_space<vmem_shared>> -> memref<640x16xf32, #tpu.memory_space<vmem_shared>>
      tpu.enqueue_dma source(%dma_start3A_18 : memref<640x16xf32, #tpu.memory_space<vmem_shared>>) target(%arg8 : memref<640x16xf32, #tpu.memory_space<vmem>>) target_semaphore(%run_scoped3A : memref<!tpu.dma_semaphore, #tpu.memory_space<semaphore_mem>>)
      %dma_wait3A = arith.constant 0 : i32
      %dma_wait3A_19 = tpu.memref_slice %arg9[%mul3A_10, %dma_wait3A] : memref<10240x16xf32, #tpu.memory_space<vmem_shared>> -> memref<640x16xf32, #tpu.memory_space<vmem_shared>>
      %dma_wait3A_20 = arith.constant 0 : i32
      %dma_wait3A_21 = tpu.memref_slice %arg9[%mul3A_10, %dma_wait3A_20] : memref<10240x16xf32, #tpu.memory_space<vmem_shared>> -> memref<640x16xf32, #tpu.memory_space<vmem_shared>>
      tpu.wait_dma2 semaphore(%run_scoped3A : memref<!tpu.dma_semaphore, #tpu.memory_space<semaphore_mem>>) src(%dma_wait3A_21 : memref<640x16xf32, #tpu.memory_space<vmem_shared>>) dst(%arg8 : memref<640x16xf32, #tpu.memory_space<vmem>>)
      tpu.yield
    }) : () -> ()
    %mul3A_11 = arith.constant 10240 : i32
    %mul3A_12 = arith.muli %arg0, %mul3A_11 : i32
    %mul3A_13 = arith.constant 640 : i32
    %mul3A_14 = arith.muli %arg1, %mul3A_13 : i32
    %add3A_15 = arith.addi %mul3A_12, %mul3A_14 : i32
    "tpu.region"() ({
      %run_scoped3A = tpu.sem_alloc : memref<!tpu.dma_semaphore, #tpu.memory_space<semaphore_mem>>
      %dma_start3A = arith.constant 0 : i32
      %dma_start3A_16 = tpu.memref_slice %arg5[%add3A_15, %dma_start3A] : memref<20480x16xf32, #tpu.memory_space<hbm>> -> memref<640x16xf32, #tpu.memory_space<hbm>>
      %dma_start3A_17 = arith.constant 0 : i32
      %dma_start3A_18 = tpu.memref_slice %arg5[%add3A_15, %dma_start3A_17] : memref<20480x16xf32, #tpu.memory_space<hbm>> -> memref<640x16xf32, #tpu.memory_space<hbm>>
      tpu.enqueue_dma source(%arg8 : memref<640x16xf32, #tpu.memory_space<vmem>>) target(%dma_start3A_18 : memref<640x16xf32, #tpu.memory_space<hbm>>) target_semaphore(%run_scoped3A : memref<!tpu.dma_semaphore, #tpu.memory_space<semaphore_mem>>)
      %dma_wait3A = arith.constant 0 : i32
      %dma_wait3A_19 = tpu.memref_slice %arg5[%add3A_15, %dma_wait3A] : memref<20480x16xf32, #tpu.memory_space<hbm>> -> memref<640x16xf32, #tpu.memory_space<hbm>>
      %dma_wait3A_20 = arith.constant 0 : i32
      %dma_wait3A_21 = tpu.memref_slice %arg5[%add3A_15, %dma_wait3A_20] : memref<20480x16xf32, #tpu.memory_space<hbm>> -> memref<640x16xf32, #tpu.memory_space<hbm>>
      tpu.wait_dma2 semaphore(%run_scoped3A : memref<!tpu.dma_semaphore, #tpu.memory_space<semaphore_mem>>) src(%arg8 : memref<640x16xf32, #tpu.memory_space<vmem>>) dst(%dma_wait3A_21 : memref<640x16xf32, #tpu.memory_space<hbm>>)
      tpu.yield
    }) : () -> ()
    return
  }
}

#map = affine_map<(d0, d1) -> (0, 0, 0, 0)>
#map1 = affine_map<(d0, d1) -> (0, 0)>
module attributes {stable_mosaic.version = 14 : i64} {
  func.func @_prop_body(%arg0: i32, %arg1: i32, %arg2: memref<32x80x2x128xi32, #tpu.memory_space<hbm>>, %arg3: memref<10000x48xf32, #tpu.memory_space<hbm>>, %arg4: memref<32x48xf32, #tpu.memory_space<hbm>>, %arg5: memref<20480x48xf32, #tpu.memory_space<hbm>>, %arg6: memref<2x2x128xi32, #tpu.memory_space<vmem>>, %arg7: memref<128x48xf32, #tpu.memory_space<vmem>>, %arg8: memref<128x48xf32, #tpu.memory_space<vmem>>, %arg9: memref<32x48xf32, #tpu.memory_space<vmem>>, %arg10: memref<10240x48xf32, #tpu.memory_space<vmem_shared>>, %arg11: memref<!tpu.dma_semaphore, #tpu.memory_space<semaphore_mem>>, %arg12: memref<!tpu.dma_semaphore, #tpu.memory_space<semaphore_mem>>, %arg13: memref<!tpu.dma_semaphore, #tpu.memory_space<semaphore_mem>>, %arg14: memref<!tpu.dma_semaphore, #tpu.memory_space<semaphore_mem>>) attributes {dimension_semantics = [#tpu.dimension_semantics<core_parallel>, #tpu.dimension_semantics<subcore_parallel>], iteration_bounds = array<i64: 2, 16>, scalar_prefetch = 0 : i64, scratch_operands = 9 : i64, tpu.core_type = #tpu.core_type<sc_vector_subcore>, window_params = [{transform_indices = #map}, {transform_indices = #map1}, {transform_indices = #map1}, {transform_indices = #map1}]} {
    %mul3A = arith.constant 16 : i32
    %mul3A_0 = arith.muli %arg0, %mul3A : i32
    %add3A = arith.addi %mul3A_0, %arg1 : i32
    "tpu.region"() ({
      %run_scoped3A_242 = tpu.sem_alloc : memref<!tpu.dma_semaphore, #tpu.memory_space<semaphore_mem>>
      tpu.enqueue_dma source(%arg4 : memref<32x48xf32, #tpu.memory_space<hbm>>) target(%arg9 : memref<32x48xf32, #tpu.memory_space<vmem>>) target_semaphore(%run_scoped3A_242 : memref<!tpu.dma_semaphore, #tpu.memory_space<semaphore_mem>>)
      tpu.wait_dma2 semaphore(%run_scoped3A_242 : memref<!tpu.dma_semaphore, #tpu.memory_space<semaphore_mem>>) src(%arg4 : memref<32x48xf32, #tpu.memory_space<hbm>>) dst(%arg9 : memref<32x48xf32, #tpu.memory_space<vmem>>)
      tpu.yield
    }) : () -> ()
    %mul3A_1 = arith.constant 640 : i32
    %mul3A_2 = arith.muli %arg1, %mul3A_1 : i32
    %add3A_3 = arith.constant 0 : i32
    %add3A_4 = arith.addi %mul3A_2, %add3A_3 : i32
    "tpu.region"() ({
      %run_scoped3A_242 = tpu.sem_alloc : memref<!tpu.dma_semaphore, #tpu.memory_space<semaphore_mem>>
      %dma_start3A_243 = arith.constant 0 : i32
      %dma_start3A_244 = tpu.memref_slice %arg10[%add3A_4, %dma_start3A_243] : memref<10240x48xf32, #tpu.memory_space<vmem_shared>> -> memref<32x48xf32, #tpu.memory_space<vmem_shared>>
      %dma_start3A_245 = arith.constant 0 : i32
      %dma_start3A_246 = tpu.memref_slice %arg10[%add3A_4, %dma_start3A_245] : memref<10240x48xf32, #tpu.memory_space<vmem_shared>> -> memref<32x48xf32, #tpu.memory_space<vmem_shared>>
      tpu.enqueue_dma source(%arg9 : memref<32x48xf32, #tpu.memory_space<vmem>>) target(%dma_start3A_246 : memref<32x48xf32, #tpu.memory_space<vmem_shared>>) target_semaphore(%run_scoped3A_242 : memref<!tpu.dma_semaphore, #tpu.memory_space<semaphore_mem>>)
      %dma_wait3A_247 = arith.constant 0 : i32
      %dma_wait3A_248 = tpu.memref_slice %arg10[%add3A_4, %dma_wait3A_247] : memref<10240x48xf32, #tpu.memory_space<vmem_shared>> -> memref<32x48xf32, #tpu.memory_space<vmem_shared>>
      %dma_wait3A_249 = arith.constant 0 : i32
      %dma_wait3A_250 = tpu.memref_slice %arg10[%add3A_4, %dma_wait3A_249] : memref<10240x48xf32, #tpu.memory_space<vmem_shared>> -> memref<32x48xf32, #tpu.memory_space<vmem_shared>>
      tpu.wait_dma2 semaphore(%run_scoped3A_242 : memref<!tpu.dma_semaphore, #tpu.memory_space<semaphore_mem>>) src(%arg9 : memref<32x48xf32, #tpu.memory_space<vmem>>) dst(%dma_wait3A_250 : memref<32x48xf32, #tpu.memory_space<vmem_shared>>)
      tpu.yield
    }) : () -> ()
    %mul3A_5 = arith.constant 640 : i32
    %mul3A_6 = arith.muli %arg1, %mul3A_5 : i32
    %add3A_7 = arith.constant 32 : i32
    %add3A_8 = arith.addi %mul3A_6, %add3A_7 : i32
    "tpu.region"() ({
      %run_scoped3A_242 = tpu.sem_alloc : memref<!tpu.dma_semaphore, #tpu.memory_space<semaphore_mem>>
      %dma_start3A_243 = arith.constant 0 : i32
      %dma_start3A_244 = tpu.memref_slice %arg10[%add3A_8, %dma_start3A_243] : memref<10240x48xf32, #tpu.memory_space<vmem_shared>> -> memref<32x48xf32, #tpu.memory_space<vmem_shared>>
      %dma_start3A_245 = arith.constant 0 : i32
      %dma_start3A_246 = tpu.memref_slice %arg10[%add3A_8, %dma_start3A_245] : memref<10240x48xf32, #tpu.memory_space<vmem_shared>> -> memref<32x48xf32, #tpu.memory_space<vmem_shared>>
      tpu.enqueue_dma source(%arg9 : memref<32x48xf32, #tpu.memory_space<vmem>>) target(%dma_start3A_246 : memref<32x48xf32, #tpu.memory_space<vmem_shared>>) target_semaphore(%run_scoped3A_242 : memref<!tpu.dma_semaphore, #tpu.memory_space<semaphore_mem>>)
      %dma_wait3A_247 = arith.constant 0 : i32
      %dma_wait3A_248 = tpu.memref_slice %arg10[%add3A_8, %dma_wait3A_247] : memref<10240x48xf32, #tpu.memory_space<vmem_shared>> -> memref<32x48xf32, #tpu.memory_space<vmem_shared>>
      %dma_wait3A_249 = arith.constant 0 : i32
      %dma_wait3A_250 = tpu.memref_slice %arg10[%add3A_8, %dma_wait3A_249] : memref<10240x48xf32, #tpu.memory_space<vmem_shared>> -> memref<32x48xf32, #tpu.memory_space<vmem_shared>>
      tpu.wait_dma2 semaphore(%run_scoped3A_242 : memref<!tpu.dma_semaphore, #tpu.memory_space<semaphore_mem>>) src(%arg9 : memref<32x48xf32, #tpu.memory_space<vmem>>) dst(%dma_wait3A_250 : memref<32x48xf32, #tpu.memory_space<vmem_shared>>)
      tpu.yield
    }) : () -> ()
    %mul3A_9 = arith.constant 640 : i32
    %mul3A_10 = arith.muli %arg1, %mul3A_9 : i32
    %add3A_11 = arith.constant 64 : i32
    %add3A_12 = arith.addi %mul3A_10, %add3A_11 : i32
    "tpu.region"() ({
      %run_scoped3A_242 = tpu.sem_alloc : memref<!tpu.dma_semaphore, #tpu.memory_space<semaphore_mem>>
      %dma_start3A_243 = arith.constant 0 : i32
      %dma_start3A_244 = tpu.memref_slice %arg10[%add3A_12, %dma_start3A_243] : memref<10240x48xf32, #tpu.memory_space<vmem_shared>> -> memref<32x48xf32, #tpu.memory_space<vmem_shared>>
      %dma_start3A_245 = arith.constant 0 : i32
      %dma_start3A_246 = tpu.memref_slice %arg10[%add3A_12, %dma_start3A_245] : memref<10240x48xf32, #tpu.memory_space<vmem_shared>> -> memref<32x48xf32, #tpu.memory_space<vmem_shared>>
      tpu.enqueue_dma source(%arg9 : memref<32x48xf32, #tpu.memory_space<vmem>>) target(%dma_start3A_246 : memref<32x48xf32, #tpu.memory_space<vmem_shared>>) target_semaphore(%run_scoped3A_242 : memref<!tpu.dma_semaphore, #tpu.memory_space<semaphore_mem>>)
      %dma_wait3A_247 = arith.constant 0 : i32
      %dma_wait3A_248 = tpu.memref_slice %arg10[%add3A_12, %dma_wait3A_247] : memref<10240x48xf32, #tpu.memory_space<vmem_shared>> -> memref<32x48xf32, #tpu.memory_space<vmem_shared>>
      %dma_wait3A_249 = arith.constant 0 : i32
      %dma_wait3A_250 = tpu.memref_slice %arg10[%add3A_12, %dma_wait3A_249] : memref<10240x48xf32, #tpu.memory_space<vmem_shared>> -> memref<32x48xf32, #tpu.memory_space<vmem_shared>>
      tpu.wait_dma2 semaphore(%run_scoped3A_242 : memref<!tpu.dma_semaphore, #tpu.memory_space<semaphore_mem>>) src(%arg9 : memref<32x48xf32, #tpu.memory_space<vmem>>) dst(%dma_wait3A_250 : memref<32x48xf32, #tpu.memory_space<vmem_shared>>)
      tpu.yield
    }) : () -> ()
    %mul3A_13 = arith.constant 640 : i32
    %mul3A_14 = arith.muli %arg1, %mul3A_13 : i32
    %add3A_15 = arith.constant 96 : i32
    %add3A_16 = arith.addi %mul3A_14, %add3A_15 : i32
    "tpu.region"() ({
      %run_scoped3A_242 = tpu.sem_alloc : memref<!tpu.dma_semaphore, #tpu.memory_space<semaphore_mem>>
      %dma_start3A_243 = arith.constant 0 : i32
      %dma_start3A_244 = tpu.memref_slice %arg10[%add3A_16, %dma_start3A_243] : memref<10240x48xf32, #tpu.memory_space<vmem_shared>> -> memref<32x48xf32, #tpu.memory_space<vmem_shared>>
      %dma_start3A_245 = arith.constant 0 : i32
      %dma_start3A_246 = tpu.memref_slice %arg10[%add3A_16, %dma_start3A_245] : memref<10240x48xf32, #tpu.memory_space<vmem_shared>> -> memref<32x48xf32, #tpu.memory_space<vmem_shared>>
      tpu.enqueue_dma source(%arg9 : memref<32x48xf32, #tpu.memory_space<vmem>>) target(%dma_start3A_246 : memref<32x48xf32, #tpu.memory_space<vmem_shared>>) target_semaphore(%run_scoped3A_242 : memref<!tpu.dma_semaphore, #tpu.memory_space<semaphore_mem>>)
      %dma_wait3A_247 = arith.constant 0 : i32
      %dma_wait3A_248 = tpu.memref_slice %arg10[%add3A_16, %dma_wait3A_247] : memref<10240x48xf32, #tpu.memory_space<vmem_shared>> -> memref<32x48xf32, #tpu.memory_space<vmem_shared>>
      %dma_wait3A_249 = arith.constant 0 : i32
      %dma_wait3A_250 = tpu.memref_slice %arg10[%add3A_16, %dma_wait3A_249] : memref<10240x48xf32, #tpu.memory_space<vmem_shared>> -> memref<32x48xf32, #tpu.memory_space<vmem_shared>>
      tpu.wait_dma2 semaphore(%run_scoped3A_242 : memref<!tpu.dma_semaphore, #tpu.memory_space<semaphore_mem>>) src(%arg9 : memref<32x48xf32, #tpu.memory_space<vmem>>) dst(%dma_wait3A_250 : memref<32x48xf32, #tpu.memory_space<vmem_shared>>)
      tpu.yield
    }) : () -> ()
    %mul3A_17 = arith.constant 640 : i32
    %mul3A_18 = arith.muli %arg1, %mul3A_17 : i32
    %add3A_19 = arith.constant 128 : i32
    %add3A_20 = arith.addi %mul3A_18, %add3A_19 : i32
    "tpu.region"() ({
      %run_scoped3A_242 = tpu.sem_alloc : memref<!tpu.dma_semaphore, #tpu.memory_space<semaphore_mem>>
      %dma_start3A_243 = arith.constant 0 : i32
      %dma_start3A_244 = tpu.memref_slice %arg10[%add3A_20, %dma_start3A_243] : memref<10240x48xf32, #tpu.memory_space<vmem_shared>> -> memref<32x48xf32, #tpu.memory_space<vmem_shared>>
      %dma_start3A_245 = arith.constant 0 : i32
      %dma_start3A_246 = tpu.memref_slice %arg10[%add3A_20, %dma_start3A_245] : memref<10240x48xf32, #tpu.memory_space<vmem_shared>> -> memref<32x48xf32, #tpu.memory_space<vmem_shared>>
      tpu.enqueue_dma source(%arg9 : memref<32x48xf32, #tpu.memory_space<vmem>>) target(%dma_start3A_246 : memref<32x48xf32, #tpu.memory_space<vmem_shared>>) target_semaphore(%run_scoped3A_242 : memref<!tpu.dma_semaphore, #tpu.memory_space<semaphore_mem>>)
      %dma_wait3A_247 = arith.constant 0 : i32
      %dma_wait3A_248 = tpu.memref_slice %arg10[%add3A_20, %dma_wait3A_247] : memref<10240x48xf32, #tpu.memory_space<vmem_shared>> -> memref<32x48xf32, #tpu.memory_space<vmem_shared>>
      %dma_wait3A_249 = arith.constant 0 : i32
      %dma_wait3A_250 = tpu.memref_slice %arg10[%add3A_20, %dma_wait3A_249] : memref<10240x48xf32, #tpu.memory_space<vmem_shared>> -> memref<32x48xf32, #tpu.memory_space<vmem_shared>>
      tpu.wait_dma2 semaphore(%run_scoped3A_242 : memref<!tpu.dma_semaphore, #tpu.memory_space<semaphore_mem>>) src(%arg9 : memref<32x48xf32, #tpu.memory_space<vmem>>) dst(%dma_wait3A_250 : memref<32x48xf32, #tpu.memory_space<vmem_shared>>)
      tpu.yield
    }) : () -> ()
    %mul3A_21 = arith.constant 640 : i32
    %mul3A_22 = arith.muli %arg1, %mul3A_21 : i32
    %add3A_23 = arith.constant 160 : i32
    %add3A_24 = arith.addi %mul3A_22, %add3A_23 : i32
    "tpu.region"() ({
      %run_scoped3A_242 = tpu.sem_alloc : memref<!tpu.dma_semaphore, #tpu.memory_space<semaphore_mem>>
      %dma_start3A_243 = arith.constant 0 : i32
      %dma_start3A_244 = tpu.memref_slice %arg10[%add3A_24, %dma_start3A_243] : memref<10240x48xf32, #tpu.memory_space<vmem_shared>> -> memref<32x48xf32, #tpu.memory_space<vmem_shared>>
      %dma_start3A_245 = arith.constant 0 : i32
      %dma_start3A_246 = tpu.memref_slice %arg10[%add3A_24, %dma_start3A_245] : memref<10240x48xf32, #tpu.memory_space<vmem_shared>> -> memref<32x48xf32, #tpu.memory_space<vmem_shared>>
      tpu.enqueue_dma source(%arg9 : memref<32x48xf32, #tpu.memory_space<vmem>>) target(%dma_start3A_246 : memref<32x48xf32, #tpu.memory_space<vmem_shared>>) target_semaphore(%run_scoped3A_242 : memref<!tpu.dma_semaphore, #tpu.memory_space<semaphore_mem>>)
      %dma_wait3A_247 = arith.constant 0 : i32
      %dma_wait3A_248 = tpu.memref_slice %arg10[%add3A_24, %dma_wait3A_247] : memref<10240x48xf32, #tpu.memory_space<vmem_shared>> -> memref<32x48xf32, #tpu.memory_space<vmem_shared>>
      %dma_wait3A_249 = arith.constant 0 : i32
      %dma_wait3A_250 = tpu.memref_slice %arg10[%add3A_24, %dma_wait3A_249] : memref<10240x48xf32, #tpu.memory_space<vmem_shared>> -> memref<32x48xf32, #tpu.memory_space<vmem_shared>>
      tpu.wait_dma2 semaphore(%run_scoped3A_242 : memref<!tpu.dma_semaphore, #tpu.memory_space<semaphore_mem>>) src(%arg9 : memref<32x48xf32, #tpu.memory_space<vmem>>) dst(%dma_wait3A_250 : memref<32x48xf32, #tpu.memory_space<vmem_shared>>)
      tpu.yield
    }) : () -> ()
    %mul3A_25 = arith.constant 640 : i32
    %mul3A_26 = arith.muli %arg1, %mul3A_25 : i32
    %add3A_27 = arith.constant 192 : i32
    %add3A_28 = arith.addi %mul3A_26, %add3A_27 : i32
    "tpu.region"() ({
      %run_scoped3A_242 = tpu.sem_alloc : memref<!tpu.dma_semaphore, #tpu.memory_space<semaphore_mem>>
      %dma_start3A_243 = arith.constant 0 : i32
      %dma_start3A_244 = tpu.memref_slice %arg10[%add3A_28, %dma_start3A_243] : memref<10240x48xf32, #tpu.memory_space<vmem_shared>> -> memref<32x48xf32, #tpu.memory_space<vmem_shared>>
      %dma_start3A_245 = arith.constant 0 : i32
      %dma_start3A_246 = tpu.memref_slice %arg10[%add3A_28, %dma_start3A_245] : memref<10240x48xf32, #tpu.memory_space<vmem_shared>> -> memref<32x48xf32, #tpu.memory_space<vmem_shared>>
      tpu.enqueue_dma source(%arg9 : memref<32x48xf32, #tpu.memory_space<vmem>>) target(%dma_start3A_246 : memref<32x48xf32, #tpu.memory_space<vmem_shared>>) target_semaphore(%run_scoped3A_242 : memref<!tpu.dma_semaphore, #tpu.memory_space<semaphore_mem>>)
      %dma_wait3A_247 = arith.constant 0 : i32
      %dma_wait3A_248 = tpu.memref_slice %arg10[%add3A_28, %dma_wait3A_247] : memref<10240x48xf32, #tpu.memory_space<vmem_shared>> -> memref<32x48xf32, #tpu.memory_space<vmem_shared>>
      %dma_wait3A_249 = arith.constant 0 : i32
      %dma_wait3A_250 = tpu.memref_slice %arg10[%add3A_28, %dma_wait3A_249] : memref<10240x48xf32, #tpu.memory_space<vmem_shared>> -> memref<32x48xf32, #tpu.memory_space<vmem_shared>>
      tpu.wait_dma2 semaphore(%run_scoped3A_242 : memref<!tpu.dma_semaphore, #tpu.memory_space<semaphore_mem>>) src(%arg9 : memref<32x48xf32, #tpu.memory_space<vmem>>) dst(%dma_wait3A_250 : memref<32x48xf32, #tpu.memory_space<vmem_shared>>)
      tpu.yield
    }) : () -> ()
    %mul3A_29 = arith.constant 640 : i32
    %mul3A_30 = arith.muli %arg1, %mul3A_29 : i32
    %add3A_31 = arith.constant 224 : i32
    %add3A_32 = arith.addi %mul3A_30, %add3A_31 : i32
    "tpu.region"() ({
      %run_scoped3A_242 = tpu.sem_alloc : memref<!tpu.dma_semaphore, #tpu.memory_space<semaphore_mem>>
      %dma_start3A_243 = arith.constant 0 : i32
      %dma_start3A_244 = tpu.memref_slice %arg10[%add3A_32, %dma_start3A_243] : memref<10240x48xf32, #tpu.memory_space<vmem_shared>> -> memref<32x48xf32, #tpu.memory_space<vmem_shared>>
      %dma_start3A_245 = arith.constant 0 : i32
      %dma_start3A_246 = tpu.memref_slice %arg10[%add3A_32, %dma_start3A_245] : memref<10240x48xf32, #tpu.memory_space<vmem_shared>> -> memref<32x48xf32, #tpu.memory_space<vmem_shared>>
      tpu.enqueue_dma source(%arg9 : memref<32x48xf32, #tpu.memory_space<vmem>>) target(%dma_start3A_246 : memref<32x48xf32, #tpu.memory_space<vmem_shared>>) target_semaphore(%run_scoped3A_242 : memref<!tpu.dma_semaphore, #tpu.memory_space<semaphore_mem>>)
      %dma_wait3A_247 = arith.constant 0 : i32
      %dma_wait3A_248 = tpu.memref_slice %arg10[%add3A_32, %dma_wait3A_247] : memref<10240x48xf32, #tpu.memory_space<vmem_shared>> -> memref<32x48xf32, #tpu.memory_space<vmem_shared>>
      %dma_wait3A_249 = arith.constant 0 : i32
      %dma_wait3A_250 = tpu.memref_slice %arg10[%add3A_32, %dma_wait3A_249] : memref<10240x48xf32, #tpu.memory_space<vmem_shared>> -> memref<32x48xf32, #tpu.memory_space<vmem_shared>>
      tpu.wait_dma2 semaphore(%run_scoped3A_242 : memref<!tpu.dma_semaphore, #tpu.memory_space<semaphore_mem>>) src(%arg9 : memref<32x48xf32, #tpu.memory_space<vmem>>) dst(%dma_wait3A_250 : memref<32x48xf32, #tpu.memory_space<vmem_shared>>)
      tpu.yield
    }) : () -> ()
    %mul3A_33 = arith.constant 640 : i32
    %mul3A_34 = arith.muli %arg1, %mul3A_33 : i32
    %add3A_35 = arith.constant 256 : i32
    %add3A_36 = arith.addi %mul3A_34, %add3A_35 : i32
    "tpu.region"() ({
      %run_scoped3A_242 = tpu.sem_alloc : memref<!tpu.dma_semaphore, #tpu.memory_space<semaphore_mem>>
      %dma_start3A_243 = arith.constant 0 : i32
      %dma_start3A_244 = tpu.memref_slice %arg10[%add3A_36, %dma_start3A_243] : memref<10240x48xf32, #tpu.memory_space<vmem_shared>> -> memref<32x48xf32, #tpu.memory_space<vmem_shared>>
      %dma_start3A_245 = arith.constant 0 : i32
      %dma_start3A_246 = tpu.memref_slice %arg10[%add3A_36, %dma_start3A_245] : memref<10240x48xf32, #tpu.memory_space<vmem_shared>> -> memref<32x48xf32, #tpu.memory_space<vmem_shared>>
      tpu.enqueue_dma source(%arg9 : memref<32x48xf32, #tpu.memory_space<vmem>>) target(%dma_start3A_246 : memref<32x48xf32, #tpu.memory_space<vmem_shared>>) target_semaphore(%run_scoped3A_242 : memref<!tpu.dma_semaphore, #tpu.memory_space<semaphore_mem>>)
      %dma_wait3A_247 = arith.constant 0 : i32
      %dma_wait3A_248 = tpu.memref_slice %arg10[%add3A_36, %dma_wait3A_247] : memref<10240x48xf32, #tpu.memory_space<vmem_shared>> -> memref<32x48xf32, #tpu.memory_space<vmem_shared>>
      %dma_wait3A_249 = arith.constant 0 : i32
      %dma_wait3A_250 = tpu.memref_slice %arg10[%add3A_36, %dma_wait3A_249] : memref<10240x48xf32, #tpu.memory_space<vmem_shared>> -> memref<32x48xf32, #tpu.memory_space<vmem_shared>>
      tpu.wait_dma2 semaphore(%run_scoped3A_242 : memref<!tpu.dma_semaphore, #tpu.memory_space<semaphore_mem>>) src(%arg9 : memref<32x48xf32, #tpu.memory_space<vmem>>) dst(%dma_wait3A_250 : memref<32x48xf32, #tpu.memory_space<vmem_shared>>)
      tpu.yield
    }) : () -> ()
    %mul3A_37 = arith.constant 640 : i32
    %mul3A_38 = arith.muli %arg1, %mul3A_37 : i32
    %add3A_39 = arith.constant 288 : i32
    %add3A_40 = arith.addi %mul3A_38, %add3A_39 : i32
    "tpu.region"() ({
      %run_scoped3A_242 = tpu.sem_alloc : memref<!tpu.dma_semaphore, #tpu.memory_space<semaphore_mem>>
      %dma_start3A_243 = arith.constant 0 : i32
      %dma_start3A_244 = tpu.memref_slice %arg10[%add3A_40, %dma_start3A_243] : memref<10240x48xf32, #tpu.memory_space<vmem_shared>> -> memref<32x48xf32, #tpu.memory_space<vmem_shared>>
      %dma_start3A_245 = arith.constant 0 : i32
      %dma_start3A_246 = tpu.memref_slice %arg10[%add3A_40, %dma_start3A_245] : memref<10240x48xf32, #tpu.memory_space<vmem_shared>> -> memref<32x48xf32, #tpu.memory_space<vmem_shared>>
      tpu.enqueue_dma source(%arg9 : memref<32x48xf32, #tpu.memory_space<vmem>>) target(%dma_start3A_246 : memref<32x48xf32, #tpu.memory_space<vmem_shared>>) target_semaphore(%run_scoped3A_242 : memref<!tpu.dma_semaphore, #tpu.memory_space<semaphore_mem>>)
      %dma_wait3A_247 = arith.constant 0 : i32
      %dma_wait3A_248 = tpu.memref_slice %arg10[%add3A_40, %dma_wait3A_247] : memref<10240x48xf32, #tpu.memory_space<vmem_shared>> -> memref<32x48xf32, #tpu.memory_space<vmem_shared>>
      %dma_wait3A_249 = arith.constant 0 : i32
      %dma_wait3A_250 = tpu.memref_slice %arg10[%add3A_40, %dma_wait3A_249] : memref<10240x48xf32, #tpu.memory_space<vmem_shared>> -> memref<32x48xf32, #tpu.memory_space<vmem_shared>>
      tpu.wait_dma2 semaphore(%run_scoped3A_242 : memref<!tpu.dma_semaphore, #tpu.memory_space<semaphore_mem>>) src(%arg9 : memref<32x48xf32, #tpu.memory_space<vmem>>) dst(%dma_wait3A_250 : memref<32x48xf32, #tpu.memory_space<vmem_shared>>)
      tpu.yield
    }) : () -> ()
    %mul3A_41 = arith.constant 640 : i32
    %mul3A_42 = arith.muli %arg1, %mul3A_41 : i32
    %add3A_43 = arith.constant 320 : i32
    %add3A_44 = arith.addi %mul3A_42, %add3A_43 : i32
    "tpu.region"() ({
      %run_scoped3A_242 = tpu.sem_alloc : memref<!tpu.dma_semaphore, #tpu.memory_space<semaphore_mem>>
      %dma_start3A_243 = arith.constant 0 : i32
      %dma_start3A_244 = tpu.memref_slice %arg10[%add3A_44, %dma_start3A_243] : memref<10240x48xf32, #tpu.memory_space<vmem_shared>> -> memref<32x48xf32, #tpu.memory_space<vmem_shared>>
      %dma_start3A_245 = arith.constant 0 : i32
      %dma_start3A_246 = tpu.memref_slice %arg10[%add3A_44, %dma_start3A_245] : memref<10240x48xf32, #tpu.memory_space<vmem_shared>> -> memref<32x48xf32, #tpu.memory_space<vmem_shared>>
      tpu.enqueue_dma source(%arg9 : memref<32x48xf32, #tpu.memory_space<vmem>>) target(%dma_start3A_246 : memref<32x48xf32, #tpu.memory_space<vmem_shared>>) target_semaphore(%run_scoped3A_242 : memref<!tpu.dma_semaphore, #tpu.memory_space<semaphore_mem>>)
      %dma_wait3A_247 = arith.constant 0 : i32
      %dma_wait3A_248 = tpu.memref_slice %arg10[%add3A_44, %dma_wait3A_247] : memref<10240x48xf32, #tpu.memory_space<vmem_shared>> -> memref<32x48xf32, #tpu.memory_space<vmem_shared>>
      %dma_wait3A_249 = arith.constant 0 : i32
      %dma_wait3A_250 = tpu.memref_slice %arg10[%add3A_44, %dma_wait3A_249] : memref<10240x48xf32, #tpu.memory_space<vmem_shared>> -> memref<32x48xf32, #tpu.memory_space<vmem_shared>>
      tpu.wait_dma2 semaphore(%run_scoped3A_242 : memref<!tpu.dma_semaphore, #tpu.memory_space<semaphore_mem>>) src(%arg9 : memref<32x48xf32, #tpu.memory_space<vmem>>) dst(%dma_wait3A_250 : memref<32x48xf32, #tpu.memory_space<vmem_shared>>)
      tpu.yield
    }) : () -> ()
    %mul3A_45 = arith.constant 640 : i32
    %mul3A_46 = arith.muli %arg1, %mul3A_45 : i32
    %add3A_47 = arith.constant 352 : i32
    %add3A_48 = arith.addi %mul3A_46, %add3A_47 : i32
    "tpu.region"() ({
      %run_scoped3A_242 = tpu.sem_alloc : memref<!tpu.dma_semaphore, #tpu.memory_space<semaphore_mem>>
      %dma_start3A_243 = arith.constant 0 : i32
      %dma_start3A_244 = tpu.memref_slice %arg10[%add3A_48, %dma_start3A_243] : memref<10240x48xf32, #tpu.memory_space<vmem_shared>> -> memref<32x48xf32, #tpu.memory_space<vmem_shared>>
      %dma_start3A_245 = arith.constant 0 : i32
      %dma_start3A_246 = tpu.memref_slice %arg10[%add3A_48, %dma_start3A_245] : memref<10240x48xf32, #tpu.memory_space<vmem_shared>> -> memref<32x48xf32, #tpu.memory_space<vmem_shared>>
      tpu.enqueue_dma source(%arg9 : memref<32x48xf32, #tpu.memory_space<vmem>>) target(%dma_start3A_246 : memref<32x48xf32, #tpu.memory_space<vmem_shared>>) target_semaphore(%run_scoped3A_242 : memref<!tpu.dma_semaphore, #tpu.memory_space<semaphore_mem>>)
      %dma_wait3A_247 = arith.constant 0 : i32
      %dma_wait3A_248 = tpu.memref_slice %arg10[%add3A_48, %dma_wait3A_247] : memref<10240x48xf32, #tpu.memory_space<vmem_shared>> -> memref<32x48xf32, #tpu.memory_space<vmem_shared>>
      %dma_wait3A_249 = arith.constant 0 : i32
      %dma_wait3A_250 = tpu.memref_slice %arg10[%add3A_48, %dma_wait3A_249] : memref<10240x48xf32, #tpu.memory_space<vmem_shared>> -> memref<32x48xf32, #tpu.memory_space<vmem_shared>>
      tpu.wait_dma2 semaphore(%run_scoped3A_242 : memref<!tpu.dma_semaphore, #tpu.memory_space<semaphore_mem>>) src(%arg9 : memref<32x48xf32, #tpu.memory_space<vmem>>) dst(%dma_wait3A_250 : memref<32x48xf32, #tpu.memory_space<vmem_shared>>)
      tpu.yield
    }) : () -> ()
    %mul3A_49 = arith.constant 640 : i32
    %mul3A_50 = arith.muli %arg1, %mul3A_49 : i32
    %add3A_51 = arith.constant 384 : i32
    %add3A_52 = arith.addi %mul3A_50, %add3A_51 : i32
    "tpu.region"() ({
      %run_scoped3A_242 = tpu.sem_alloc : memref<!tpu.dma_semaphore, #tpu.memory_space<semaphore_mem>>
      %dma_start3A_243 = arith.constant 0 : i32
      %dma_start3A_244 = tpu.memref_slice %arg10[%add3A_52, %dma_start3A_243] : memref<10240x48xf32, #tpu.memory_space<vmem_shared>> -> memref<32x48xf32, #tpu.memory_space<vmem_shared>>
      %dma_start3A_245 = arith.constant 0 : i32
      %dma_start3A_246 = tpu.memref_slice %arg10[%add3A_52, %dma_start3A_245] : memref<10240x48xf32, #tpu.memory_space<vmem_shared>> -> memref<32x48xf32, #tpu.memory_space<vmem_shared>>
      tpu.enqueue_dma source(%arg9 : memref<32x48xf32, #tpu.memory_space<vmem>>) target(%dma_start3A_246 : memref<32x48xf32, #tpu.memory_space<vmem_shared>>) target_semaphore(%run_scoped3A_242 : memref<!tpu.dma_semaphore, #tpu.memory_space<semaphore_mem>>)
      %dma_wait3A_247 = arith.constant 0 : i32
      %dma_wait3A_248 = tpu.memref_slice %arg10[%add3A_52, %dma_wait3A_247] : memref<10240x48xf32, #tpu.memory_space<vmem_shared>> -> memref<32x48xf32, #tpu.memory_space<vmem_shared>>
      %dma_wait3A_249 = arith.constant 0 : i32
      %dma_wait3A_250 = tpu.memref_slice %arg10[%add3A_52, %dma_wait3A_249] : memref<10240x48xf32, #tpu.memory_space<vmem_shared>> -> memref<32x48xf32, #tpu.memory_space<vmem_shared>>
      tpu.wait_dma2 semaphore(%run_scoped3A_242 : memref<!tpu.dma_semaphore, #tpu.memory_space<semaphore_mem>>) src(%arg9 : memref<32x48xf32, #tpu.memory_space<vmem>>) dst(%dma_wait3A_250 : memref<32x48xf32, #tpu.memory_space<vmem_shared>>)
      tpu.yield
    }) : () -> ()
    %mul3A_53 = arith.constant 640 : i32
    %mul3A_54 = arith.muli %arg1, %mul3A_53 : i32
    %add3A_55 = arith.constant 416 : i32
    %add3A_56 = arith.addi %mul3A_54, %add3A_55 : i32
    "tpu.region"() ({
      %run_scoped3A_242 = tpu.sem_alloc : memref<!tpu.dma_semaphore, #tpu.memory_space<semaphore_mem>>
      %dma_start3A_243 = arith.constant 0 : i32
      %dma_start3A_244 = tpu.memref_slice %arg10[%add3A_56, %dma_start3A_243] : memref<10240x48xf32, #tpu.memory_space<vmem_shared>> -> memref<32x48xf32, #tpu.memory_space<vmem_shared>>
      %dma_start3A_245 = arith.constant 0 : i32
      %dma_start3A_246 = tpu.memref_slice %arg10[%add3A_56, %dma_start3A_245] : memref<10240x48xf32, #tpu.memory_space<vmem_shared>> -> memref<32x48xf32, #tpu.memory_space<vmem_shared>>
      tpu.enqueue_dma source(%arg9 : memref<32x48xf32, #tpu.memory_space<vmem>>) target(%dma_start3A_246 : memref<32x48xf32, #tpu.memory_space<vmem_shared>>) target_semaphore(%run_scoped3A_242 : memref<!tpu.dma_semaphore, #tpu.memory_space<semaphore_mem>>)
      %dma_wait3A_247 = arith.constant 0 : i32
      %dma_wait3A_248 = tpu.memref_slice %arg10[%add3A_56, %dma_wait3A_247] : memref<10240x48xf32, #tpu.memory_space<vmem_shared>> -> memref<32x48xf32, #tpu.memory_space<vmem_shared>>
      %dma_wait3A_249 = arith.constant 0 : i32
      %dma_wait3A_250 = tpu.memref_slice %arg10[%add3A_56, %dma_wait3A_249] : memref<10240x48xf32, #tpu.memory_space<vmem_shared>> -> memref<32x48xf32, #tpu.memory_space<vmem_shared>>
      tpu.wait_dma2 semaphore(%run_scoped3A_242 : memref<!tpu.dma_semaphore, #tpu.memory_space<semaphore_mem>>) src(%arg9 : memref<32x48xf32, #tpu.memory_space<vmem>>) dst(%dma_wait3A_250 : memref<32x48xf32, #tpu.memory_space<vmem_shared>>)
      tpu.yield
    }) : () -> ()
    %mul3A_57 = arith.constant 640 : i32
    %mul3A_58 = arith.muli %arg1, %mul3A_57 : i32
    %add3A_59 = arith.constant 448 : i32
    %add3A_60 = arith.addi %mul3A_58, %add3A_59 : i32
    "tpu.region"() ({
      %run_scoped3A_242 = tpu.sem_alloc : memref<!tpu.dma_semaphore, #tpu.memory_space<semaphore_mem>>
      %dma_start3A_243 = arith.constant 0 : i32
      %dma_start3A_244 = tpu.memref_slice %arg10[%add3A_60, %dma_start3A_243] : memref<10240x48xf32, #tpu.memory_space<vmem_shared>> -> memref<32x48xf32, #tpu.memory_space<vmem_shared>>
      %dma_start3A_245 = arith.constant 0 : i32
      %dma_start3A_246 = tpu.memref_slice %arg10[%add3A_60, %dma_start3A_245] : memref<10240x48xf32, #tpu.memory_space<vmem_shared>> -> memref<32x48xf32, #tpu.memory_space<vmem_shared>>
      tpu.enqueue_dma source(%arg9 : memref<32x48xf32, #tpu.memory_space<vmem>>) target(%dma_start3A_246 : memref<32x48xf32, #tpu.memory_space<vmem_shared>>) target_semaphore(%run_scoped3A_242 : memref<!tpu.dma_semaphore, #tpu.memory_space<semaphore_mem>>)
      %dma_wait3A_247 = arith.constant 0 : i32
      %dma_wait3A_248 = tpu.memref_slice %arg10[%add3A_60, %dma_wait3A_247] : memref<10240x48xf32, #tpu.memory_space<vmem_shared>> -> memref<32x48xf32, #tpu.memory_space<vmem_shared>>
      %dma_wait3A_249 = arith.constant 0 : i32
      %dma_wait3A_250 = tpu.memref_slice %arg10[%add3A_60, %dma_wait3A_249] : memref<10240x48xf32, #tpu.memory_space<vmem_shared>> -> memref<32x48xf32, #tpu.memory_space<vmem_shared>>
      tpu.wait_dma2 semaphore(%run_scoped3A_242 : memref<!tpu.dma_semaphore, #tpu.memory_space<semaphore_mem>>) src(%arg9 : memref<32x48xf32, #tpu.memory_space<vmem>>) dst(%dma_wait3A_250 : memref<32x48xf32, #tpu.memory_space<vmem_shared>>)
      tpu.yield
    }) : () -> ()
    %mul3A_61 = arith.constant 640 : i32
    %mul3A_62 = arith.muli %arg1, %mul3A_61 : i32
    %add3A_63 = arith.constant 480 : i32
    %add3A_64 = arith.addi %mul3A_62, %add3A_63 : i32
    "tpu.region"() ({
      %run_scoped3A_242 = tpu.sem_alloc : memref<!tpu.dma_semaphore, #tpu.memory_space<semaphore_mem>>
      %dma_start3A_243 = arith.constant 0 : i32
      %dma_start3A_244 = tpu.memref_slice %arg10[%add3A_64, %dma_start3A_243] : memref<10240x48xf32, #tpu.memory_space<vmem_shared>> -> memref<32x48xf32, #tpu.memory_space<vmem_shared>>
      %dma_start3A_245 = arith.constant 0 : i32
      %dma_start3A_246 = tpu.memref_slice %arg10[%add3A_64, %dma_start3A_245] : memref<10240x48xf32, #tpu.memory_space<vmem_shared>> -> memref<32x48xf32, #tpu.memory_space<vmem_shared>>
      tpu.enqueue_dma source(%arg9 : memref<32x48xf32, #tpu.memory_space<vmem>>) target(%dma_start3A_246 : memref<32x48xf32, #tpu.memory_space<vmem_shared>>) target_semaphore(%run_scoped3A_242 : memref<!tpu.dma_semaphore, #tpu.memory_space<semaphore_mem>>)
      %dma_wait3A_247 = arith.constant 0 : i32
      %dma_wait3A_248 = tpu.memref_slice %arg10[%add3A_64, %dma_wait3A_247] : memref<10240x48xf32, #tpu.memory_space<vmem_shared>> -> memref<32x48xf32, #tpu.memory_space<vmem_shared>>
      %dma_wait3A_249 = arith.constant 0 : i32
      %dma_wait3A_250 = tpu.memref_slice %arg10[%add3A_64, %dma_wait3A_249] : memref<10240x48xf32, #tpu.memory_space<vmem_shared>> -> memref<32x48xf32, #tpu.memory_space<vmem_shared>>
      tpu.wait_dma2 semaphore(%run_scoped3A_242 : memref<!tpu.dma_semaphore, #tpu.memory_space<semaphore_mem>>) src(%arg9 : memref<32x48xf32, #tpu.memory_space<vmem>>) dst(%dma_wait3A_250 : memref<32x48xf32, #tpu.memory_space<vmem_shared>>)
      tpu.yield
    }) : () -> ()
    %mul3A_65 = arith.constant 640 : i32
    %mul3A_66 = arith.muli %arg1, %mul3A_65 : i32
    %add3A_67 = arith.constant 512 : i32
    %add3A_68 = arith.addi %mul3A_66, %add3A_67 : i32
    "tpu.region"() ({
      %run_scoped3A_242 = tpu.sem_alloc : memref<!tpu.dma_semaphore, #tpu.memory_space<semaphore_mem>>
      %dma_start3A_243 = arith.constant 0 : i32
      %dma_start3A_244 = tpu.memref_slice %arg10[%add3A_68, %dma_start3A_243] : memref<10240x48xf32, #tpu.memory_space<vmem_shared>> -> memref<32x48xf32, #tpu.memory_space<vmem_shared>>
      %dma_start3A_245 = arith.constant 0 : i32
      %dma_start3A_246 = tpu.memref_slice %arg10[%add3A_68, %dma_start3A_245] : memref<10240x48xf32, #tpu.memory_space<vmem_shared>> -> memref<32x48xf32, #tpu.memory_space<vmem_shared>>
      tpu.enqueue_dma source(%arg9 : memref<32x48xf32, #tpu.memory_space<vmem>>) target(%dma_start3A_246 : memref<32x48xf32, #tpu.memory_space<vmem_shared>>) target_semaphore(%run_scoped3A_242 : memref<!tpu.dma_semaphore, #tpu.memory_space<semaphore_mem>>)
      %dma_wait3A_247 = arith.constant 0 : i32
      %dma_wait3A_248 = tpu.memref_slice %arg10[%add3A_68, %dma_wait3A_247] : memref<10240x48xf32, #tpu.memory_space<vmem_shared>> -> memref<32x48xf32, #tpu.memory_space<vmem_shared>>
      %dma_wait3A_249 = arith.constant 0 : i32
      %dma_wait3A_250 = tpu.memref_slice %arg10[%add3A_68, %dma_wait3A_249] : memref<10240x48xf32, #tpu.memory_space<vmem_shared>> -> memref<32x48xf32, #tpu.memory_space<vmem_shared>>
      tpu.wait_dma2 semaphore(%run_scoped3A_242 : memref<!tpu.dma_semaphore, #tpu.memory_space<semaphore_mem>>) src(%arg9 : memref<32x48xf32, #tpu.memory_space<vmem>>) dst(%dma_wait3A_250 : memref<32x48xf32, #tpu.memory_space<vmem_shared>>)
      tpu.yield
    }) : () -> ()
    %mul3A_69 = arith.constant 640 : i32
    %mul3A_70 = arith.muli %arg1, %mul3A_69 : i32
    %add3A_71 = arith.constant 544 : i32
    %add3A_72 = arith.addi %mul3A_70, %add3A_71 : i32
    "tpu.region"() ({
      %run_scoped3A_242 = tpu.sem_alloc : memref<!tpu.dma_semaphore, #tpu.memory_space<semaphore_mem>>
      %dma_start3A_243 = arith.constant 0 : i32
      %dma_start3A_244 = tpu.memref_slice %arg10[%add3A_72, %dma_start3A_243] : memref<10240x48xf32, #tpu.memory_space<vmem_shared>> -> memref<32x48xf32, #tpu.memory_space<vmem_shared>>
      %dma_start3A_245 = arith.constant 0 : i32
      %dma_start3A_246 = tpu.memref_slice %arg10[%add3A_72, %dma_start3A_245] : memref<10240x48xf32, #tpu.memory_space<vmem_shared>> -> memref<32x48xf32, #tpu.memory_space<vmem_shared>>
      tpu.enqueue_dma source(%arg9 : memref<32x48xf32, #tpu.memory_space<vmem>>) target(%dma_start3A_246 : memref<32x48xf32, #tpu.memory_space<vmem_shared>>) target_semaphore(%run_scoped3A_242 : memref<!tpu.dma_semaphore, #tpu.memory_space<semaphore_mem>>)
      %dma_wait3A_247 = arith.constant 0 : i32
      %dma_wait3A_248 = tpu.memref_slice %arg10[%add3A_72, %dma_wait3A_247] : memref<10240x48xf32, #tpu.memory_space<vmem_shared>> -> memref<32x48xf32, #tpu.memory_space<vmem_shared>>
      %dma_wait3A_249 = arith.constant 0 : i32
      %dma_wait3A_250 = tpu.memref_slice %arg10[%add3A_72, %dma_wait3A_249] : memref<10240x48xf32, #tpu.memory_space<vmem_shared>> -> memref<32x48xf32, #tpu.memory_space<vmem_shared>>
      tpu.wait_dma2 semaphore(%run_scoped3A_242 : memref<!tpu.dma_semaphore, #tpu.memory_space<semaphore_mem>>) src(%arg9 : memref<32x48xf32, #tpu.memory_space<vmem>>) dst(%dma_wait3A_250 : memref<32x48xf32, #tpu.memory_space<vmem_shared>>)
      tpu.yield
    }) : () -> ()
    %mul3A_73 = arith.constant 640 : i32
    %mul3A_74 = arith.muli %arg1, %mul3A_73 : i32
    %add3A_75 = arith.constant 576 : i32
    %add3A_76 = arith.addi %mul3A_74, %add3A_75 : i32
    "tpu.region"() ({
      %run_scoped3A_242 = tpu.sem_alloc : memref<!tpu.dma_semaphore, #tpu.memory_space<semaphore_mem>>
      %dma_start3A_243 = arith.constant 0 : i32
      %dma_start3A_244 = tpu.memref_slice %arg10[%add3A_76, %dma_start3A_243] : memref<10240x48xf32, #tpu.memory_space<vmem_shared>> -> memref<32x48xf32, #tpu.memory_space<vmem_shared>>
      %dma_start3A_245 = arith.constant 0 : i32
      %dma_start3A_246 = tpu.memref_slice %arg10[%add3A_76, %dma_start3A_245] : memref<10240x48xf32, #tpu.memory_space<vmem_shared>> -> memref<32x48xf32, #tpu.memory_space<vmem_shared>>
      tpu.enqueue_dma source(%arg9 : memref<32x48xf32, #tpu.memory_space<vmem>>) target(%dma_start3A_246 : memref<32x48xf32, #tpu.memory_space<vmem_shared>>) target_semaphore(%run_scoped3A_242 : memref<!tpu.dma_semaphore, #tpu.memory_space<semaphore_mem>>)
      %dma_wait3A_247 = arith.constant 0 : i32
      %dma_wait3A_248 = tpu.memref_slice %arg10[%add3A_76, %dma_wait3A_247] : memref<10240x48xf32, #tpu.memory_space<vmem_shared>> -> memref<32x48xf32, #tpu.memory_space<vmem_shared>>
      %dma_wait3A_249 = arith.constant 0 : i32
      %dma_wait3A_250 = tpu.memref_slice %arg10[%add3A_76, %dma_wait3A_249] : memref<10240x48xf32, #tpu.memory_space<vmem_shared>> -> memref<32x48xf32, #tpu.memory_space<vmem_shared>>
      tpu.wait_dma2 semaphore(%run_scoped3A_242 : memref<!tpu.dma_semaphore, #tpu.memory_space<semaphore_mem>>) src(%arg9 : memref<32x48xf32, #tpu.memory_space<vmem>>) dst(%dma_wait3A_250 : memref<32x48xf32, #tpu.memory_space<vmem_shared>>)
      tpu.yield
    }) : () -> ()
    %mul3A_77 = arith.constant 640 : i32
    %mul3A_78 = arith.muli %arg1, %mul3A_77 : i32
    %add3A_79 = arith.constant 608 : i32
    %add3A_80 = arith.addi %mul3A_78, %add3A_79 : i32
    "tpu.region"() ({
      %run_scoped3A_242 = tpu.sem_alloc : memref<!tpu.dma_semaphore, #tpu.memory_space<semaphore_mem>>
      %dma_start3A_243 = arith.constant 0 : i32
      %dma_start3A_244 = tpu.memref_slice %arg10[%add3A_80, %dma_start3A_243] : memref<10240x48xf32, #tpu.memory_space<vmem_shared>> -> memref<32x48xf32, #tpu.memory_space<vmem_shared>>
      %dma_start3A_245 = arith.constant 0 : i32
      %dma_start3A_246 = tpu.memref_slice %arg10[%add3A_80, %dma_start3A_245] : memref<10240x48xf32, #tpu.memory_space<vmem_shared>> -> memref<32x48xf32, #tpu.memory_space<vmem_shared>>
      tpu.enqueue_dma source(%arg9 : memref<32x48xf32, #tpu.memory_space<vmem>>) target(%dma_start3A_246 : memref<32x48xf32, #tpu.memory_space<vmem_shared>>) target_semaphore(%run_scoped3A_242 : memref<!tpu.dma_semaphore, #tpu.memory_space<semaphore_mem>>)
      %dma_wait3A_247 = arith.constant 0 : i32
      %dma_wait3A_248 = tpu.memref_slice %arg10[%add3A_80, %dma_wait3A_247] : memref<10240x48xf32, #tpu.memory_space<vmem_shared>> -> memref<32x48xf32, #tpu.memory_space<vmem_shared>>
      %dma_wait3A_249 = arith.constant 0 : i32
      %dma_wait3A_250 = tpu.memref_slice %arg10[%add3A_80, %dma_wait3A_249] : memref<10240x48xf32, #tpu.memory_space<vmem_shared>> -> memref<32x48xf32, #tpu.memory_space<vmem_shared>>
      tpu.wait_dma2 semaphore(%run_scoped3A_242 : memref<!tpu.dma_semaphore, #tpu.memory_space<semaphore_mem>>) src(%arg9 : memref<32x48xf32, #tpu.memory_space<vmem>>) dst(%dma_wait3A_250 : memref<32x48xf32, #tpu.memory_space<vmem_shared>>)
      tpu.yield
    }) : () -> ()
    %barrier3A = arith.constant 0 : index
    tpu.barrier barrier_id(%barrier3A)
    %run_scoped3A = arith.constant 0 : i32
    %run_scoped3A_81 = arith.constant 0 : i32
    "tpu.region"() ({
      %run_scoped3A_242 = tpu.sem_alloc : memref<!tpu.dma_semaphore, #tpu.memory_space<semaphore_mem>>
      %dma_start3A_243 = arith.constant 0 : i32
      %dma_start3A_244 = arith.constant 0 : i32
      %dma_start3A_245 = tpu.memref_slice %arg6[%run_scoped3A_81, %dma_start3A_243, %dma_start3A_244] : memref<2x2x128xi32, #tpu.memory_space<vmem>> -> memref<1x2x128xi32, #tpu.memory_space<vmem>>
      %dma_start3A_246 = tpu.memref_squeeze %dma_start3A_245 : memref<1x2x128xi32, #tpu.memory_space<vmem>> -> memref<2x128xi32, #tpu.memory_space<vmem>>
      %dma_start3A_247 = arith.constant 0 : i32
      %dma_start3A_248 = arith.constant 0 : i32
      %dma_start3A_249 = tpu.memref_slice %arg2[%add3A, %run_scoped3A, %dma_start3A_247, %dma_start3A_248] : memref<32x80x2x128xi32, #tpu.memory_space<hbm>> -> memref<1x1x2x128xi32, #tpu.memory_space<hbm>>
      %dma_start3A_250 = tpu.memref_squeeze %dma_start3A_249 : memref<1x1x2x128xi32, #tpu.memory_space<hbm>> -> memref<2x128xi32, #tpu.memory_space<hbm>>
      %dma_start3A_251 = arith.constant 0 : i32
      %dma_start3A_252 = arith.constant 0 : i32
      %dma_start3A_253 = tpu.memref_slice %arg6[%run_scoped3A_81, %dma_start3A_251, %dma_start3A_252] : memref<2x2x128xi32, #tpu.memory_space<vmem>> -> memref<1x2x128xi32, #tpu.memory_space<vmem>>
      %dma_start3A_254 = tpu.memref_squeeze %dma_start3A_253 : memref<1x2x128xi32, #tpu.memory_space<vmem>> -> memref<2x128xi32, #tpu.memory_space<vmem>>
      %dma_start3A_255 = arith.constant 0 : i32
      %dma_start3A_256 = arith.constant 0 : i32
      %dma_start3A_257 = tpu.memref_slice %arg2[%add3A, %run_scoped3A, %dma_start3A_255, %dma_start3A_256] : memref<32x80x2x128xi32, #tpu.memory_space<hbm>> -> memref<1x1x2x128xi32, #tpu.memory_space<hbm>>
      %dma_start3A_258 = tpu.memref_squeeze %dma_start3A_257 : memref<1x1x2x128xi32, #tpu.memory_space<hbm>> -> memref<2x128xi32, #tpu.memory_space<hbm>>
      tpu.enqueue_dma source(%dma_start3A_258 : memref<2x128xi32, #tpu.memory_space<hbm>>) target(%dma_start3A_254 : memref<2x128xi32, #tpu.memory_space<vmem>>) target_semaphore(%run_scoped3A_242 : memref<!tpu.dma_semaphore, #tpu.memory_space<semaphore_mem>>)
      %dma_wait3A_259 = arith.constant 0 : i32
      %dma_wait3A_260 = arith.constant 0 : i32
      %dma_wait3A_261 = tpu.memref_slice %arg6[%run_scoped3A_81, %dma_wait3A_259, %dma_wait3A_260] : memref<2x2x128xi32, #tpu.memory_space<vmem>> -> memref<1x2x128xi32, #tpu.memory_space<vmem>>
      %dma_wait3A_262 = tpu.memref_squeeze %dma_wait3A_261 : memref<1x2x128xi32, #tpu.memory_space<vmem>> -> memref<2x128xi32, #tpu.memory_space<vmem>>
      %dma_wait3A_263 = arith.constant 0 : i32
      %dma_wait3A_264 = arith.constant 0 : i32
      %dma_wait3A_265 = tpu.memref_slice %arg2[%add3A, %run_scoped3A, %dma_wait3A_263, %dma_wait3A_264] : memref<32x80x2x128xi32, #tpu.memory_space<hbm>> -> memref<1x1x2x128xi32, #tpu.memory_space<hbm>>
      %dma_wait3A_266 = tpu.memref_squeeze %dma_wait3A_265 : memref<1x1x2x128xi32, #tpu.memory_space<hbm>> -> memref<2x128xi32, #tpu.memory_space<hbm>>
      %dma_wait3A_267 = arith.constant 0 : i32
      %dma_wait3A_268 = arith.constant 0 : i32
      %dma_wait3A_269 = tpu.memref_slice %arg6[%run_scoped3A_81, %dma_wait3A_267, %dma_wait3A_268] : memref<2x2x128xi32, #tpu.memory_space<vmem>> -> memref<1x2x128xi32, #tpu.memory_space<vmem>>
      %dma_wait3A_270 = tpu.memref_squeeze %dma_wait3A_269 : memref<1x2x128xi32, #tpu.memory_space<vmem>> -> memref<2x128xi32, #tpu.memory_space<vmem>>
      %dma_wait3A_271 = arith.constant 0 : i32
      %dma_wait3A_272 = arith.constant 0 : i32
      %dma_wait3A_273 = tpu.memref_slice %arg2[%add3A, %run_scoped3A, %dma_wait3A_271, %dma_wait3A_272] : memref<32x80x2x128xi32, #tpu.memory_space<hbm>> -> memref<1x1x2x128xi32, #tpu.memory_space<hbm>>
      %dma_wait3A_274 = tpu.memref_squeeze %dma_wait3A_273 : memref<1x1x2x128xi32, #tpu.memory_space<hbm>> -> memref<2x128xi32, #tpu.memory_space<hbm>>
      tpu.wait_dma2 semaphore(%run_scoped3A_242 : memref<!tpu.dma_semaphore, #tpu.memory_space<semaphore_mem>>) src(%dma_wait3A_274 : memref<2x128xi32, #tpu.memory_space<hbm>>) dst(%dma_wait3A_270 : memref<2x128xi32, #tpu.memory_space<vmem>>)
      tpu.yield
    }) : () -> ()
    %dma_start3A = arith.constant 0 : i32
    %dma_start3A_82 = arith.constant 0 : i32
    %dma_start3A_83 = arith.constant 0 : i32
    %dma_start3A_84 = tpu.memref_slice %arg6[%dma_start3A, %dma_start3A_82, %dma_start3A_83] : memref<2x2x128xi32, #tpu.memory_space<vmem>> -> memref<1x1x128xi32, #tpu.memory_space<vmem>>
    %dma_start3A_85 = tpu.memref_squeeze %dma_start3A_84 : memref<1x1x128xi32, #tpu.memory_space<vmem>> -> memref<128xi32, #tpu.memory_space<vmem>>
    %dma_start3A_86 = arith.constant 0 : i32
    %dma_start3A_87 = arith.constant 0 : i32
    %dma_start3A_88 = tpu.memref_slice %arg3[%dma_start3A_86, %dma_start3A_87] : memref<10000x48xf32, #tpu.memory_space<hbm>> -> memref<10000x48xf32, #tpu.memory_space<hbm>>
    tpu.enqueue_indirect_dma source(%dma_start3A_88 : memref<10000x48xf32, #tpu.memory_space<hbm>>) target(%arg7 : memref<128x48xf32, #tpu.memory_space<vmem>>) offsets(%dma_start3A_85 : memref<128xi32, #tpu.memory_space<vmem>>) semaphore(%arg11 : memref<!tpu.dma_semaphore, #tpu.memory_space<semaphore_mem>>)
    %scan3A = arith.constant 0 : i32
    %scan3A_89 = arith.constant 0 : i32
    %scan3A_90 = arith.constant 40 : i32
    %scan3A_91 = arith.addi %scan3A_89, %scan3A_90 : i32
    %scan3A_92 = arith.constant 1 : i32
    scf.for %scan3A_242 = %scan3A_89 to %scan3A_91 step %scan3A_92  : i32 {
      %mul3A_243 = arith.constant 2 : i32
      %mul3A_244 = arith.muli %mul3A_243, %scan3A_242 : i32
      %add3A_245 = arith.constant 0 : i32
      %add3A_246 = arith.addi %mul3A_244, %add3A_245 : i32
      %dma_wait3A_247 = arith.constant 0 : i32
      %dma_wait3A_248 = arith.constant 0 : i32
      %dma_wait3A_249 = arith.constant 0 : i32
      %dma_wait3A_250 = tpu.memref_slice %arg6[%dma_wait3A_247, %dma_wait3A_248, %dma_wait3A_249] : memref<2x2x128xi32, #tpu.memory_space<vmem>> -> memref<1x1x128xi32, #tpu.memory_space<vmem>>
      %dma_wait3A_251 = tpu.memref_squeeze %dma_wait3A_250 : memref<1x1x128xi32, #tpu.memory_space<vmem>> -> memref<128xi32, #tpu.memory_space<vmem>>
      %dma_wait3A_252 = arith.constant 0 : i32
      %dma_wait3A_253 = arith.constant 0 : i32
      %dma_wait3A_254 = tpu.memref_slice %arg3[%dma_wait3A_252, %dma_wait3A_253] : memref<10000x48xf32, #tpu.memory_space<hbm>> -> memref<10000x48xf32, #tpu.memory_space<hbm>>
      tpu.wait_indirect_dma semaphore(%arg11 : memref<!tpu.dma_semaphore, #tpu.memory_space<semaphore_mem>>) src(%dma_wait3A_254 : memref<10000x48xf32, #tpu.memory_space<hbm>>) dst(%arg7 : memref<128x48xf32, #tpu.memory_space<vmem>>)
      %dma_start3A_255 = arith.constant 0 : i32
      %dma_start3A_256 = arith.constant 1 : i32
      %dma_start3A_257 = arith.constant 0 : i32
      %dma_start3A_258 = tpu.memref_slice %arg6[%dma_start3A_255, %dma_start3A_256, %dma_start3A_257] : memref<2x2x128xi32, #tpu.memory_space<vmem>> -> memref<1x1x128xi32, #tpu.memory_space<vmem>>
      %dma_start3A_259 = tpu.memref_squeeze %dma_start3A_258 : memref<1x1x128xi32, #tpu.memory_space<vmem>> -> memref<128xi32, #tpu.memory_space<vmem>>
      %dma_start3A_260 = arith.constant 0 : i32
      %dma_start3A_261 = arith.constant 0 : i32
      %dma_start3A_262 = tpu.memref_slice %arg10[%dma_start3A_260, %dma_start3A_261] : memref<10240x48xf32, #tpu.memory_space<vmem_shared>> -> memref<10240x48xf32, #tpu.memory_space<vmem_shared>>
      tpu.enqueue_indirect_dma source(%arg7 : memref<128x48xf32, #tpu.memory_space<vmem>>) target(%dma_start3A_262 : memref<10240x48xf32, #tpu.memory_space<vmem_shared>>) offsets(%dma_start3A_259 : memref<128xi32, #tpu.memory_space<vmem>>) semaphore(%arg13 : memref<!tpu.dma_semaphore, #tpu.memory_space<semaphore_mem>>) {add = true}
      %ge3A = arith.constant 1 : i32
      %ge3A_263 = arith.cmpi sge, %add3A_246, %ge3A : i32
      %convert_element_type3A = arith.extui %ge3A_263 : i1 to i32
      %cond3A = arith.constant 0 : i32
      %cond3A_264 = arith.cmpi ne, %convert_element_type3A, %cond3A : i32
      scf.if %cond3A_264 {
        %dma_wait3A_303 = arith.constant 1 : i32
        %dma_wait3A_304 = arith.constant 1 : i32
        %dma_wait3A_305 = arith.constant 0 : i32
        %dma_wait3A_306 = tpu.memref_slice %arg6[%dma_wait3A_303, %dma_wait3A_304, %dma_wait3A_305] : memref<2x2x128xi32, #tpu.memory_space<vmem>> -> memref<1x1x128xi32, #tpu.memory_space<vmem>>
        %dma_wait3A_307 = tpu.memref_squeeze %dma_wait3A_306 : memref<1x1x128xi32, #tpu.memory_space<vmem>> -> memref<128xi32, #tpu.memory_space<vmem>>
        %dma_wait3A_308 = arith.constant 0 : i32
        %dma_wait3A_309 = arith.constant 0 : i32
        %dma_wait3A_310 = tpu.memref_slice %arg10[%dma_wait3A_308, %dma_wait3A_309] : memref<10240x48xf32, #tpu.memory_space<vmem_shared>> -> memref<10240x48xf32, #tpu.memory_space<vmem_shared>>
        tpu.wait_indirect_dma semaphore(%arg14 : memref<!tpu.dma_semaphore, #tpu.memory_space<semaphore_mem>>) src(%arg8 : memref<128x48xf32, #tpu.memory_space<vmem>>) dst(%dma_wait3A_310 : memref<10240x48xf32, #tpu.memory_space<vmem_shared>>)
      } else {
      }
      %add3A_265 = arith.constant 1 : i32
      %add3A_266 = arith.addi %add3A_246, %add3A_265 : i32
      %lt3A = arith.constant 80 : i32
      %lt3A_267 = arith.cmpi slt, %add3A_266, %lt3A : i32
      %convert_element_type3A_268 = arith.extui %lt3A_267 : i1 to i32
      %cond3A_269 = arith.constant 0 : i32
      %cond3A_270 = arith.cmpi ne, %convert_element_type3A_268, %cond3A_269 : i32
      scf.if %cond3A_270 {
        %add3A_303 = arith.constant 1 : i32
        %add3A_304 = arith.addi %add3A_246, %add3A_303 : i32
        %run_scoped3A_305 = arith.constant 1 : i32
        "tpu.region"() ({
          %run_scoped3A_314 = tpu.sem_alloc : memref<!tpu.dma_semaphore, #tpu.memory_space<semaphore_mem>>
          %dma_start3A_315 = arith.constant 0 : i32
          %dma_start3A_316 = arith.constant 0 : i32
          %dma_start3A_317 = tpu.memref_slice %arg6[%run_scoped3A_305, %dma_start3A_315, %dma_start3A_316] : memref<2x2x128xi32, #tpu.memory_space<vmem>> -> memref<1x2x128xi32, #tpu.memory_space<vmem>>
          %dma_start3A_318 = tpu.memref_squeeze %dma_start3A_317 : memref<1x2x128xi32, #tpu.memory_space<vmem>> -> memref<2x128xi32, #tpu.memory_space<vmem>>
          %dma_start3A_319 = arith.constant 0 : i32
          %dma_start3A_320 = arith.constant 0 : i32
          %dma_start3A_321 = tpu.memref_slice %arg2[%add3A, %add3A_304, %dma_start3A_319, %dma_start3A_320] : memref<32x80x2x128xi32, #tpu.memory_space<hbm>> -> memref<1x1x2x128xi32, #tpu.memory_space<hbm>>
          %dma_start3A_322 = tpu.memref_squeeze %dma_start3A_321 : memref<1x1x2x128xi32, #tpu.memory_space<hbm>> -> memref<2x128xi32, #tpu.memory_space<hbm>>
          %dma_start3A_323 = arith.constant 0 : i32
          %dma_start3A_324 = arith.constant 0 : i32
          %dma_start3A_325 = tpu.memref_slice %arg6[%run_scoped3A_305, %dma_start3A_323, %dma_start3A_324] : memref<2x2x128xi32, #tpu.memory_space<vmem>> -> memref<1x2x128xi32, #tpu.memory_space<vmem>>
          %dma_start3A_326 = tpu.memref_squeeze %dma_start3A_325 : memref<1x2x128xi32, #tpu.memory_space<vmem>> -> memref<2x128xi32, #tpu.memory_space<vmem>>
          %dma_start3A_327 = arith.constant 0 : i32
          %dma_start3A_328 = arith.constant 0 : i32
          %dma_start3A_329 = tpu.memref_slice %arg2[%add3A, %add3A_304, %dma_start3A_327, %dma_start3A_328] : memref<32x80x2x128xi32, #tpu.memory_space<hbm>> -> memref<1x1x2x128xi32, #tpu.memory_space<hbm>>
          %dma_start3A_330 = tpu.memref_squeeze %dma_start3A_329 : memref<1x1x2x128xi32, #tpu.memory_space<hbm>> -> memref<2x128xi32, #tpu.memory_space<hbm>>
          tpu.enqueue_dma source(%dma_start3A_330 : memref<2x128xi32, #tpu.memory_space<hbm>>) target(%dma_start3A_326 : memref<2x128xi32, #tpu.memory_space<vmem>>) target_semaphore(%run_scoped3A_314 : memref<!tpu.dma_semaphore, #tpu.memory_space<semaphore_mem>>)
          %dma_wait3A_331 = arith.constant 0 : i32
          %dma_wait3A_332 = arith.constant 0 : i32
          %dma_wait3A_333 = tpu.memref_slice %arg6[%run_scoped3A_305, %dma_wait3A_331, %dma_wait3A_332] : memref<2x2x128xi32, #tpu.memory_space<vmem>> -> memref<1x2x128xi32, #tpu.memory_space<vmem>>
          %dma_wait3A_334 = tpu.memref_squeeze %dma_wait3A_333 : memref<1x2x128xi32, #tpu.memory_space<vmem>> -> memref<2x128xi32, #tpu.memory_space<vmem>>
          %dma_wait3A_335 = arith.constant 0 : i32
          %dma_wait3A_336 = arith.constant 0 : i32
          %dma_wait3A_337 = tpu.memref_slice %arg2[%add3A, %add3A_304, %dma_wait3A_335, %dma_wait3A_336] : memref<32x80x2x128xi32, #tpu.memory_space<hbm>> -> memref<1x1x2x128xi32, #tpu.memory_space<hbm>>
          %dma_wait3A_338 = tpu.memref_squeeze %dma_wait3A_337 : memref<1x1x2x128xi32, #tpu.memory_space<hbm>> -> memref<2x128xi32, #tpu.memory_space<hbm>>
          %dma_wait3A_339 = arith.constant 0 : i32
          %dma_wait3A_340 = arith.constant 0 : i32
          %dma_wait3A_341 = tpu.memref_slice %arg6[%run_scoped3A_305, %dma_wait3A_339, %dma_wait3A_340] : memref<2x2x128xi32, #tpu.memory_space<vmem>> -> memref<1x2x128xi32, #tpu.memory_space<vmem>>
          %dma_wait3A_342 = tpu.memref_squeeze %dma_wait3A_341 : memref<1x2x128xi32, #tpu.memory_space<vmem>> -> memref<2x128xi32, #tpu.memory_space<vmem>>
          %dma_wait3A_343 = arith.constant 0 : i32
          %dma_wait3A_344 = arith.constant 0 : i32
          %dma_wait3A_345 = tpu.memref_slice %arg2[%add3A, %add3A_304, %dma_wait3A_343, %dma_wait3A_344] : memref<32x80x2x128xi32, #tpu.memory_space<hbm>> -> memref<1x1x2x128xi32, #tpu.memory_space<hbm>>
          %dma_wait3A_346 = tpu.memref_squeeze %dma_wait3A_345 : memref<1x1x2x128xi32, #tpu.memory_space<hbm>> -> memref<2x128xi32, #tpu.memory_space<hbm>>
          tpu.wait_dma2 semaphore(%run_scoped3A_314 : memref<!tpu.dma_semaphore, #tpu.memory_space<semaphore_mem>>) src(%dma_wait3A_346 : memref<2x128xi32, #tpu.memory_space<hbm>>) dst(%dma_wait3A_342 : memref<2x128xi32, #tpu.memory_space<vmem>>)
          tpu.yield
        }) : () -> ()
        %dma_start3A_306 = arith.constant 1 : i32
        %dma_start3A_307 = arith.constant 0 : i32
        %dma_start3A_308 = arith.constant 0 : i32
        %dma_start3A_309 = tpu.memref_slice %arg6[%dma_start3A_306, %dma_start3A_307, %dma_start3A_308] : memref<2x2x128xi32, #tpu.memory_space<vmem>> -> memref<1x1x128xi32, #tpu.memory_space<vmem>>
        %dma_start3A_310 = tpu.memref_squeeze %dma_start3A_309 : memref<1x1x128xi32, #tpu.memory_space<vmem>> -> memref<128xi32, #tpu.memory_space<vmem>>
        %dma_start3A_311 = arith.constant 0 : i32
        %dma_start3A_312 = arith.constant 0 : i32
        %dma_start3A_313 = tpu.memref_slice %arg3[%dma_start3A_311, %dma_start3A_312] : memref<10000x48xf32, #tpu.memory_space<hbm>> -> memref<10000x48xf32, #tpu.memory_space<hbm>>
        tpu.enqueue_indirect_dma source(%dma_start3A_313 : memref<10000x48xf32, #tpu.memory_space<hbm>>) target(%arg8 : memref<128x48xf32, #tpu.memory_space<vmem>>) offsets(%dma_start3A_310 : memref<128xi32, #tpu.memory_space<vmem>>) semaphore(%arg12 : memref<!tpu.dma_semaphore, #tpu.memory_space<semaphore_mem>>)
      } else {
      }
      %mul3A_271 = arith.constant 2 : i32
      %mul3A_272 = arith.muli %mul3A_271, %scan3A_242 : i32
      %add3A_273 = arith.constant 1 : i32
      %add3A_274 = arith.addi %mul3A_272, %add3A_273 : i32
      %dma_wait3A_275 = arith.constant 1 : i32
      %dma_wait3A_276 = arith.constant 0 : i32
      %dma_wait3A_277 = arith.constant 0 : i32
      %dma_wait3A_278 = tpu.memref_slice %arg6[%dma_wait3A_275, %dma_wait3A_276, %dma_wait3A_277] : memref<2x2x128xi32, #tpu.memory_space<vmem>> -> memref<1x1x128xi32, #tpu.memory_space<vmem>>
      %dma_wait3A_279 = tpu.memref_squeeze %dma_wait3A_278 : memref<1x1x128xi32, #tpu.memory_space<vmem>> -> memref<128xi32, #tpu.memory_space<vmem>>
      %dma_wait3A_280 = arith.constant 0 : i32
      %dma_wait3A_281 = arith.constant 0 : i32
      %dma_wait3A_282 = tpu.memref_slice %arg3[%dma_wait3A_280, %dma_wait3A_281] : memref<10000x48xf32, #tpu.memory_space<hbm>> -> memref<10000x48xf32, #tpu.memory_space<hbm>>
      tpu.wait_indirect_dma semaphore(%arg12 : memref<!tpu.dma_semaphore, #tpu.memory_space<semaphore_mem>>) src(%dma_wait3A_282 : memref<10000x48xf32, #tpu.memory_space<hbm>>) dst(%arg8 : memref<128x48xf32, #tpu.memory_space<vmem>>)
      %dma_start3A_283 = arith.constant 1 : i32
      %dma_start3A_284 = arith.constant 1 : i32
      %dma_start3A_285 = arith.constant 0 : i32
      %dma_start3A_286 = tpu.memref_slice %arg6[%dma_start3A_283, %dma_start3A_284, %dma_start3A_285] : memref<2x2x128xi32, #tpu.memory_space<vmem>> -> memref<1x1x128xi32, #tpu.memory_space<vmem>>
      %dma_start3A_287 = tpu.memref_squeeze %dma_start3A_286 : memref<1x1x128xi32, #tpu.memory_space<vmem>> -> memref<128xi32, #tpu.memory_space<vmem>>
      %dma_start3A_288 = arith.constant 0 : i32
      %dma_start3A_289 = arith.constant 0 : i32
      %dma_start3A_290 = tpu.memref_slice %arg10[%dma_start3A_288, %dma_start3A_289] : memref<10240x48xf32, #tpu.memory_space<vmem_shared>> -> memref<10240x48xf32, #tpu.memory_space<vmem_shared>>
      tpu.enqueue_indirect_dma source(%arg8 : memref<128x48xf32, #tpu.memory_space<vmem>>) target(%dma_start3A_290 : memref<10240x48xf32, #tpu.memory_space<vmem_shared>>) offsets(%dma_start3A_287 : memref<128xi32, #tpu.memory_space<vmem>>) semaphore(%arg14 : memref<!tpu.dma_semaphore, #tpu.memory_space<semaphore_mem>>) {add = true}
      %ge3A_291 = arith.constant 1 : i32
      %ge3A_292 = arith.cmpi sge, %add3A_274, %ge3A_291 : i32
      %convert_element_type3A_293 = arith.extui %ge3A_292 : i1 to i32
      %cond3A_294 = arith.constant 0 : i32
      %cond3A_295 = arith.cmpi ne, %convert_element_type3A_293, %cond3A_294 : i32
      scf.if %cond3A_295 {
        %dma_wait3A_303 = arith.constant 0 : i32
        %dma_wait3A_304 = arith.constant 1 : i32
        %dma_wait3A_305 = arith.constant 0 : i32
        %dma_wait3A_306 = tpu.memref_slice %arg6[%dma_wait3A_303, %dma_wait3A_304, %dma_wait3A_305] : memref<2x2x128xi32, #tpu.memory_space<vmem>> -> memref<1x1x128xi32, #tpu.memory_space<vmem>>
        %dma_wait3A_307 = tpu.memref_squeeze %dma_wait3A_306 : memref<1x1x128xi32, #tpu.memory_space<vmem>> -> memref<128xi32, #tpu.memory_space<vmem>>
        %dma_wait3A_308 = arith.constant 0 : i32
        %dma_wait3A_309 = arith.constant 0 : i32
        %dma_wait3A_310 = tpu.memref_slice %arg10[%dma_wait3A_308, %dma_wait3A_309] : memref<10240x48xf32, #tpu.memory_space<vmem_shared>> -> memref<10240x48xf32, #tpu.memory_space<vmem_shared>>
        tpu.wait_indirect_dma semaphore(%arg13 : memref<!tpu.dma_semaphore, #tpu.memory_space<semaphore_mem>>) src(%arg7 : memref<128x48xf32, #tpu.memory_space<vmem>>) dst(%dma_wait3A_310 : memref<10240x48xf32, #tpu.memory_space<vmem_shared>>)
      } else {
      }
      %add3A_296 = arith.constant 1 : i32
      %add3A_297 = arith.addi %add3A_274, %add3A_296 : i32
      %lt3A_298 = arith.constant 80 : i32
      %lt3A_299 = arith.cmpi slt, %add3A_297, %lt3A_298 : i32
      %convert_element_type3A_300 = arith.extui %lt3A_299 : i1 to i32
      %cond3A_301 = arith.constant 0 : i32
      %cond3A_302 = arith.cmpi ne, %convert_element_type3A_300, %cond3A_301 : i32
      scf.if %cond3A_302 {
        %add3A_303 = arith.constant 1 : i32
        %add3A_304 = arith.addi %add3A_274, %add3A_303 : i32
        %run_scoped3A_305 = arith.constant 0 : i32
        "tpu.region"() ({
          %run_scoped3A_314 = tpu.sem_alloc : memref<!tpu.dma_semaphore, #tpu.memory_space<semaphore_mem>>
          %dma_start3A_315 = arith.constant 0 : i32
          %dma_start3A_316 = arith.constant 0 : i32
          %dma_start3A_317 = tpu.memref_slice %arg6[%run_scoped3A_305, %dma_start3A_315, %dma_start3A_316] : memref<2x2x128xi32, #tpu.memory_space<vmem>> -> memref<1x2x128xi32, #tpu.memory_space<vmem>>
          %dma_start3A_318 = tpu.memref_squeeze %dma_start3A_317 : memref<1x2x128xi32, #tpu.memory_space<vmem>> -> memref<2x128xi32, #tpu.memory_space<vmem>>
          %dma_start3A_319 = arith.constant 0 : i32
          %dma_start3A_320 = arith.constant 0 : i32
          %dma_start3A_321 = tpu.memref_slice %arg2[%add3A, %add3A_304, %dma_start3A_319, %dma_start3A_320] : memref<32x80x2x128xi32, #tpu.memory_space<hbm>> -> memref<1x1x2x128xi32, #tpu.memory_space<hbm>>
          %dma_start3A_322 = tpu.memref_squeeze %dma_start3A_321 : memref<1x1x2x128xi32, #tpu.memory_space<hbm>> -> memref<2x128xi32, #tpu.memory_space<hbm>>
          %dma_start3A_323 = arith.constant 0 : i32
          %dma_start3A_324 = arith.constant 0 : i32
          %dma_start3A_325 = tpu.memref_slice %arg6[%run_scoped3A_305, %dma_start3A_323, %dma_start3A_324] : memref<2x2x128xi32, #tpu.memory_space<vmem>> -> memref<1x2x128xi32, #tpu.memory_space<vmem>>
          %dma_start3A_326 = tpu.memref_squeeze %dma_start3A_325 : memref<1x2x128xi32, #tpu.memory_space<vmem>> -> memref<2x128xi32, #tpu.memory_space<vmem>>
          %dma_start3A_327 = arith.constant 0 : i32
          %dma_start3A_328 = arith.constant 0 : i32
          %dma_start3A_329 = tpu.memref_slice %arg2[%add3A, %add3A_304, %dma_start3A_327, %dma_start3A_328] : memref<32x80x2x128xi32, #tpu.memory_space<hbm>> -> memref<1x1x2x128xi32, #tpu.memory_space<hbm>>
          %dma_start3A_330 = tpu.memref_squeeze %dma_start3A_329 : memref<1x1x2x128xi32, #tpu.memory_space<hbm>> -> memref<2x128xi32, #tpu.memory_space<hbm>>
          tpu.enqueue_dma source(%dma_start3A_330 : memref<2x128xi32, #tpu.memory_space<hbm>>) target(%dma_start3A_326 : memref<2x128xi32, #tpu.memory_space<vmem>>) target_semaphore(%run_scoped3A_314 : memref<!tpu.dma_semaphore, #tpu.memory_space<semaphore_mem>>)
          %dma_wait3A_331 = arith.constant 0 : i32
          %dma_wait3A_332 = arith.constant 0 : i32
          %dma_wait3A_333 = tpu.memref_slice %arg6[%run_scoped3A_305, %dma_wait3A_331, %dma_wait3A_332] : memref<2x2x128xi32, #tpu.memory_space<vmem>> -> memref<1x2x128xi32, #tpu.memory_space<vmem>>
          %dma_wait3A_334 = tpu.memref_squeeze %dma_wait3A_333 : memref<1x2x128xi32, #tpu.memory_space<vmem>> -> memref<2x128xi32, #tpu.memory_space<vmem>>
          %dma_wait3A_335 = arith.constant 0 : i32
          %dma_wait3A_336 = arith.constant 0 : i32
          %dma_wait3A_337 = tpu.memref_slice %arg2[%add3A, %add3A_304, %dma_wait3A_335, %dma_wait3A_336] : memref<32x80x2x128xi32, #tpu.memory_space<hbm>> -> memref<1x1x2x128xi32, #tpu.memory_space<hbm>>
          %dma_wait3A_338 = tpu.memref_squeeze %dma_wait3A_337 : memref<1x1x2x128xi32, #tpu.memory_space<hbm>> -> memref<2x128xi32, #tpu.memory_space<hbm>>
          %dma_wait3A_339 = arith.constant 0 : i32
          %dma_wait3A_340 = arith.constant 0 : i32
          %dma_wait3A_341 = tpu.memref_slice %arg6[%run_scoped3A_305, %dma_wait3A_339, %dma_wait3A_340] : memref<2x2x128xi32, #tpu.memory_space<vmem>> -> memref<1x2x128xi32, #tpu.memory_space<vmem>>
          %dma_wait3A_342 = tpu.memref_squeeze %dma_wait3A_341 : memref<1x2x128xi32, #tpu.memory_space<vmem>> -> memref<2x128xi32, #tpu.memory_space<vmem>>
          %dma_wait3A_343 = arith.constant 0 : i32
          %dma_wait3A_344 = arith.constant 0 : i32
          %dma_wait3A_345 = tpu.memref_slice %arg2[%add3A, %add3A_304, %dma_wait3A_343, %dma_wait3A_344] : memref<32x80x2x128xi32, #tpu.memory_space<hbm>> -> memref<1x1x2x128xi32, #tpu.memory_space<hbm>>
          %dma_wait3A_346 = tpu.memref_squeeze %dma_wait3A_345 : memref<1x1x2x128xi32, #tpu.memory_space<hbm>> -> memref<2x128xi32, #tpu.memory_space<hbm>>
          tpu.wait_dma2 semaphore(%run_scoped3A_314 : memref<!tpu.dma_semaphore, #tpu.memory_space<semaphore_mem>>) src(%dma_wait3A_346 : memref<2x128xi32, #tpu.memory_space<hbm>>) dst(%dma_wait3A_342 : memref<2x128xi32, #tpu.memory_space<vmem>>)
          tpu.yield
        }) : () -> ()
        %dma_start3A_306 = arith.constant 0 : i32
        %dma_start3A_307 = arith.constant 0 : i32
        %dma_start3A_308 = arith.constant 0 : i32
        %dma_start3A_309 = tpu.memref_slice %arg6[%dma_start3A_306, %dma_start3A_307, %dma_start3A_308] : memref<2x2x128xi32, #tpu.memory_space<vmem>> -> memref<1x1x128xi32, #tpu.memory_space<vmem>>
        %dma_start3A_310 = tpu.memref_squeeze %dma_start3A_309 : memref<1x1x128xi32, #tpu.memory_space<vmem>> -> memref<128xi32, #tpu.memory_space<vmem>>
        %dma_start3A_311 = arith.constant 0 : i32
        %dma_start3A_312 = arith.constant 0 : i32
        %dma_start3A_313 = tpu.memref_slice %arg3[%dma_start3A_311, %dma_start3A_312] : memref<10000x48xf32, #tpu.memory_space<hbm>> -> memref<10000x48xf32, #tpu.memory_space<hbm>>
        tpu.enqueue_indirect_dma source(%dma_start3A_313 : memref<10000x48xf32, #tpu.memory_space<hbm>>) target(%arg7 : memref<128x48xf32, #tpu.memory_space<vmem>>) offsets(%dma_start3A_310 : memref<128xi32, #tpu.memory_space<vmem>>) semaphore(%arg11 : memref<!tpu.dma_semaphore, #tpu.memory_space<semaphore_mem>>)
      } else {
      }
    }
    %scan3A_93 = arith.constant 40 : i32
    %dma_wait3A = arith.constant 1 : i32
    %dma_wait3A_94 = arith.constant 1 : i32
    %dma_wait3A_95 = arith.constant 0 : i32
    %dma_wait3A_96 = tpu.memref_slice %arg6[%dma_wait3A, %dma_wait3A_94, %dma_wait3A_95] : memref<2x2x128xi32, #tpu.memory_space<vmem>> -> memref<1x1x128xi32, #tpu.memory_space<vmem>>
    %dma_wait3A_97 = tpu.memref_squeeze %dma_wait3A_96 : memref<1x1x128xi32, #tpu.memory_space<vmem>> -> memref<128xi32, #tpu.memory_space<vmem>>
    %dma_wait3A_98 = arith.constant 0 : i32
    %dma_wait3A_99 = arith.constant 0 : i32
    %dma_wait3A_100 = tpu.memref_slice %arg10[%dma_wait3A_98, %dma_wait3A_99] : memref<10240x48xf32, #tpu.memory_space<vmem_shared>> -> memref<10240x48xf32, #tpu.memory_space<vmem_shared>>
    tpu.wait_indirect_dma semaphore(%arg14 : memref<!tpu.dma_semaphore, #tpu.memory_space<semaphore_mem>>) src(%arg8 : memref<128x48xf32, #tpu.memory_space<vmem>>) dst(%dma_wait3A_100 : memref<10240x48xf32, #tpu.memory_space<vmem_shared>>)
    %barrier3A_101 = arith.constant 0 : index
    tpu.barrier barrier_id(%barrier3A_101)
    %mul3A_102 = arith.constant 640 : i32
    %mul3A_103 = arith.muli %arg1, %mul3A_102 : i32
    %add3A_104 = arith.constant 0 : i32
    %add3A_105 = arith.addi %mul3A_103, %add3A_104 : i32
    "tpu.region"() ({
      %run_scoped3A_242 = tpu.sem_alloc : memref<!tpu.dma_semaphore, #tpu.memory_space<semaphore_mem>>
      %dma_start3A_243 = arith.constant 0 : i32
      %dma_start3A_244 = tpu.memref_slice %arg10[%add3A_105, %dma_start3A_243] : memref<10240x48xf32, #tpu.memory_space<vmem_shared>> -> memref<32x48xf32, #tpu.memory_space<vmem_shared>>
      %dma_start3A_245 = arith.constant 0 : i32
      %dma_start3A_246 = tpu.memref_slice %arg10[%add3A_105, %dma_start3A_245] : memref<10240x48xf32, #tpu.memory_space<vmem_shared>> -> memref<32x48xf32, #tpu.memory_space<vmem_shared>>
      tpu.enqueue_dma source(%dma_start3A_246 : memref<32x48xf32, #tpu.memory_space<vmem_shared>>) target(%arg9 : memref<32x48xf32, #tpu.memory_space<vmem>>) target_semaphore(%run_scoped3A_242 : memref<!tpu.dma_semaphore, #tpu.memory_space<semaphore_mem>>)
      %dma_wait3A_247 = arith.constant 0 : i32
      %dma_wait3A_248 = tpu.memref_slice %arg10[%add3A_105, %dma_wait3A_247] : memref<10240x48xf32, #tpu.memory_space<vmem_shared>> -> memref<32x48xf32, #tpu.memory_space<vmem_shared>>
      %dma_wait3A_249 = arith.constant 0 : i32
      %dma_wait3A_250 = tpu.memref_slice %arg10[%add3A_105, %dma_wait3A_249] : memref<10240x48xf32, #tpu.memory_space<vmem_shared>> -> memref<32x48xf32, #tpu.memory_space<vmem_shared>>
      tpu.wait_dma2 semaphore(%run_scoped3A_242 : memref<!tpu.dma_semaphore, #tpu.memory_space<semaphore_mem>>) src(%dma_wait3A_250 : memref<32x48xf32, #tpu.memory_space<vmem_shared>>) dst(%arg9 : memref<32x48xf32, #tpu.memory_space<vmem>>)
      tpu.yield
    }) : () -> ()
    %mul3A_106 = arith.constant 10240 : i32
    %mul3A_107 = arith.muli %arg0, %mul3A_106 : i32
    %add3A_108 = arith.addi %mul3A_107, %add3A_105 : i32
    "tpu.region"() ({
      %run_scoped3A_242 = tpu.sem_alloc : memref<!tpu.dma_semaphore, #tpu.memory_space<semaphore_mem>>
      %dma_start3A_243 = arith.constant 0 : i32
      %dma_start3A_244 = tpu.memref_slice %arg5[%add3A_108, %dma_start3A_243] : memref<20480x48xf32, #tpu.memory_space<hbm>> -> memref<32x48xf32, #tpu.memory_space<hbm>>
      %dma_start3A_245 = arith.constant 0 : i32
      %dma_start3A_246 = tpu.memref_slice %arg5[%add3A_108, %dma_start3A_245] : memref<20480x48xf32, #tpu.memory_space<hbm>> -> memref<32x48xf32, #tpu.memory_space<hbm>>
      tpu.enqueue_dma source(%arg9 : memref<32x48xf32, #tpu.memory_space<vmem>>) target(%dma_start3A_246 : memref<32x48xf32, #tpu.memory_space<hbm>>) target_semaphore(%run_scoped3A_242 : memref<!tpu.dma_semaphore, #tpu.memory_space<semaphore_mem>>)
      %dma_wait3A_247 = arith.constant 0 : i32
      %dma_wait3A_248 = tpu.memref_slice %arg5[%add3A_108, %dma_wait3A_247] : memref<20480x48xf32, #tpu.memory_space<hbm>> -> memref<32x48xf32, #tpu.memory_space<hbm>>
      %dma_wait3A_249 = arith.constant 0 : i32
      %dma_wait3A_250 = tpu.memref_slice %arg5[%add3A_108, %dma_wait3A_249] : memref<20480x48xf32, #tpu.memory_space<hbm>> -> memref<32x48xf32, #tpu.memory_space<hbm>>
      tpu.wait_dma2 semaphore(%run_scoped3A_242 : memref<!tpu.dma_semaphore, #tpu.memory_space<semaphore_mem>>) src(%arg9 : memref<32x48xf32, #tpu.memory_space<vmem>>) dst(%dma_wait3A_250 : memref<32x48xf32, #tpu.memory_space<hbm>>)
      tpu.yield
    }) : () -> ()
    %mul3A_109 = arith.constant 640 : i32
    %mul3A_110 = arith.muli %arg1, %mul3A_109 : i32
    %add3A_111 = arith.constant 32 : i32
    %add3A_112 = arith.addi %mul3A_110, %add3A_111 : i32
    "tpu.region"() ({
      %run_scoped3A_242 = tpu.sem_alloc : memref<!tpu.dma_semaphore, #tpu.memory_space<semaphore_mem>>
      %dma_start3A_243 = arith.constant 0 : i32
      %dma_start3A_244 = tpu.memref_slice %arg10[%add3A_112, %dma_start3A_243] : memref<10240x48xf32, #tpu.memory_space<vmem_shared>> -> memref<32x48xf32, #tpu.memory_space<vmem_shared>>
      %dma_start3A_245 = arith.constant 0 : i32
      %dma_start3A_246 = tpu.memref_slice %arg10[%add3A_112, %dma_start3A_245] : memref<10240x48xf32, #tpu.memory_space<vmem_shared>> -> memref<32x48xf32, #tpu.memory_space<vmem_shared>>
      tpu.enqueue_dma source(%dma_start3A_246 : memref<32x48xf32, #tpu.memory_space<vmem_shared>>) target(%arg9 : memref<32x48xf32, #tpu.memory_space<vmem>>) target_semaphore(%run_scoped3A_242 : memref<!tpu.dma_semaphore, #tpu.memory_space<semaphore_mem>>)
      %dma_wait3A_247 = arith.constant 0 : i32
      %dma_wait3A_248 = tpu.memref_slice %arg10[%add3A_112, %dma_wait3A_247] : memref<10240x48xf32, #tpu.memory_space<vmem_shared>> -> memref<32x48xf32, #tpu.memory_space<vmem_shared>>
      %dma_wait3A_249 = arith.constant 0 : i32
      %dma_wait3A_250 = tpu.memref_slice %arg10[%add3A_112, %dma_wait3A_249] : memref<10240x48xf32, #tpu.memory_space<vmem_shared>> -> memref<32x48xf32, #tpu.memory_space<vmem_shared>>
      tpu.wait_dma2 semaphore(%run_scoped3A_242 : memref<!tpu.dma_semaphore, #tpu.memory_space<semaphore_mem>>) src(%dma_wait3A_250 : memref<32x48xf32, #tpu.memory_space<vmem_shared>>) dst(%arg9 : memref<32x48xf32, #tpu.memory_space<vmem>>)
      tpu.yield
    }) : () -> ()
    %mul3A_113 = arith.constant 10240 : i32
    %mul3A_114 = arith.muli %arg0, %mul3A_113 : i32
    %add3A_115 = arith.addi %mul3A_114, %add3A_112 : i32
    "tpu.region"() ({
      %run_scoped3A_242 = tpu.sem_alloc : memref<!tpu.dma_semaphore, #tpu.memory_space<semaphore_mem>>
      %dma_start3A_243 = arith.constant 0 : i32
      %dma_start3A_244 = tpu.memref_slice %arg5[%add3A_115, %dma_start3A_243] : memref<20480x48xf32, #tpu.memory_space<hbm>> -> memref<32x48xf32, #tpu.memory_space<hbm>>
      %dma_start3A_245 = arith.constant 0 : i32
      %dma_start3A_246 = tpu.memref_slice %arg5[%add3A_115, %dma_start3A_245] : memref<20480x48xf32, #tpu.memory_space<hbm>> -> memref<32x48xf32, #tpu.memory_space<hbm>>
      tpu.enqueue_dma source(%arg9 : memref<32x48xf32, #tpu.memory_space<vmem>>) target(%dma_start3A_246 : memref<32x48xf32, #tpu.memory_space<hbm>>) target_semaphore(%run_scoped3A_242 : memref<!tpu.dma_semaphore, #tpu.memory_space<semaphore_mem>>)
      %dma_wait3A_247 = arith.constant 0 : i32
      %dma_wait3A_248 = tpu.memref_slice %arg5[%add3A_115, %dma_wait3A_247] : memref<20480x48xf32, #tpu.memory_space<hbm>> -> memref<32x48xf32, #tpu.memory_space<hbm>>
      %dma_wait3A_249 = arith.constant 0 : i32
      %dma_wait3A_250 = tpu.memref_slice %arg5[%add3A_115, %dma_wait3A_249] : memref<20480x48xf32, #tpu.memory_space<hbm>> -> memref<32x48xf32, #tpu.memory_space<hbm>>
      tpu.wait_dma2 semaphore(%run_scoped3A_242 : memref<!tpu.dma_semaphore, #tpu.memory_space<semaphore_mem>>) src(%arg9 : memref<32x48xf32, #tpu.memory_space<vmem>>) dst(%dma_wait3A_250 : memref<32x48xf32, #tpu.memory_space<hbm>>)
      tpu.yield
    }) : () -> ()
    %mul3A_116 = arith.constant 640 : i32
    %mul3A_117 = arith.muli %arg1, %mul3A_116 : i32
    %add3A_118 = arith.constant 64 : i32
    %add3A_119 = arith.addi %mul3A_117, %add3A_118 : i32
    "tpu.region"() ({
      %run_scoped3A_242 = tpu.sem_alloc : memref<!tpu.dma_semaphore, #tpu.memory_space<semaphore_mem>>
      %dma_start3A_243 = arith.constant 0 : i32
      %dma_start3A_244 = tpu.memref_slice %arg10[%add3A_119, %dma_start3A_243] : memref<10240x48xf32, #tpu.memory_space<vmem_shared>> -> memref<32x48xf32, #tpu.memory_space<vmem_shared>>
      %dma_start3A_245 = arith.constant 0 : i32
      %dma_start3A_246 = tpu.memref_slice %arg10[%add3A_119, %dma_start3A_245] : memref<10240x48xf32, #tpu.memory_space<vmem_shared>> -> memref<32x48xf32, #tpu.memory_space<vmem_shared>>
      tpu.enqueue_dma source(%dma_start3A_246 : memref<32x48xf32, #tpu.memory_space<vmem_shared>>) target(%arg9 : memref<32x48xf32, #tpu.memory_space<vmem>>) target_semaphore(%run_scoped3A_242 : memref<!tpu.dma_semaphore, #tpu.memory_space<semaphore_mem>>)
      %dma_wait3A_247 = arith.constant 0 : i32
      %dma_wait3A_248 = tpu.memref_slice %arg10[%add3A_119, %dma_wait3A_247] : memref<10240x48xf32, #tpu.memory_space<vmem_shared>> -> memref<32x48xf32, #tpu.memory_space<vmem_shared>>
      %dma_wait3A_249 = arith.constant 0 : i32
      %dma_wait3A_250 = tpu.memref_slice %arg10[%add3A_119, %dma_wait3A_249] : memref<10240x48xf32, #tpu.memory_space<vmem_shared>> -> memref<32x48xf32, #tpu.memory_space<vmem_shared>>
      tpu.wait_dma2 semaphore(%run_scoped3A_242 : memref<!tpu.dma_semaphore, #tpu.memory_space<semaphore_mem>>) src(%dma_wait3A_250 : memref<32x48xf32, #tpu.memory_space<vmem_shared>>) dst(%arg9 : memref<32x48xf32, #tpu.memory_space<vmem>>)
      tpu.yield
    }) : () -> ()
    %mul3A_120 = arith.constant 10240 : i32
    %mul3A_121 = arith.muli %arg0, %mul3A_120 : i32
    %add3A_122 = arith.addi %mul3A_121, %add3A_119 : i32
    "tpu.region"() ({
      %run_scoped3A_242 = tpu.sem_alloc : memref<!tpu.dma_semaphore, #tpu.memory_space<semaphore_mem>>
      %dma_start3A_243 = arith.constant 0 : i32
      %dma_start3A_244 = tpu.memref_slice %arg5[%add3A_122, %dma_start3A_243] : memref<20480x48xf32, #tpu.memory_space<hbm>> -> memref<32x48xf32, #tpu.memory_space<hbm>>
      %dma_start3A_245 = arith.constant 0 : i32
      %dma_start3A_246 = tpu.memref_slice %arg5[%add3A_122, %dma_start3A_245] : memref<20480x48xf32, #tpu.memory_space<hbm>> -> memref<32x48xf32, #tpu.memory_space<hbm>>
      tpu.enqueue_dma source(%arg9 : memref<32x48xf32, #tpu.memory_space<vmem>>) target(%dma_start3A_246 : memref<32x48xf32, #tpu.memory_space<hbm>>) target_semaphore(%run_scoped3A_242 : memref<!tpu.dma_semaphore, #tpu.memory_space<semaphore_mem>>)
      %dma_wait3A_247 = arith.constant 0 : i32
      %dma_wait3A_248 = tpu.memref_slice %arg5[%add3A_122, %dma_wait3A_247] : memref<20480x48xf32, #tpu.memory_space<hbm>> -> memref<32x48xf32, #tpu.memory_space<hbm>>
      %dma_wait3A_249 = arith.constant 0 : i32
      %dma_wait3A_250 = tpu.memref_slice %arg5[%add3A_122, %dma_wait3A_249] : memref<20480x48xf32, #tpu.memory_space<hbm>> -> memref<32x48xf32, #tpu.memory_space<hbm>>
      tpu.wait_dma2 semaphore(%run_scoped3A_242 : memref<!tpu.dma_semaphore, #tpu.memory_space<semaphore_mem>>) src(%arg9 : memref<32x48xf32, #tpu.memory_space<vmem>>) dst(%dma_wait3A_250 : memref<32x48xf32, #tpu.memory_space<hbm>>)
      tpu.yield
    }) : () -> ()
    %mul3A_123 = arith.constant 640 : i32
    %mul3A_124 = arith.muli %arg1, %mul3A_123 : i32
    %add3A_125 = arith.constant 96 : i32
    %add3A_126 = arith.addi %mul3A_124, %add3A_125 : i32
    "tpu.region"() ({
      %run_scoped3A_242 = tpu.sem_alloc : memref<!tpu.dma_semaphore, #tpu.memory_space<semaphore_mem>>
      %dma_start3A_243 = arith.constant 0 : i32
      %dma_start3A_244 = tpu.memref_slice %arg10[%add3A_126, %dma_start3A_243] : memref<10240x48xf32, #tpu.memory_space<vmem_shared>> -> memref<32x48xf32, #tpu.memory_space<vmem_shared>>
      %dma_start3A_245 = arith.constant 0 : i32
      %dma_start3A_246 = tpu.memref_slice %arg10[%add3A_126, %dma_start3A_245] : memref<10240x48xf32, #tpu.memory_space<vmem_shared>> -> memref<32x48xf32, #tpu.memory_space<vmem_shared>>
      tpu.enqueue_dma source(%dma_start3A_246 : memref<32x48xf32, #tpu.memory_space<vmem_shared>>) target(%arg9 : memref<32x48xf32, #tpu.memory_space<vmem>>) target_semaphore(%run_scoped3A_242 : memref<!tpu.dma_semaphore, #tpu.memory_space<semaphore_mem>>)
      %dma_wait3A_247 = arith.constant 0 : i32
      %dma_wait3A_248 = tpu.memref_slice %arg10[%add3A_126, %dma_wait3A_247] : memref<10240x48xf32, #tpu.memory_space<vmem_shared>> -> memref<32x48xf32, #tpu.memory_space<vmem_shared>>
      %dma_wait3A_249 = arith.constant 0 : i32
      %dma_wait3A_250 = tpu.memref_slice %arg10[%add3A_126, %dma_wait3A_249] : memref<10240x48xf32, #tpu.memory_space<vmem_shared>> -> memref<32x48xf32, #tpu.memory_space<vmem_shared>>
      tpu.wait_dma2 semaphore(%run_scoped3A_242 : memref<!tpu.dma_semaphore, #tpu.memory_space<semaphore_mem>>) src(%dma_wait3A_250 : memref<32x48xf32, #tpu.memory_space<vmem_shared>>) dst(%arg9 : memref<32x48xf32, #tpu.memory_space<vmem>>)
      tpu.yield
    }) : () -> ()
    %mul3A_127 = arith.constant 10240 : i32
    %mul3A_128 = arith.muli %arg0, %mul3A_127 : i32
    %add3A_129 = arith.addi %mul3A_128, %add3A_126 : i32
    "tpu.region"() ({
      %run_scoped3A_242 = tpu.sem_alloc : memref<!tpu.dma_semaphore, #tpu.memory_space<semaphore_mem>>
      %dma_start3A_243 = arith.constant 0 : i32
      %dma_start3A_244 = tpu.memref_slice %arg5[%add3A_129, %dma_start3A_243] : memref<20480x48xf32, #tpu.memory_space<hbm>> -> memref<32x48xf32, #tpu.memory_space<hbm>>
      %dma_start3A_245 = arith.constant 0 : i32
      %dma_start3A_246 = tpu.memref_slice %arg5[%add3A_129, %dma_start3A_245] : memref<20480x48xf32, #tpu.memory_space<hbm>> -> memref<32x48xf32, #tpu.memory_space<hbm>>
      tpu.enqueue_dma source(%arg9 : memref<32x48xf32, #tpu.memory_space<vmem>>) target(%dma_start3A_246 : memref<32x48xf32, #tpu.memory_space<hbm>>) target_semaphore(%run_scoped3A_242 : memref<!tpu.dma_semaphore, #tpu.memory_space<semaphore_mem>>)
      %dma_wait3A_247 = arith.constant 0 : i32
      %dma_wait3A_248 = tpu.memref_slice %arg5[%add3A_129, %dma_wait3A_247] : memref<20480x48xf32, #tpu.memory_space<hbm>> -> memref<32x48xf32, #tpu.memory_space<hbm>>
      %dma_wait3A_249 = arith.constant 0 : i32
      %dma_wait3A_250 = tpu.memref_slice %arg5[%add3A_129, %dma_wait3A_249] : memref<20480x48xf32, #tpu.memory_space<hbm>> -> memref<32x48xf32, #tpu.memory_space<hbm>>
      tpu.wait_dma2 semaphore(%run_scoped3A_242 : memref<!tpu.dma_semaphore, #tpu.memory_space<semaphore_mem>>) src(%arg9 : memref<32x48xf32, #tpu.memory_space<vmem>>) dst(%dma_wait3A_250 : memref<32x48xf32, #tpu.memory_space<hbm>>)
      tpu.yield
    }) : () -> ()
    %mul3A_130 = arith.constant 640 : i32
    %mul3A_131 = arith.muli %arg1, %mul3A_130 : i32
    %add3A_132 = arith.constant 128 : i32
    %add3A_133 = arith.addi %mul3A_131, %add3A_132 : i32
    "tpu.region"() ({
      %run_scoped3A_242 = tpu.sem_alloc : memref<!tpu.dma_semaphore, #tpu.memory_space<semaphore_mem>>
      %dma_start3A_243 = arith.constant 0 : i32
      %dma_start3A_244 = tpu.memref_slice %arg10[%add3A_133, %dma_start3A_243] : memref<10240x48xf32, #tpu.memory_space<vmem_shared>> -> memref<32x48xf32, #tpu.memory_space<vmem_shared>>
      %dma_start3A_245 = arith.constant 0 : i32
      %dma_start3A_246 = tpu.memref_slice %arg10[%add3A_133, %dma_start3A_245] : memref<10240x48xf32, #tpu.memory_space<vmem_shared>> -> memref<32x48xf32, #tpu.memory_space<vmem_shared>>
      tpu.enqueue_dma source(%dma_start3A_246 : memref<32x48xf32, #tpu.memory_space<vmem_shared>>) target(%arg9 : memref<32x48xf32, #tpu.memory_space<vmem>>) target_semaphore(%run_scoped3A_242 : memref<!tpu.dma_semaphore, #tpu.memory_space<semaphore_mem>>)
      %dma_wait3A_247 = arith.constant 0 : i32
      %dma_wait3A_248 = tpu.memref_slice %arg10[%add3A_133, %dma_wait3A_247] : memref<10240x48xf32, #tpu.memory_space<vmem_shared>> -> memref<32x48xf32, #tpu.memory_space<vmem_shared>>
      %dma_wait3A_249 = arith.constant 0 : i32
      %dma_wait3A_250 = tpu.memref_slice %arg10[%add3A_133, %dma_wait3A_249] : memref<10240x48xf32, #tpu.memory_space<vmem_shared>> -> memref<32x48xf32, #tpu.memory_space<vmem_shared>>
      tpu.wait_dma2 semaphore(%run_scoped3A_242 : memref<!tpu.dma_semaphore, #tpu.memory_space<semaphore_mem>>) src(%dma_wait3A_250 : memref<32x48xf32, #tpu.memory_space<vmem_shared>>) dst(%arg9 : memref<32x48xf32, #tpu.memory_space<vmem>>)
      tpu.yield
    }) : () -> ()
    %mul3A_134 = arith.constant 10240 : i32
    %mul3A_135 = arith.muli %arg0, %mul3A_134 : i32
    %add3A_136 = arith.addi %mul3A_135, %add3A_133 : i32
    "tpu.region"() ({
      %run_scoped3A_242 = tpu.sem_alloc : memref<!tpu.dma_semaphore, #tpu.memory_space<semaphore_mem>>
      %dma_start3A_243 = arith.constant 0 : i32
      %dma_start3A_244 = tpu.memref_slice %arg5[%add3A_136, %dma_start3A_243] : memref<20480x48xf32, #tpu.memory_space<hbm>> -> memref<32x48xf32, #tpu.memory_space<hbm>>
      %dma_start3A_245 = arith.constant 0 : i32
      %dma_start3A_246 = tpu.memref_slice %arg5[%add3A_136, %dma_start3A_245] : memref<20480x48xf32, #tpu.memory_space<hbm>> -> memref<32x48xf32, #tpu.memory_space<hbm>>
      tpu.enqueue_dma source(%arg9 : memref<32x48xf32, #tpu.memory_space<vmem>>) target(%dma_start3A_246 : memref<32x48xf32, #tpu.memory_space<hbm>>) target_semaphore(%run_scoped3A_242 : memref<!tpu.dma_semaphore, #tpu.memory_space<semaphore_mem>>)
      %dma_wait3A_247 = arith.constant 0 : i32
      %dma_wait3A_248 = tpu.memref_slice %arg5[%add3A_136, %dma_wait3A_247] : memref<20480x48xf32, #tpu.memory_space<hbm>> -> memref<32x48xf32, #tpu.memory_space<hbm>>
      %dma_wait3A_249 = arith.constant 0 : i32
      %dma_wait3A_250 = tpu.memref_slice %arg5[%add3A_136, %dma_wait3A_249] : memref<20480x48xf32, #tpu.memory_space<hbm>> -> memref<32x48xf32, #tpu.memory_space<hbm>>
      tpu.wait_dma2 semaphore(%run_scoped3A_242 : memref<!tpu.dma_semaphore, #tpu.memory_space<semaphore_mem>>) src(%arg9 : memref<32x48xf32, #tpu.memory_space<vmem>>) dst(%dma_wait3A_250 : memref<32x48xf32, #tpu.memory_space<hbm>>)
      tpu.yield
    }) : () -> ()
    %mul3A_137 = arith.constant 640 : i32
    %mul3A_138 = arith.muli %arg1, %mul3A_137 : i32
    %add3A_139 = arith.constant 160 : i32
    %add3A_140 = arith.addi %mul3A_138, %add3A_139 : i32
    "tpu.region"() ({
      %run_scoped3A_242 = tpu.sem_alloc : memref<!tpu.dma_semaphore, #tpu.memory_space<semaphore_mem>>
      %dma_start3A_243 = arith.constant 0 : i32
      %dma_start3A_244 = tpu.memref_slice %arg10[%add3A_140, %dma_start3A_243] : memref<10240x48xf32, #tpu.memory_space<vmem_shared>> -> memref<32x48xf32, #tpu.memory_space<vmem_shared>>
      %dma_start3A_245 = arith.constant 0 : i32
      %dma_start3A_246 = tpu.memref_slice %arg10[%add3A_140, %dma_start3A_245] : memref<10240x48xf32, #tpu.memory_space<vmem_shared>> -> memref<32x48xf32, #tpu.memory_space<vmem_shared>>
      tpu.enqueue_dma source(%dma_start3A_246 : memref<32x48xf32, #tpu.memory_space<vmem_shared>>) target(%arg9 : memref<32x48xf32, #tpu.memory_space<vmem>>) target_semaphore(%run_scoped3A_242 : memref<!tpu.dma_semaphore, #tpu.memory_space<semaphore_mem>>)
      %dma_wait3A_247 = arith.constant 0 : i32
      %dma_wait3A_248 = tpu.memref_slice %arg10[%add3A_140, %dma_wait3A_247] : memref<10240x48xf32, #tpu.memory_space<vmem_shared>> -> memref<32x48xf32, #tpu.memory_space<vmem_shared>>
      %dma_wait3A_249 = arith.constant 0 : i32
      %dma_wait3A_250 = tpu.memref_slice %arg10[%add3A_140, %dma_wait3A_249] : memref<10240x48xf32, #tpu.memory_space<vmem_shared>> -> memref<32x48xf32, #tpu.memory_space<vmem_shared>>
      tpu.wait_dma2 semaphore(%run_scoped3A_242 : memref<!tpu.dma_semaphore, #tpu.memory_space<semaphore_mem>>) src(%dma_wait3A_250 : memref<32x48xf32, #tpu.memory_space<vmem_shared>>) dst(%arg9 : memref<32x48xf32, #tpu.memory_space<vmem>>)
      tpu.yield
    }) : () -> ()
    %mul3A_141 = arith.constant 10240 : i32
    %mul3A_142 = arith.muli %arg0, %mul3A_141 : i32
    %add3A_143 = arith.addi %mul3A_142, %add3A_140 : i32
    "tpu.region"() ({
      %run_scoped3A_242 = tpu.sem_alloc : memref<!tpu.dma_semaphore, #tpu.memory_space<semaphore_mem>>
      %dma_start3A_243 = arith.constant 0 : i32
      %dma_start3A_244 = tpu.memref_slice %arg5[%add3A_143, %dma_start3A_243] : memref<20480x48xf32, #tpu.memory_space<hbm>> -> memref<32x48xf32, #tpu.memory_space<hbm>>
      %dma_start3A_245 = arith.constant 0 : i32
      %dma_start3A_246 = tpu.memref_slice %arg5[%add3A_143, %dma_start3A_245] : memref<20480x48xf32, #tpu.memory_space<hbm>> -> memref<32x48xf32, #tpu.memory_space<hbm>>
      tpu.enqueue_dma source(%arg9 : memref<32x48xf32, #tpu.memory_space<vmem>>) target(%dma_start3A_246 : memref<32x48xf32, #tpu.memory_space<hbm>>) target_semaphore(%run_scoped3A_242 : memref<!tpu.dma_semaphore, #tpu.memory_space<semaphore_mem>>)
      %dma_wait3A_247 = arith.constant 0 : i32
      %dma_wait3A_248 = tpu.memref_slice %arg5[%add3A_143, %dma_wait3A_247] : memref<20480x48xf32, #tpu.memory_space<hbm>> -> memref<32x48xf32, #tpu.memory_space<hbm>>
      %dma_wait3A_249 = arith.constant 0 : i32
      %dma_wait3A_250 = tpu.memref_slice %arg5[%add3A_143, %dma_wait3A_249] : memref<20480x48xf32, #tpu.memory_space<hbm>> -> memref<32x48xf32, #tpu.memory_space<hbm>>
      tpu.wait_dma2 semaphore(%run_scoped3A_242 : memref<!tpu.dma_semaphore, #tpu.memory_space<semaphore_mem>>) src(%arg9 : memref<32x48xf32, #tpu.memory_space<vmem>>) dst(%dma_wait3A_250 : memref<32x48xf32, #tpu.memory_space<hbm>>)
      tpu.yield
    }) : () -> ()
    %mul3A_144 = arith.constant 640 : i32
    %mul3A_145 = arith.muli %arg1, %mul3A_144 : i32
    %add3A_146 = arith.constant 192 : i32
    %add3A_147 = arith.addi %mul3A_145, %add3A_146 : i32
    "tpu.region"() ({
      %run_scoped3A_242 = tpu.sem_alloc : memref<!tpu.dma_semaphore, #tpu.memory_space<semaphore_mem>>
      %dma_start3A_243 = arith.constant 0 : i32
      %dma_start3A_244 = tpu.memref_slice %arg10[%add3A_147, %dma_start3A_243] : memref<10240x48xf32, #tpu.memory_space<vmem_shared>> -> memref<32x48xf32, #tpu.memory_space<vmem_shared>>
      %dma_start3A_245 = arith.constant 0 : i32
      %dma_start3A_246 = tpu.memref_slice %arg10[%add3A_147, %dma_start3A_245] : memref<10240x48xf32, #tpu.memory_space<vmem_shared>> -> memref<32x48xf32, #tpu.memory_space<vmem_shared>>
      tpu.enqueue_dma source(%dma_start3A_246 : memref<32x48xf32, #tpu.memory_space<vmem_shared>>) target(%arg9 : memref<32x48xf32, #tpu.memory_space<vmem>>) target_semaphore(%run_scoped3A_242 : memref<!tpu.dma_semaphore, #tpu.memory_space<semaphore_mem>>)
      %dma_wait3A_247 = arith.constant 0 : i32
      %dma_wait3A_248 = tpu.memref_slice %arg10[%add3A_147, %dma_wait3A_247] : memref<10240x48xf32, #tpu.memory_space<vmem_shared>> -> memref<32x48xf32, #tpu.memory_space<vmem_shared>>
      %dma_wait3A_249 = arith.constant 0 : i32
      %dma_wait3A_250 = tpu.memref_slice %arg10[%add3A_147, %dma_wait3A_249] : memref<10240x48xf32, #tpu.memory_space<vmem_shared>> -> memref<32x48xf32, #tpu.memory_space<vmem_shared>>
      tpu.wait_dma2 semaphore(%run_scoped3A_242 : memref<!tpu.dma_semaphore, #tpu.memory_space<semaphore_mem>>) src(%dma_wait3A_250 : memref<32x48xf32, #tpu.memory_space<vmem_shared>>) dst(%arg9 : memref<32x48xf32, #tpu.memory_space<vmem>>)
      tpu.yield
    }) : () -> ()
    %mul3A_148 = arith.constant 10240 : i32
    %mul3A_149 = arith.muli %arg0, %mul3A_148 : i32
    %add3A_150 = arith.addi %mul3A_149, %add3A_147 : i32
    "tpu.region"() ({
      %run_scoped3A_242 = tpu.sem_alloc : memref<!tpu.dma_semaphore, #tpu.memory_space<semaphore_mem>>
      %dma_start3A_243 = arith.constant 0 : i32
      %dma_start3A_244 = tpu.memref_slice %arg5[%add3A_150, %dma_start3A_243] : memref<20480x48xf32, #tpu.memory_space<hbm>> -> memref<32x48xf32, #tpu.memory_space<hbm>>
      %dma_start3A_245 = arith.constant 0 : i32
      %dma_start3A_246 = tpu.memref_slice %arg5[%add3A_150, %dma_start3A_245] : memref<20480x48xf32, #tpu.memory_space<hbm>> -> memref<32x48xf32, #tpu.memory_space<hbm>>
      tpu.enqueue_dma source(%arg9 : memref<32x48xf32, #tpu.memory_space<vmem>>) target(%dma_start3A_246 : memref<32x48xf32, #tpu.memory_space<hbm>>) target_semaphore(%run_scoped3A_242 : memref<!tpu.dma_semaphore, #tpu.memory_space<semaphore_mem>>)
      %dma_wait3A_247 = arith.constant 0 : i32
      %dma_wait3A_248 = tpu.memref_slice %arg5[%add3A_150, %dma_wait3A_247] : memref<20480x48xf32, #tpu.memory_space<hbm>> -> memref<32x48xf32, #tpu.memory_space<hbm>>
      %dma_wait3A_249 = arith.constant 0 : i32
      %dma_wait3A_250 = tpu.memref_slice %arg5[%add3A_150, %dma_wait3A_249] : memref<20480x48xf32, #tpu.memory_space<hbm>> -> memref<32x48xf32, #tpu.memory_space<hbm>>
      tpu.wait_dma2 semaphore(%run_scoped3A_242 : memref<!tpu.dma_semaphore, #tpu.memory_space<semaphore_mem>>) src(%arg9 : memref<32x48xf32, #tpu.memory_space<vmem>>) dst(%dma_wait3A_250 : memref<32x48xf32, #tpu.memory_space<hbm>>)
      tpu.yield
    }) : () -> ()
    %mul3A_151 = arith.constant 640 : i32
    %mul3A_152 = arith.muli %arg1, %mul3A_151 : i32
    %add3A_153 = arith.constant 224 : i32
    %add3A_154 = arith.addi %mul3A_152, %add3A_153 : i32
    "tpu.region"() ({
      %run_scoped3A_242 = tpu.sem_alloc : memref<!tpu.dma_semaphore, #tpu.memory_space<semaphore_mem>>
      %dma_start3A_243 = arith.constant 0 : i32
      %dma_start3A_244 = tpu.memref_slice %arg10[%add3A_154, %dma_start3A_243] : memref<10240x48xf32, #tpu.memory_space<vmem_shared>> -> memref<32x48xf32, #tpu.memory_space<vmem_shared>>
      %dma_start3A_245 = arith.constant 0 : i32
      %dma_start3A_246 = tpu.memref_slice %arg10[%add3A_154, %dma_start3A_245] : memref<10240x48xf32, #tpu.memory_space<vmem_shared>> -> memref<32x48xf32, #tpu.memory_space<vmem_shared>>
      tpu.enqueue_dma source(%dma_start3A_246 : memref<32x48xf32, #tpu.memory_space<vmem_shared>>) target(%arg9 : memref<32x48xf32, #tpu.memory_space<vmem>>) target_semaphore(%run_scoped3A_242 : memref<!tpu.dma_semaphore, #tpu.memory_space<semaphore_mem>>)
      %dma_wait3A_247 = arith.constant 0 : i32
      %dma_wait3A_248 = tpu.memref_slice %arg10[%add3A_154, %dma_wait3A_247] : memref<10240x48xf32, #tpu.memory_space<vmem_shared>> -> memref<32x48xf32, #tpu.memory_space<vmem_shared>>
      %dma_wait3A_249 = arith.constant 0 : i32
      %dma_wait3A_250 = tpu.memref_slice %arg10[%add3A_154, %dma_wait3A_249] : memref<10240x48xf32, #tpu.memory_space<vmem_shared>> -> memref<32x48xf32, #tpu.memory_space<vmem_shared>>
      tpu.wait_dma2 semaphore(%run_scoped3A_242 : memref<!tpu.dma_semaphore, #tpu.memory_space<semaphore_mem>>) src(%dma_wait3A_250 : memref<32x48xf32, #tpu.memory_space<vmem_shared>>) dst(%arg9 : memref<32x48xf32, #tpu.memory_space<vmem>>)
      tpu.yield
    }) : () -> ()
    %mul3A_155 = arith.constant 10240 : i32
    %mul3A_156 = arith.muli %arg0, %mul3A_155 : i32
    %add3A_157 = arith.addi %mul3A_156, %add3A_154 : i32
    "tpu.region"() ({
      %run_scoped3A_242 = tpu.sem_alloc : memref<!tpu.dma_semaphore, #tpu.memory_space<semaphore_mem>>
      %dma_start3A_243 = arith.constant 0 : i32
      %dma_start3A_244 = tpu.memref_slice %arg5[%add3A_157, %dma_start3A_243] : memref<20480x48xf32, #tpu.memory_space<hbm>> -> memref<32x48xf32, #tpu.memory_space<hbm>>
      %dma_start3A_245 = arith.constant 0 : i32
      %dma_start3A_246 = tpu.memref_slice %arg5[%add3A_157, %dma_start3A_245] : memref<20480x48xf32, #tpu.memory_space<hbm>> -> memref<32x48xf32, #tpu.memory_space<hbm>>
      tpu.enqueue_dma source(%arg9 : memref<32x48xf32, #tpu.memory_space<vmem>>) target(%dma_start3A_246 : memref<32x48xf32, #tpu.memory_space<hbm>>) target_semaphore(%run_scoped3A_242 : memref<!tpu.dma_semaphore, #tpu.memory_space<semaphore_mem>>)
      %dma_wait3A_247 = arith.constant 0 : i32
      %dma_wait3A_248 = tpu.memref_slice %arg5[%add3A_157, %dma_wait3A_247] : memref<20480x48xf32, #tpu.memory_space<hbm>> -> memref<32x48xf32, #tpu.memory_space<hbm>>
      %dma_wait3A_249 = arith.constant 0 : i32
      %dma_wait3A_250 = tpu.memref_slice %arg5[%add3A_157, %dma_wait3A_249] : memref<20480x48xf32, #tpu.memory_space<hbm>> -> memref<32x48xf32, #tpu.memory_space<hbm>>
      tpu.wait_dma2 semaphore(%run_scoped3A_242 : memref<!tpu.dma_semaphore, #tpu.memory_space<semaphore_mem>>) src(%arg9 : memref<32x48xf32, #tpu.memory_space<vmem>>) dst(%dma_wait3A_250 : memref<32x48xf32, #tpu.memory_space<hbm>>)
      tpu.yield
    }) : () -> ()
    %mul3A_158 = arith.constant 640 : i32
    %mul3A_159 = arith.muli %arg1, %mul3A_158 : i32
    %add3A_160 = arith.constant 256 : i32
    %add3A_161 = arith.addi %mul3A_159, %add3A_160 : i32
    "tpu.region"() ({
      %run_scoped3A_242 = tpu.sem_alloc : memref<!tpu.dma_semaphore, #tpu.memory_space<semaphore_mem>>
      %dma_start3A_243 = arith.constant 0 : i32
      %dma_start3A_244 = tpu.memref_slice %arg10[%add3A_161, %dma_start3A_243] : memref<10240x48xf32, #tpu.memory_space<vmem_shared>> -> memref<32x48xf32, #tpu.memory_space<vmem_shared>>
      %dma_start3A_245 = arith.constant 0 : i32
      %dma_start3A_246 = tpu.memref_slice %arg10[%add3A_161, %dma_start3A_245] : memref<10240x48xf32, #tpu.memory_space<vmem_shared>> -> memref<32x48xf32, #tpu.memory_space<vmem_shared>>
      tpu.enqueue_dma source(%dma_start3A_246 : memref<32x48xf32, #tpu.memory_space<vmem_shared>>) target(%arg9 : memref<32x48xf32, #tpu.memory_space<vmem>>) target_semaphore(%run_scoped3A_242 : memref<!tpu.dma_semaphore, #tpu.memory_space<semaphore_mem>>)
      %dma_wait3A_247 = arith.constant 0 : i32
      %dma_wait3A_248 = tpu.memref_slice %arg10[%add3A_161, %dma_wait3A_247] : memref<10240x48xf32, #tpu.memory_space<vmem_shared>> -> memref<32x48xf32, #tpu.memory_space<vmem_shared>>
      %dma_wait3A_249 = arith.constant 0 : i32
      %dma_wait3A_250 = tpu.memref_slice %arg10[%add3A_161, %dma_wait3A_249] : memref<10240x48xf32, #tpu.memory_space<vmem_shared>> -> memref<32x48xf32, #tpu.memory_space<vmem_shared>>
      tpu.wait_dma2 semaphore(%run_scoped3A_242 : memref<!tpu.dma_semaphore, #tpu.memory_space<semaphore_mem>>) src(%dma_wait3A_250 : memref<32x48xf32, #tpu.memory_space<vmem_shared>>) dst(%arg9 : memref<32x48xf32, #tpu.memory_space<vmem>>)
      tpu.yield
    }) : () -> ()
    %mul3A_162 = arith.constant 10240 : i32
    %mul3A_163 = arith.muli %arg0, %mul3A_162 : i32
    %add3A_164 = arith.addi %mul3A_163, %add3A_161 : i32
    "tpu.region"() ({
      %run_scoped3A_242 = tpu.sem_alloc : memref<!tpu.dma_semaphore, #tpu.memory_space<semaphore_mem>>
      %dma_start3A_243 = arith.constant 0 : i32
      %dma_start3A_244 = tpu.memref_slice %arg5[%add3A_164, %dma_start3A_243] : memref<20480x48xf32, #tpu.memory_space<hbm>> -> memref<32x48xf32, #tpu.memory_space<hbm>>
      %dma_start3A_245 = arith.constant 0 : i32
      %dma_start3A_246 = tpu.memref_slice %arg5[%add3A_164, %dma_start3A_245] : memref<20480x48xf32, #tpu.memory_space<hbm>> -> memref<32x48xf32, #tpu.memory_space<hbm>>
      tpu.enqueue_dma source(%arg9 : memref<32x48xf32, #tpu.memory_space<vmem>>) target(%dma_start3A_246 : memref<32x48xf32, #tpu.memory_space<hbm>>) target_semaphore(%run_scoped3A_242 : memref<!tpu.dma_semaphore, #tpu.memory_space<semaphore_mem>>)
      %dma_wait3A_247 = arith.constant 0 : i32
      %dma_wait3A_248 = tpu.memref_slice %arg5[%add3A_164, %dma_wait3A_247] : memref<20480x48xf32, #tpu.memory_space<hbm>> -> memref<32x48xf32, #tpu.memory_space<hbm>>
      %dma_wait3A_249 = arith.constant 0 : i32
      %dma_wait3A_250 = tpu.memref_slice %arg5[%add3A_164, %dma_wait3A_249] : memref<20480x48xf32, #tpu.memory_space<hbm>> -> memref<32x48xf32, #tpu.memory_space<hbm>>
      tpu.wait_dma2 semaphore(%run_scoped3A_242 : memref<!tpu.dma_semaphore, #tpu.memory_space<semaphore_mem>>) src(%arg9 : memref<32x48xf32, #tpu.memory_space<vmem>>) dst(%dma_wait3A_250 : memref<32x48xf32, #tpu.memory_space<hbm>>)
      tpu.yield
    }) : () -> ()
    %mul3A_165 = arith.constant 640 : i32
    %mul3A_166 = arith.muli %arg1, %mul3A_165 : i32
    %add3A_167 = arith.constant 288 : i32
    %add3A_168 = arith.addi %mul3A_166, %add3A_167 : i32
    "tpu.region"() ({
      %run_scoped3A_242 = tpu.sem_alloc : memref<!tpu.dma_semaphore, #tpu.memory_space<semaphore_mem>>
      %dma_start3A_243 = arith.constant 0 : i32
      %dma_start3A_244 = tpu.memref_slice %arg10[%add3A_168, %dma_start3A_243] : memref<10240x48xf32, #tpu.memory_space<vmem_shared>> -> memref<32x48xf32, #tpu.memory_space<vmem_shared>>
      %dma_start3A_245 = arith.constant 0 : i32
      %dma_start3A_246 = tpu.memref_slice %arg10[%add3A_168, %dma_start3A_245] : memref<10240x48xf32, #tpu.memory_space<vmem_shared>> -> memref<32x48xf32, #tpu.memory_space<vmem_shared>>
      tpu.enqueue_dma source(%dma_start3A_246 : memref<32x48xf32, #tpu.memory_space<vmem_shared>>) target(%arg9 : memref<32x48xf32, #tpu.memory_space<vmem>>) target_semaphore(%run_scoped3A_242 : memref<!tpu.dma_semaphore, #tpu.memory_space<semaphore_mem>>)
      %dma_wait3A_247 = arith.constant 0 : i32
      %dma_wait3A_248 = tpu.memref_slice %arg10[%add3A_168, %dma_wait3A_247] : memref<10240x48xf32, #tpu.memory_space<vmem_shared>> -> memref<32x48xf32, #tpu.memory_space<vmem_shared>>
      %dma_wait3A_249 = arith.constant 0 : i32
      %dma_wait3A_250 = tpu.memref_slice %arg10[%add3A_168, %dma_wait3A_249] : memref<10240x48xf32, #tpu.memory_space<vmem_shared>> -> memref<32x48xf32, #tpu.memory_space<vmem_shared>>
      tpu.wait_dma2 semaphore(%run_scoped3A_242 : memref<!tpu.dma_semaphore, #tpu.memory_space<semaphore_mem>>) src(%dma_wait3A_250 : memref<32x48xf32, #tpu.memory_space<vmem_shared>>) dst(%arg9 : memref<32x48xf32, #tpu.memory_space<vmem>>)
      tpu.yield
    }) : () -> ()
    %mul3A_169 = arith.constant 10240 : i32
    %mul3A_170 = arith.muli %arg0, %mul3A_169 : i32
    %add3A_171 = arith.addi %mul3A_170, %add3A_168 : i32
    "tpu.region"() ({
      %run_scoped3A_242 = tpu.sem_alloc : memref<!tpu.dma_semaphore, #tpu.memory_space<semaphore_mem>>
      %dma_start3A_243 = arith.constant 0 : i32
      %dma_start3A_244 = tpu.memref_slice %arg5[%add3A_171, %dma_start3A_243] : memref<20480x48xf32, #tpu.memory_space<hbm>> -> memref<32x48xf32, #tpu.memory_space<hbm>>
      %dma_start3A_245 = arith.constant 0 : i32
      %dma_start3A_246 = tpu.memref_slice %arg5[%add3A_171, %dma_start3A_245] : memref<20480x48xf32, #tpu.memory_space<hbm>> -> memref<32x48xf32, #tpu.memory_space<hbm>>
      tpu.enqueue_dma source(%arg9 : memref<32x48xf32, #tpu.memory_space<vmem>>) target(%dma_start3A_246 : memref<32x48xf32, #tpu.memory_space<hbm>>) target_semaphore(%run_scoped3A_242 : memref<!tpu.dma_semaphore, #tpu.memory_space<semaphore_mem>>)
      %dma_wait3A_247 = arith.constant 0 : i32
      %dma_wait3A_248 = tpu.memref_slice %arg5[%add3A_171, %dma_wait3A_247] : memref<20480x48xf32, #tpu.memory_space<hbm>> -> memref<32x48xf32, #tpu.memory_space<hbm>>
      %dma_wait3A_249 = arith.constant 0 : i32
      %dma_wait3A_250 = tpu.memref_slice %arg5[%add3A_171, %dma_wait3A_249] : memref<20480x48xf32, #tpu.memory_space<hbm>> -> memref<32x48xf32, #tpu.memory_space<hbm>>
      tpu.wait_dma2 semaphore(%run_scoped3A_242 : memref<!tpu.dma_semaphore, #tpu.memory_space<semaphore_mem>>) src(%arg9 : memref<32x48xf32, #tpu.memory_space<vmem>>) dst(%dma_wait3A_250 : memref<32x48xf32, #tpu.memory_space<hbm>>)
      tpu.yield
    }) : () -> ()
    %mul3A_172 = arith.constant 640 : i32
    %mul3A_173 = arith.muli %arg1, %mul3A_172 : i32
    %add3A_174 = arith.constant 320 : i32
    %add3A_175 = arith.addi %mul3A_173, %add3A_174 : i32
    "tpu.region"() ({
      %run_scoped3A_242 = tpu.sem_alloc : memref<!tpu.dma_semaphore, #tpu.memory_space<semaphore_mem>>
      %dma_start3A_243 = arith.constant 0 : i32
      %dma_start3A_244 = tpu.memref_slice %arg10[%add3A_175, %dma_start3A_243] : memref<10240x48xf32, #tpu.memory_space<vmem_shared>> -> memref<32x48xf32, #tpu.memory_space<vmem_shared>>
      %dma_start3A_245 = arith.constant 0 : i32
      %dma_start3A_246 = tpu.memref_slice %arg10[%add3A_175, %dma_start3A_245] : memref<10240x48xf32, #tpu.memory_space<vmem_shared>> -> memref<32x48xf32, #tpu.memory_space<vmem_shared>>
      tpu.enqueue_dma source(%dma_start3A_246 : memref<32x48xf32, #tpu.memory_space<vmem_shared>>) target(%arg9 : memref<32x48xf32, #tpu.memory_space<vmem>>) target_semaphore(%run_scoped3A_242 : memref<!tpu.dma_semaphore, #tpu.memory_space<semaphore_mem>>)
      %dma_wait3A_247 = arith.constant 0 : i32
      %dma_wait3A_248 = tpu.memref_slice %arg10[%add3A_175, %dma_wait3A_247] : memref<10240x48xf32, #tpu.memory_space<vmem_shared>> -> memref<32x48xf32, #tpu.memory_space<vmem_shared>>
      %dma_wait3A_249 = arith.constant 0 : i32
      %dma_wait3A_250 = tpu.memref_slice %arg10[%add3A_175, %dma_wait3A_249] : memref<10240x48xf32, #tpu.memory_space<vmem_shared>> -> memref<32x48xf32, #tpu.memory_space<vmem_shared>>
      tpu.wait_dma2 semaphore(%run_scoped3A_242 : memref<!tpu.dma_semaphore, #tpu.memory_space<semaphore_mem>>) src(%dma_wait3A_250 : memref<32x48xf32, #tpu.memory_space<vmem_shared>>) dst(%arg9 : memref<32x48xf32, #tpu.memory_space<vmem>>)
      tpu.yield
    }) : () -> ()
    %mul3A_176 = arith.constant 10240 : i32
    %mul3A_177 = arith.muli %arg0, %mul3A_176 : i32
    %add3A_178 = arith.addi %mul3A_177, %add3A_175 : i32
    "tpu.region"() ({
      %run_scoped3A_242 = tpu.sem_alloc : memref<!tpu.dma_semaphore, #tpu.memory_space<semaphore_mem>>
      %dma_start3A_243 = arith.constant 0 : i32
      %dma_start3A_244 = tpu.memref_slice %arg5[%add3A_178, %dma_start3A_243] : memref<20480x48xf32, #tpu.memory_space<hbm>> -> memref<32x48xf32, #tpu.memory_space<hbm>>
      %dma_start3A_245 = arith.constant 0 : i32
      %dma_start3A_246 = tpu.memref_slice %arg5[%add3A_178, %dma_start3A_245] : memref<20480x48xf32, #tpu.memory_space<hbm>> -> memref<32x48xf32, #tpu.memory_space<hbm>>
      tpu.enqueue_dma source(%arg9 : memref<32x48xf32, #tpu.memory_space<vmem>>) target(%dma_start3A_246 : memref<32x48xf32, #tpu.memory_space<hbm>>) target_semaphore(%run_scoped3A_242 : memref<!tpu.dma_semaphore, #tpu.memory_space<semaphore_mem>>)
      %dma_wait3A_247 = arith.constant 0 : i32
      %dma_wait3A_248 = tpu.memref_slice %arg5[%add3A_178, %dma_wait3A_247] : memref<20480x48xf32, #tpu.memory_space<hbm>> -> memref<32x48xf32, #tpu.memory_space<hbm>>
      %dma_wait3A_249 = arith.constant 0 : i32
      %dma_wait3A_250 = tpu.memref_slice %arg5[%add3A_178, %dma_wait3A_249] : memref<20480x48xf32, #tpu.memory_space<hbm>> -> memref<32x48xf32, #tpu.memory_space<hbm>>
      tpu.wait_dma2 semaphore(%run_scoped3A_242 : memref<!tpu.dma_semaphore, #tpu.memory_space<semaphore_mem>>) src(%arg9 : memref<32x48xf32, #tpu.memory_space<vmem>>) dst(%dma_wait3A_250 : memref<32x48xf32, #tpu.memory_space<hbm>>)
      tpu.yield
    }) : () -> ()
    %mul3A_179 = arith.constant 640 : i32
    %mul3A_180 = arith.muli %arg1, %mul3A_179 : i32
    %add3A_181 = arith.constant 352 : i32
    %add3A_182 = arith.addi %mul3A_180, %add3A_181 : i32
    "tpu.region"() ({
      %run_scoped3A_242 = tpu.sem_alloc : memref<!tpu.dma_semaphore, #tpu.memory_space<semaphore_mem>>
      %dma_start3A_243 = arith.constant 0 : i32
      %dma_start3A_244 = tpu.memref_slice %arg10[%add3A_182, %dma_start3A_243] : memref<10240x48xf32, #tpu.memory_space<vmem_shared>> -> memref<32x48xf32, #tpu.memory_space<vmem_shared>>
      %dma_start3A_245 = arith.constant 0 : i32
      %dma_start3A_246 = tpu.memref_slice %arg10[%add3A_182, %dma_start3A_245] : memref<10240x48xf32, #tpu.memory_space<vmem_shared>> -> memref<32x48xf32, #tpu.memory_space<vmem_shared>>
      tpu.enqueue_dma source(%dma_start3A_246 : memref<32x48xf32, #tpu.memory_space<vmem_shared>>) target(%arg9 : memref<32x48xf32, #tpu.memory_space<vmem>>) target_semaphore(%run_scoped3A_242 : memref<!tpu.dma_semaphore, #tpu.memory_space<semaphore_mem>>)
      %dma_wait3A_247 = arith.constant 0 : i32
      %dma_wait3A_248 = tpu.memref_slice %arg10[%add3A_182, %dma_wait3A_247] : memref<10240x48xf32, #tpu.memory_space<vmem_shared>> -> memref<32x48xf32, #tpu.memory_space<vmem_shared>>
      %dma_wait3A_249 = arith.constant 0 : i32
      %dma_wait3A_250 = tpu.memref_slice %arg10[%add3A_182, %dma_wait3A_249] : memref<10240x48xf32, #tpu.memory_space<vmem_shared>> -> memref<32x48xf32, #tpu.memory_space<vmem_shared>>
      tpu.wait_dma2 semaphore(%run_scoped3A_242 : memref<!tpu.dma_semaphore, #tpu.memory_space<semaphore_mem>>) src(%dma_wait3A_250 : memref<32x48xf32, #tpu.memory_space<vmem_shared>>) dst(%arg9 : memref<32x48xf32, #tpu.memory_space<vmem>>)
      tpu.yield
    }) : () -> ()
    %mul3A_183 = arith.constant 10240 : i32
    %mul3A_184 = arith.muli %arg0, %mul3A_183 : i32
    %add3A_185 = arith.addi %mul3A_184, %add3A_182 : i32
    "tpu.region"() ({
      %run_scoped3A_242 = tpu.sem_alloc : memref<!tpu.dma_semaphore, #tpu.memory_space<semaphore_mem>>
      %dma_start3A_243 = arith.constant 0 : i32
      %dma_start3A_244 = tpu.memref_slice %arg5[%add3A_185, %dma_start3A_243] : memref<20480x48xf32, #tpu.memory_space<hbm>> -> memref<32x48xf32, #tpu.memory_space<hbm>>
      %dma_start3A_245 = arith.constant 0 : i32
      %dma_start3A_246 = tpu.memref_slice %arg5[%add3A_185, %dma_start3A_245] : memref<20480x48xf32, #tpu.memory_space<hbm>> -> memref<32x48xf32, #tpu.memory_space<hbm>>
      tpu.enqueue_dma source(%arg9 : memref<32x48xf32, #tpu.memory_space<vmem>>) target(%dma_start3A_246 : memref<32x48xf32, #tpu.memory_space<hbm>>) target_semaphore(%run_scoped3A_242 : memref<!tpu.dma_semaphore, #tpu.memory_space<semaphore_mem>>)
      %dma_wait3A_247 = arith.constant 0 : i32
      %dma_wait3A_248 = tpu.memref_slice %arg5[%add3A_185, %dma_wait3A_247] : memref<20480x48xf32, #tpu.memory_space<hbm>> -> memref<32x48xf32, #tpu.memory_space<hbm>>
      %dma_wait3A_249 = arith.constant 0 : i32
      %dma_wait3A_250 = tpu.memref_slice %arg5[%add3A_185, %dma_wait3A_249] : memref<20480x48xf32, #tpu.memory_space<hbm>> -> memref<32x48xf32, #tpu.memory_space<hbm>>
      tpu.wait_dma2 semaphore(%run_scoped3A_242 : memref<!tpu.dma_semaphore, #tpu.memory_space<semaphore_mem>>) src(%arg9 : memref<32x48xf32, #tpu.memory_space<vmem>>) dst(%dma_wait3A_250 : memref<32x48xf32, #tpu.memory_space<hbm>>)
      tpu.yield
    }) : () -> ()
    %mul3A_186 = arith.constant 640 : i32
    %mul3A_187 = arith.muli %arg1, %mul3A_186 : i32
    %add3A_188 = arith.constant 384 : i32
    %add3A_189 = arith.addi %mul3A_187, %add3A_188 : i32
    "tpu.region"() ({
      %run_scoped3A_242 = tpu.sem_alloc : memref<!tpu.dma_semaphore, #tpu.memory_space<semaphore_mem>>
      %dma_start3A_243 = arith.constant 0 : i32
      %dma_start3A_244 = tpu.memref_slice %arg10[%add3A_189, %dma_start3A_243] : memref<10240x48xf32, #tpu.memory_space<vmem_shared>> -> memref<32x48xf32, #tpu.memory_space<vmem_shared>>
      %dma_start3A_245 = arith.constant 0 : i32
      %dma_start3A_246 = tpu.memref_slice %arg10[%add3A_189, %dma_start3A_245] : memref<10240x48xf32, #tpu.memory_space<vmem_shared>> -> memref<32x48xf32, #tpu.memory_space<vmem_shared>>
      tpu.enqueue_dma source(%dma_start3A_246 : memref<32x48xf32, #tpu.memory_space<vmem_shared>>) target(%arg9 : memref<32x48xf32, #tpu.memory_space<vmem>>) target_semaphore(%run_scoped3A_242 : memref<!tpu.dma_semaphore, #tpu.memory_space<semaphore_mem>>)
      %dma_wait3A_247 = arith.constant 0 : i32
      %dma_wait3A_248 = tpu.memref_slice %arg10[%add3A_189, %dma_wait3A_247] : memref<10240x48xf32, #tpu.memory_space<vmem_shared>> -> memref<32x48xf32, #tpu.memory_space<vmem_shared>>
      %dma_wait3A_249 = arith.constant 0 : i32
      %dma_wait3A_250 = tpu.memref_slice %arg10[%add3A_189, %dma_wait3A_249] : memref<10240x48xf32, #tpu.memory_space<vmem_shared>> -> memref<32x48xf32, #tpu.memory_space<vmem_shared>>
      tpu.wait_dma2 semaphore(%run_scoped3A_242 : memref<!tpu.dma_semaphore, #tpu.memory_space<semaphore_mem>>) src(%dma_wait3A_250 : memref<32x48xf32, #tpu.memory_space<vmem_shared>>) dst(%arg9 : memref<32x48xf32, #tpu.memory_space<vmem>>)
      tpu.yield
    }) : () -> ()
    %mul3A_190 = arith.constant 10240 : i32
    %mul3A_191 = arith.muli %arg0, %mul3A_190 : i32
    %add3A_192 = arith.addi %mul3A_191, %add3A_189 : i32
    "tpu.region"() ({
      %run_scoped3A_242 = tpu.sem_alloc : memref<!tpu.dma_semaphore, #tpu.memory_space<semaphore_mem>>
      %dma_start3A_243 = arith.constant 0 : i32
      %dma_start3A_244 = tpu.memref_slice %arg5[%add3A_192, %dma_start3A_243] : memref<20480x48xf32, #tpu.memory_space<hbm>> -> memref<32x48xf32, #tpu.memory_space<hbm>>
      %dma_start3A_245 = arith.constant 0 : i32
      %dma_start3A_246 = tpu.memref_slice %arg5[%add3A_192, %dma_start3A_245] : memref<20480x48xf32, #tpu.memory_space<hbm>> -> memref<32x48xf32, #tpu.memory_space<hbm>>
      tpu.enqueue_dma source(%arg9 : memref<32x48xf32, #tpu.memory_space<vmem>>) target(%dma_start3A_246 : memref<32x48xf32, #tpu.memory_space<hbm>>) target_semaphore(%run_scoped3A_242 : memref<!tpu.dma_semaphore, #tpu.memory_space<semaphore_mem>>)
      %dma_wait3A_247 = arith.constant 0 : i32
      %dma_wait3A_248 = tpu.memref_slice %arg5[%add3A_192, %dma_wait3A_247] : memref<20480x48xf32, #tpu.memory_space<hbm>> -> memref<32x48xf32, #tpu.memory_space<hbm>>
      %dma_wait3A_249 = arith.constant 0 : i32
      %dma_wait3A_250 = tpu.memref_slice %arg5[%add3A_192, %dma_wait3A_249] : memref<20480x48xf32, #tpu.memory_space<hbm>> -> memref<32x48xf32, #tpu.memory_space<hbm>>
      tpu.wait_dma2 semaphore(%run_scoped3A_242 : memref<!tpu.dma_semaphore, #tpu.memory_space<semaphore_mem>>) src(%arg9 : memref<32x48xf32, #tpu.memory_space<vmem>>) dst(%dma_wait3A_250 : memref<32x48xf32, #tpu.memory_space<hbm>>)
      tpu.yield
    }) : () -> ()
    %mul3A_193 = arith.constant 640 : i32
    %mul3A_194 = arith.muli %arg1, %mul3A_193 : i32
    %add3A_195 = arith.constant 416 : i32
    %add3A_196 = arith.addi %mul3A_194, %add3A_195 : i32
    "tpu.region"() ({
      %run_scoped3A_242 = tpu.sem_alloc : memref<!tpu.dma_semaphore, #tpu.memory_space<semaphore_mem>>
      %dma_start3A_243 = arith.constant 0 : i32
      %dma_start3A_244 = tpu.memref_slice %arg10[%add3A_196, %dma_start3A_243] : memref<10240x48xf32, #tpu.memory_space<vmem_shared>> -> memref<32x48xf32, #tpu.memory_space<vmem_shared>>
      %dma_start3A_245 = arith.constant 0 : i32
      %dma_start3A_246 = tpu.memref_slice %arg10[%add3A_196, %dma_start3A_245] : memref<10240x48xf32, #tpu.memory_space<vmem_shared>> -> memref<32x48xf32, #tpu.memory_space<vmem_shared>>
      tpu.enqueue_dma source(%dma_start3A_246 : memref<32x48xf32, #tpu.memory_space<vmem_shared>>) target(%arg9 : memref<32x48xf32, #tpu.memory_space<vmem>>) target_semaphore(%run_scoped3A_242 : memref<!tpu.dma_semaphore, #tpu.memory_space<semaphore_mem>>)
      %dma_wait3A_247 = arith.constant 0 : i32
      %dma_wait3A_248 = tpu.memref_slice %arg10[%add3A_196, %dma_wait3A_247] : memref<10240x48xf32, #tpu.memory_space<vmem_shared>> -> memref<32x48xf32, #tpu.memory_space<vmem_shared>>
      %dma_wait3A_249 = arith.constant 0 : i32
      %dma_wait3A_250 = tpu.memref_slice %arg10[%add3A_196, %dma_wait3A_249] : memref<10240x48xf32, #tpu.memory_space<vmem_shared>> -> memref<32x48xf32, #tpu.memory_space<vmem_shared>>
      tpu.wait_dma2 semaphore(%run_scoped3A_242 : memref<!tpu.dma_semaphore, #tpu.memory_space<semaphore_mem>>) src(%dma_wait3A_250 : memref<32x48xf32, #tpu.memory_space<vmem_shared>>) dst(%arg9 : memref<32x48xf32, #tpu.memory_space<vmem>>)
      tpu.yield
    }) : () -> ()
    %mul3A_197 = arith.constant 10240 : i32
    %mul3A_198 = arith.muli %arg0, %mul3A_197 : i32
    %add3A_199 = arith.addi %mul3A_198, %add3A_196 : i32
    "tpu.region"() ({
      %run_scoped3A_242 = tpu.sem_alloc : memref<!tpu.dma_semaphore, #tpu.memory_space<semaphore_mem>>
      %dma_start3A_243 = arith.constant 0 : i32
      %dma_start3A_244 = tpu.memref_slice %arg5[%add3A_199, %dma_start3A_243] : memref<20480x48xf32, #tpu.memory_space<hbm>> -> memref<32x48xf32, #tpu.memory_space<hbm>>
      %dma_start3A_245 = arith.constant 0 : i32
      %dma_start3A_246 = tpu.memref_slice %arg5[%add3A_199, %dma_start3A_245] : memref<20480x48xf32, #tpu.memory_space<hbm>> -> memref<32x48xf32, #tpu.memory_space<hbm>>
      tpu.enqueue_dma source(%arg9 : memref<32x48xf32, #tpu.memory_space<vmem>>) target(%dma_start3A_246 : memref<32x48xf32, #tpu.memory_space<hbm>>) target_semaphore(%run_scoped3A_242 : memref<!tpu.dma_semaphore, #tpu.memory_space<semaphore_mem>>)
      %dma_wait3A_247 = arith.constant 0 : i32
      %dma_wait3A_248 = tpu.memref_slice %arg5[%add3A_199, %dma_wait3A_247] : memref<20480x48xf32, #tpu.memory_space<hbm>> -> memref<32x48xf32, #tpu.memory_space<hbm>>
      %dma_wait3A_249 = arith.constant 0 : i32
      %dma_wait3A_250 = tpu.memref_slice %arg5[%add3A_199, %dma_wait3A_249] : memref<20480x48xf32, #tpu.memory_space<hbm>> -> memref<32x48xf32, #tpu.memory_space<hbm>>
      tpu.wait_dma2 semaphore(%run_scoped3A_242 : memref<!tpu.dma_semaphore, #tpu.memory_space<semaphore_mem>>) src(%arg9 : memref<32x48xf32, #tpu.memory_space<vmem>>) dst(%dma_wait3A_250 : memref<32x48xf32, #tpu.memory_space<hbm>>)
      tpu.yield
    }) : () -> ()
    %mul3A_200 = arith.constant 640 : i32
    %mul3A_201 = arith.muli %arg1, %mul3A_200 : i32
    %add3A_202 = arith.constant 448 : i32
    %add3A_203 = arith.addi %mul3A_201, %add3A_202 : i32
    "tpu.region"() ({
      %run_scoped3A_242 = tpu.sem_alloc : memref<!tpu.dma_semaphore, #tpu.memory_space<semaphore_mem>>
      %dma_start3A_243 = arith.constant 0 : i32
      %dma_start3A_244 = tpu.memref_slice %arg10[%add3A_203, %dma_start3A_243] : memref<10240x48xf32, #tpu.memory_space<vmem_shared>> -> memref<32x48xf32, #tpu.memory_space<vmem_shared>>
      %dma_start3A_245 = arith.constant 0 : i32
      %dma_start3A_246 = tpu.memref_slice %arg10[%add3A_203, %dma_start3A_245] : memref<10240x48xf32, #tpu.memory_space<vmem_shared>> -> memref<32x48xf32, #tpu.memory_space<vmem_shared>>
      tpu.enqueue_dma source(%dma_start3A_246 : memref<32x48xf32, #tpu.memory_space<vmem_shared>>) target(%arg9 : memref<32x48xf32, #tpu.memory_space<vmem>>) target_semaphore(%run_scoped3A_242 : memref<!tpu.dma_semaphore, #tpu.memory_space<semaphore_mem>>)
      %dma_wait3A_247 = arith.constant 0 : i32
      %dma_wait3A_248 = tpu.memref_slice %arg10[%add3A_203, %dma_wait3A_247] : memref<10240x48xf32, #tpu.memory_space<vmem_shared>> -> memref<32x48xf32, #tpu.memory_space<vmem_shared>>
      %dma_wait3A_249 = arith.constant 0 : i32
      %dma_wait3A_250 = tpu.memref_slice %arg10[%add3A_203, %dma_wait3A_249] : memref<10240x48xf32, #tpu.memory_space<vmem_shared>> -> memref<32x48xf32, #tpu.memory_space<vmem_shared>>
      tpu.wait_dma2 semaphore(%run_scoped3A_242 : memref<!tpu.dma_semaphore, #tpu.memory_space<semaphore_mem>>) src(%dma_wait3A_250 : memref<32x48xf32, #tpu.memory_space<vmem_shared>>) dst(%arg9 : memref<32x48xf32, #tpu.memory_space<vmem>>)
      tpu.yield
    }) : () -> ()
    %mul3A_204 = arith.constant 10240 : i32
    %mul3A_205 = arith.muli %arg0, %mul3A_204 : i32
    %add3A_206 = arith.addi %mul3A_205, %add3A_203 : i32
    "tpu.region"() ({
      %run_scoped3A_242 = tpu.sem_alloc : memref<!tpu.dma_semaphore, #tpu.memory_space<semaphore_mem>>
      %dma_start3A_243 = arith.constant 0 : i32
      %dma_start3A_244 = tpu.memref_slice %arg5[%add3A_206, %dma_start3A_243] : memref<20480x48xf32, #tpu.memory_space<hbm>> -> memref<32x48xf32, #tpu.memory_space<hbm>>
      %dma_start3A_245 = arith.constant 0 : i32
      %dma_start3A_246 = tpu.memref_slice %arg5[%add3A_206, %dma_start3A_245] : memref<20480x48xf32, #tpu.memory_space<hbm>> -> memref<32x48xf32, #tpu.memory_space<hbm>>
      tpu.enqueue_dma source(%arg9 : memref<32x48xf32, #tpu.memory_space<vmem>>) target(%dma_start3A_246 : memref<32x48xf32, #tpu.memory_space<hbm>>) target_semaphore(%run_scoped3A_242 : memref<!tpu.dma_semaphore, #tpu.memory_space<semaphore_mem>>)
      %dma_wait3A_247 = arith.constant 0 : i32
      %dma_wait3A_248 = tpu.memref_slice %arg5[%add3A_206, %dma_wait3A_247] : memref<20480x48xf32, #tpu.memory_space<hbm>> -> memref<32x48xf32, #tpu.memory_space<hbm>>
      %dma_wait3A_249 = arith.constant 0 : i32
      %dma_wait3A_250 = tpu.memref_slice %arg5[%add3A_206, %dma_wait3A_249] : memref<20480x48xf32, #tpu.memory_space<hbm>> -> memref<32x48xf32, #tpu.memory_space<hbm>>
      tpu.wait_dma2 semaphore(%run_scoped3A_242 : memref<!tpu.dma_semaphore, #tpu.memory_space<semaphore_mem>>) src(%arg9 : memref<32x48xf32, #tpu.memory_space<vmem>>) dst(%dma_wait3A_250 : memref<32x48xf32, #tpu.memory_space<hbm>>)
      tpu.yield
    }) : () -> ()
    %mul3A_207 = arith.constant 640 : i32
    %mul3A_208 = arith.muli %arg1, %mul3A_207 : i32
    %add3A_209 = arith.constant 480 : i32
    %add3A_210 = arith.addi %mul3A_208, %add3A_209 : i32
    "tpu.region"() ({
      %run_scoped3A_242 = tpu.sem_alloc : memref<!tpu.dma_semaphore, #tpu.memory_space<semaphore_mem>>
      %dma_start3A_243 = arith.constant 0 : i32
      %dma_start3A_244 = tpu.memref_slice %arg10[%add3A_210, %dma_start3A_243] : memref<10240x48xf32, #tpu.memory_space<vmem_shared>> -> memref<32x48xf32, #tpu.memory_space<vmem_shared>>
      %dma_start3A_245 = arith.constant 0 : i32
      %dma_start3A_246 = tpu.memref_slice %arg10[%add3A_210, %dma_start3A_245] : memref<10240x48xf32, #tpu.memory_space<vmem_shared>> -> memref<32x48xf32, #tpu.memory_space<vmem_shared>>
      tpu.enqueue_dma source(%dma_start3A_246 : memref<32x48xf32, #tpu.memory_space<vmem_shared>>) target(%arg9 : memref<32x48xf32, #tpu.memory_space<vmem>>) target_semaphore(%run_scoped3A_242 : memref<!tpu.dma_semaphore, #tpu.memory_space<semaphore_mem>>)
      %dma_wait3A_247 = arith.constant 0 : i32
      %dma_wait3A_248 = tpu.memref_slice %arg10[%add3A_210, %dma_wait3A_247] : memref<10240x48xf32, #tpu.memory_space<vmem_shared>> -> memref<32x48xf32, #tpu.memory_space<vmem_shared>>
      %dma_wait3A_249 = arith.constant 0 : i32
      %dma_wait3A_250 = tpu.memref_slice %arg10[%add3A_210, %dma_wait3A_249] : memref<10240x48xf32, #tpu.memory_space<vmem_shared>> -> memref<32x48xf32, #tpu.memory_space<vmem_shared>>
      tpu.wait_dma2 semaphore(%run_scoped3A_242 : memref<!tpu.dma_semaphore, #tpu.memory_space<semaphore_mem>>) src(%dma_wait3A_250 : memref<32x48xf32, #tpu.memory_space<vmem_shared>>) dst(%arg9 : memref<32x48xf32, #tpu.memory_space<vmem>>)
      tpu.yield
    }) : () -> ()
    %mul3A_211 = arith.constant 10240 : i32
    %mul3A_212 = arith.muli %arg0, %mul3A_211 : i32
    %add3A_213 = arith.addi %mul3A_212, %add3A_210 : i32
    "tpu.region"() ({
      %run_scoped3A_242 = tpu.sem_alloc : memref<!tpu.dma_semaphore, #tpu.memory_space<semaphore_mem>>
      %dma_start3A_243 = arith.constant 0 : i32
      %dma_start3A_244 = tpu.memref_slice %arg5[%add3A_213, %dma_start3A_243] : memref<20480x48xf32, #tpu.memory_space<hbm>> -> memref<32x48xf32, #tpu.memory_space<hbm>>
      %dma_start3A_245 = arith.constant 0 : i32
      %dma_start3A_246 = tpu.memref_slice %arg5[%add3A_213, %dma_start3A_245] : memref<20480x48xf32, #tpu.memory_space<hbm>> -> memref<32x48xf32, #tpu.memory_space<hbm>>
      tpu.enqueue_dma source(%arg9 : memref<32x48xf32, #tpu.memory_space<vmem>>) target(%dma_start3A_246 : memref<32x48xf32, #tpu.memory_space<hbm>>) target_semaphore(%run_scoped3A_242 : memref<!tpu.dma_semaphore, #tpu.memory_space<semaphore_mem>>)
      %dma_wait3A_247 = arith.constant 0 : i32
      %dma_wait3A_248 = tpu.memref_slice %arg5[%add3A_213, %dma_wait3A_247] : memref<20480x48xf32, #tpu.memory_space<hbm>> -> memref<32x48xf32, #tpu.memory_space<hbm>>
      %dma_wait3A_249 = arith.constant 0 : i32
      %dma_wait3A_250 = tpu.memref_slice %arg5[%add3A_213, %dma_wait3A_249] : memref<20480x48xf32, #tpu.memory_space<hbm>> -> memref<32x48xf32, #tpu.memory_space<hbm>>
      tpu.wait_dma2 semaphore(%run_scoped3A_242 : memref<!tpu.dma_semaphore, #tpu.memory_space<semaphore_mem>>) src(%arg9 : memref<32x48xf32, #tpu.memory_space<vmem>>) dst(%dma_wait3A_250 : memref<32x48xf32, #tpu.memory_space<hbm>>)
      tpu.yield
    }) : () -> ()
    %mul3A_214 = arith.constant 640 : i32
    %mul3A_215 = arith.muli %arg1, %mul3A_214 : i32
    %add3A_216 = arith.constant 512 : i32
    %add3A_217 = arith.addi %mul3A_215, %add3A_216 : i32
    "tpu.region"() ({
      %run_scoped3A_242 = tpu.sem_alloc : memref<!tpu.dma_semaphore, #tpu.memory_space<semaphore_mem>>
      %dma_start3A_243 = arith.constant 0 : i32
      %dma_start3A_244 = tpu.memref_slice %arg10[%add3A_217, %dma_start3A_243] : memref<10240x48xf32, #tpu.memory_space<vmem_shared>> -> memref<32x48xf32, #tpu.memory_space<vmem_shared>>
      %dma_start3A_245 = arith.constant 0 : i32
      %dma_start3A_246 = tpu.memref_slice %arg10[%add3A_217, %dma_start3A_245] : memref<10240x48xf32, #tpu.memory_space<vmem_shared>> -> memref<32x48xf32, #tpu.memory_space<vmem_shared>>
      tpu.enqueue_dma source(%dma_start3A_246 : memref<32x48xf32, #tpu.memory_space<vmem_shared>>) target(%arg9 : memref<32x48xf32, #tpu.memory_space<vmem>>) target_semaphore(%run_scoped3A_242 : memref<!tpu.dma_semaphore, #tpu.memory_space<semaphore_mem>>)
      %dma_wait3A_247 = arith.constant 0 : i32
      %dma_wait3A_248 = tpu.memref_slice %arg10[%add3A_217, %dma_wait3A_247] : memref<10240x48xf32, #tpu.memory_space<vmem_shared>> -> memref<32x48xf32, #tpu.memory_space<vmem_shared>>
      %dma_wait3A_249 = arith.constant 0 : i32
      %dma_wait3A_250 = tpu.memref_slice %arg10[%add3A_217, %dma_wait3A_249] : memref<10240x48xf32, #tpu.memory_space<vmem_shared>> -> memref<32x48xf32, #tpu.memory_space<vmem_shared>>
      tpu.wait_dma2 semaphore(%run_scoped3A_242 : memref<!tpu.dma_semaphore, #tpu.memory_space<semaphore_mem>>) src(%dma_wait3A_250 : memref<32x48xf32, #tpu.memory_space<vmem_shared>>) dst(%arg9 : memref<32x48xf32, #tpu.memory_space<vmem>>)
      tpu.yield
    }) : () -> ()
    %mul3A_218 = arith.constant 10240 : i32
    %mul3A_219 = arith.muli %arg0, %mul3A_218 : i32
    %add3A_220 = arith.addi %mul3A_219, %add3A_217 : i32
    "tpu.region"() ({
      %run_scoped3A_242 = tpu.sem_alloc : memref<!tpu.dma_semaphore, #tpu.memory_space<semaphore_mem>>
      %dma_start3A_243 = arith.constant 0 : i32
      %dma_start3A_244 = tpu.memref_slice %arg5[%add3A_220, %dma_start3A_243] : memref<20480x48xf32, #tpu.memory_space<hbm>> -> memref<32x48xf32, #tpu.memory_space<hbm>>
      %dma_start3A_245 = arith.constant 0 : i32
      %dma_start3A_246 = tpu.memref_slice %arg5[%add3A_220, %dma_start3A_245] : memref<20480x48xf32, #tpu.memory_space<hbm>> -> memref<32x48xf32, #tpu.memory_space<hbm>>
      tpu.enqueue_dma source(%arg9 : memref<32x48xf32, #tpu.memory_space<vmem>>) target(%dma_start3A_246 : memref<32x48xf32, #tpu.memory_space<hbm>>) target_semaphore(%run_scoped3A_242 : memref<!tpu.dma_semaphore, #tpu.memory_space<semaphore_mem>>)
      %dma_wait3A_247 = arith.constant 0 : i32
      %dma_wait3A_248 = tpu.memref_slice %arg5[%add3A_220, %dma_wait3A_247] : memref<20480x48xf32, #tpu.memory_space<hbm>> -> memref<32x48xf32, #tpu.memory_space<hbm>>
      %dma_wait3A_249 = arith.constant 0 : i32
      %dma_wait3A_250 = tpu.memref_slice %arg5[%add3A_220, %dma_wait3A_249] : memref<20480x48xf32, #tpu.memory_space<hbm>> -> memref<32x48xf32, #tpu.memory_space<hbm>>
      tpu.wait_dma2 semaphore(%run_scoped3A_242 : memref<!tpu.dma_semaphore, #tpu.memory_space<semaphore_mem>>) src(%arg9 : memref<32x48xf32, #tpu.memory_space<vmem>>) dst(%dma_wait3A_250 : memref<32x48xf32, #tpu.memory_space<hbm>>)
      tpu.yield
    }) : () -> ()
    %mul3A_221 = arith.constant 640 : i32
    %mul3A_222 = arith.muli %arg1, %mul3A_221 : i32
    %add3A_223 = arith.constant 544 : i32
    %add3A_224 = arith.addi %mul3A_222, %add3A_223 : i32
    "tpu.region"() ({
      %run_scoped3A_242 = tpu.sem_alloc : memref<!tpu.dma_semaphore, #tpu.memory_space<semaphore_mem>>
      %dma_start3A_243 = arith.constant 0 : i32
      %dma_start3A_244 = tpu.memref_slice %arg10[%add3A_224, %dma_start3A_243] : memref<10240x48xf32, #tpu.memory_space<vmem_shared>> -> memref<32x48xf32, #tpu.memory_space<vmem_shared>>
      %dma_start3A_245 = arith.constant 0 : i32
      %dma_start3A_246 = tpu.memref_slice %arg10[%add3A_224, %dma_start3A_245] : memref<10240x48xf32, #tpu.memory_space<vmem_shared>> -> memref<32x48xf32, #tpu.memory_space<vmem_shared>>
      tpu.enqueue_dma source(%dma_start3A_246 : memref<32x48xf32, #tpu.memory_space<vmem_shared>>) target(%arg9 : memref<32x48xf32, #tpu.memory_space<vmem>>) target_semaphore(%run_scoped3A_242 : memref<!tpu.dma_semaphore, #tpu.memory_space<semaphore_mem>>)
      %dma_wait3A_247 = arith.constant 0 : i32
      %dma_wait3A_248 = tpu.memref_slice %arg10[%add3A_224, %dma_wait3A_247] : memref<10240x48xf32, #tpu.memory_space<vmem_shared>> -> memref<32x48xf32, #tpu.memory_space<vmem_shared>>
      %dma_wait3A_249 = arith.constant 0 : i32
      %dma_wait3A_250 = tpu.memref_slice %arg10[%add3A_224, %dma_wait3A_249] : memref<10240x48xf32, #tpu.memory_space<vmem_shared>> -> memref<32x48xf32, #tpu.memory_space<vmem_shared>>
      tpu.wait_dma2 semaphore(%run_scoped3A_242 : memref<!tpu.dma_semaphore, #tpu.memory_space<semaphore_mem>>) src(%dma_wait3A_250 : memref<32x48xf32, #tpu.memory_space<vmem_shared>>) dst(%arg9 : memref<32x48xf32, #tpu.memory_space<vmem>>)
      tpu.yield
    }) : () -> ()
    %mul3A_225 = arith.constant 10240 : i32
    %mul3A_226 = arith.muli %arg0, %mul3A_225 : i32
    %add3A_227 = arith.addi %mul3A_226, %add3A_224 : i32
    "tpu.region"() ({
      %run_scoped3A_242 = tpu.sem_alloc : memref<!tpu.dma_semaphore, #tpu.memory_space<semaphore_mem>>
      %dma_start3A_243 = arith.constant 0 : i32
      %dma_start3A_244 = tpu.memref_slice %arg5[%add3A_227, %dma_start3A_243] : memref<20480x48xf32, #tpu.memory_space<hbm>> -> memref<32x48xf32, #tpu.memory_space<hbm>>
      %dma_start3A_245 = arith.constant 0 : i32
      %dma_start3A_246 = tpu.memref_slice %arg5[%add3A_227, %dma_start3A_245] : memref<20480x48xf32, #tpu.memory_space<hbm>> -> memref<32x48xf32, #tpu.memory_space<hbm>>
      tpu.enqueue_dma source(%arg9 : memref<32x48xf32, #tpu.memory_space<vmem>>) target(%dma_start3A_246 : memref<32x48xf32, #tpu.memory_space<hbm>>) target_semaphore(%run_scoped3A_242 : memref<!tpu.dma_semaphore, #tpu.memory_space<semaphore_mem>>)
      %dma_wait3A_247 = arith.constant 0 : i32
      %dma_wait3A_248 = tpu.memref_slice %arg5[%add3A_227, %dma_wait3A_247] : memref<20480x48xf32, #tpu.memory_space<hbm>> -> memref<32x48xf32, #tpu.memory_space<hbm>>
      %dma_wait3A_249 = arith.constant 0 : i32
      %dma_wait3A_250 = tpu.memref_slice %arg5[%add3A_227, %dma_wait3A_249] : memref<20480x48xf32, #tpu.memory_space<hbm>> -> memref<32x48xf32, #tpu.memory_space<hbm>>
      tpu.wait_dma2 semaphore(%run_scoped3A_242 : memref<!tpu.dma_semaphore, #tpu.memory_space<semaphore_mem>>) src(%arg9 : memref<32x48xf32, #tpu.memory_space<vmem>>) dst(%dma_wait3A_250 : memref<32x48xf32, #tpu.memory_space<hbm>>)
      tpu.yield
    }) : () -> ()
    %mul3A_228 = arith.constant 640 : i32
    %mul3A_229 = arith.muli %arg1, %mul3A_228 : i32
    %add3A_230 = arith.constant 576 : i32
    %add3A_231 = arith.addi %mul3A_229, %add3A_230 : i32
    "tpu.region"() ({
      %run_scoped3A_242 = tpu.sem_alloc : memref<!tpu.dma_semaphore, #tpu.memory_space<semaphore_mem>>
      %dma_start3A_243 = arith.constant 0 : i32
      %dma_start3A_244 = tpu.memref_slice %arg10[%add3A_231, %dma_start3A_243] : memref<10240x48xf32, #tpu.memory_space<vmem_shared>> -> memref<32x48xf32, #tpu.memory_space<vmem_shared>>
      %dma_start3A_245 = arith.constant 0 : i32
      %dma_start3A_246 = tpu.memref_slice %arg10[%add3A_231, %dma_start3A_245] : memref<10240x48xf32, #tpu.memory_space<vmem_shared>> -> memref<32x48xf32, #tpu.memory_space<vmem_shared>>
      tpu.enqueue_dma source(%dma_start3A_246 : memref<32x48xf32, #tpu.memory_space<vmem_shared>>) target(%arg9 : memref<32x48xf32, #tpu.memory_space<vmem>>) target_semaphore(%run_scoped3A_242 : memref<!tpu.dma_semaphore, #tpu.memory_space<semaphore_mem>>)
      %dma_wait3A_247 = arith.constant 0 : i32
      %dma_wait3A_248 = tpu.memref_slice %arg10[%add3A_231, %dma_wait3A_247] : memref<10240x48xf32, #tpu.memory_space<vmem_shared>> -> memref<32x48xf32, #tpu.memory_space<vmem_shared>>
      %dma_wait3A_249 = arith.constant 0 : i32
      %dma_wait3A_250 = tpu.memref_slice %arg10[%add3A_231, %dma_wait3A_249] : memref<10240x48xf32, #tpu.memory_space<vmem_shared>> -> memref<32x48xf32, #tpu.memory_space<vmem_shared>>
      tpu.wait_dma2 semaphore(%run_scoped3A_242 : memref<!tpu.dma_semaphore, #tpu.memory_space<semaphore_mem>>) src(%dma_wait3A_250 : memref<32x48xf32, #tpu.memory_space<vmem_shared>>) dst(%arg9 : memref<32x48xf32, #tpu.memory_space<vmem>>)
      tpu.yield
    }) : () -> ()
    %mul3A_232 = arith.constant 10240 : i32
    %mul3A_233 = arith.muli %arg0, %mul3A_232 : i32
    %add3A_234 = arith.addi %mul3A_233, %add3A_231 : i32
    "tpu.region"() ({
      %run_scoped3A_242 = tpu.sem_alloc : memref<!tpu.dma_semaphore, #tpu.memory_space<semaphore_mem>>
      %dma_start3A_243 = arith.constant 0 : i32
      %dma_start3A_244 = tpu.memref_slice %arg5[%add3A_234, %dma_start3A_243] : memref<20480x48xf32, #tpu.memory_space<hbm>> -> memref<32x48xf32, #tpu.memory_space<hbm>>
      %dma_start3A_245 = arith.constant 0 : i32
      %dma_start3A_246 = tpu.memref_slice %arg5[%add3A_234, %dma_start3A_245] : memref<20480x48xf32, #tpu.memory_space<hbm>> -> memref<32x48xf32, #tpu.memory_space<hbm>>
      tpu.enqueue_dma source(%arg9 : memref<32x48xf32, #tpu.memory_space<vmem>>) target(%dma_start3A_246 : memref<32x48xf32, #tpu.memory_space<hbm>>) target_semaphore(%run_scoped3A_242 : memref<!tpu.dma_semaphore, #tpu.memory_space<semaphore_mem>>)
      %dma_wait3A_247 = arith.constant 0 : i32
      %dma_wait3A_248 = tpu.memref_slice %arg5[%add3A_234, %dma_wait3A_247] : memref<20480x48xf32, #tpu.memory_space<hbm>> -> memref<32x48xf32, #tpu.memory_space<hbm>>
      %dma_wait3A_249 = arith.constant 0 : i32
      %dma_wait3A_250 = tpu.memref_slice %arg5[%add3A_234, %dma_wait3A_249] : memref<20480x48xf32, #tpu.memory_space<hbm>> -> memref<32x48xf32, #tpu.memory_space<hbm>>
      tpu.wait_dma2 semaphore(%run_scoped3A_242 : memref<!tpu.dma_semaphore, #tpu.memory_space<semaphore_mem>>) src(%arg9 : memref<32x48xf32, #tpu.memory_space<vmem>>) dst(%dma_wait3A_250 : memref<32x48xf32, #tpu.memory_space<hbm>>)
      tpu.yield
    }) : () -> ()
    %mul3A_235 = arith.constant 640 : i32
    %mul3A_236 = arith.muli %arg1, %mul3A_235 : i32
    %add3A_237 = arith.constant 608 : i32
    %add3A_238 = arith.addi %mul3A_236, %add3A_237 : i32
    "tpu.region"() ({
      %run_scoped3A_242 = tpu.sem_alloc : memref<!tpu.dma_semaphore, #tpu.memory_space<semaphore_mem>>
      %dma_start3A_243 = arith.constant 0 : i32
      %dma_start3A_244 = tpu.memref_slice %arg10[%add3A_238, %dma_start3A_243] : memref<10240x48xf32, #tpu.memory_space<vmem_shared>> -> memref<32x48xf32, #tpu.memory_space<vmem_shared>>
      %dma_start3A_245 = arith.constant 0 : i32
      %dma_start3A_246 = tpu.memref_slice %arg10[%add3A_238, %dma_start3A_245] : memref<10240x48xf32, #tpu.memory_space<vmem_shared>> -> memref<32x48xf32, #tpu.memory_space<vmem_shared>>
      tpu.enqueue_dma source(%dma_start3A_246 : memref<32x48xf32, #tpu.memory_space<vmem_shared>>) target(%arg9 : memref<32x48xf32, #tpu.memory_space<vmem>>) target_semaphore(%run_scoped3A_242 : memref<!tpu.dma_semaphore, #tpu.memory_space<semaphore_mem>>)
      %dma_wait3A_247 = arith.constant 0 : i32
      %dma_wait3A_248 = tpu.memref_slice %arg10[%add3A_238, %dma_wait3A_247] : memref<10240x48xf32, #tpu.memory_space<vmem_shared>> -> memref<32x48xf32, #tpu.memory_space<vmem_shared>>
      %dma_wait3A_249 = arith.constant 0 : i32
      %dma_wait3A_250 = tpu.memref_slice %arg10[%add3A_238, %dma_wait3A_249] : memref<10240x48xf32, #tpu.memory_space<vmem_shared>> -> memref<32x48xf32, #tpu.memory_space<vmem_shared>>
      tpu.wait_dma2 semaphore(%run_scoped3A_242 : memref<!tpu.dma_semaphore, #tpu.memory_space<semaphore_mem>>) src(%dma_wait3A_250 : memref<32x48xf32, #tpu.memory_space<vmem_shared>>) dst(%arg9 : memref<32x48xf32, #tpu.memory_space<vmem>>)
      tpu.yield
    }) : () -> ()
    %mul3A_239 = arith.constant 10240 : i32
    %mul3A_240 = arith.muli %arg0, %mul3A_239 : i32
    %add3A_241 = arith.addi %mul3A_240, %add3A_238 : i32
    "tpu.region"() ({
      %run_scoped3A_242 = tpu.sem_alloc : memref<!tpu.dma_semaphore, #tpu.memory_space<semaphore_mem>>
      %dma_start3A_243 = arith.constant 0 : i32
      %dma_start3A_244 = tpu.memref_slice %arg5[%add3A_241, %dma_start3A_243] : memref<20480x48xf32, #tpu.memory_space<hbm>> -> memref<32x48xf32, #tpu.memory_space<hbm>>
      %dma_start3A_245 = arith.constant 0 : i32
      %dma_start3A_246 = tpu.memref_slice %arg5[%add3A_241, %dma_start3A_245] : memref<20480x48xf32, #tpu.memory_space<hbm>> -> memref<32x48xf32, #tpu.memory_space<hbm>>
      tpu.enqueue_dma source(%arg9 : memref<32x48xf32, #tpu.memory_space<vmem>>) target(%dma_start3A_246 : memref<32x48xf32, #tpu.memory_space<hbm>>) target_semaphore(%run_scoped3A_242 : memref<!tpu.dma_semaphore, #tpu.memory_space<semaphore_mem>>)
      %dma_wait3A_247 = arith.constant 0 : i32
      %dma_wait3A_248 = tpu.memref_slice %arg5[%add3A_241, %dma_wait3A_247] : memref<20480x48xf32, #tpu.memory_space<hbm>> -> memref<32x48xf32, #tpu.memory_space<hbm>>
      %dma_wait3A_249 = arith.constant 0 : i32
      %dma_wait3A_250 = tpu.memref_slice %arg5[%add3A_241, %dma_wait3A_249] : memref<20480x48xf32, #tpu.memory_space<hbm>> -> memref<32x48xf32, #tpu.memory_space<hbm>>
      tpu.wait_dma2 semaphore(%run_scoped3A_242 : memref<!tpu.dma_semaphore, #tpu.memory_space<semaphore_mem>>) src(%arg9 : memref<32x48xf32, #tpu.memory_space<vmem>>) dst(%dma_wait3A_250 : memref<32x48xf32, #tpu.memory_space<hbm>>)
      tpu.yield
    }) : () -> ()
    return
  }
}

module attributes {stable_mosaic.version = 14 : i64} {
  func.func @_tc_a_body(%arg0: i32, %arg1: memref<1000x1xf32, #tpu.memory_space<vmem>>, %arg2: memref<1000x1xf32, #tpu.memory_space<vmem>>, %arg3: memref<1000x128xf32, #tpu.memory_space<vmem>>, %arg4: memref<1000x128xf32, #tpu.memory_space<vmem>>) attributes {dimension_semantics = [#tpu.dimension_semantics<arbitrary>], iteration_bounds = array<i64: 10>, scalar_prefetch = 0 : i64, scratch_operands = 0 : i64, tpu.core_type = #tpu.core_type<tc>, window_params = [{transform_indices = @transform_0, window_bounds = array<i64: 1000, 1>}, {transform_indices = @transform_1, window_bounds = array<i64: 1000, 1>}, {transform_indices = @transform_2, window_bounds = array<i64: 1000, 128>}, {transform_indices = @transform_3, window_bounds = array<i64: 1000, 128>}]} {
    %get3A = arith.constant 0 : index
    %get3A_0 = arith.constant 0 : index
    %get3A_1 = vector.load %arg1[%get3A, %get3A_0] : memref<1000x1xf32, #tpu.memory_space<vmem>>, vector<1000x1xf32>
    %get3A_2 = arith.constant 0 : index
    %get3A_3 = arith.constant 0 : index
    %get3A_4 = vector.load %arg2[%get3A_2, %get3A_3] : memref<1000x1xf32, #tpu.memory_space<vmem>>, vector<1000x1xf32>
    %add3A = arith.addf %get3A_1, %get3A_4 : vector<1000x1xf32>
    %add3A_5 = arith.constant 1.000000e+00 : f32
    %add3A_6 = vector.broadcast %add3A_5 : f32 to vector<1000x1xf32>
    %add3A_7 = arith.addf %add3A, %add3A_6 : vector<1000x1xf32>
    %rsqrt3A = math.rsqrt %add3A_7 : vector<1000x1xf32>
    %get3A_8 = arith.constant 0 : index
    %get3A_9 = arith.constant 0 : index
    %get3A_10 = vector.load %arg3[%get3A_8, %get3A_9] : memref<1000x128xf32, #tpu.memory_space<vmem>>, vector<1000x128xf32>
    %mul3A = vector.broadcast %rsqrt3A : vector<1000x1xf32> to vector<1000x128xf32>
    %mul3A_11 = arith.mulf %get3A_10, %mul3A : vector<1000x128xf32>
    %swap3A = arith.constant 0 : index
    %swap3A_12 = arith.constant 0 : index
    %swap3A_13 = vector.load %arg4[%swap3A, %swap3A_12] : memref<1000x128xf32, #tpu.memory_space<vmem>>, vector<1000x128xf32>
    tpu.vector_store %arg4[%swap3A, %swap3A_12], %mul3A_11 {strides = array<i32>} : memref<1000x128xf32, #tpu.memory_space<vmem>>, vector<1000x128xf32>,
    return
  }
  func.func @transform_0(%arg0: i32) -> (i32, i32) {
    %c0_i32 = arith.constant 0 : i32
    %c0_i32_0 = arith.constant 0 : i32
    return %arg0, %c0_i32 : i32, i32
  }
  func.func @transform_1(%arg0: i32) -> (i32, i32) {
    %c0_i32 = arith.constant 0 : i32
    %c0_i32_0 = arith.constant 0 : i32
    return %arg0, %c0_i32 : i32, i32
  }
  func.func @transform_2(%arg0: i32) -> (i32, i32) {
    %c0_i32 = arith.constant 0 : i32
    %c0_i32_0 = arith.constant 0 : i32
    return %arg0, %c0_i32 : i32, i32
  }
  func.func @transform_3(%arg0: i32) -> (i32, i32) {
    %c0_i32 = arith.constant 0 : i32
    %c0_i32_0 = arith.constant 0 : i32
    return %arg0, %c0_i32 : i32, i32
  }
}

module attributes {stable_mosaic.version = 14 : i64} {
  func.func @_tc_b_body(%arg0: i32, %arg1: memref<1000x1xf32, #tpu.memory_space<vmem>>, %arg2: memref<1000x1xf32, #tpu.memory_space<vmem>>, %arg3: memref<1000x128xf32, #tpu.memory_space<vmem>>, %arg4: memref<1000x128xf32, #tpu.memory_space<vmem>>, %arg5: memref<1000x128xf32, #tpu.memory_space<vmem>>, %arg6: memref<128x128xf32, #tpu.memory_space<vmem>>, %arg7: memref<1x128xf32, #tpu.memory_space<vmem>>, %arg8: memref<128x48xf32, #tpu.memory_space<vmem>>, %arg9: memref<1000x48xf32, #tpu.memory_space<vmem>>) attributes {dimension_semantics = [#tpu.dimension_semantics<arbitrary>], iteration_bounds = array<i64: 10>, scalar_prefetch = 0 : i64, scratch_operands = 0 : i64, tpu.core_type = #tpu.core_type<tc>, window_params = [{transform_indices = @transform_0, window_bounds = array<i64: 1000, 1>}, {transform_indices = @transform_1, window_bounds = array<i64: 1000, 1>}, {transform_indices = @transform_2, window_bounds = array<i64: 1000, 128>}, {transform_indices = @transform_3, window_bounds = array<i64: 1000, 128>}, {transform_indices = @transform_4, window_bounds = array<i64: 1000, 128>}, {pipeline_mode = #tpu.pipeline_mode<synchronous>, transform_indices = @transform_5, window_bounds = array<i64: 128, 128>}, {pipeline_mode = #tpu.pipeline_mode<synchronous>, transform_indices = @transform_6, window_bounds = array<i64: 1, 128>}, {pipeline_mode = #tpu.pipeline_mode<synchronous>, transform_indices = @transform_7, window_bounds = array<i64: 128, 48>}, {transform_indices = @transform_8, window_bounds = array<i64: 1000, 48>}]} {
    %get3A = arith.constant 0 : index
    %get3A_0 = arith.constant 0 : index
    %get3A_1 = vector.load %arg1[%get3A, %get3A_0] : memref<1000x1xf32, #tpu.memory_space<vmem>>, vector<1000x1xf32>
    %get3A_2 = arith.constant 0 : index
    %get3A_3 = arith.constant 0 : index
    %get3A_4 = vector.load %arg2[%get3A_2, %get3A_3] : memref<1000x1xf32, #tpu.memory_space<vmem>>, vector<1000x1xf32>
    %add3A = arith.addf %get3A_1, %get3A_4 : vector<1000x1xf32>
    %add3A_5 = arith.constant 1.000000e+00 : f32
    %add3A_6 = vector.broadcast %add3A_5 : f32 to vector<1000x1xf32>
    %add3A_7 = arith.addf %add3A, %add3A_6 : vector<1000x1xf32>
    %rsqrt3A = math.rsqrt %add3A_7 : vector<1000x1xf32>
    %get3A_8 = arith.constant 0 : index
    %get3A_9 = arith.constant 0 : index
    %get3A_10 = vector.load %arg3[%get3A_8, %get3A_9] : memref<1000x128xf32, #tpu.memory_space<vmem>>, vector<1000x128xf32>
    %get3A_11 = arith.constant 0 : index
    %get3A_12 = arith.constant 0 : index
    %get3A_13 = vector.load %arg4[%get3A_11, %get3A_12] : memref<1000x128xf32, #tpu.memory_space<vmem>>, vector<1000x128xf32>
    %add3A_14 = arith.addf %get3A_10, %get3A_13 : vector<1000x128xf32>
    %get3A_15 = arith.constant 0 : index
    %get3A_16 = arith.constant 0 : index
    %get3A_17 = vector.load %arg5[%get3A_15, %get3A_16] : memref<1000x128xf32, #tpu.memory_space<vmem>>, vector<1000x128xf32>
    %add3A_18 = arith.addf %add3A_14, %get3A_17 : vector<1000x128xf32>
    %mul3A = vector.broadcast %rsqrt3A : vector<1000x1xf32> to vector<1000x128xf32>
    %mul3A_19 = arith.mulf %mul3A, %add3A_18 : vector<1000x128xf32>
    %get3A_20 = arith.constant 0 : index
    %get3A_21 = arith.constant 0 : index
    %get3A_22 = vector.load %arg6[%get3A_20, %get3A_21] : memref<128x128xf32, #tpu.memory_space<vmem>>, vector<128x128xf32>
    %dot_general3A = arith.constant dense<0.000000e+00> : vector<1000x128xf32>
    %dot_general3A_23 = tpu.matmul %mul3A_19, %get3A_22, %dot_general3A {dimension_numbers = #tpu.dot_dimension_numbers<[1], [0], [0], [1], [0, 0, 1, 1], [], []>, transpose_lhs_hint = false} : vector<1000x128xf32>, vector<128x128xf32>, vector<1000x128xf32> -> vector<1000x128xf32>
    %get3A_24 = arith.constant 0 : index
    %get3A_25 = arith.constant 0 : index
    %get3A_26 = vector.load %arg7[%get3A_24, %get3A_25] : memref<1x128xf32, #tpu.memory_space<vmem>>, vector<1x128xf32>
    %add3A_27 = vector.broadcast %get3A_26 : vector<1x128xf32> to vector<1000x128xf32>
    %add3A_28 = arith.addf %dot_general3A_23, %add3A_27 : vector<1000x128xf32>
    %max3A = arith.constant 0.000000e+00 : f32
    %max3A_29 = vector.broadcast %max3A : f32 to vector<1000x128xf32>
    %max3A_30 = arith.maximumf %add3A_28, %max3A_29 : vector<1000x128xf32>
    %get3A_31 = arith.constant 0 : index
    %get3A_32 = arith.constant 0 : index
    %get3A_33 = vector.load %arg8[%get3A_31, %get3A_32] : memref<128x48xf32, #tpu.memory_space<vmem>>, vector<128x48xf32>
    %dot_general3A_34 = arith.constant dense<0.000000e+00> : vector<1000x48xf32>
    %dot_general3A_35 = tpu.matmul %max3A_30, %get3A_33, %dot_general3A_34 {dimension_numbers = #tpu.dot_dimension_numbers<[1], [0], [0], [1], [0, 0, 1, 1], [], []>, transpose_lhs_hint = false} : vector<1000x128xf32>, vector<128x48xf32>, vector<1000x48xf32> -> vector<1000x48xf32>
    %mul3A_36 = vector.broadcast %rsqrt3A : vector<1000x1xf32> to vector<1000x48xf32>
    %mul3A_37 = arith.mulf %mul3A_36, %dot_general3A_35 : vector<1000x48xf32>
    %swap3A = arith.constant 0 : index
    %swap3A_38 = arith.constant 0 : index
    %swap3A_39 = vector.load %arg9[%swap3A, %swap3A_38] : memref<1000x48xf32, #tpu.memory_space<vmem>>, vector<1000x48xf32>
    tpu.vector_store %arg9[%swap3A, %swap3A_38], %mul3A_37 {strides = array<i32>} : memref<1000x48xf32, #tpu.memory_space<vmem>>, vector<1000x48xf32>,
    return
  }
  func.func @transform_0(%arg0: i32) -> (i32, i32) {
    %c0_i32 = arith.constant 0 : i32
    %c0_i32_0 = arith.constant 0 : i32
    return %arg0, %c0_i32 : i32, i32
  }
  func.func @transform_1(%arg0: i32) -> (i32, i32) {
    %c0_i32 = arith.constant 0 : i32
    %c0_i32_0 = arith.constant 0 : i32
    return %arg0, %c0_i32 : i32, i32
  }
  func.func @transform_2(%arg0: i32) -> (i32, i32) {
    %c0_i32 = arith.constant 0 : i32
    %c0_i32_0 = arith.constant 0 : i32
    return %arg0, %c0_i32 : i32, i32
  }
  func.func @transform_3(%arg0: i32) -> (i32, i32) {
    %c0_i32 = arith.constant 0 : i32
    %c0_i32_0 = arith.constant 0 : i32
    return %arg0, %c0_i32 : i32, i32
  }
  func.func @transform_4(%arg0: i32) -> (i32, i32) {
    %c0_i32 = arith.constant 0 : i32
    %c0_i32_0 = arith.constant 0 : i32
    return %arg0, %c0_i32 : i32, i32
  }
  func.func @transform_5(%arg0: i32) -> (i32, i32) {
    %c0_i32 = arith.constant 0 : i32
    %c0_i32_0 = arith.constant 0 : i32
    %c0_i32_1 = arith.constant 0 : i32
    return %c0_i32, %c0_i32_0 : i32, i32
  }
  func.func @transform_6(%arg0: i32) -> (i32, i32) {
    %c0_i32 = arith.constant 0 : i32
    %c0_i32_0 = arith.constant 0 : i32
    %c0_i32_1 = arith.constant 0 : i32
    return %c0_i32, %c0_i32_0 : i32, i32
  }
  func.func @transform_7(%arg0: i32) -> (i32, i32) {
    %c0_i32 = arith.constant 0 : i32
    %c0_i32_0 = arith.constant 0 : i32
    %c0_i32_1 = arith.constant 0 : i32
    return %c0_i32, %c0_i32_0 : i32, i32
  }
  func.func @transform_8(%arg0: i32) -> (i32, i32) {
    %c0_i32 = arith.constant 0 : i32
    %c0_i32_0 = arith.constant 0 : i32
    return %arg0, %c0_i32 : i32, i32
  }
}

module attributes {stable_mosaic.version = 14 : i64} {
  func.func @_tc_c_body(%arg0: i32, %arg1: memref<1000x1xf32, #tpu.memory_space<vmem>>, %arg2: memref<1000x1xf32, #tpu.memory_space<vmem>>, %arg3: memref<1000x48xf32, #tpu.memory_space<vmem>>, %arg4: memref<1000x48xf32, #tpu.memory_space<vmem>>, %arg5: memref<1000x48xf32, #tpu.memory_space<vmem>>, %arg6: memref<1x48xf32, #tpu.memory_space<vmem>>, %arg7: memref<1000x48xf32, #tpu.memory_space<vmem>>) attributes {dimension_semantics = [#tpu.dimension_semantics<arbitrary>], iteration_bounds = array<i64: 10>, scalar_prefetch = 0 : i64, scratch_operands = 0 : i64, tpu.core_type = #tpu.core_type<tc>, window_params = [{transform_indices = @transform_0, window_bounds = array<i64: 1000, 1>}, {transform_indices = @transform_1, window_bounds = array<i64: 1000, 1>}, {transform_indices = @transform_2, window_bounds = array<i64: 1000, 48>}, {transform_indices = @transform_3, window_bounds = array<i64: 1000, 48>}, {transform_indices = @transform_4, window_bounds = array<i64: 1000, 48>}, {pipeline_mode = #tpu.pipeline_mode<synchronous>, transform_indices = @transform_5, window_bounds = array<i64: 1, 48>}, {transform_indices = @transform_6, window_bounds = array<i64: 1000, 48>}]} {
    %get3A = arith.constant 0 : index
    %get3A_0 = arith.constant 0 : index
    %get3A_1 = vector.load %arg1[%get3A, %get3A_0] : memref<1000x1xf32, #tpu.memory_space<vmem>>, vector<1000x1xf32>
    %get3A_2 = arith.constant 0 : index
    %get3A_3 = arith.constant 0 : index
    %get3A_4 = vector.load %arg2[%get3A_2, %get3A_3] : memref<1000x1xf32, #tpu.memory_space<vmem>>, vector<1000x1xf32>
    %add3A = arith.addf %get3A_1, %get3A_4 : vector<1000x1xf32>
    %add3A_5 = arith.constant 1.000000e+00 : f32
    %add3A_6 = vector.broadcast %add3A_5 : f32 to vector<1000x1xf32>
    %add3A_7 = arith.addf %add3A, %add3A_6 : vector<1000x1xf32>
    %rsqrt3A = math.rsqrt %add3A_7 : vector<1000x1xf32>
    %get3A_8 = arith.constant 0 : index
    %get3A_9 = arith.constant 0 : index
    %get3A_10 = vector.load %arg3[%get3A_8, %get3A_9] : memref<1000x48xf32, #tpu.memory_space<vmem>>, vector<1000x48xf32>
    %get3A_11 = arith.constant 0 : index
    %get3A_12 = arith.constant 0 : index
    %get3A_13 = vector.load %arg4[%get3A_11, %get3A_12] : memref<1000x48xf32, #tpu.memory_space<vmem>>, vector<1000x48xf32>
    %add3A_14 = arith.addf %get3A_10, %get3A_13 : vector<1000x48xf32>
    %get3A_15 = arith.constant 0 : index
    %get3A_16 = arith.constant 0 : index
    %get3A_17 = vector.load %arg5[%get3A_15, %get3A_16] : memref<1000x48xf32, #tpu.memory_space<vmem>>, vector<1000x48xf32>
    %add3A_18 = arith.addf %add3A_14, %get3A_17 : vector<1000x48xf32>
    %mul3A = vector.broadcast %rsqrt3A : vector<1000x1xf32> to vector<1000x48xf32>
    %mul3A_19 = arith.mulf %mul3A, %add3A_18 : vector<1000x48xf32>
    %get3A_20 = arith.constant 0 : index
    %get3A_21 = arith.constant 0 : index
    %get3A_22 = vector.load %arg6[%get3A_20, %get3A_21] : memref<1x48xf32, #tpu.memory_space<vmem>>, vector<1x48xf32>
    %add3A_23 = vector.broadcast %get3A_22 : vector<1x48xf32> to vector<1000x48xf32>
    %add3A_24 = arith.addf %mul3A_19, %add3A_23 : vector<1000x48xf32>
    %max3A = arith.constant 0.000000e+00 : f32
    %max3A_25 = vector.broadcast %max3A : f32 to vector<1000x48xf32>
    %max3A_26 = arith.maximumf %add3A_24, %max3A_25 : vector<1000x48xf32>
    %iota3A = tpu.iota {dimensions = array<i32: 1>} : vector<1000x48xi32>
    %lt3A = arith.constant 40 : i32
    %lt3A_27 = vector.broadcast %lt3A : i32 to vector<1000x48xi32>
    %lt3A_28 = arith.cmpi slt, %iota3A, %lt3A_27 : vector<1000x48xi32>
    %jit3A = arith.constant -1.000000e+30 : f32
    %broadcast_in_dim3A = vector.broadcast %jit3A : f32 to vector<1000x48xf32>
    %select_n3A = arith.select %lt3A_28, %max3A_26, %broadcast_in_dim3A : vector<1000x48xi1>, vector<1000x48xf32>
    %reduce_max3A = arith.constant dense<0xFF800000> : vector<1000xf32>
    %reduce_max3A_29 = vector.multi_reduction <maximumf>, %select_n3A, %reduce_max3A [1] : vector<1000x48xf32> to vector<1000xf32>
    %broadcast_in_dim3A_30 = vector.shape_cast %reduce_max3A_29 : vector<1000xf32> to vector<1000x1xf32>
    %sub3A = vector.broadcast %broadcast_in_dim3A_30 : vector<1000x1xf32> to vector<1000x48xf32>
    %sub3A_31 = arith.subf %select_n3A, %sub3A : vector<1000x48xf32>
    %exp3A = math.exp %sub3A_31 : vector<1000x48xf32>
    %reduce_sum3A = arith.constant dense<0.000000e+00> : vector<1000xf32>
    %reduce_sum3A_32 = vector.multi_reduction <add>, %exp3A, %reduce_sum3A [1] : vector<1000x48xf32> to vector<1000xf32>
    %broadcast_in_dim3A_33 = vector.shape_cast %reduce_sum3A_32 : vector<1000xf32> to vector<1000x1xf32>
    %log3A = math.log %broadcast_in_dim3A_33 : vector<1000x1xf32>
    %sub3A_34 = vector.broadcast %broadcast_in_dim3A_30 : vector<1000x1xf32> to vector<1000x48xf32>
    %sub3A_35 = arith.subf %select_n3A, %sub3A_34 : vector<1000x48xf32>
    %sub3A_36 = vector.broadcast %log3A : vector<1000x1xf32> to vector<1000x48xf32>
    %sub3A_37 = arith.subf %sub3A_35, %sub3A_36 : vector<1000x48xf32>
    %swap3A = arith.constant 0 : index
    %swap3A_38 = arith.constant 0 : index
    %swap3A_39 = vector.load %arg7[%swap3A, %swap3A_38] : memref<1000x48xf32, #tpu.memory_space<vmem>>, vector<1000x48xf32>
    tpu.vector_store %arg7[%swap3A, %swap3A_38], %sub3A_37 {strides = array<i32>} : memref<1000x48xf32, #tpu.memory_space<vmem>>, vector<1000x48xf32>,
    return
  }
  func.func @transform_0(%arg0: i32) -> (i32, i32) {
    %c0_i32 = arith.constant 0 : i32
    %c0_i32_0 = arith.constant 0 : i32
    return %arg0, %c0_i32 : i32, i32
  }
  func.func @transform_1(%arg0: i32) -> (i32, i32) {
    %c0_i32 = arith.constant 0 : i32
    %c0_i32_0 = arith.constant 0 : i32
    return %arg0, %c0_i32 : i32, i32
  }
  func.func @transform_2(%arg0: i32) -> (i32, i32) {
    %c0_i32 = arith.constant 0 : i32
    %c0_i32_0 = arith.constant 0 : i32
    return %arg0, %c0_i32 : i32, i32
  }
  func.func @transform_3(%arg0: i32) -> (i32, i32) {
    %c0_i32 = arith.constant 0 : i32
    %c0_i32_0 = arith.constant 0 : i32
    return %arg0, %c0_i32 : i32, i32
  }
  func.func @transform_4(%arg0: i32) -> (i32, i32) {
    %c0_i32 = arith.constant 0 : i32
    %c0_i32_0 = arith.constant 0 : i32
    return %arg0, %c0_i32 : i32, i32
  }
  func.func @transform_5(%arg0: i32) -> (i32, i32) {
    %c0_i32 = arith.constant 0 : i32
    %c0_i32_0 = arith.constant 0 : i32
    %c0_i32_1 = arith.constant 0 : i32
    return %c0_i32, %c0_i32_0 : i32, i32
  }
  func.func @transform_6(%arg0: i32) -> (i32, i32) {
    %c0_i32 = arith.constant 0 : i32
    %c0_i32_0 = arith.constant 0 : i32
    return %arg0, %c0_i32 : i32, i32
  }
}

</mosaic_0001>

<sc_bundles>
// kernel: kernel.11.cloned.1.call-start
scs
__scs_entry_jumppad:
0x0: {  	(pc) =	sbr.rel $0x88, $3  }
0x1: {  	(tag) =	ssettag $0x0;
	lr =	simm.s32 $0x1  }
0x2: {  	[smem:$0x3F9B] =	sst lr;
	_ =	strace $0xD0000000  }
0x3: {  	_ = 	snop  }
0x4: {  	_ = 	snop  }
0x5: {  	_ = 	snop  }
0x6: {  	_ = 	snop  }
0x7: {  	_ = 	snop  }
__scs_overlays_trampoline_lowered:
0x8: {  	[smem:$0x3FAA] =	sst s0  }
0x9: {  	[smem:$0x3FAB] =	sst s1  }
0xa: {  	[smem:$0x3FAC] =	sst s2  }
0xb: {  	[smem:$0x3FAD] =	sst s3  }
0xc: {  	[smem:$0x3FAE] =	sst s4  }
0xd: {  	[smem:$0x3FAF] =	sst s5  }
0xe: {  	[smem:$0x3FB0] =	sst s6  }
0xf: {  	[smem:$0x3FB1] =	sst s7  }
0x10: {  	[smem:$0x3FB2] =	sst s8  }
0x11: {  	[smem:$0x3FB3] =	sst s9;
	s0 =	simm.s32 @!p0 $0x0  }
0x12: {  	s1 =	sld [smem:$0x3F99];
	s0 =	simm.s32 @p0 $0x1  }
0x13: {  	[smem:$0x3FB4] =	sst s0;
	s0 =	simm.s32 @!p1 $0x0  }
0x14: {  	s2 =	sld [smem:$0x3F98];
	s0 =	simm.s32 @p1 $0x1  }
0x15: {  	[smem:$0x3FB5] =	sst s0;
	s0 =	simm.s32 @!p2 $0x0  }
0x16: {  	s3 =	sld [smem:$0x3FDB];
	s0 =	simm.s32 @p2 $0x1  }
0x17: {  	s4 =	simm.s32 $0x1BF5;
	[smem:$0x3FB7] =	sst s0  }
0x18: {  	s0 =	sld [smem:$0x3F9A];
	_ =	swait.ge [sflag:s4], $0x0  }
0x19: {  	s7 =	sld [smem:$0x3F9B]  }
0x1a: {  	s8 =	sadd.s32 $0xFFFFE003, lr  }
0x1b: {  	s9 =	sadd.s32 $0xFFFFFEF7, lr;
	s5 =	simm.s32 $0xFFFFFFFF;
	p2 =	slt.u32 s8, $0xFFFFF086  }
0x1c: {  	p1 =	slt.u32 s9, $0xF7A;
	s5 =	simm.s32 @!p2 $0x0  }
0x1d: {  	s5 =	simm.s32 @p1 $0x1;
	p0 =	seq.s32 s7, s2  }
0x1e: {  	s7 =	smul.u32 @!p0 $0xF7A, s2;
	p2 =	seq.s32 @!p0 s5, $0x0  }
0x1f: {  	s9 =	smul.u32 $0xF7A, s1;
	s8 =	simm.s32 @!p0 $0x1BF5;
	p2 =	por !p2, p0  }
0x20: {  	[sflag:s8] =	ssyncset.s32 @!p0 $0xFFFFF086;
	s6 =	sadd.s32 @!p0 s3, s7;
	s7 =	simm.s32 @!p0 $0x108  }
0x21: {  	s3 =	sadd.s32 s3, s9;
	s6 =	sadd.s32 @!p0 $0x88, s6;
	s7 =	simm.s32 @p2 $0x1082  }
0x22: {  	[simem:s7], [sflag:s8] =	dma.local @!p0 [hbm:s6], $0xF7A  }
0x23: {  	s9 =	sor.u32 $0xD0000000, s2;
	s6 =	simm.s32 $0x108;
	_ =	swait.ge @!p0 [sflag:s8], $0x0  }
0x24: {  	s3 =	sadd.s32 $0x88, s3;
	s6 =	simm.s32 @!p1 $0x1082;
	[sflag:s4] =	ssyncset.s32 $0xFFFFF086  }
0x25: {  	[simem:s6], [sflag:s4] =	dma.local [hbm:s3], $0xF7A  }
0x26: {  	[smem:$0x3F9B] =	sst s1;
	(tag) =	ssettag s2;
	_ =	strace s9  }
0x27: {  	s1 =	sld [smem:$0x3FAB]  }
0x28: {  	s2 =	sld [smem:$0x3FAC]  }
0x29: {  	s4 =	sld [smem:$0x3FAE]  }
0x2a: {  	p0 =	seq.s32 s5, $0x0;
	s5 =	sld [smem:$0x3FAF]  }
0x2b: {  	s6 =	sld [smem:$0x3FB0]  }
0x2c: {  	s7 =	sld [smem:$0x3FB1]  }
0x2d: {  	s3 =	simm.s32 $0x108;
	s8 =	sld [smem:$0x3FB2]  }
0x2e: {  	s3 =	simm.s32 @!p0 $0x1082;
	s9 =	sld [smem:$0x3FB3]  }
0x2f: {  	lr =	sadd.s32 s0, s3;
	s0 =	sld [smem:$0x3FAA]  }
0x30: {  	s3 =	sld [smem:$0x3FAD]  }
0x31: {  	[smem:$0x3FB6] =	sst s10  }
0x32: {  	s10 =	sld [smem:$0x3FB4];
	_ =	sdelay $0x3  }
0x33: {  	p0 =	seq.s32 s10, $0x1;
	s10 =	sld [smem:$0x3FB6];
	_ =	sdelay $0x3  }
0x34: {  	[smem:$0x3FB6] =	sst s10  }
0x35: {  	s10 =	sld [smem:$0x3FB5];
	_ =	sdelay $0x3  }
0x36: {  	p1 =	seq.s32 s10, $0x1;
	s10 =	sld [smem:$0x3FB6];
	_ =	sdelay $0x3  }
0x37: {  	[smem:$0x3FB6] =	sst s10  }
0x38: {  	s10 =	sld [smem:$0x3FB7]  }
0x39: {  	_ = 	snop;
	(pc) =	sbr.ind lr, $3  }
0x3a: {  	_ = 	snop  }
0x3b: {  	_ = 	snop  }
0x3c: {  	p2 =	seq.s32 s10, $0x1;
	s10 =	sld [smem:$0x3FB6]  }
0x3d: {  	_ =	shalt  }
0x3e: {  	_ =	shalt  }
0x3f: {  	_ =	shalt  }
0x40: {  	_ =	shalt  }
0x41: {  	_ =	shalt  }
0x42: {  	_ =	shalt  }
0x43: {  	_ =	shalt  }
0x44: {  	_ =	shalt  }
0x45: {  	_ =	shalt  }
0x46: {  	_ =	shalt  }
0x47: {  	_ =	shalt  }
0x48: {  	_ =	shalt  }
0x49: {  	_ =	shalt  }
0x4a: {  	_ =	shalt  }
0x4b: {  	_ =	shalt  }
0x4c: {  	_ =	shalt  }
0x4d: {  	_ =	shalt  }
0x4e: {  	_ =	shalt  }
0x4f: {  	_ =	shalt  }
0x50: {  	_ =	shalt  }
0x51: {  	_ =	shalt  }
0x52: {  	_ =	shalt  }
0x53: {  	_ =	shalt  }
0x54: {  	_ =	shalt  }
0x55: {  	_ =	shalt  }
0x56: {  	_ =	shalt  }
0x57: {  	_ =	shalt  }
0x58: {  	_ =	shalt  }
0x59: {  	_ =	shalt  }
0x5a: {  	_ =	shalt  }
0x5b: {  	_ =	shalt  }
0x5c: {  	_ =	shalt  }
0x5d: {  	_ =	shalt  }
0x5e: {  	_ =	shalt  }
0x5f: {  	_ =	shalt  }
0x60: {  	_ =	shalt  }
0x61: {  	_ =	shalt  }
0x62: {  	_ =	shalt  }
0x63: {  	_ =	shalt  }
0x64: {  	_ =	shalt  }
0x65: {  	_ =	shalt  }
0x66: {  	_ =	shalt  }
0x67: {  	_ =	shalt  }
0x68: {  	_ =	shalt  }
0x69: {  	_ =	shalt  }
0x6a: {  	_ =	shalt  }
0x6b: {  	_ =	shalt  }
0x6c: {  	_ =	shalt  }
0x6d: {  	_ =	shalt  }
0x6e: {  	_ =	shalt  }
0x6f: {  	_ =	shalt  }
0x70: {  	_ =	shalt  }
0x71: {  	_ =	shalt  }
0x72: {  	_ =	shalt  }
0x73: {  	_ =	shalt  }
0x74: {  	_ =	shalt  }
0x75: {  	_ =	shalt  }
0x76: {  	_ =	shalt  }
0x77: {  	_ =	shalt  }
0x78: {  	_ =	shalt  }
0x79: {  	_ =	shalt  }
0x7a: {  	_ =	shalt  }
0x7b: {  	_ =	shalt  }
0x7c: {  	_ =	shalt  }
0x7d: {  	_ =	shalt  }
0x7e: {  	_ =	shalt  }
0x7f: {  	_ =	shalt  }
0x80: {  	_ =	shalt  }
0x81: {  	_ =	shalt  }
0x82: {  	_ =	shalt  }
0x83: {  	_ =	shalt  }
0x84: {  	_ =	shalt  }
0x85: {  	_ =	shalt  }
0x86: {  	_ =	shalt  }
0x87: {  	_ =	shalt  }
.Lfunc_end0:
.L_simem_size_0:
called_computation.1_lowered:
.L_overlay_start_0:
0x88: {  	s2 =	sld [smem:$0x3FD9]  }
0x89: {  	s3 =	sld [smem:$0x3FFE];
	_ =	sdelay $0x1  }
0x8a: {  	s1 =	srdreg.scid  }
0x8b: {  	s0 =	sand.u32 $0x1, s1  }
0x8c: {  	s17 =	sshll.u32 s0, $0xA;
	s2 =	sadd.s32 s3, s2  }
0x8d: {  	s2 =	sadd.s32 s2, s17  }
0x8e: {  	[smem:$0x3FC2] =	sst s2  }
0x8f: {  	_ = 	snop  }
0x90: {  	s2 =	sld [smem:$0x3FD0];
	(tm) =	ssettm $0x1  }
0x91: {  	s18 =	sld [smem:$0x3FFB];
	_ =	sdelay $0x3  }
0x92: {  	_ =	strace s18  }
0x93: {  	s3 =	sld [smem:$0x3FFC];
	_ =	sdelay $0x3  }
0x94: {  	_ =	strace s3  }
0x95: {  	s3 =	sld [smem:$0x3FFD];
	_ =	sdelay $0x3  }
0x96: {  	_ =	strace s3  }
0x97: {  	_ =	strace $0x8FFFFFFF  }
0x98: {  	s19 =	sld [smem:$0x3FDB];
	_ =	sdelay $0x1  }
0x99: {  	s4 =	simm.s32 $_scs_section_size  }
0x9a: {  	s5 =	simm.s32 $_size__tile_overlayer_lowered;
	s6 =	simm.s32 $_tile_overlayer_lowered  }
0x9b: {  	s22 =	simm.s32 $0x1BFF;
	s21 =	sshll.u32 s6, $0x1;
	s3 =	sadd.s32 s4, s19  }
0x9c: {  	s7 =	simm.s32 $0x0;
	s20 =	sshll.u32 s5, $0x1;
	s5 =	sadd.s32 s21, s3  }
0x9d: {  	[timem:s7], [sflag:s22] =	dma.local [hbm:s5], s20  }
0x9e: {  	_ =	swait.ge [sflag:s22], s20  }
0x9f: {  	s4 =	ssub.s32 $0x0, s20;
	[sflag:s22] =	ssyncset.done $0x0  }
0xa0: {  	[sflag:s22] =	ssyncadd.s32 s4;
	_ =	sdelay $0x1  }
0xa1: {  	s23 =	simm.s32 $0x1B8B  }
0xa2: {  	_ =	swait.ge [sflag:s23], $0x1  }
0xa3: {  	[sflag:s23] =	ssyncset.done $0x0  }
0xa4: {  	s25 =	simm.s32 $0x1B8E;
	s24 =	sld [smem:$0x3FFE];
	[sflag:s23] =	ssyncadd.s32 $0xFFFFFFFF  }
0xa5: {  	s26 =	simm.s32 $execute0_lowered;
	[smem:$0x3FD2] =	sst s25  }
0xa6: {  	s5 =	sshll.u32 s26, $0x1;
	_ =	strace $0x80000049;
	[dreg:$0x1] =	wrdreg $0xFFFFFFFF  }
0xa7: {  	s28 =	simm.s32 $_size_execute0_lowered;
	s3 =	sadd.s32 s3, s5;
	[dreg:$0x0] =	wrdreg $0x0  }
0xa8: {  	s5 =	sshll.u32 s28, $0x1;
	[dreg:$0x2] =	wrdreg s3  }
0xa9: {  	[dreg:$0x3] =	wrdreg s5  }
0xaa: {  	[dreg:$0x4] =	wrdreg $0xC0  }
0xab: {  	_ =	task [dreg:s7], $0x5FFFF  }
0xac: {  	[dreg:$0x1] =	wrdreg $0xFFFFFFFF  }
0xad: {  	[dreg:$0x0] =	wrdreg $0x60  }
0xae: {  	[dreg:$0x2] =	wrdreg s24  }
0xaf: {  	[dreg:$0x3] =	wrdreg s2  }
0xb0: {  	[dreg:$0x4] =	wrdreg $0x92000  }
0xb1: {  	[dreg:$0x5] =	wrdreg $0x9  }
0xb2: {  	_ =	task.clear_ibuf [dreg:s7], $0x6FFFF;
	_ =	strace $0x90000049  }
0xb3: {  	s29 =	simm.s32 $0x9;
	_ =	strace $0x8000004B  }
0xb4: {  	_ =	swait.ge [sflag:s29], $0x1  }
0xb5: {  	[sflag:s29] =	ssyncadd.s32 $0xFFFFFFFF  }
0xb6: {  	_ =	strace $0x9000004B  }
0xb7: {  	_ =	sfence  }
0xb8: {  	s30 =	sld [smem:$0x0];
	_ =	sdelay $0x2  }
0xb9: {  	s31 =	sshll.u32 s1, $0xD;
	s1 =	sshrl.u32 s1, $0x2  }
0xba: {  	s3 =	sand.u32 $0x4000, s31;
	s1 =	sadd.s32 s1, s30  }
0xbb: {  	s0 =	sor.u32 s3, s0;
	s1 =	sshll.u32 s1, $0x11  }
0xbc: {  	s0 =	sor.u32 s1, s0  }
0xbd: {  	s0 =	sadd.s32 $0x8F2B, s0  }
0xbe: {  	[sflag:s0] =	ssyncadd.remote.s32 $0x1  }
0xbf: {  	_ =	sfence.sel $0xFFFF  }
0xc0: {  	[dreg:$0x0] =	wrdreg $0xFFFFFFFF;
	(pc) =	sbr.abs _section_cstart, $3  }
0xc1: {  	[dreg:$0x1] =	wrdreg $0xFFFFFFFF  }
0xc2: {  	_ =	task.clear_ibuf [dreg:s7], $0x2FFFF;
	_ =	strace $0x9FFFFFFF  }
0xc3: {  	(tm) =	ssettm $0x7FFFFFFF  }
tec
execute0_lowered:
.L_overlay_start_1:
0x0: {  	(tag) =	ssettag $0x1  }
0x1: {  	s0 =	srdreg.scid;
	s29 =	stileid.u32  }
0x2: {  	s18 =	rddreg [dreg:$0x0];
	s21 =	sand.u32 $0x1, s0;
	s23 =	smul.u32 $0x280, s29  }
0x3: {  	s26 =	sadd.s32 $0x47A00, s18;
	s31 =	sadd.s32 $0x20800, s18;
	s24 =	smul.u32 $0x2800, s21  }
0x4: {  	s0 =	ssub.s32 $0x2, s21;
	s11 =	sshll.u32 s21, $0x4;
	s21 =	smul.u32 $0x50000, s21  }
0x5: {  	s1 =	sshrl.u32 s0, $0x1;
	s22 =	sor.u32 s29, s11;
	s20 =	sor.u32 $0x20, s23  }
0x6: {  	s19 =	sor.u32 $0x40, s23;
	s16 =	sor.u32 $0x60, s23;
	s17 =	sadd.s32 $0x80, s23  }
0x7: {  	s15 =	sadd.s32 $0xA0, s23;
	s4 =	sadd.s32 $0xC0, s23;
	s5 =	sadd.s32 $0xE0, s23  }
0x8: {  	s6 =	sadd.s32 $0x100, s23;
	s8 =	sadd.s32 $0x140, s23;
	s13 =	sadd.s32 $0x160, s23  }
0x9: {  	s14 =	sadd.s32 $0x180, s23;
	s9 =	sadd.s32 $0x1A0, s23;
	s10 =	sadd.s32 $0x1C0, s23  }
0xa: {  	s11 =	sadd.s32 $0x1E0, s23;
	s3 =	sadd.s32 $0x220, s23;
	s7 =	sadd.s32 $0x240, s23  }
0xb: {  	s2 =	sadd.s32 $0x260, s23;
	s0 =	ssub.s32 s0, s1;
	[smem:$0x7F5] =	sst s9  }
0xc: {  	s1 =	sadd.s32 $0x200, s23;
	s22 =	smul.u32 $0x5000, s22;
	s25 =	sadd.s32 s24, s20  }
0xd: {  	s28 =	sadd.s32 s24, s17;
	s20 =	sshll.u32 s20, $0x7;
	[smem:$0x7F7] =	sst s0  }
0xe: {  	s0 =	sadd.s32 $0x120, s23;
	s23 =	sadd.s32 s23, s24;
	s25 =	sshll.u32 s25, $0x4  }
0xf: {  	s17 =	sshll.u32 s17, $0x7;
	s23 =	sshll.u32 s23, $0x4;
	s12 =	sadd.s32 s26, s25  }
0x10: {  	s25 =	sadd.s32 s24, s19;
	s23 =	sadd.s32 s26, s23;
	[dreg:$0x5] =	wrdreg s12  }
0x11: {  	s12 =	sadd.s32 s24, s16;
	s16 =	sshll.u32 s16, $0x7;
	[dreg:$0x4] =	wrdreg s23  }
0x12: {  	s23 =	sshll.u32 s25, $0x4;
	s25 =	sshll.u32 s12, $0x4;
	s12 =	sshll.u32 s28, $0x4  }
0x13: {  	s28 =	sadd.s32 s24, s5;
	s5 =	sshll.u32 s5, $0x7;
	s23 =	sadd.s32 s26, s23  }
0x14: {  	s12 =	sadd.s32 s26, s12;
	[dreg:$0x6] =	wrdreg s23;
	s23 =	sadd.s32 s26, s25  }
0x15: {  	[dreg:$0x8] =	wrdreg s12;
	s25 =	sadd.s32 s24, s15;
	s12 =	sadd.s32 s24, s4  }
0x16: {  	s15 =	sshll.u32 s15, $0x7;
	s4 =	sshll.u32 s4, $0x7;
	[dreg:$0x7] =	wrdreg s23  }
0x17: {  	s23 =	sshll.u32 s25, $0x4;
	s25 =	sshll.u32 s12, $0x4;
	s12 =	sshll.u32 s28, $0x4  }
0x18: {  	s28 =	sadd.s32 s24, s8;
	s8 =	sshll.u32 s8, $0x7;
	s23 =	sadd.s32 s26, s23  }
0x19: {  	s12 =	sadd.s32 s26, s12;
	[dreg:$0x9] =	wrdreg s23;
	s23 =	sadd.s32 s26, s25  }
0x1a: {  	[dreg:$0xb] =	wrdreg s12;
	s25 =	sadd.s32 s24, s6;
	s12 =	sadd.s32 s24, s0  }
0x1b: {  	[dreg:$0xa] =	wrdreg s23;
	s23 =	sshll.u32 s25, $0x4;
	s25 =	sshll.u32 s12, $0x4  }
0x1c: {  	s12 =	sshll.u32 s28, $0x4;
	s28 =	sadd.s32 s24, s9;
	s23 =	sadd.s32 s26, s23  }
0x1d: {  	s12 =	sadd.s32 s26, s12;
	[dreg:$0xc] =	wrdreg s23;
	s23 =	sadd.s32 s26, s25  }
0x1e: {  	[dreg:$0xe] =	wrdreg s12;
	s25 =	sadd.s32 s24, s13;
	s12 =	sadd.s32 s24, s14  }
0x1f: {  	[dreg:$0xd] =	wrdreg s23;
	s23 =	sshll.u32 s25, $0x4;
	s9 =	sshll.u32 s12, $0x4  }
0x20: {  	s12 =	sshll.u32 s28, $0x4;
	s28 =	sadd.s32 s24, s1;
	s23 =	sadd.s32 s26, s23  }
0x21: {  	s25 =	sadd.s32 s26, s12;
	s12 =	sadd.s32 s24, s11;
	[dreg:$0xf] =	wrdreg s23  }
0x22: {  	s23 =	sadd.s32 s26, s9;
	[dreg:$0x11] =	wrdreg s25;
	s9 =	sadd.s32 s24, s10  }
0x23: {  	[dreg:$0x10] =	wrdreg s23;
	s23 =	sshll.u32 s9, $0x4;
	s9 =	smov.u32 s1  }
0x24: {  	s1 =	sshll.u32 s12, $0x4;
	s12 =	sshll.u32 s28, $0x4;
	s23 =	sadd.s32 s26, s23  }
0x25: {  	s28 =	smul.u32 $0x5000, s29;
	s25 =	sadd.s32 s26, s12;
	[dreg:$0x12] =	wrdreg s23  }
0x26: {  	s12 =	sadd.s32 s24, s7;
	s23 =	sadd.s32 s26, s1;
	[dreg:$0x14] =	wrdreg s25  }
0x27: {  	s1 =	sadd.s32 s24, s3;
	s25 =	sshll.u32 s12, $0x4;
	s24 =	sadd.s32 s24, s2  }
0x28: {  	s3 =	sshll.u32 s3, $0x7;
	s2 =	sshll.u32 s2, $0x7;
	[dreg:$0x13] =	wrdreg s23  }
0x29: {  	s23 =	sshll.u32 s1, $0x4;
	s1 =	smov.u32 s7;
	s12 =	sadd.s32 s26, s25  }
0x2a: {  	s25 =	sshll.u32 s24, $0x4;
	s7 =	sshrl.u32 s22, $0x3;
	s23 =	sadd.s32 s26, s23  }
0x2b: {  	[dreg:$0x16] =	wrdreg s12;
	s12 =	sor.u32 $0x100, s22;
	s22 =	sor.u32 $0x200, s22  }
0x2c: {  	s1 =	sshll.u32 s1, $0x7;
	[dreg:$0x15] =	wrdreg s23;
	s23 =	sadd.s32 s26, s25  }
0x2d: {  	s25 =	sshrl.u32 s12, $0x3;
	s26 =	sadd.s32 $0xC800, s18;
	[dreg:$0x17] =	wrdreg s23  }
0x2e: {  	s23 =	sadd.s32 s28, s21;
	s21 =	simm.s32 $0x0;
	s28 =	rddreg [dreg:$0x2]  }
0x2f: {  	s22 =	sshrl.u32 s22, $0x3;
	s24 =	sadd.s32 s26, s7;
	[smem:$0x7FF] =	sst s21  }
0x30: {  	s12 =	smul.u32 $0x50000, s29;
	s25 =	sadd.s32 s26, s25;
	[dreg:$0x18] =	wrdreg s24  }
0x31: {  	s18 =	sshll.u32 s0, $0x7;
	s22 =	sadd.s32 s26, s22;
	[dreg:$0x19] =	wrdreg s25  }
0x32: {  	[dreg:$0x1a] =	wrdreg s22;
	s7 =	sor.u32 $0x400, s23;
	s25 =	sadd.s32 s16, s28  }
0x33: {  	s15 =	sadd.s32 s15, s28;
	_ =	strace $0x8000004A;
	[smem:$0x7F0] =	sst s25  }
0x34: {  	s23 =	sor.u32 $0x300, s23;
	s4 =	sadd.s32 s4, s28;
	[smem:$0x7F2] =	sst s15  }
0x35: {  	s16 =	sadd.s32 s5, s28;
	s3 =	sadd.s32 s3, s28;
	[smem:$0x7F3] =	sst s4  }
0x36: {  	s22 =	sshrl.u32 s7, $0x3;
	s23 =	sshrl.u32 s23, $0x3;
	[smem:$0x7F4] =	sst s16  }
0x37: {  	s16 =	sadd.s32 s18, s28;
	s25 =	sshll.u32 s11, $0x7;
	s7 =	sadd.s32 s1, s28  }
0x38: {  	s18 =	simm.s32 $0x100;
	s1 =	simm.s32 $0x3;
	[smem:$0x7FA] =	sst s3  }
0x39: {  	s29 =	sadd.s32 s22, s26;
	s30 =	sadd.s32 s23, s26;
	s22 =	sshrl.u32 s12, $0x2  }
0x3a: {  	s12 =	sadd.s32 s20, s28;
	s23 =	sshll.u32 s19, $0x7;
	s26 =	sadd.s32 s17, s28  }
0x3b: {  	s17 =	sshll.u32 s6, $0x7;
	s6 =	sadd.s32 s8, s28;
	s4 =	sld [smem:$0x7F7]  }
0x3c: {  	s19 =	sshll.u32 s13, $0x7;
	s20 =	sshll.u32 s14, $0x7;
	[dreg:$0x1c] =	wrdreg s16  }
0x3d: {  	s13 =	sadd.s32 s25, s28;
	s25 =	simm.s32 $0x4200;
	[smem:$0x7F1] =	sst s26  }
0x3e: {  	s22 =	sadd.s32 s22, s28;
	s24 =	sadd.s32 s23, s28;
	[dreg:$0x1b] =	wrdreg s6  }
0x3f: {  	s15 =	sadd.s32 s17, s28;
	s8 =	sadd.s32 s19, s28;
	[smem:$0x7FC] =	sst s12  }
0x40: {  	s17 =	sadd.s32 s20, s28;
	s23 =	sshll.u32 s10, $0x7;
	[smem:$0x7EF] =	sst s24  }
0x41: {  	s10 =	simm.s32 $0x0;
	s5 =	smov.u32 s22;
	s22 =	sld [smem:$0x7F5]  }
0x42: {  	s26 =	sshll.u32 s9, $0x7;
	s9 =	sadd.s32 s2, s28;
	[smem:$0x7F9] =	sst s10  }
0x43: {  	s19 =	simm.s32 $0x8200;
	s20 =	simm.s32 $0x5;
	[dreg:$0x1d] =	wrdreg s8  }
0x44: {  	s2 =	simm.s32 $0x4;
	s24 =	sadd.s32 s23, s28;
	[dreg:$0x1e] =	wrdreg s17  }
.Ltmp0:
0x45: {  	s11 =	sadd.s32 s26, s28;
	[dreg:$0x1f] =	wrdreg s15;
	(pc) =	sbr.rel .LBB2_1-.Ltmp0, $4  }
0x46: {  	s23 =	simm.s32 $0x200;
	s26 =	simm.s32 $0x180;
	[smem:$0x7FB] =	sst s9  }
0x47: {  	[smem:$0x7F6] =	sst s24;
	s24 =	simm.s32 $0x1;
	s0 =	sshll.u32 s22, $0x7  }
0x48: {  	[smem:$0x7FD] =	sst s5;
	s14 =	sadd.s32 s0, s28;
	s0 =	smax.u32 s4, $0x1  }
0x49: {  	s22 =	simm.s32 $0x80;
	[smem:$0x7F8] =	sst s0;
	s0 =	simm.s32 $0x2  }
.LBB2_4:
0x4a: {  	_ =	swait.ge [sflag:s2], $0x4000  }
0x4b: {  	[sflag:s2] =	ssyncset.done $0x0  }
0x4c: {  	[sflag:s2] =	ssyncadd.s32 $0xFFFFC000  }
0x4d: {  	[bflag:$0x0] =	sbarrier.arrive $0xFFFF  }
0x4e: {  	s5 =	sld [smem:$0x7FD];
	_ =	sdelay $0x2  }
0x4f: {  	[tilespmem:s19], [sflag:$0x5] =	stream.linear.gather [spmem:s5], $0x1000, $0x38;
	[tilespmem:$0x1D200] =	vst v63  }
0x50: {  	_ =	swait.ge [sflag:s20], $0x1000  }
0x51: {  	[sflag:s20] =	ssyncset.done $0x0  }
0x52: {  	s4 =	rddreg [dreg:$0x4];
	[sflag:s20] =	ssyncadd.s32 $0xFFFFF000  }
0x53: {  	[hbm4b:s4+s21] =	stream.linear.scatter [tilespmem:s19], [sflag:$0x5], $0x1000, $0x38;
	[tilespmem:$0x1D200] =	vst v63  }
0x54: {  	_ =	swait.ge [sflag:s20], $0x1000  }
0x55: {  	s15 =	smov.u32 s12;
	s12 =	sld [smem:$0x7FC]  }
0x56: {  	[sflag:s20] =	ssyncset.done $0x0  }
0x57: {  	[sflag:s20] =	ssyncadd.s32 $0xFFFFF000  }
0x58: {  	[tilespmem:s19], [sflag:$0x5] =	stream.linear.gather [spmem:s12], $0x1000, $0x38;
	[tilespmem:$0x1D200] =	vst v63  }
0x59: {  	_ =	swait.ge [sflag:s20], $0x1000  }
0x5a: {  	[sflag:s20] =	ssyncset.done $0x0  }
0x5b: {  	s8 =	rddreg [dreg:$0x5];
	[sflag:s20] =	ssyncadd.s32 $0xFFFFF000  }
0x5c: {  	[hbm4b:s8+s21] =	stream.linear.scatter [tilespmem:s19], [sflag:$0x5], $0x1000, $0x38;
	[tilespmem:$0x1D200] =	vst v63  }
0x5d: {  	_ =	swait.ge [sflag:s20], $0x1000  }
0x5e: {  	[sflag:s20] =	ssyncset.done $0x0  }
0x5f: {  	[sflag:s20] =	ssyncadd.s32 $0xFFFFF000  }
0x60: {  	[tilespmem:s19], [sflag:$0x5] =	stream.linear.gather [spmem:s9], $0x1000, $0x38;
	[tilespmem:$0x1D200] =	vst v63  }
0x61: {  	_ =	swait.ge [sflag:s20], $0x1000  }
0x62: {  	[sflag:s20] =	ssyncset.done $0x0  }
0x63: {  	s9 =	rddreg [dreg:$0x6];
	[sflag:s20] =	ssyncadd.s32 $0xFFFFF000  }
0x64: {  	[hbm4b:s9+s21] =	stream.linear.scatter [tilespmem:s19], [sflag:$0x5], $0x1000, $0x38;
	[tilespmem:$0x1D200] =	vst v63  }
0x65: {  	_ =	swait.ge [sflag:s20], $0x1000  }
0x66: {  	[sflag:s20] =	ssyncset.done $0x0  }
0x67: {  	[sflag:s20] =	ssyncadd.s32 $0xFFFFF000  }
0x68: {  	[tilespmem:s19], [sflag:$0x5] =	stream.linear.gather [spmem:s10], $0x1000, $0x38;
	[tilespmem:$0x1D200] =	vst v63  }
0x69: {  	_ =	swait.ge [sflag:s20], $0x1000  }
0x6a: {  	[sflag:s20] =	ssyncset.done $0x0  }
0x6b: {  	s8 =	rddreg [dreg:$0x7];
	[sflag:s20] =	ssyncadd.s32 $0xFFFFF000  }
0x6c: {  	[hbm4b:s8+s21] =	stream.linear.scatter [tilespmem:s19], [sflag:$0x5], $0x1000, $0x38;
	[tilespmem:$0x1D200] =	vst v63  }
0x6d: {  	_ =	swait.ge [sflag:s20], $0x1000  }
0x6e: {  	[sflag:s20] =	ssyncset.done $0x0  }
0x6f: {  	[sflag:s20] =	ssyncadd.s32 $0xFFFFF000  }
0x70: {  	[tilespmem:s19], [sflag:$0x5] =	stream.linear.gather [spmem:s11], $0x1000, $0x38;
	[tilespmem:$0x1D200] =	vst v63  }
0x71: {  	_ =	swait.ge [sflag:s20], $0x1000  }
0x72: {  	[sflag:s20] =	ssyncset.done $0x0  }
0x73: {  	s9 =	rddreg [dreg:$0x8];
	[sflag:s20] =	ssyncadd.s32 $0xFFFFF000  }
0x74: {  	[hbm4b:s9+s21] =	stream.linear.scatter [tilespmem:s19], [sflag:$0x5], $0x1000, $0x38;
	[tilespmem:$0x1D200] =	vst v63  }
0x75: {  	_ =	swait.ge [sflag:s20], $0x1000  }
0x76: {  	[sflag:s20] =	ssyncset.done $0x0  }
0x77: {  	[sflag:s20] =	ssyncadd.s32 $0xFFFFF000  }
0x78: {  	[tilespmem:s19], [sflag:$0x5] =	stream.linear.gather [spmem:s15], $0x1000, $0x38;
	[tilespmem:$0x1D200] =	vst v63  }
0x79: {  	_ =	swait.ge [sflag:s20], $0x1000  }
0x7a: {  	[sflag:s20] =	ssyncset.done $0x0  }
0x7b: {  	s10 =	rddreg [dreg:$0x9];
	[sflag:s20] =	ssyncadd.s32 $0xFFFFF000  }
0x7c: {  	[hbm4b:s10+s21] =	stream.linear.scatter [tilespmem:s19], [sflag:$0x5], $0x1000, $0x38;
	[tilespmem:$0x1D200] =	vst v63  }
0x7d: {  	_ =	swait.ge [sflag:s20], $0x1000  }
0x7e: {  	[sflag:s20] =	ssyncset.done $0x0  }
0x7f: {  	[sflag:s20] =	ssyncadd.s32 $0xFFFFF000  }
0x80: {  	[tilespmem:s19], [sflag:$0x5] =	stream.linear.gather [spmem:s13], $0x1000, $0x38;
	[tilespmem:$0x1D200] =	vst v63  }
0x81: {  	_ =	swait.ge [sflag:s20], $0x1000  }
0x82: {  	[sflag:s20] =	ssyncset.done $0x0  }
0x83: {  	s11 =	rddreg [dreg:$0xa];
	[sflag:s20] =	ssyncadd.s32 $0xFFFFF000  }
0x84: {  	[hbm4b:s11+s21] =	stream.linear.scatter [tilespmem:s19], [sflag:$0x5], $0x1000, $0x38;
	[tilespmem:$0x1D200] =	vst v63  }
0x85: {  	_ =	swait.ge [sflag:s20], $0x1000  }
0x86: {  	[sflag:s20] =	ssyncset.done $0x0  }
0x87: {  	[sflag:s20] =	ssyncadd.s32 $0xFFFFF000  }
0x88: {  	[tilespmem:s19], [sflag:$0x5] =	stream.linear.gather [spmem:s14], $0x1000, $0x38;
	[tilespmem:$0x1D200] =	vst v63  }
0x89: {  	_ =	swait.ge [sflag:s20], $0x1000  }
0x8a: {  	[sflag:s20] =	ssyncset.done $0x0  }
0x8b: {  	s13 =	rddreg [dreg:$0xb];
	[sflag:s20] =	ssyncadd.s32 $0xFFFFF000  }
0x8c: {  	[hbm4b:s13+s21] =	stream.linear.scatter [tilespmem:s19], [sflag:$0x5], $0x1000, $0x38;
	[tilespmem:$0x1D200] =	vst v63  }
0x8d: {  	_ =	swait.ge [sflag:s20], $0x1000  }
0x8e: {  	[sflag:s20] =	ssyncset.done $0x0  }
0x8f: {  	s15 =	rddreg [dreg:$0x1f];
	[sflag:s20] =	ssyncadd.s32 $0xFFFFF000  }
0x90: {  	[tilespmem:s19], [sflag:$0x5] =	stream.linear.gather [spmem:s15], $0x1000, $0x38;
	[tilespmem:$0x1D200] =	vst v63  }
0x91: {  	_ =	swait.ge [sflag:s20], $0x1000  }
0x92: {  	[sflag:s20] =	ssyncset.done $0x0  }
0x93: {  	s14 =	rddreg [dreg:$0xc];
	[sflag:s20] =	ssyncadd.s32 $0xFFFFF000  }
0x94: {  	[hbm4b:s14+s21] =	stream.linear.scatter [tilespmem:s19], [sflag:$0x5], $0x1000, $0x38;
	[tilespmem:$0x1D200] =	vst v63  }
0x95: {  	_ =	swait.ge [sflag:s20], $0x1000  }
0x96: {  	[sflag:s20] =	ssyncset.done $0x0  }
0x97: {  	s13 =	smov.u32 s16;
	s16 =	rddreg [dreg:$0x1c];
	[sflag:s20] =	ssyncadd.s32 $0xFFFFF000  }
0x98: {  	[tilespmem:s19], [sflag:$0x5] =	stream.linear.gather [spmem:s16], $0x1000, $0x38;
	[tilespmem:$0x1D200] =	vst v63  }
0x99: {  	_ =	swait.ge [sflag:s20], $0x1000  }
0x9a: {  	[sflag:s20] =	ssyncset.done $0x0  }
0x9b: {  	s8 =	rddreg [dreg:$0xd];
	[sflag:s20] =	ssyncadd.s32 $0xFFFFF000  }
0x9c: {  	[hbm4b:s8+s21] =	stream.linear.scatter [tilespmem:s19], [sflag:$0x5], $0x1000, $0x38;
	[tilespmem:$0x1D200] =	vst v63  }
0x9d: {  	_ =	swait.ge [sflag:s20], $0x1000  }
0x9e: {  	[sflag:s20] =	ssyncset.done $0x0  }
0x9f: {  	s14 =	smov.u32 s6;
	s6 =	rddreg [dreg:$0x1b];
	[sflag:s20] =	ssyncadd.s32 $0xFFFFF000  }
0xa0: {  	[tilespmem:s19], [sflag:$0x5] =	stream.linear.gather [spmem:s6], $0x1000, $0x38;
	[tilespmem:$0x1D200] =	vst v63  }
0xa1: {  	_ =	swait.ge [sflag:s20], $0x1000  }
0xa2: {  	[sflag:s20] =	ssyncset.done $0x0  }
0xa3: {  	s9 =	rddreg [dreg:$0xe];
	[sflag:s20] =	ssyncadd.s32 $0xFFFFF000  }
0xa4: {  	[hbm4b:s9+s21] =	stream.linear.scatter [tilespmem:s19], [sflag:$0x5], $0x1000, $0x38;
	[tilespmem:$0x1D200] =	vst v63  }
0xa5: {  	_ =	swait.ge [sflag:s20], $0x1000  }
0xa6: {  	[sflag:s20] =	ssyncset.done $0x0  }
0xa7: {  	s8 =	rddreg [dreg:$0x1d];
	[sflag:s20] =	ssyncadd.s32 $0xFFFFF000  }
0xa8: {  	[tilespmem:s19], [sflag:$0x5] =	stream.linear.gather [spmem:s8], $0x1000, $0x38;
	[tilespmem:$0x1D200] =	vst v63  }
0xa9: {  	_ =	swait.ge [sflag:s20], $0x1000  }
0xaa: {  	[sflag:s20] =	ssyncset.done $0x0  }
0xab: {  	s10 =	rddreg [dreg:$0xf];
	[sflag:s20] =	ssyncadd.s32 $0xFFFFF000  }
0xac: {  	[hbm4b:s10+s21] =	stream.linear.scatter [tilespmem:s19], [sflag:$0x5], $0x1000, $0x38;
	[tilespmem:$0x1D200] =	vst v63  }
0xad: {  	_ =	swait.ge [sflag:s20], $0x1000  }
0xae: {  	[sflag:s20] =	ssyncset.done $0x0  }
0xaf: {  	s9 =	smov.u32 s17;
	s17 =	rddreg [dreg:$0x1e];
	[sflag:s20] =	ssyncadd.s32 $0xFFFFF000  }
0xb0: {  	[tilespmem:s19], [sflag:$0x5] =	stream.linear.gather [spmem:s17], $0x1000, $0x38;
	[tilespmem:$0x1D200] =	vst v63  }
0xb1: {  	_ =	swait.ge [sflag:s20], $0x1000  }
0xb2: {  	[sflag:s20] =	ssyncset.done $0x0  }
0xb3: {  	s11 =	rddreg [dreg:$0x10];
	[sflag:s20] =	ssyncadd.s32 $0xFFFFF000  }
0xb4: {  	[hbm4b:s11+s21] =	stream.linear.scatter [tilespmem:s19], [sflag:$0x5], $0x1000, $0x38;
	[tilespmem:$0x1D200] =	vst v63  }
0xb5: {  	_ =	swait.ge [sflag:s20], $0x1000  }
0xb6: {  	[sflag:s20] =	ssyncset.done $0x0  }
0xb7: {  	[sflag:s20] =	ssyncadd.s32 $0xFFFFF000  }
0xb8: {  	[tilespmem:s19], [sflag:$0x5] =	stream.linear.gather [spmem:s14], $0x1000, $0x38;
	[tilespmem:$0x1D200] =	vst v63  }
0xb9: {  	_ =	swait.ge [sflag:s20], $0x1000  }
0xba: {  	[sflag:s20] =	ssyncset.done $0x0  }
0xbb: {  	s10 =	rddreg [dreg:$0x11];
	[sflag:s20] =	ssyncadd.s32 $0xFFFFF000  }
0xbc: {  	[hbm4b:s10+s21] =	stream.linear.scatter [tilespmem:s19], [sflag:$0x5], $0x1000, $0x38;
	[tilespmem:$0x1D200] =	vst v63  }
0xbd: {  	_ =	swait.ge [sflag:s20], $0x1000  }
0xbe: {  	[sflag:s20] =	ssyncset.done $0x0  }
0xbf: {  	[sflag:s20] =	ssyncadd.s32 $0xFFFFF000  }
0xc0: {  	[tilespmem:s19], [sflag:$0x5] =	stream.linear.gather [spmem:s3], $0x1000, $0x38;
	[tilespmem:$0x1D200] =	vst v63  }
0xc1: {  	_ =	swait.ge [sflag:s20], $0x1000  }
0xc2: {  	[sflag:s20] =	ssyncset.done $0x0  }
0xc3: {  	s11 =	rddreg [dreg:$0x12];
	[sflag:s20] =	ssyncadd.s32 $0xFFFFF000  }
0xc4: {  	[hbm4b:s11+s21] =	stream.linear.scatter [tilespmem:s19], [sflag:$0x5], $0x1000, $0x38;
	[tilespmem:$0x1D200] =	vst v63  }
0xc5: {  	_ =	swait.ge [sflag:s20], $0x1000  }
0xc6: {  	[sflag:s20] =	ssyncset.done $0x0  }
0xc7: {  	[sflag:s20] =	ssyncadd.s32 $0xFFFFF000  }
0xc8: {  	[tilespmem:s19], [sflag:$0x5] =	stream.linear.gather [spmem:s13], $0x1000, $0x38;
	[tilespmem:$0x1D200] =	vst v63  }
0xc9: {  	_ =	swait.ge [sflag:s20], $0x1000  }
0xca: {  	[sflag:s20] =	ssyncset.done $0x0  }
0xcb: {  	s3 =	rddreg [dreg:$0x13];
	[sflag:s20] =	ssyncadd.s32 $0xFFFFF000  }
0xcc: {  	[hbm4b:s3+s21] =	stream.linear.scatter [tilespmem:s19], [sflag:$0x5], $0x1000, $0x38;
	[tilespmem:$0x1D200] =	vst v63  }
0xcd: {  	_ =	swait.ge [sflag:s20], $0x1000  }
0xce: {  	[sflag:s20] =	ssyncset.done $0x0  }
0xcf: {  	[sflag:s20] =	ssyncadd.s32 $0xFFFFF000  }
0xd0: {  	[tilespmem:s19], [sflag:$0x5] =	stream.linear.gather [spmem:s9], $0x1000, $0x38;
	[tilespmem:$0x1D200] =	vst v63  }
0xd1: {  	_ =	swait.ge [sflag:s20], $0x1000  }
0xd2: {  	[sflag:s20] =	ssyncset.done $0x0  }
0xd3: {  	s11 =	smov.u32 s9;
	s9 =	rddreg [dreg:$0x14];
	[sflag:s20] =	ssyncadd.s32 $0xFFFFF000  }
0xd4: {  	[hbm4b:s9+s21] =	stream.linear.scatter [tilespmem:s19], [sflag:$0x5], $0x1000, $0x38;
	[tilespmem:$0x1D200] =	vst v63  }
0xd5: {  	_ =	swait.ge [sflag:s20], $0x1000  }
0xd6: {  	s3 =	sld [smem:$0x7FA]  }
0xd7: {  	[sflag:s20] =	ssyncset.done $0x0  }
0xd8: {  	[sflag:s20] =	ssyncadd.s32 $0xFFFFF000  }
0xd9: {  	[tilespmem:s19], [sflag:$0x5] =	stream.linear.gather [spmem:s3], $0x1000, $0x38;
	[tilespmem:$0x1D200] =	vst v63  }
0xda: {  	_ =	swait.ge [sflag:s20], $0x1000  }
0xdb: {  	[sflag:s20] =	ssyncset.done $0x0  }
0xdc: {  	s10 =	rddreg [dreg:$0x15];
	[sflag:s20] =	ssyncadd.s32 $0xFFFFF000  }
0xdd: {  	[hbm4b:s10+s21] =	stream.linear.scatter [tilespmem:s19], [sflag:$0x5], $0x1000, $0x38;
	[tilespmem:$0x1D200] =	vst v63  }
0xde: {  	_ =	swait.ge [sflag:s20], $0x1000  }
0xdf: {  	[sflag:s20] =	ssyncset.done $0x0  }
0xe0: {  	[sflag:s20] =	ssyncadd.s32 $0xFFFFF000  }
0xe1: {  	[tilespmem:s19], [sflag:$0x5] =	stream.linear.gather [spmem:s7], $0x1000, $0x38;
	[tilespmem:$0x1D200] =	vst v63  }
0xe2: {  	_ =	swait.ge [sflag:s20], $0x1000  }
0xe3: {  	[sflag:s20] =	ssyncset.done $0x0  }
0xe4: {  	s9 =	rddreg [dreg:$0x16];
	[sflag:s20] =	ssyncadd.s32 $0xFFFFF000  }
0xe5: {  	[hbm4b:s9+s21] =	stream.linear.scatter [tilespmem:s19], [sflag:$0x5], $0x1000, $0x38;
	[tilespmem:$0x1D200] =	vst v63  }
0xe6: {  	_ =	swait.ge [sflag:s20], $0x1000  }
0xe7: {  	s9 =	sld [smem:$0x7FB]  }
0xe8: {  	[sflag:s20] =	ssyncset.done $0x0  }
0xe9: {  	[sflag:s20] =	ssyncadd.s32 $0xFFFFF000  }
0xea: {  	[tilespmem:s19], [sflag:$0x5] =	stream.linear.gather [spmem:s9], $0x1000, $0x38;
	[tilespmem:$0x1D200] =	vst v63  }
0xeb: {  	_ =	swait.ge [sflag:s20], $0x1000  }
0xec: {  	[sflag:s20] =	ssyncset.done $0x0  }
0xed: {  	s10 =	rddreg [dreg:$0x17];
	[sflag:s20] =	ssyncadd.s32 $0xFFFFF000  }
0xee: {  	[hbm4b:s10+s21] =	stream.linear.scatter [tilespmem:s19], [sflag:$0x5], $0x1000, $0x38;
	[tilespmem:$0x1D200] =	vst v63  }
0xef: {  	_ =	swait.ge [sflag:s20], $0x1000  }
0xf0: {  	s4 =	sld [smem:$0x7F9];
	_ =	sdelay $0x2  }
0xf1: {  	s10 =	sadd.s32 $0x1, s4;
	s4 =	sld [smem:$0x7F8];
	_ =	sdelay $0x2  }
0xf2: {  	p0 =	sne.s32 s10, s4  }
.Ltmp1:
0xf3: {  	_ = 	snop;
	(pc) =	sbr.rel @!p0 .LBB2_5-.Ltmp1, $3  }
0xf4: {  	_ =	sdelay $0x1  }
0xf5: {  	[sflag:s20] =	ssyncset.done $0x0  }
0xf6: {  	[sflag:s20] =	ssyncadd.s32 $0xFFFFF000;
	[smem:$0x7F9] =	sst s10  }
.LBB2_1:
0xf7: {  	s4 =	rddreg [dreg:$0x1]  }
0xf8: {  	[tilespmem:s19], [sflag:$0x5] =	stream.linear.gather [hbm4b:s4+s21], $0x1000, $0x38;
	[tilespmem:$0x1D200] =	vst v63  }
0xf9: {  	_ =	swait.ge [sflag:s20], $0x1000  }
0xfa: {  	[sflag:s20] =	ssyncset.done $0x0  }
0xfb: {  	[sflag:s20] =	ssyncadd.s32 $0xFFFFF000  }
0xfc: {  	[spmem:s5] =	stream.linear.scatter [tilespmem:s19], [sflag:$0x5], $0x1000, $0x38;
	[tilespmem:$0x1D200] =	vst v63  }
0xfd: {  	_ =	swait.ge [sflag:s20], $0x1000  }
0xfe: {  	[sflag:s20] =	ssyncset.done $0x0  }
0xff: {  	[sflag:s20] =	ssyncadd.s32 $0xFFFFF000  }
0x100: {  	[spmem:s12] =	stream.linear.scatter [tilespmem:s19], [sflag:$0x5], $0x1000, $0x38;
	[tilespmem:$0x1D200] =	vst v63  }
0x101: {  	_ =	swait.ge [sflag:s20], $0x1000  }
0x102: {  	s12 =	sld [smem:$0x7EF]  }
0x103: {  	[sflag:s20] =	ssyncset.done $0x0  }
0x104: {  	[sflag:s20] =	ssyncadd.s32 $0xFFFFF000  }
0x105: {  	[spmem:s12] =	stream.linear.scatter [tilespmem:s19], [sflag:$0x5], $0x1000, $0x38;
	[tilespmem:$0x1D200] =	vst v63  }
0x106: {  	_ =	swait.ge [sflag:s20], $0x1000  }
0x107: {  	s10 =	sld [smem:$0x7F0]  }
0x108: {  	[sflag:s20] =	ssyncset.done $0x0  }
0x109: {  	[sflag:s20] =	ssyncadd.s32 $0xFFFFF000  }
0x10a: {  	[spmem:s10] =	stream.linear.scatter [tilespmem:s19], [sflag:$0x5], $0x1000, $0x38;
	[tilespmem:$0x1D200] =	vst v63  }
0x10b: {  	_ =	swait.ge [sflag:s20], $0x1000  }
0x10c: {  	s4 =	smov.u32 s15;
	s15 =	sld [smem:$0x7F1]  }
0x10d: {  	[sflag:s20] =	ssyncset.done $0x0  }
0x10e: {  	[sflag:s20] =	ssyncadd.s32 $0xFFFFF000  }
0x10f: {  	[spmem:s15] =	stream.linear.scatter [tilespmem:s19], [sflag:$0x5], $0x1000, $0x38;
	[tilespmem:$0x1D200] =	vst v63  }
0x110: {  	_ =	swait.ge [sflag:s20], $0x1000  }
0x111: {  	s12 =	sld [smem:$0x7F2]  }
0x112: {  	[sflag:s20] =	ssyncset.done $0x0  }
0x113: {  	[sflag:s20] =	ssyncadd.s32 $0xFFFFF000  }
0x114: {  	[spmem:s12] =	stream.linear.scatter [tilespmem:s19], [sflag:$0x5], $0x1000, $0x38;
	[tilespmem:$0x1D200] =	vst v63  }
0x115: {  	_ =	swait.ge [sflag:s20], $0x1000  }
0x116: {  	s15 =	smov.u32 s13;
	s13 =	sld [smem:$0x7F3]  }
0x117: {  	[sflag:s20] =	ssyncset.done $0x0  }
0x118: {  	[sflag:s20] =	ssyncadd.s32 $0xFFFFF000  }
0x119: {  	[spmem:s13] =	stream.linear.scatter [tilespmem:s19], [sflag:$0x5], $0x1000, $0x38;
	[tilespmem:$0x1D200] =	vst v63  }
0x11a: {  	_ =	swait.ge [sflag:s20], $0x1000  }
0x11b: {  	s5 =	smov.u32 s8;
	s8 =	smov.u32 s14;
	s14 =	sld [smem:$0x7F4]  }
0x11c: {  	[sflag:s20] =	ssyncset.done $0x0  }
0x11d: {  	[sflag:s20] =	ssyncadd.s32 $0xFFFFF000  }
0x11e: {  	[spmem:s14] =	stream.linear.scatter [tilespmem:s19], [sflag:$0x5], $0x1000, $0x38;
	[tilespmem:$0x1D200] =	vst v63  }
0x11f: {  	_ =	swait.ge [sflag:s20], $0x1000  }
0x120: {  	[sflag:s20] =	ssyncset.done $0x0  }
0x121: {  	[sflag:s20] =	ssyncadd.s32 $0xFFFFF000  }
0x122: {  	[spmem:s4] =	stream.linear.scatter [tilespmem:s19], [sflag:$0x5], $0x1000, $0x38;
	[tilespmem:$0x1D200] =	vst v63  }
0x123: {  	_ =	swait.ge [sflag:s20], $0x1000  }
0x124: {  	[sflag:s20] =	ssyncset.done $0x0  }
0x125: {  	[sflag:s20] =	ssyncadd.s32 $0xFFFFF000  }
0x126: {  	[spmem:s16] =	stream.linear.scatter [tilespmem:s19], [sflag:$0x5], $0x1000, $0x38;
	[tilespmem:$0x1D200] =	vst v63  }
0x127: {  	_ =	swait.ge [sflag:s20], $0x1000  }
0x128: {  	[sflag:s20] =	ssyncset.done $0x0  }
0x129: {  	[sflag:s20] =	ssyncadd.s32 $0xFFFFF000  }
0x12a: {  	[spmem:s6] =	stream.linear.scatter [tilespmem:s19], [sflag:$0x5], $0x1000, $0x38;
	[tilespmem:$0x1D200] =	vst v63  }
0x12b: {  	_ =	swait.ge [sflag:s20], $0x1000  }
0x12c: {  	[sflag:s20] =	ssyncset.done $0x0  }
0x12d: {  	[sflag:s20] =	ssyncadd.s32 $0xFFFFF000  }
0x12e: {  	[spmem:s5] =	stream.linear.scatter [tilespmem:s19], [sflag:$0x5], $0x1000, $0x38;
	[tilespmem:$0x1D200] =	vst v63  }
0x12f: {  	_ =	swait.ge [sflag:s20], $0x1000  }
0x130: {  	[sflag:s20] =	ssyncset.done $0x0  }
0x131: {  	[sflag:s20] =	ssyncadd.s32 $0xFFFFF000  }
0x132: {  	[spmem:s17] =	stream.linear.scatter [tilespmem:s19], [sflag:$0x5], $0x1000, $0x38;
	[tilespmem:$0x1D200] =	vst v63  }
0x133: {  	_ =	swait.ge [sflag:s20], $0x1000  }
0x134: {  	[sflag:s20] =	ssyncset.done $0x0  }
0x135: {  	[sflag:s20] =	ssyncadd.s32 $0xFFFFF000  }
0x136: {  	[spmem:s8] =	stream.linear.scatter [tilespmem:s19], [sflag:$0x5], $0x1000, $0x38;
	[tilespmem:$0x1D200] =	vst v63  }
0x137: {  	_ =	swait.ge [sflag:s20], $0x1000  }
0x138: {  	s5 =	sld [smem:$0x7F6]  }
0x139: {  	[sflag:s20] =	ssyncset.done $0x0  }
0x13a: {  	[sflag:s20] =	ssyncadd.s32 $0xFFFFF000  }
0x13b: {  	[spmem:s5] =	stream.linear.scatter [tilespmem:s19], [sflag:$0x5], $0x1000, $0x38;
	[tilespmem:$0x1D200] =	vst v63  }
0x13c: {  	_ =	swait.ge [sflag:s20], $0x1000  }
0x13d: {  	[sflag:s20] =	ssyncset.done $0x0  }
0x13e: {  	[sflag:s20] =	ssyncadd.s32 $0xFFFFF000  }
0x13f: {  	[spmem:s15] =	stream.linear.scatter [tilespmem:s19], [sflag:$0x5], $0x1000, $0x38;
	[tilespmem:$0x1D200] =	vst v63  }
0x140: {  	_ =	swait.ge [sflag:s20], $0x1000  }
0x141: {  	[sflag:s20] =	ssyncset.done $0x0  }
0x142: {  	[sflag:s20] =	ssyncadd.s32 $0xFFFFF000  }
0x143: {  	[spmem:s11] =	stream.linear.scatter [tilespmem:s19], [sflag:$0x5], $0x1000, $0x38;
	[tilespmem:$0x1D200] =	vst v63  }
0x144: {  	_ =	swait.ge [sflag:s20], $0x1000  }
0x145: {  	[sflag:s20] =	ssyncset.done $0x0  }
0x146: {  	[sflag:s20] =	ssyncadd.s32 $0xFFFFF000  }
0x147: {  	[spmem:s3] =	stream.linear.scatter [tilespmem:s19], [sflag:$0x5], $0x1000, $0x38;
	[tilespmem:$0x1D200] =	vst v63  }
0x148: {  	_ =	swait.ge [sflag:s20], $0x1000  }
0x149: {  	[sflag:s20] =	ssyncset.done $0x0  }
0x14a: {  	[sflag:s20] =	ssyncadd.s32 $0xFFFFF000  }
0x14b: {  	[spmem:s7] =	stream.linear.scatter [tilespmem:s19], [sflag:$0x5], $0x1000, $0x38;
	[tilespmem:$0x1D200] =	vst v63  }
0x14c: {  	_ =	swait.ge [sflag:s20], $0x1000  }
0x14d: {  	[sflag:s20] =	ssyncset.done $0x0  }
0x14e: {  	[sflag:s20] =	ssyncadd.s32 $0xFFFFF000  }
0x14f: {  	[spmem:s9] =	stream.linear.scatter [tilespmem:s19], [sflag:$0x5], $0x1000, $0x38;
	[tilespmem:$0x1D200] =	vst v63  }
0x150: {  	_ =	swait.ge [sflag:s20], $0x1000  }
0x151: {  	[sflag:s20] =	ssyncset.done $0x0  }
0x152: {  	[sflag:s20] =	ssyncadd.s32 $0xFFFFF000  }
0x153: {  	[bflag:$0x0] =	sbarrier.arrive $0xFFFF  }
0x154: {  	s9 =	rddreg [dreg:$0x18]  }
0x155: {  	[tilespmem:s21], [sflag:$0x5] =	stream.linear.gather [hbm4b:s9+s21], $0x100, $0x38;
	[tilespmem:$0x1D200] =	vst v63  }
0x156: {  	_ =	swait.ge [sflag:s20], $0x100  }
0x157: {  	[sflag:s20] =	ssyncset.done $0x0  }
0x158: {  	[sflag:s20] =	ssyncadd.s32 $0xFFFFFF00  }
0x159: {  	[tilespmem:s23], [sflag:$0x1] =	stream.indirect.gather [hbm4b:s31+s22], $0x80, s21, s22, $0xb8;
	[tilespmem:$0x1D200] =	vst v63  }
0x15a: {  	_ =	swait.ge [sflag:s24], $0x4000  }
0x15b: {  	[sflag:s24] =	ssyncset.done $0x0  }
0x15c: {  	[sflag:s24] =	ssyncadd.s32 $0xFFFFC000  }
0x15d: {  	[spmem:s28] =	stream.indirect.scatter.add.f32 [tilespmem:s23], [sflag:$0x3], $0x80, s22, s22, $0xb8;
	[tilespmem:$0x1D200] =	vst v63  }
0x15e: {  	s17 =	smov.u32 s11;
	s11 =	rddreg [dreg:$0x19]  }
0x15f: {  	[tilespmem:s18], [sflag:$0x5] =	stream.linear.gather [hbm4b:s11+s21], $0x100, $0x38;
	[tilespmem:$0x1D200] =	vst v63  }
0x160: {  	_ =	swait.ge [sflag:s20], $0x100  }
0x161: {  	[sflag:s20] =	ssyncset.done $0x0  }
0x162: {  	[sflag:s20] =	ssyncadd.s32 $0xFFFFFF00  }
0x163: {  	[tilespmem:s25], [sflag:$0x2] =	stream.indirect.gather [hbm4b:s31+s22], $0x80, s18, s22, $0xb8;
	[tilespmem:$0x1D200] =	vst v63  }
0x164: {  	_ =	swait.ge [sflag:s0], $0x4000  }
0x165: {  	[sflag:s0] =	ssyncset.done $0x0  }
0x166: {  	[sflag:s0] =	ssyncadd.s32 $0xFFFFC000  }
0x167: {  	[spmem:s28] =	stream.indirect.scatter.add.f32 [tilespmem:s25], [sflag:$0x4], $0x80, s26, s22, $0xb8;
	[tilespmem:$0x1D200] =	vst v63  }
0x168: {  	_ =	swait.ge [sflag:s1], $0x4000  }
0x169: {  	[sflag:s1] =	ssyncset.done $0x0  }
0x16a: {  	s16 =	rddreg [dreg:$0x1a];
	[sflag:s1] =	ssyncadd.s32 $0xFFFFC000  }
0x16b: {  	[tilespmem:s21], [sflag:$0x5] =	stream.linear.gather [hbm4b:s16+s21], $0x100, $0x38;
	[tilespmem:$0x1D200] =	vst v63  }
0x16c: {  	s4 =	simm.s32 $0x0;
	s6 =	smov.u32 s8;
	_ =	swait.ge [sflag:s20], $0x100  }
0x16d: {  	s3 =	smov.u32 s5;
	[sflag:s20] =	ssyncset.done $0x0;
	s9 =	sld [smem:$0x7EF]  }
0x16e: {  	s16 =	smov.u32 s15;
	s11 =	sld [smem:$0x7F1];
	[sflag:s20] =	ssyncadd.s32 $0xFFFFFF00  }
0x16f: {  	[tilespmem:s23], [sflag:$0x1] =	stream.indirect.gather [hbm4b:s31+s22], $0x80, s21, s22, $0xb8;
	[tilespmem:$0x1D200] =	vst v63  }
.LBB2_2:
0x170: {  	_ =	swait.ge [sflag:s24], $0x4000  }
0x171: {  	[sflag:s24] =	ssyncset.done $0x0  }
0x172: {  	[sflag:s24] =	ssyncadd.s32 $0xFFFFC000  }
0x173: {  	[spmem:s28] =	stream.indirect.scatter.add.f32 [tilespmem:s23], [sflag:$0x3], $0x80, s22, s22, $0xb8;
	[tilespmem:$0x1D200] =	vst v63  }
0x174: {  	_ =	swait.ge [sflag:s2], $0x4000  }
0x175: {  	[sflag:s2] =	ssyncset.done $0x0  }
0x176: {  	s5 =	sadd.s32 s4, s30;
	[sflag:s2] =	ssyncadd.s32 $0xFFFFC000  }
0x177: {  	[tilespmem:s18], [sflag:$0x5] =	stream.linear.gather [hbm4b:s5+s21], $0x100, $0x38;
	[tilespmem:$0x1D200] =	vst v63  }
0x178: {  	_ =	swait.ge [sflag:s20], $0x100  }
0x179: {  	[sflag:s20] =	ssyncset.done $0x0  }
0x17a: {  	[sflag:s20] =	ssyncadd.s32 $0xFFFFFF00  }
0x17b: {  	[tilespmem:s25], [sflag:$0x2] =	stream.indirect.gather [hbm4b:s31+s22], $0x80, s18, s22, $0xb8;
	[tilespmem:$0x1D200] =	vst v63  }
0x17c: {  	_ =	swait.ge [sflag:s0], $0x4000  }
0x17d: {  	p0 =	seq.s32 s4, $0x980;
	[sflag:s0] =	ssyncset.done $0x0  }
.Ltmp2:
0x17e: {  	[sflag:s0] =	ssyncadd.s32 $0xFFFFC000;
	(pc) =	sbr.rel @p0 .LBB2_4-.Ltmp2, $4  }
0x17f: {  	[spmem:s28] =	stream.indirect.scatter.add.f32 [tilespmem:s25], [sflag:$0x4], $0x80, s26, s22, $0xb8;
	[tilespmem:$0x1D200] =	vst v63  }
0x180: {  	_ =	swait.ge [sflag:s1], $0x4000  }
0x181: {  	[sflag:s1] =	ssyncset.done $0x0  }
0x182: {  	[sflag:s1] =	ssyncadd.s32 $0xFFFFC000  }
0x183: {  	s5 =	sadd.s32 s4, s29  }
0x184: {  	[tilespmem:s21], [sflag:$0x5] =	stream.linear.gather [hbm4b:s5+s21], $0x100, $0x38;
	[tilespmem:$0x1D200] =	vst v63  }
.Ltmp3:
0x185: {  	_ = 	snop;
	(pc) =	sbr.rel .LBB2_2-.Ltmp3, $4  }
0x186: {  	_ =	swait.ge [sflag:s20], $0x100  }
0x187: {  	[sflag:s20] =	ssyncset.done $0x0  }
0x188: {  	s4 =	sadd.s32 $0x40, s4;
	[sflag:s20] =	ssyncadd.s32 $0xFFFFFF00  }
0x189: {  	[tilespmem:s23], [sflag:$0x1] =	stream.indirect.gather [hbm4b:s31+s22], $0x80, s21, s22, $0xb8;
	[tilespmem:$0x1D200] =	vst v63  }
.LBB2_5:
0x18a: {  	_ =	sfence.sel $0x180000  }
0x18b: {  	[bflag:$0x0] =	sbarrier.arrive $0xFFFF  }
0x18c: {  	_ =	strace $0x9000004A  }
0x18d: {  	s0 =	stileid.u32;
	[bflag:$0x2] =	sbarrier.arrive $0xFFFF  }
0x18e: {  	p0 =	sne.s32 s0, $0x0;
	s0 =	rddreg [dreg:$0x3]  }
0x18f: {  	s0 =	sadd.s32 @!p0 $0x100000, s0  }
0x190: {  	[sflag:s0] =	ssyncadd.tile.s32 @!p0 $0x1;
	_ =	shalt  }
.Lfunc_end2:
_tile_overlayer_lowered:
.L_overlay_start_2:
0x191: {  	(tag) =	ssettag $0x2  }
0x192: {  	s0 =	rddreg [dreg:$0x0];
	s2 =	stileid.u32  }
0x193: {  	s1 =	rddreg [dreg:$0x1];
	p0 =	sne.s32 s2, $0x0  }
0x194: {  	s3 =	rddreg [dreg:$0x2];
	[bflag:$0x3] =	sbarrier.arrive $0xFFFF;
	s2 =	simm.s32 @!p0 $0x1C05  }
0x195: {  	[timem:s3], [sflag:s2] =	dma.local @!p0 [hbm:s0], s1  }
0x196: {  	s0 =	simm.s32 @!p0 $0x5  }
0x197: {  	_ =	swait.ge @!p0 [sflag:s0], s1  }
0x198: {  	s1 =	ssub.s32 @!p0 $0x0, s1;
	[sflag:s0] =	ssyncset.done @!p0 $0x0  }
0x199: {  	[sflag:s0] =	ssyncadd.s32 @!p0 s1  }
0x19a: {  	[bflag:$0x3] =	sbarrier.arrive $0xFFFF  }
0x19b: {  	_ =	shalt  }

// kernel: kernel.14.cloned.1.call-start
scs
__scs_entry_jumppad:
0x0: {  	(pc) =	sbr.rel $0x88, $3  }
0x1: {  	(tag) =	ssettag $0x0;
	lr =	simm.s32 $0x1  }
0x2: {  	[smem:$0x3F9B] =	sst lr;
	_ =	strace $0xD0000000  }
0x3: {  	_ = 	snop  }
0x4: {  	_ = 	snop  }
0x5: {  	_ = 	snop  }
0x6: {  	_ = 	snop  }
0x7: {  	_ = 	snop  }
__scs_overlays_trampoline_lowered:
0x8: {  	[smem:$0x3FAA] =	sst s0  }
0x9: {  	[smem:$0x3FAB] =	sst s1  }
0xa: {  	[smem:$0x3FAC] =	sst s2  }
0xb: {  	[smem:$0x3FAD] =	sst s3  }
0xc: {  	[smem:$0x3FAE] =	sst s4  }
0xd: {  	[smem:$0x3FAF] =	sst s5  }
0xe: {  	[smem:$0x3FB0] =	sst s6  }
0xf: {  	[smem:$0x3FB1] =	sst s7  }
0x10: {  	[smem:$0x3FB2] =	sst s8  }
0x11: {  	[smem:$0x3FB3] =	sst s9;
	s0 =	simm.s32 @!p0 $0x0  }
0x12: {  	s1 =	sld [smem:$0x3F99];
	s0 =	simm.s32 @p0 $0x1  }
0x13: {  	[smem:$0x3FB4] =	sst s0;
	s0 =	simm.s32 @!p1 $0x0  }
0x14: {  	s2 =	sld [smem:$0x3F98];
	s0 =	simm.s32 @p1 $0x1  }
0x15: {  	[smem:$0x3FB5] =	sst s0;
	s0 =	simm.s32 @!p2 $0x0  }
0x16: {  	s3 =	sld [smem:$0x3FDB];
	s0 =	simm.s32 @p2 $0x1  }
0x17: {  	s4 =	simm.s32 $0x1BF5;
	[smem:$0x3FB7] =	sst s0  }
0x18: {  	s0 =	sld [smem:$0x3F9A];
	_ =	swait.ge [sflag:s4], $0x0  }
0x19: {  	s7 =	sld [smem:$0x3F9B]  }
0x1a: {  	s8 =	sadd.s32 $0xFFFFE003, lr  }
0x1b: {  	s9 =	sadd.s32 $0xFFFFFEF7, lr;
	s5 =	simm.s32 $0xFFFFFFFF;
	p2 =	slt.u32 s8, $0xFFFFF086  }
0x1c: {  	p1 =	slt.u32 s9, $0xF7A;
	s5 =	simm.s32 @!p2 $0x0  }
0x1d: {  	s5 =	simm.s32 @p1 $0x1;
	p0 =	seq.s32 s7, s2  }
0x1e: {  	s7 =	smul.u32 @!p0 $0xF7A, s2;
	p2 =	seq.s32 @!p0 s5, $0x0  }
0x1f: {  	s9 =	smul.u32 $0xF7A, s1;
	s8 =	simm.s32 @!p0 $0x1BF5;
	p2 =	por !p2, p0  }
0x20: {  	[sflag:s8] =	ssyncset.s32 @!p0 $0xFFFFF086;
	s6 =	sadd.s32 @!p0 s3, s7;
	s7 =	simm.s32 @!p0 $0x108  }
0x21: {  	s3 =	sadd.s32 s3, s9;
	s6 =	sadd.s32 @!p0 $0x88, s6;
	s7 =	simm.s32 @p2 $0x1082  }
0x22: {  	[simem:s7], [sflag:s8] =	dma.local @!p0 [hbm:s6], $0xF7A  }
0x23: {  	s9 =	sor.u32 $0xD0000000, s2;
	s6 =	simm.s32 $0x108;
	_ =	swait.ge @!p0 [sflag:s8], $0x0  }
0x24: {  	s3 =	sadd.s32 $0x88, s3;
	s6 =	simm.s32 @!p1 $0x1082;
	[sflag:s4] =	ssyncset.s32 $0xFFFFF086  }
0x25: {  	[simem:s6], [sflag:s4] =	dma.local [hbm:s3], $0xF7A  }
0x26: {  	[smem:$0x3F9B] =	sst s1;
	(tag) =	ssettag s2;
	_ =	strace s9  }
0x27: {  	s1 =	sld [smem:$0x3FAB]  }
0x28: {  	s2 =	sld [smem:$0x3FAC]  }
0x29: {  	s4 =	sld [smem:$0x3FAE]  }
0x2a: {  	p0 =	seq.s32 s5, $0x0;
	s5 =	sld [smem:$0x3FAF]  }
0x2b: {  	s6 =	sld [smem:$0x3FB0]  }
0x2c: {  	s7 =	sld [smem:$0x3FB1]  }
0x2d: {  	s3 =	simm.s32 $0x108;
	s8 =	sld [smem:$0x3FB2]  }
0x2e: {  	s3 =	simm.s32 @!p0 $0x1082;
	s9 =	sld [smem:$0x3FB3]  }
0x2f: {  	lr =	sadd.s32 s0, s3;
	s0 =	sld [smem:$0x3FAA]  }
0x30: {  	s3 =	sld [smem:$0x3FAD]  }
0x31: {  	[smem:$0x3FB6] =	sst s10  }
0x32: {  	s10 =	sld [smem:$0x3FB4];
	_ =	sdelay $0x3  }
0x33: {  	p0 =	seq.s32 s10, $0x1;
	s10 =	sld [smem:$0x3FB6];
	_ =	sdelay $0x3  }
0x34: {  	[smem:$0x3FB6] =	sst s10  }
0x35: {  	s10 =	sld [smem:$0x3FB5];
	_ =	sdelay $0x3  }
0x36: {  	p1 =	seq.s32 s10, $0x1;
	s10 =	sld [smem:$0x3FB6];
	_ =	sdelay $0x3  }
0x37: {  	[smem:$0x3FB6] =	sst s10  }
0x38: {  	s10 =	sld [smem:$0x3FB7]  }
0x39: {  	_ = 	snop;
	(pc) =	sbr.ind lr, $3  }
0x3a: {  	_ = 	snop  }
0x3b: {  	_ = 	snop  }
0x3c: {  	p2 =	seq.s32 s10, $0x1;
	s10 =	sld [smem:$0x3FB6]  }
0x3d: {  	_ =	shalt  }
0x3e: {  	_ =	shalt  }
0x3f: {  	_ =	shalt  }
0x40: {  	_ =	shalt  }
0x41: {  	_ =	shalt  }
0x42: {  	_ =	shalt  }
0x43: {  	_ =	shalt  }
0x44: {  	_ =	shalt  }
0x45: {  	_ =	shalt  }
0x46: {  	_ =	shalt  }
0x47: {  	_ =	shalt  }
0x48: {  	_ =	shalt  }
0x49: {  	_ =	shalt  }
0x4a: {  	_ =	shalt  }
0x4b: {  	_ =	shalt  }
0x4c: {  	_ =	shalt  }
0x4d: {  	_ =	shalt  }
0x4e: {  	_ =	shalt  }
0x4f: {  	_ =	shalt  }
0x50: {  	_ =	shalt  }
0x51: {  	_ =	shalt  }
0x52: {  	_ =	shalt  }
0x53: {  	_ =	shalt  }
0x54: {  	_ =	shalt  }
0x55: {  	_ =	shalt  }
0x56: {  	_ =	shalt  }
0x57: {  	_ =	shalt  }
0x58: {  	_ =	shalt  }
0x59: {  	_ =	shalt  }
0x5a: {  	_ =	shalt  }
0x5b: {  	_ =	shalt  }
0x5c: {  	_ =	shalt  }
0x5d: {  	_ =	shalt  }
0x5e: {  	_ =	shalt  }
0x5f: {  	_ =	shalt  }
0x60: {  	_ =	shalt  }
0x61: {  	_ =	shalt  }
0x62: {  	_ =	shalt  }
0x63: {  	_ =	shalt  }
0x64: {  	_ =	shalt  }
0x65: {  	_ =	shalt  }
0x66: {  	_ =	shalt  }
0x67: {  	_ =	shalt  }
0x68: {  	_ =	shalt  }
0x69: {  	_ =	shalt  }
0x6a: {  	_ =	shalt  }
0x6b: {  	_ =	shalt  }
0x6c: {  	_ =	shalt  }
0x6d: {  	_ =	shalt  }
0x6e: {  	_ =	shalt  }
0x6f: {  	_ =	shalt  }
0x70: {  	_ =	shalt  }
0x71: {  	_ =	shalt  }
0x72: {  	_ =	shalt  }
0x73: {  	_ =	shalt  }
0x74: {  	_ =	shalt  }
0x75: {  	_ =	shalt  }
0x76: {  	_ =	shalt  }
0x77: {  	_ =	shalt  }
0x78: {  	_ =	shalt  }
0x79: {  	_ =	shalt  }
0x7a: {  	_ =	shalt  }
0x7b: {  	_ =	shalt  }
0x7c: {  	_ =	shalt  }
0x7d: {  	_ =	shalt  }
0x7e: {  	_ =	shalt  }
0x7f: {  	_ =	shalt  }
0x80: {  	_ =	shalt  }
0x81: {  	_ =	shalt  }
0x82: {  	_ =	shalt  }
0x83: {  	_ =	shalt  }
0x84: {  	_ =	shalt  }
0x85: {  	_ =	shalt  }
0x86: {  	_ =	shalt  }
0x87: {  	_ =	shalt  }
.Lfunc_end0:
.L_simem_size_0:
called_computation.2_lowered:
.L_overlay_start_0:
0x88: {  	s2 =	sld [smem:$0x3FD9]  }
0x89: {  	s3 =	sld [smem:$0x3FFE];
	_ =	sdelay $0x1  }
0x8a: {  	s1 =	srdreg.scid  }
0x8b: {  	s0 =	sand.u32 $0x1, s1  }
0x8c: {  	s17 =	sshll.u32 s0, $0xA;
	s2 =	sadd.s32 s3, s2  }
0x8d: {  	s2 =	sadd.s32 s2, s17  }
0x8e: {  	[smem:$0x3FC2] =	sst s2  }
0x8f: {  	_ = 	snop  }
0x90: {  	s2 =	sld [smem:$0x3FD0];
	(tm) =	ssettm $0x1  }
0x91: {  	s18 =	sld [smem:$0x3FFB];
	_ =	sdelay $0x3  }
0x92: {  	_ =	strace s18  }
0x93: {  	s3 =	sld [smem:$0x3FFC];
	_ =	sdelay $0x3  }
0x94: {  	_ =	strace s3  }
0x95: {  	s3 =	sld [smem:$0x3FFD];
	_ =	sdelay $0x3  }
0x96: {  	_ =	strace s3  }
0x97: {  	_ =	strace $0x8FFFFFFF  }
0x98: {  	s19 =	sld [smem:$0x3FDB];
	_ =	sdelay $0x1  }
0x99: {  	s4 =	simm.s32 $_scs_section_size  }
0x9a: {  	s5 =	simm.s32 $_size__tile_overlayer_lowered;
	s6 =	simm.s32 $_tile_overlayer_lowered  }
0x9b: {  	s22 =	simm.s32 $0x1BFF;
	s21 =	sshll.u32 s6, $0x1;
	s3 =	sadd.s32 s4, s19  }
0x9c: {  	s7 =	simm.s32 $0x0;
	s20 =	sshll.u32 s5, $0x1;
	s5 =	sadd.s32 s21, s3  }
0x9d: {  	[timem:s7], [sflag:s22] =	dma.local [hbm:s5], s20  }
0x9e: {  	_ =	swait.ge [sflag:s22], s20  }
0x9f: {  	s4 =	ssub.s32 $0x0, s20;
	[sflag:s22] =	ssyncset.done $0x0  }
0xa0: {  	[sflag:s22] =	ssyncadd.s32 s4;
	_ =	sdelay $0x1  }
0xa1: {  	s23 =	simm.s32 $0x1B8B  }
0xa2: {  	_ =	swait.ge [sflag:s23], $0x1  }
0xa3: {  	[sflag:s23] =	ssyncset.done $0x0  }
0xa4: {  	s25 =	simm.s32 $0x1B8E;
	s24 =	sld [smem:$0x3FFE];
	[sflag:s23] =	ssyncadd.s32 $0xFFFFFFFF  }
0xa5: {  	s26 =	simm.s32 $execute0_lowered;
	[smem:$0x3FD2] =	sst s25  }
0xa6: {  	s5 =	sshll.u32 s26, $0x1;
	_ =	strace $0x8000004C;
	[dreg:$0x1] =	wrdreg $0xFFFFFFFF  }
0xa7: {  	s28 =	simm.s32 $_size_execute0_lowered;
	s3 =	sadd.s32 s3, s5;
	[dreg:$0x0] =	wrdreg $0x0  }
0xa8: {  	s5 =	sshll.u32 s28, $0x1;
	[dreg:$0x2] =	wrdreg s3  }
0xa9: {  	[dreg:$0x3] =	wrdreg s5  }
0xaa: {  	[dreg:$0x4] =	wrdreg $0xC0  }
0xab: {  	_ =	task [dreg:s7], $0x5FFFF  }
0xac: {  	[dreg:$0x1] =	wrdreg $0xFFFFFFFF  }
0xad: {  	[dreg:$0x0] =	wrdreg $0x60  }
0xae: {  	[dreg:$0x2] =	wrdreg s24  }
0xaf: {  	[dreg:$0x3] =	wrdreg s2  }
0xb0: {  	[dreg:$0x4] =	wrdreg $0x38000  }
0xb1: {  	[dreg:$0x5] =	wrdreg $0x9  }
0xb2: {  	_ =	task.clear_ibuf [dreg:s7], $0x6FFFF;
	_ =	strace $0x9000004C  }
0xb3: {  	s29 =	simm.s32 $0x9;
	_ =	strace $0x8000004E  }
0xb4: {  	_ =	swait.ge [sflag:s29], $0x1  }
0xb5: {  	[sflag:s29] =	ssyncadd.s32 $0xFFFFFFFF  }
0xb6: {  	_ =	strace $0x9000004E  }
0xb7: {  	_ =	sfence  }
0xb8: {  	s30 =	sld [smem:$0x0];
	_ =	sdelay $0x2  }
0xb9: {  	s31 =	sshll.u32 s1, $0xD;
	s1 =	sshrl.u32 s1, $0x2  }
0xba: {  	s3 =	sand.u32 $0x4000, s31;
	s1 =	sadd.s32 s1, s30  }
0xbb: {  	s0 =	sor.u32 s3, s0;
	s1 =	sshll.u32 s1, $0x11  }
0xbc: {  	s0 =	sor.u32 s1, s0  }
0xbd: {  	s0 =	sadd.s32 $0x8F2B, s0  }
0xbe: {  	[sflag:s0] =	ssyncadd.remote.s32 $0x1  }
0xbf: {  	_ =	sfence.sel $0xFFFF  }
0xc0: {  	[dreg:$0x0] =	wrdreg $0xFFFFFFFF;
	(pc) =	sbr.abs _section_cstart, $3  }
0xc1: {  	[dreg:$0x1] =	wrdreg $0xFFFFFFFF  }
0xc2: {  	_ =	task.clear_ibuf [dreg:s7], $0x2FFFF;
	_ =	strace $0x9FFFFFFF  }
0xc3: {  	(tm) =	ssettm $0x7FFFFFFF  }
tec
execute0_lowered:
.L_overlay_start_1:
0x0: {  	(tag) =	ssettag $0x1  }
0x1: {  	s1 =	rddreg [dreg:$0x0]  }
0x2: {  	s0 =	srdreg.scid;
	s19 =	stileid.u32  }
0x3: {  	s3 =	sand.u32 $0x1, s0;
	s0 =	sadd.s32 $0xC800, s1;
	s7 =	smul.u32 $0x280, s19  }
0x4: {  	s5 =	sadd.s32 $0x47A00, s1;
	s8 =	sadd.s32 $0x56600, s1;
	s1 =	smul.u32 $0x1E000, s19  }
0x5: {  	s2 =	rddreg [dreg:$0x2];
	s6 =	ssub.s32 $0x2, s3;
	s18 =	smul.u32 $0x2800, s3  }
0x6: {  	s10 =	sshll.u32 s3, $0x4;
	s3 =	smul.u32 $0x50000, s3;
	s9 =	sor.u32 $0x20, s7  }
0x7: {  	s4 =	simm.s32 $0x0;
	s12 =	sor.u32 $0x40, s7;
	s11 =	smul.u32 $0xC0, s9  }
0x8: {  	[smem:$0x7FF] =	sst s4;
	s14 =	sor.u32 $0x60, s7;
	s13 =	smul.u32 $0xC0, s12  }
0x9: {  	_ =	strace $0x8000004D;
	s17 =	sadd.s32 $0x80, s7;
	s16 =	smul.u32 $0xC0, s14  }
0xa: {  	s24 =	sshrl.u32 s6, $0x1;
	s10 =	sor.u32 s19, s10;
	s25 =	smul.u32 $0xC0, s17  }
0xb: {  	s15 =	sshrl.u32 s1, $0x2;
	s10 =	smul.u32 $0x5000, s10;
	s7 =	sadd.s32 s7, s18  }
0xc: {  	s6 =	ssub.s32 s6, s24;
	s9 =	sadd.s32 s18, s9;
	s7 =	smul.u32 $0x6, s7  }
0xd: {  	s23 =	sadd.s32 s15, s2;
	s12 =	sadd.s32 s18, s12;
	s9 =	smul.u32 $0x6, s9  }
0xe: {  	s15 =	sadd.s32 $0x7800, s1;
	s21 =	sadd.s32 s18, s17;
	s12 =	smul.u32 $0x6, s12  }
0xf: {  	[dreg:$0x14] =	wrdreg s23;
	s11 =	sshrl.u32 s11, $0x2;
	s13 =	sshrl.u32 s13, $0x2  }
0x10: {  	s16 =	sshrl.u32 s16, $0x2;
	s20 =	sshrl.u32 s10, $0x3;
	s24 =	sor.u32 $0x100, s10  }
0x11: {  	s10 =	sor.u32 $0x200, s10;
	s22 =	sadd.s32 s11, s2;
	s26 =	sadd.s32 s13, s2  }
0x12: {  	s29 =	sadd.s32 s16, s2;
	s13 =	sshrl.u32 s25, $0x2;
	s16 =	sadd.s32 s18, s14  }
0x13: {  	s17 =	sadd.s32 s8, s7;
	s25 =	smul.u32 $0x6, s21;
	[dreg:$0xc] =	wrdreg s26  }
0x14: {  	s9 =	sadd.s32 s8, s9;
	s18 =	sshrl.u32 s10, $0x3;
	[dreg:$0xd] =	wrdreg s29  }
0x15: {  	s21 =	sadd.s32 $0xA800, s1;
	s10 =	sadd.s32 $0x12000, s1;
	[dreg:$0x5] =	wrdreg s9  }
0x16: {  	s11 =	sadd.s32 s13, s2;
	s13 =	smul.u32 $0x6, s16;
	[dreg:$0x4] =	wrdreg s17  }
0x17: {  	s26 =	sadd.s32 s8, s12;
	s12 =	smul.u32 $0x5000, s19;
	[dreg:$0x12] =	wrdreg s22  }
0x18: {  	s16 =	sshrl.u32 s24, $0x3;
	s14 =	sshrl.u32 s10, $0x2;
	[dreg:$0xe] =	wrdreg s11  }
0x19: {  	s11 =	sshrl.u32 s15, $0x2;
	[dreg:$0x6] =	wrdreg s26;
	s7 =	sadd.s32 s8, s25  }
0x1a: {  	s15 =	sadd.s32 s0, s20;
	s9 =	sadd.s32 s0, s16;
	[dreg:$0x8] =	wrdreg s7  }
0x1b: {  	s26 =	sadd.s32 $0xC000, s1;
	s16 =	sadd.s32 $0x15000, s1;
	[dreg:$0x9] =	wrdreg s15  }
0x1c: {  	s29 =	sadd.s32 s8, s13;
	s13 =	sadd.s32 $0x9000, s1;
	[dreg:$0xa] =	wrdreg s9  }
0x1d: {  	s3 =	sadd.s32 s12, s3;
	s7 =	sadd.s32 s0, s18;
	s24 =	sadd.s32 s11, s2  }
0x1e: {  	s9 =	sadd.s32 $0x10800, s1;
	s11 =	sadd.s32 $0x13800, s1;
	[dreg:$0x7] =	wrdreg s29  }
0x1f: {  	s18 =	sadd.s32 $0x16800, s1;
	s19 =	sor.u32 $0x400, s3;
	[dreg:$0xb] =	wrdreg s7  }
0x20: {  	s3 =	sor.u32 $0x300, s3;
	[dreg:$0x11] =	wrdreg s24;
	s25 =	sshrl.u32 s13, $0x2  }
0x21: {  	s29 =	sadd.s32 $0xD800, s1;
	s20 =	sshrl.u32 s19, $0x3;
	s3 =	sshrl.u32 s3, $0x3  }
0x22: {  	s8 =	sshrl.u32 s29, $0x2;
	s29 =	sadd.s32 $0x19800, s1;
	s19 =	sadd.s32 s20, s0  }
0x23: {  	s20 =	sadd.s32 s3, s0;
	s0 =	sshrl.u32 s21, $0x2;
	s3 =	sadd.s32 s25, s2  }
0x24: {  	s12 =	sadd.s32 s8, s2;
	s25 =	sadd.s32 s14, s2;
	s21 =	sadd.s32 $0x18000, s1  }
0x25: {  	s14 =	sadd.s32 $0x3C0, s17;
	[dreg:$0x13] =	wrdreg s3;
	s30 =	sadd.s32 s0, s2  }
0x26: {  	s0 =	sshrl.u32 s26, $0x2;
	s3 =	sadd.s32 $0xF000, s1;
	s26 =	sshrl.u32 s18, $0x2  }
0x27: {  	[dreg:$0x1a] =	wrdreg s14;
	s18 =	sadd.s32 $0x600, s17;
	s14 =	sadd.s32 $0xC00, s17  }
0x28: {  	[dreg:$0xf] =	wrdreg s25;
	s24 =	sadd.s32 s0, s2;
	s7 =	sshrl.u32 s3, $0x2  }
0x29: {  	s0 =	sshrl.u32 s9, $0x2;
	s26 =	sadd.s32 s26, s2;
	[dreg:$0x1d] =	wrdreg s18  }
0x2a: {  	s9 =	sadd.s32 $0x9C0, s17;
	[smem:$0x7F9] =	sst s14;
	s18 =	sadd.s32 $0xE40, s17  }
0x2b: {  	s13 =	sadd.s32 s7, s2;
	s28 =	sadd.s32 s0, s2;
	[smem:$0x7F6] =	sst s9  }
0x2c: {  	s7 =	sshrl.u32 s11, $0x2;
	s11 =	smax.u32 s6, $0x1;
	[smem:$0x7FC] =	sst s18  }
0x2d: {  	s0 =	sshrl.u32 s16, $0x2;
	s16 =	sadd.s32 $0x540, s17;
	[dreg:$0x18] =	wrdreg s11  }
0x2e: {  	s3 =	sadd.s32 $0x1C800, s1;
	s6 =	sadd.s32 $0x780, s17;
	[dreg:$0x1c] =	wrdreg s16  }
0x2f: {  	s14 =	simm.s32 $0x1;
	s10 =	sshrl.u32 s3, $0x2;
	[dreg:$0x1f] =	wrdreg s6  }
0x30: {  	s18 =	simm.s32 $0x200;
	s15 =	sadd.s32 s7, s2;
	[dreg:$0x10] =	wrdreg s28  }
0x31: {  	s9 =	simm.s32 $0x3;
	s0 =	sadd.s32 s0, s2;
	[dreg:$0x19] =	wrdreg s15  }
0x32: {  	s3 =	sadd.s32 s10, s2;
	s10 =	sadd.s32 $0xA80, s17;
	[smem:$0x7F3] =	sst s0  }
0x33: {  	s7 =	sshrl.u32 s21, $0x2;
	s11 =	sadd.s32 $0xB40, s17;
	[smem:$0x7F7] =	sst s10  }
0x34: {  	s16 =	sadd.s32 $0xD80, s17;
	s6 =	simm.s32 $0x1A00;
	[smem:$0x7F8] =	sst s11  }
0x35: {  	s21 =	sadd.s32 s7, s2;
	s7 =	sshrl.u32 s29, $0x2;
	[smem:$0x7FB] =	sst s16  }
0x36: {  	s0 =	sadd.s32 $0x1B000, s1;
	s15 =	sadd.s32 $0x480, s17;
	[dreg:$0x17] =	wrdreg s3  }
0x37: {  	s29 =	sadd.s32 $0x6C0, s17;
	s16 =	simm.s32 $0x5;
	[dreg:$0x1b] =	wrdreg s15  }
0x38: {  	s11 =	simm.s32 $0x100;
	s10 =	simm.s32 $0x4;
	[dreg:$0x1e] =	wrdreg s29  }
0x39: {  	s31 =	sadd.s32 s7, s2;
	s7 =	sadd.s32 $0x840, s17;
	[dreg:$0x16] =	wrdreg s21  }
.Ltmp0:
0x3a: {  	s15 =	sadd.s32 $0xCC0, s17;
	[smem:$0x7F4] =	sst s7;
	(pc) =	sbr.rel .LBB2_1-.Ltmp0, $4  }
0x3b: {  	s8 =	sshrl.u32 s0, $0x2;
	s29 =	simm.s32 $0x0;
	[smem:$0x7FA] =	sst s15  }
0x3c: {  	s1 =	sadd.s32 s8, s2;
	s8 =	sadd.s32 $0x900, s17;
	[smem:$0x7FD] =	sst s29  }
0x3d: {  	s15 =	simm.s32 $0x3200;
	s17 =	simm.s32 $0x80;
	[smem:$0x7F5] =	sst s8  }
0x3e: {  	s7 =	simm.s32 $0x2;
	s8 =	simm.s32 $0x180;
	[dreg:$0x15] =	wrdreg s1  }
.LBB2_4:
0x3f: {  	_ =	swait.ge [sflag:s10], $0x1800  }
0x40: {  	[sflag:s10] =	ssyncset.done $0x0  }
0x41: {  	[sflag:s10] =	ssyncadd.s32 $0xFFFFE800  }
0x42: {  	[bflag:$0x0] =	sbarrier.arrive $0xFFFF  }
0x43: {  	s23 =	rddreg [dreg:$0x14]  }
0x44: {  	[tilespmem:s15], [sflag:$0x5] =	stream.linear.gather [spmem:s23], $0x600, $0x38;
	[tilespmem:$0xB000] =	vst v63  }
0x45: {  	_ =	swait.ge [sflag:s16], $0x600  }
0x46: {  	[sflag:s16] =	ssyncset.done $0x0  }
0x47: {  	s22 =	rddreg [dreg:$0x4];
	[sflag:s16] =	ssyncadd.s32 $0xFFFFFA00  }
0x48: {  	[hbm4b:s22+s4] =	stream.linear.scatter [tilespmem:s15], [sflag:$0x5], $0x600, $0x38;
	[tilespmem:$0xB000] =	vst v63  }
0x49: {  	_ =	swait.ge [sflag:s16], $0x600  }
0x4a: {  	[sflag:s16] =	ssyncset.done $0x0  }
0x4b: {  	s22 =	rddreg [dreg:$0x12];
	[sflag:s16] =	ssyncadd.s32 $0xFFFFFA00  }
0x4c: {  	[tilespmem:s15], [sflag:$0x5] =	stream.linear.gather [spmem:s22], $0x600, $0x38;
	[tilespmem:$0xB000] =	vst v63  }
0x4d: {  	_ =	swait.ge [sflag:s16], $0x600  }
0x4e: {  	[sflag:s16] =	ssyncset.done $0x0  }
0x4f: {  	s24 =	rddreg [dreg:$0x5];
	[sflag:s16] =	ssyncadd.s32 $0xFFFFFA00  }
0x50: {  	[hbm4b:s24+s4] =	stream.linear.scatter [tilespmem:s15], [sflag:$0x5], $0x600, $0x38;
	[tilespmem:$0xB000] =	vst v63  }
0x51: {  	_ =	swait.ge [sflag:s16], $0x600  }
0x52: {  	[sflag:s16] =	ssyncset.done $0x0  }
0x53: {  	s3 =	rddreg [dreg:$0xc];
	[sflag:s16] =	ssyncadd.s32 $0xFFFFFA00  }
0x54: {  	[tilespmem:s15], [sflag:$0x5] =	stream.linear.gather [spmem:s3], $0x600, $0x38;
	[tilespmem:$0xB000] =	vst v63  }
0x55: {  	_ =	swait.ge [sflag:s16], $0x600  }
0x56: {  	[sflag:s16] =	ssyncset.done $0x0  }
0x57: {  	s13 =	rddreg [dreg:$0x6];
	[sflag:s16] =	ssyncadd.s32 $0xFFFFFA00  }
0x58: {  	[hbm4b:s13+s4] =	stream.linear.scatter [tilespmem:s15], [sflag:$0x5], $0x600, $0x38;
	[tilespmem:$0xB000] =	vst v63  }
0x59: {  	_ =	swait.ge [sflag:s16], $0x600  }
0x5a: {  	[sflag:s16] =	ssyncset.done $0x0  }
0x5b: {  	s29 =	rddreg [dreg:$0xd];
	[sflag:s16] =	ssyncadd.s32 $0xFFFFFA00  }
0x5c: {  	[tilespmem:s15], [sflag:$0x5] =	stream.linear.gather [spmem:s29], $0x600, $0x38;
	[tilespmem:$0xB000] =	vst v63  }
0x5d: {  	_ =	swait.ge [sflag:s16], $0x600  }
0x5e: {  	[sflag:s16] =	ssyncset.done $0x0  }
0x5f: {  	s13 =	rddreg [dreg:$0x7];
	[sflag:s16] =	ssyncadd.s32 $0xFFFFFA00  }
0x60: {  	[hbm4b:s13+s4] =	stream.linear.scatter [tilespmem:s15], [sflag:$0x5], $0x600, $0x38;
	[tilespmem:$0xB000] =	vst v63  }
0x61: {  	_ =	swait.ge [sflag:s16], $0x600  }
0x62: {  	[sflag:s16] =	ssyncset.done $0x0  }
0x63: {  	s29 =	rddreg [dreg:$0xe];
	[sflag:s16] =	ssyncadd.s32 $0xFFFFFA00  }
0x64: {  	[tilespmem:s15], [sflag:$0x5] =	stream.linear.gather [spmem:s29], $0x600, $0x38;
	[tilespmem:$0xB000] =	vst v63  }
0x65: {  	_ =	swait.ge [sflag:s16], $0x600  }
0x66: {  	[sflag:s16] =	ssyncset.done $0x0  }
0x67: {  	s13 =	rddreg [dreg:$0x8];
	[sflag:s16] =	ssyncadd.s32 $0xFFFFFA00  }
0x68: {  	[hbm4b:s13+s4] =	stream.linear.scatter [tilespmem:s15], [sflag:$0x5], $0x600, $0x38;
	[tilespmem:$0xB000] =	vst v63  }
0x69: {  	_ =	swait.ge [sflag:s16], $0x600  }
0x6a: {  	[sflag:s16] =	ssyncset.done $0x0  }
0x6b: {  	s24 =	rddreg [dreg:$0x11];
	[sflag:s16] =	ssyncadd.s32 $0xFFFFFA00  }
0x6c: {  	[tilespmem:s15], [sflag:$0x5] =	stream.linear.gather [spmem:s24], $0x600, $0x38;
	[tilespmem:$0xB000] =	vst v63  }
0x6d: {  	_ =	swait.ge [sflag:s16], $0x600  }
0x6e: {  	[sflag:s16] =	ssyncset.done $0x0  }
0x6f: {  	s29 =	rddreg [dreg:$0x1a];
	[sflag:s16] =	ssyncadd.s32 $0xFFFFFA00  }
0x70: {  	[hbm4b:s29+s4] =	stream.linear.scatter [tilespmem:s15], [sflag:$0x5], $0x600, $0x38;
	[tilespmem:$0xB000] =	vst v63  }
0x71: {  	_ =	swait.ge [sflag:s16], $0x600  }
0x72: {  	[sflag:s16] =	ssyncset.done $0x0  }
0x73: {  	s13 =	rddreg [dreg:$0x13];
	[sflag:s16] =	ssyncadd.s32 $0xFFFFFA00  }
0x74: {  	[tilespmem:s15], [sflag:$0x5] =	stream.linear.gather [spmem:s13], $0x600, $0x38;
	[tilespmem:$0xB000] =	vst v63  }
0x75: {  	s3 =	rddreg [dreg:$0x17];
	_ =	swait.ge [sflag:s16], $0x600  }
0x76: {  	[sflag:s16] =	ssyncset.done $0x0  }
0x77: {  	s13 =	rddreg [dreg:$0x1b];
	[sflag:s16] =	ssyncadd.s32 $0xFFFFFA00  }
0x78: {  	[hbm4b:s13+s4] =	stream.linear.scatter [tilespmem:s15], [sflag:$0x5], $0x600, $0x38;
	[tilespmem:$0xB000] =	vst v63  }
0x79: {  	_ =	swait.ge [sflag:s16], $0x600  }
0x7a: {  	[sflag:s16] =	ssyncset.done $0x0  }
0x7b: {  	[sflag:s16] =	ssyncadd.s32 $0xFFFFFA00  }
0x7c: {  	[tilespmem:s15], [sflag:$0x5] =	stream.linear.gather [spmem:s0], $0x600, $0x38;
	[tilespmem:$0xB000] =	vst v63  }
0x7d: {  	_ =	swait.ge [sflag:s16], $0x600  }
0x7e: {  	[sflag:s16] =	ssyncset.done $0x0  }
0x7f: {  	s24 =	rddreg [dreg:$0x1c];
	[sflag:s16] =	ssyncadd.s32 $0xFFFFFA00  }
0x80: {  	[hbm4b:s24+s4] =	stream.linear.scatter [tilespmem:s15], [sflag:$0x5], $0x600, $0x38;
	[tilespmem:$0xB000] =	vst v63  }
0x81: {  	_ =	swait.ge [sflag:s16], $0x600  }
0x82: {  	[sflag:s16] =	ssyncset.done $0x0  }
0x83: {  	[sflag:s16] =	ssyncadd.s32 $0xFFFFFA00  }
0x84: {  	[tilespmem:s15], [sflag:$0x5] =	stream.linear.gather [spmem:s1], $0x600, $0x38;
	[tilespmem:$0xB000] =	vst v63  }
0x85: {  	_ =	swait.ge [sflag:s16], $0x600  }
0x86: {  	[sflag:s16] =	ssyncset.done $0x0  }
0x87: {  	s29 =	rddreg [dreg:$0x1d];
	[sflag:s16] =	ssyncadd.s32 $0xFFFFFA00  }
0x88: {  	[hbm4b:s29+s4] =	stream.linear.scatter [tilespmem:s15], [sflag:$0x5], $0x600, $0x38;
	[tilespmem:$0xB000] =	vst v63  }
0x89: {  	_ =	swait.ge [sflag:s16], $0x600  }
0x8a: {  	[sflag:s16] =	ssyncset.done $0x0  }
0x8b: {  	[sflag:s16] =	ssyncadd.s32 $0xFFFFFA00  }
0x8c: {  	[tilespmem:s15], [sflag:$0x5] =	stream.linear.gather [spmem:s12], $0x600, $0x38;
	[tilespmem:$0xB000] =	vst v63  }
0x8d: {  	_ =	swait.ge [sflag:s16], $0x600  }
0x8e: {  	[sflag:s16] =	ssyncset.done $0x0  }
0x8f: {  	s13 =	rddreg [dreg:$0x1e];
	[sflag:s16] =	ssyncadd.s32 $0xFFFFFA00  }
0x90: {  	[hbm4b:s13+s4] =	stream.linear.scatter [tilespmem:s15], [sflag:$0x5], $0x600, $0x38;
	[tilespmem:$0xB000] =	vst v63  }
0x91: {  	_ =	swait.ge [sflag:s16], $0x600  }
0x92: {  	[sflag:s16] =	ssyncset.done $0x0  }
0x93: {  	[sflag:s16] =	ssyncadd.s32 $0xFFFFFA00  }
0x94: {  	[tilespmem:s15], [sflag:$0x5] =	stream.linear.gather [spmem:s25], $0x600, $0x38;
	[tilespmem:$0xB000] =	vst v63  }
0x95: {  	_ =	swait.ge [sflag:s16], $0x600  }
0x96: {  	[sflag:s16] =	ssyncset.done $0x0  }
0x97: {  	s29 =	rddreg [dreg:$0x1f];
	[sflag:s16] =	ssyncadd.s32 $0xFFFFFA00  }
0x98: {  	[hbm4b:s29+s4] =	stream.linear.scatter [tilespmem:s15], [sflag:$0x5], $0x600, $0x38;
	[tilespmem:$0xB000] =	vst v63  }
0x99: {  	_ =	swait.ge [sflag:s16], $0x600  }
0x9a: {  	[sflag:s16] =	ssyncset.done $0x0  }
0x9b: {  	s28 =	rddreg [dreg:$0x10];
	[sflag:s16] =	ssyncadd.s32 $0xFFFFFA00  }
0x9c: {  	[tilespmem:s15], [sflag:$0x5] =	stream.linear.gather [spmem:s28], $0x600, $0x38;
	[tilespmem:$0xB000] =	vst v63  }
0x9d: {  	_ =	swait.ge [sflag:s16], $0x600  }
0x9e: {  	s13 =	smov.u32 s25;
	s25 =	sld [smem:$0x7F4]  }
0x9f: {  	[sflag:s16] =	ssyncset.done $0x0  }
0xa0: {  	[sflag:s16] =	ssyncadd.s32 $0xFFFFFA00  }
0xa1: {  	[hbm4b:s25+s4] =	stream.linear.scatter [tilespmem:s15], [sflag:$0x5], $0x600, $0x38;
	[tilespmem:$0xB000] =	vst v63  }
0xa2: {  	_ =	swait.ge [sflag:s16], $0x600  }
0xa3: {  	[sflag:s16] =	ssyncset.done $0x0  }
0xa4: {  	s25 =	rddreg [dreg:$0xf];
	[sflag:s16] =	ssyncadd.s32 $0xFFFFFA00  }
0xa5: {  	[tilespmem:s15], [sflag:$0x5] =	stream.linear.gather [spmem:s25], $0x600, $0x38;
	[tilespmem:$0xB000] =	vst v63  }
0xa6: {  	_ =	swait.ge [sflag:s16], $0x600  }
0xa7: {  	s29 =	sld [smem:$0x7F5]  }
0xa8: {  	[sflag:s16] =	ssyncset.done $0x0  }
0xa9: {  	[sflag:s16] =	ssyncadd.s32 $0xFFFFFA00  }
0xaa: {  	[hbm4b:s29+s4] =	stream.linear.scatter [tilespmem:s15], [sflag:$0x5], $0x600, $0x38;
	[tilespmem:$0xB000] =	vst v63  }
0xab: {  	_ =	swait.ge [sflag:s16], $0x600  }
0xac: {  	[sflag:s16] =	ssyncset.done $0x0  }
0xad: {  	s29 =	rddreg [dreg:$0x19];
	[sflag:s16] =	ssyncadd.s32 $0xFFFFFA00  }
0xae: {  	[tilespmem:s15], [sflag:$0x5] =	stream.linear.gather [spmem:s29], $0x600, $0x38;
	[tilespmem:$0xB000] =	vst v63  }
0xaf: {  	_ =	swait.ge [sflag:s16], $0x600  }
0xb0: {  	s29 =	sld [smem:$0x7F6]  }
0xb1: {  	[sflag:s16] =	ssyncset.done $0x0  }
0xb2: {  	[sflag:s16] =	ssyncadd.s32 $0xFFFFFA00  }
0xb3: {  	[hbm4b:s29+s4] =	stream.linear.scatter [tilespmem:s15], [sflag:$0x5], $0x600, $0x38;
	[tilespmem:$0xB000] =	vst v63  }
0xb4: {  	_ =	swait.ge [sflag:s16], $0x600  }
0xb5: {  	s29 =	sld [smem:$0x7F3]  }
0xb6: {  	[sflag:s16] =	ssyncset.done $0x0  }
0xb7: {  	[sflag:s16] =	ssyncadd.s32 $0xFFFFFA00  }
0xb8: {  	[tilespmem:s15], [sflag:$0x5] =	stream.linear.gather [spmem:s29], $0x600, $0x38;
	[tilespmem:$0xB000] =	vst v63  }
0xb9: {  	_ =	swait.ge [sflag:s16], $0x600  }
0xba: {  	s29 =	sld [smem:$0x7F7]  }
0xbb: {  	[sflag:s16] =	ssyncset.done $0x0  }
0xbc: {  	[sflag:s16] =	ssyncadd.s32 $0xFFFFFA00  }
0xbd: {  	[hbm4b:s29+s4] =	stream.linear.scatter [tilespmem:s15], [sflag:$0x5], $0x600, $0x38;
	[tilespmem:$0xB000] =	vst v63  }
0xbe: {  	_ =	swait.ge [sflag:s16], $0x600  }
0xbf: {  	[sflag:s16] =	ssyncset.done $0x0  }
0xc0: {  	[sflag:s16] =	ssyncadd.s32 $0xFFFFFA00  }
0xc1: {  	[tilespmem:s15], [sflag:$0x5] =	stream.linear.gather [spmem:s26], $0x600, $0x38;
	[tilespmem:$0xB000] =	vst v63  }
0xc2: {  	_ =	swait.ge [sflag:s16], $0x600  }
0xc3: {  	s29 =	sld [smem:$0x7F8]  }
0xc4: {  	[sflag:s16] =	ssyncset.done $0x0  }
0xc5: {  	[sflag:s16] =	ssyncadd.s32 $0xFFFFFA00  }
0xc6: {  	[hbm4b:s29+s4] =	stream.linear.scatter [tilespmem:s15], [sflag:$0x5], $0x600, $0x38;
	[tilespmem:$0xB000] =	vst v63  }
0xc7: {  	_ =	swait.ge [sflag:s16], $0x600  }
0xc8: {  	[sflag:s16] =	ssyncset.done $0x0  }
0xc9: {  	[sflag:s16] =	ssyncadd.s32 $0xFFFFFA00  }
0xca: {  	[tilespmem:s15], [sflag:$0x5] =	stream.linear.gather [spmem:s21], $0x600, $0x38;
	[tilespmem:$0xB000] =	vst v63  }
0xcb: {  	_ =	swait.ge [sflag:s16], $0x600  }
0xcc: {  	s21 =	sld [smem:$0x7F9]  }
0xcd: {  	[sflag:s16] =	ssyncset.done $0x0  }
0xce: {  	[sflag:s16] =	ssyncadd.s32 $0xFFFFFA00  }
0xcf: {  	[hbm4b:s21+s4] =	stream.linear.scatter [tilespmem:s15], [sflag:$0x5], $0x600, $0x38;
	[tilespmem:$0xB000] =	vst v63  }
0xd0: {  	_ =	swait.ge [sflag:s16], $0x600  }
0xd1: {  	[sflag:s16] =	ssyncset.done $0x0  }
0xd2: {  	[sflag:s16] =	ssyncadd.s32 $0xFFFFFA00  }
0xd3: {  	[tilespmem:s15], [sflag:$0x5] =	stream.linear.gather [spmem:s31], $0x600, $0x38;
	[tilespmem:$0xB000] =	vst v63  }
0xd4: {  	_ =	swait.ge [sflag:s16], $0x600  }
0xd5: {  	s29 =	sld [smem:$0x7FA]  }
0xd6: {  	[sflag:s16] =	ssyncset.done $0x0  }
0xd7: {  	[sflag:s16] =	ssyncadd.s32 $0xFFFFFA00  }
0xd8: {  	[hbm4b:s29+s4] =	stream.linear.scatter [tilespmem:s15], [sflag:$0x5], $0x600, $0x38;
	[tilespmem:$0xB000] =	vst v63  }
0xd9: {  	_ =	swait.ge [sflag:s16], $0x600  }
0xda: {  	[sflag:s16] =	ssyncset.done $0x0  }
0xdb: {  	s24 =	smov.u32 s1;
	s1 =	rddreg [dreg:$0x15];
	[sflag:s16] =	ssyncadd.s32 $0xFFFFFA00  }
0xdc: {  	[tilespmem:s15], [sflag:$0x5] =	stream.linear.gather [spmem:s1], $0x600, $0x38;
	[tilespmem:$0xB000] =	vst v63  }
0xdd: {  	_ =	swait.ge [sflag:s16], $0x600  }
0xde: {  	s29 =	sld [smem:$0x7FB]  }
0xdf: {  	[sflag:s16] =	ssyncset.done $0x0  }
0xe0: {  	[sflag:s16] =	ssyncadd.s32 $0xFFFFFA00  }
0xe1: {  	[hbm4b:s29+s4] =	stream.linear.scatter [tilespmem:s15], [sflag:$0x5], $0x600, $0x38;
	[tilespmem:$0xB000] =	vst v63  }
0xe2: {  	_ =	swait.ge [sflag:s16], $0x600  }
0xe3: {  	[sflag:s16] =	ssyncset.done $0x0  }
0xe4: {  	[sflag:s16] =	ssyncadd.s32 $0xFFFFFA00  }
0xe5: {  	[tilespmem:s15], [sflag:$0x5] =	stream.linear.gather [spmem:s3], $0x600, $0x38;
	[tilespmem:$0xB000] =	vst v63  }
0xe6: {  	_ =	swait.ge [sflag:s16], $0x600  }
0xe7: {  	s3 =	sld [smem:$0x7FC]  }
0xe8: {  	[sflag:s16] =	ssyncset.done $0x0  }
0xe9: {  	[sflag:s16] =	ssyncadd.s32 $0xFFFFFA00  }
0xea: {  	[hbm4b:s3+s4] =	stream.linear.scatter [tilespmem:s15], [sflag:$0x5], $0x600, $0x38;
	[tilespmem:$0xB000] =	vst v63  }
0xeb: {  	_ =	swait.ge [sflag:s16], $0x600  }
0xec: {  	s30 =	sld [smem:$0x7FD];
	_ =	sdelay $0x2  }
0xed: {  	s21 =	rddreg [dreg:$0x18];
	s30 =	sadd.s32 $0x1, s30  }
0xee: {  	p0 =	sne.s32 s30, s21  }
.Ltmp1:
0xef: {  	_ = 	snop;
	(pc) =	sbr.rel @!p0 .LBB2_5-.Ltmp1, $3  }
0xf0: {  	_ =	sdelay $0x1  }
0xf1: {  	[sflag:s16] =	ssyncset.done $0x0  }
0xf2: {  	[sflag:s16] =	ssyncadd.s32 $0xFFFFFA00;
	[smem:$0x7FD] =	sst s30;
	s30 =	smov.u32 s0  }
.LBB2_1:
0xf3: {  	s3 =	rddreg [dreg:$0x1]  }
0xf4: {  	[tilespmem:s15], [sflag:$0x5] =	stream.linear.gather [hbm4b:s3+s4], $0x600, $0x38;
	[tilespmem:$0xB000] =	vst v63  }
0xf5: {  	_ =	swait.ge [sflag:s16], $0x600  }
0xf6: {  	[sflag:s16] =	ssyncset.done $0x0  }
0xf7: {  	[sflag:s16] =	ssyncadd.s32 $0xFFFFFA00  }
0xf8: {  	[spmem:s23] =	stream.linear.scatter [tilespmem:s15], [sflag:$0x5], $0x600, $0x38;
	[tilespmem:$0xB000] =	vst v63  }
0xf9: {  	_ =	swait.ge [sflag:s16], $0x600  }
0xfa: {  	s23 =	smov.u32 s12;
	s12 =	rddreg [dreg:$0xc]  }
0xfb: {  	s29 =	smov.u32 s25;
	s0 =	smov.u32 s22;
	s25 =	rddreg [dreg:$0xd]  }
0xfc: {  	s22 =	smov.u32 s24;
	[sflag:s16] =	ssyncset.done $0x0;
	s21 =	rddreg [dreg:$0xe]  }
0xfd: {  	s24 =	smov.u32 s31;
	s31 =	rddreg [dreg:$0x11];
	[sflag:s16] =	ssyncadd.s32 $0xFFFFFA00  }
0xfe: {  	[spmem:s0] =	stream.linear.scatter [tilespmem:s15], [sflag:$0x5], $0x600, $0x38;
	[tilespmem:$0xB000] =	vst v63  }
0xff: {  	s0 =	rddreg [dreg:$0x13];
	_ =	swait.ge [sflag:s16], $0x600  }
0x100: {  	[sflag:s16] =	ssyncset.done $0x0  }
0x101: {  	[sflag:s16] =	ssyncadd.s32 $0xFFFFFA00  }
0x102: {  	[spmem:s12] =	stream.linear.scatter [tilespmem:s15], [sflag:$0x5], $0x600, $0x38;
	[tilespmem:$0xB000] =	vst v63  }
0x103: {  	_ =	swait.ge [sflag:s16], $0x600  }
0x104: {  	[sflag:s16] =	ssyncset.done $0x0  }
0x105: {  	[sflag:s16] =	ssyncadd.s32 $0xFFFFFA00  }
0x106: {  	[spmem:s25] =	stream.linear.scatter [tilespmem:s15], [sflag:$0x5], $0x600, $0x38;
	[tilespmem:$0xB000] =	vst v63  }
0x107: {  	_ =	swait.ge [sflag:s16], $0x600  }
0x108: {  	[sflag:s16] =	ssyncset.done $0x0  }
0x109: {  	[sflag:s16] =	ssyncadd.s32 $0xFFFFFA00  }
0x10a: {  	[spmem:s21] =	stream.linear.scatter [tilespmem:s15], [sflag:$0x5], $0x600, $0x38;
	[tilespmem:$0xB000] =	vst v63  }
0x10b: {  	_ =	swait.ge [sflag:s16], $0x600  }
0x10c: {  	[sflag:s16] =	ssyncset.done $0x0  }
0x10d: {  	[sflag:s16] =	ssyncadd.s32 $0xFFFFFA00  }
0x10e: {  	[spmem:s31] =	stream.linear.scatter [tilespmem:s15], [sflag:$0x5], $0x600, $0x38;
	[tilespmem:$0xB000] =	vst v63  }
0x10f: {  	_ =	swait.ge [sflag:s16], $0x600  }
0x110: {  	[sflag:s16] =	ssyncset.done $0x0  }
0x111: {  	[sflag:s16] =	ssyncadd.s32 $0xFFFFFA00  }
0x112: {  	[spmem:s0] =	stream.linear.scatter [tilespmem:s15], [sflag:$0x5], $0x600, $0x38;
	[tilespmem:$0xB000] =	vst v63  }
0x113: {  	_ =	swait.ge [sflag:s16], $0x600  }
0x114: {  	[sflag:s16] =	ssyncset.done $0x0  }
0x115: {  	[sflag:s16] =	ssyncadd.s32 $0xFFFFFA00  }
0x116: {  	[spmem:s30] =	stream.linear.scatter [tilespmem:s15], [sflag:$0x5], $0x600, $0x38;
	[tilespmem:$0xB000] =	vst v63  }
0x117: {  	_ =	swait.ge [sflag:s16], $0x600  }
0x118: {  	[sflag:s16] =	ssyncset.done $0x0  }
0x119: {  	[sflag:s16] =	ssyncadd.s32 $0xFFFFFA00  }
0x11a: {  	[spmem:s22] =	stream.linear.scatter [tilespmem:s15], [sflag:$0x5], $0x600, $0x38;
	[tilespmem:$0xB000] =	vst v63  }
0x11b: {  	_ =	swait.ge [sflag:s16], $0x600  }
0x11c: {  	[sflag:s16] =	ssyncset.done $0x0  }
0x11d: {  	[sflag:s16] =	ssyncadd.s32 $0xFFFFFA00  }
0x11e: {  	[spmem:s23] =	stream.linear.scatter [tilespmem:s15], [sflag:$0x5], $0x600, $0x38;
	[tilespmem:$0xB000] =	vst v63  }
0x11f: {  	_ =	swait.ge [sflag:s16], $0x600  }
0x120: {  	[sflag:s16] =	ssyncset.done $0x0  }
0x121: {  	[sflag:s16] =	ssyncadd.s32 $0xFFFFFA00  }
0x122: {  	[spmem:s13] =	stream.linear.scatter [tilespmem:s15], [sflag:$0x5], $0x600, $0x38;
	[tilespmem:$0xB000] =	vst v63  }
0x123: {  	_ =	swait.ge [sflag:s16], $0x600  }
0x124: {  	[sflag:s16] =	ssyncset.done $0x0  }
0x125: {  	[sflag:s16] =	ssyncadd.s32 $0xFFFFFA00  }
0x126: {  	[spmem:s28] =	stream.linear.scatter [tilespmem:s15], [sflag:$0x5], $0x600, $0x38;
	[tilespmem:$0xB000] =	vst v63  }
0x127: {  	s3 =	smov.u32 s1;
	_ =	swait.ge [sflag:s16], $0x600  }
0x128: {  	s25 =	smov.u32 s13;
	[sflag:s16] =	ssyncset.done $0x0;
	s13 =	rddreg [dreg:$0x19]  }
0x129: {  	s1 =	smov.u32 s22;
	s22 =	sld [smem:$0x7F3];
	[sflag:s16] =	ssyncadd.s32 $0xFFFFFA00  }
0x12a: {  	[spmem:s29] =	stream.linear.scatter [tilespmem:s15], [sflag:$0x5], $0x600, $0x38;
	[tilespmem:$0xB000] =	vst v63  }
0x12b: {  	s21 =	rddreg [dreg:$0x16];
	_ =	swait.ge [sflag:s16], $0x600  }
0x12c: {  	[sflag:s16] =	ssyncset.done $0x0  }
0x12d: {  	[sflag:s16] =	ssyncadd.s32 $0xFFFFFA00  }
0x12e: {  	[spmem:s13] =	stream.linear.scatter [tilespmem:s15], [sflag:$0x5], $0x600, $0x38;
	[tilespmem:$0xB000] =	vst v63  }
0x12f: {  	_ =	swait.ge [sflag:s16], $0x600  }
0x130: {  	[sflag:s16] =	ssyncset.done $0x0  }
0x131: {  	[sflag:s16] =	ssyncadd.s32 $0xFFFFFA00  }
0x132: {  	[spmem:s22] =	stream.linear.scatter [tilespmem:s15], [sflag:$0x5], $0x600, $0x38;
	[tilespmem:$0xB000] =	vst v63  }
0x133: {  	_ =	swait.ge [sflag:s16], $0x600  }
0x134: {  	[sflag:s16] =	ssyncset.done $0x0  }
0x135: {  	[sflag:s16] =	ssyncadd.s32 $0xFFFFFA00  }
0x136: {  	[spmem:s26] =	stream.linear.scatter [tilespmem:s15], [sflag:$0x5], $0x600, $0x38;
	[tilespmem:$0xB000] =	vst v63  }
0x137: {  	_ =	swait.ge [sflag:s16], $0x600  }
0x138: {  	[sflag:s16] =	ssyncset.done $0x0  }
0x139: {  	[sflag:s16] =	ssyncadd.s32 $0xFFFFFA00  }
0x13a: {  	[spmem:s21] =	stream.linear.scatter [tilespmem:s15], [sflag:$0x5], $0x600, $0x38;
	[tilespmem:$0xB000] =	vst v63  }
0x13b: {  	_ =	swait.ge [sflag:s16], $0x600  }
0x13c: {  	[sflag:s16] =	ssyncset.done $0x0  }
0x13d: {  	[sflag:s16] =	ssyncadd.s32 $0xFFFFFA00  }
0x13e: {  	[spmem:s24] =	stream.linear.scatter [tilespmem:s15], [sflag:$0x5], $0x600, $0x38;
	[tilespmem:$0xB000] =	vst v63  }
0x13f: {  	_ =	swait.ge [sflag:s16], $0x600  }
0x140: {  	[sflag:s16] =	ssyncset.done $0x0  }
0x141: {  	[sflag:s16] =	ssyncadd.s32 $0xFFFFFA00  }
0x142: {  	[spmem:s3] =	stream.linear.scatter [tilespmem:s15], [sflag:$0x5], $0x600, $0x38;
	[tilespmem:$0xB000] =	vst v63  }
0x143: {  	_ =	swait.ge [sflag:s16], $0x600  }
0x144: {  	[sflag:s16] =	ssyncset.done $0x0  }
0x145: {  	s12 =	smov.u32 s23;
	s23 =	rddreg [dreg:$0x17];
	[sflag:s16] =	ssyncadd.s32 $0xFFFFFA00  }
0x146: {  	[spmem:s23] =	stream.linear.scatter [tilespmem:s15], [sflag:$0x5], $0x600, $0x38;
	[tilespmem:$0xB000] =	vst v63  }
0x147: {  	_ =	swait.ge [sflag:s16], $0x600  }
0x148: {  	[sflag:s16] =	ssyncset.done $0x0  }
0x149: {  	[sflag:s16] =	ssyncadd.s32 $0xFFFFFA00  }
0x14a: {  	[bflag:$0x0] =	sbarrier.arrive $0xFFFF  }
0x14b: {  	s31 =	smov.u32 s24;
	s24 =	rddreg [dreg:$0x9]  }
0x14c: {  	[tilespmem:s4], [sflag:$0x5] =	stream.linear.gather [hbm4b:s24+s4], $0x100, $0x38;
	[tilespmem:$0xB000] =	vst v63  }
0x14d: {  	_ =	swait.ge [sflag:s16], $0x100  }
0x14e: {  	[sflag:s16] =	ssyncset.done $0x0  }
0x14f: {  	[sflag:s16] =	ssyncadd.s32 $0xFFFFFF00  }
0x150: {  	[tilespmem:s18], [sflag:$0x1] =	stream.indirect.gather [hbm4b:s5+s17], $0x30, s4, s17, $0xb8;
	[tilespmem:$0xB000] =	vst v63  }
0x151: {  	_ =	swait.ge [sflag:s14], $0x1800  }
0x152: {  	[sflag:s14] =	ssyncset.done $0x0  }
0x153: {  	[sflag:s14] =	ssyncadd.s32 $0xFFFFE800  }
0x154: {  	[spmem:s2] =	stream.indirect.scatter.add.f32 [tilespmem:s18], [sflag:$0x3], $0x30, s17, s17, $0xb8;
	[tilespmem:$0xB000] =	vst v63  }
0x155: {  	s28 =	rddreg [dreg:$0xa]  }
0x156: {  	[tilespmem:s11], [sflag:$0x5] =	stream.linear.gather [hbm4b:s28+s4], $0x100, $0x38;
	[tilespmem:$0xB000] =	vst v63  }
0x157: {  	_ =	swait.ge [sflag:s16], $0x100  }
0x158: {  	[sflag:s16] =	ssyncset.done $0x0  }
0x159: {  	[sflag:s16] =	ssyncadd.s32 $0xFFFFFF00  }
0x15a: {  	[tilespmem:s6], [sflag:$0x2] =	stream.indirect.gather [hbm4b:s5+s17], $0x30, s11, s17, $0xb8;
	[tilespmem:$0xB000] =	vst v63  }
0x15b: {  	_ =	swait.ge [sflag:s7], $0x1800  }
0x15c: {  	[sflag:s7] =	ssyncset.done $0x0  }
0x15d: {  	[sflag:s7] =	ssyncadd.s32 $0xFFFFE800  }
0x15e: {  	[spmem:s2] =	stream.indirect.scatter.add.f32 [tilespmem:s6], [sflag:$0x4], $0x30, s8, s17, $0xb8;
	[tilespmem:$0xB000] =	vst v63  }
0x15f: {  	_ =	swait.ge [sflag:s9], $0x1800  }
0x160: {  	[sflag:s9] =	ssyncset.done $0x0  }
0x161: {  	s29 =	rddreg [dreg:$0xb];
	[sflag:s9] =	ssyncadd.s32 $0xFFFFE800  }
0x162: {  	[tilespmem:s4], [sflag:$0x5] =	stream.linear.gather [hbm4b:s29+s4], $0x100, $0x38;
	[tilespmem:$0xB000] =	vst v63  }
0x163: {  	_ =	swait.ge [sflag:s16], $0x100  }
0x164: {  	[sflag:s16] =	ssyncset.done $0x0  }
0x165: {  	s0 =	smov.u32 s30;
	s22 =	simm.s32 $0x0;
	[sflag:s16] =	ssyncadd.s32 $0xFFFFFF00  }
0x166: {  	[tilespmem:s18], [sflag:$0x1] =	stream.indirect.gather [hbm4b:s5+s17], $0x30, s4, s17, $0xb8;
	[tilespmem:$0xB000] =	vst v63  }
.LBB2_2:
0x167: {  	_ =	swait.ge [sflag:s14], $0x1800  }
0x168: {  	[sflag:s14] =	ssyncset.done $0x0  }
0x169: {  	[sflag:s14] =	ssyncadd.s32 $0xFFFFE800  }
0x16a: {  	[spmem:s2] =	stream.indirect.scatter.add.f32 [tilespmem:s18], [sflag:$0x3], $0x30, s17, s17, $0xb8;
	[tilespmem:$0xB000] =	vst v63  }
0x16b: {  	_ =	swait.ge [sflag:s10], $0x1800  }
0x16c: {  	[sflag:s10] =	ssyncset.done $0x0  }
0x16d: {  	s23 =	sadd.s32 s22, s20;
	[sflag:s10] =	ssyncadd.s32 $0xFFFFE800  }
0x16e: {  	[tilespmem:s11], [sflag:$0x5] =	stream.linear.gather [hbm4b:s23+s4], $0x100, $0x38;
	[tilespmem:$0xB000] =	vst v63  }
0x16f: {  	_ =	swait.ge [sflag:s16], $0x100  }
0x170: {  	[sflag:s16] =	ssyncset.done $0x0  }
0x171: {  	[sflag:s16] =	ssyncadd.s32 $0xFFFFFF00  }
0x172: {  	[tilespmem:s6], [sflag:$0x2] =	stream.indirect.gather [hbm4b:s5+s17], $0x30, s11, s17, $0xb8;
	[tilespmem:$0xB000] =	vst v63  }
0x173: {  	_ =	swait.ge [sflag:s7], $0x1800  }
0x174: {  	p0 =	seq.s32 s22, $0x980;
	[sflag:s7] =	ssyncset.done $0x0  }
.Ltmp2:
0x175: {  	[sflag:s7] =	ssyncadd.s32 $0xFFFFE800;
	(pc) =	sbr.rel @p0 .LBB2_4-.Ltmp2, $4  }
0x176: {  	[spmem:s2] =	stream.indirect.scatter.add.f32 [tilespmem:s6], [sflag:$0x4], $0x30, s8, s17, $0xb8;
	[tilespmem:$0xB000] =	vst v63  }
0x177: {  	_ =	swait.ge [sflag:s9], $0x1800  }
0x178: {  	[sflag:s9] =	ssyncset.done $0x0  }
0x179: {  	[sflag:s9] =	ssyncadd.s32 $0xFFFFE800  }
0x17a: {  	s23 =	sadd.s32 s22, s19  }
0x17b: {  	[tilespmem:s4], [sflag:$0x5] =	stream.linear.gather [hbm4b:s23+s4], $0x100, $0x38;
	[tilespmem:$0xB000] =	vst v63  }
.Ltmp3:
0x17c: {  	_ = 	snop;
	(pc) =	sbr.rel .LBB2_2-.Ltmp3, $4  }
0x17d: {  	_ =	swait.ge [sflag:s16], $0x100  }
0x17e: {  	[sflag:s16] =	ssyncset.done $0x0  }
0x17f: {  	s22 =	sadd.s32 $0x40, s22;
	[sflag:s16] =	ssyncadd.s32 $0xFFFFFF00  }
0x180: {  	[tilespmem:s18], [sflag:$0x1] =	stream.indirect.gather [hbm4b:s5+s17], $0x30, s4, s17, $0xb8;
	[tilespmem:$0xB000] =	vst v63  }
.LBB2_5:
0x181: {  	_ =	sfence.sel $0x180000  }
0x182: {  	[bflag:$0x0] =	sbarrier.arrive $0xFFFF  }
0x183: {  	_ =	strace $0x9000004D  }
0x184: {  	s0 =	stileid.u32;
	[bflag:$0x2] =	sbarrier.arrive $0xFFFF  }
0x185: {  	p0 =	sne.s32 s0, $0x0;
	s0 =	rddreg [dreg:$0x3]  }
0x186: {  	s0 =	sadd.s32 @!p0 $0x100000, s0  }
0x187: {  	[sflag:s0] =	ssyncadd.tile.s32 @!p0 $0x1;
	_ =	shalt  }
.Lfunc_end2:
_tile_overlayer_lowered:
.L_overlay_start_2:
0x188: {  	(tag) =	ssettag $0x2  }
0x189: {  	s0 =	rddreg [dreg:$0x0];
	s2 =	stileid.u32  }
0x18a: {  	s1 =	rddreg [dreg:$0x1];
	p0 =	sne.s32 s2, $0x0  }
0x18b: {  	s3 =	rddreg [dreg:$0x2];
	[bflag:$0x3] =	sbarrier.arrive $0xFFFF;
	s2 =	simm.s32 @!p0 $0x1C05  }
0x18c: {  	[timem:s3], [sflag:s2] =	dma.local @!p0 [hbm:s0], s1  }
0x18d: {  	s0 =	simm.s32 @!p0 $0x5  }
0x18e: {  	_ =	swait.ge @!p0 [sflag:s0], s1  }
0x18f: {  	s1 =	ssub.s32 @!p0 $0x0, s1;
	[sflag:s0] =	ssyncset.done @!p0 $0x0  }
0x190: {  	[sflag:s0] =	ssyncadd.s32 @!p0 s1  }
0x191: {  	[bflag:$0x3] =	sbarrier.arrive $0xFFFF  }
0x192: {  	_ =	shalt  }

// kernel: kernel.8.cloned.1.call-start
scs
__scs_entry_jumppad:
0x0: {  	(pc) =	sbr.rel $0x88, $3  }
0x1: {  	(tag) =	ssettag $0x0;
	lr =	simm.s32 $0x1  }
0x2: {  	[smem:$0x3F9B] =	sst lr;
	_ =	strace $0xD0000000  }
0x3: {  	_ = 	snop  }
0x4: {  	_ = 	snop  }
0x5: {  	_ = 	snop  }
0x6: {  	_ = 	snop  }
0x7: {  	_ = 	snop  }
__scs_overlays_trampoline_lowered:
0x8: {  	[smem:$0x3FAA] =	sst s0  }
0x9: {  	[smem:$0x3FAB] =	sst s1  }
0xa: {  	[smem:$0x3FAC] =	sst s2  }
0xb: {  	[smem:$0x3FAD] =	sst s3  }
0xc: {  	[smem:$0x3FAE] =	sst s4  }
0xd: {  	[smem:$0x3FAF] =	sst s5  }
0xe: {  	[smem:$0x3FB0] =	sst s6  }
0xf: {  	[smem:$0x3FB1] =	sst s7  }
0x10: {  	[smem:$0x3FB2] =	sst s8  }
0x11: {  	[smem:$0x3FB3] =	sst s9;
	s0 =	simm.s32 @!p0 $0x0  }
0x12: {  	s1 =	sld [smem:$0x3F99];
	s0 =	simm.s32 @p0 $0x1  }
0x13: {  	[smem:$0x3FB4] =	sst s0;
	s0 =	simm.s32 @!p1 $0x0  }
0x14: {  	s2 =	sld [smem:$0x3F98];
	s0 =	simm.s32 @p1 $0x1  }
0x15: {  	[smem:$0x3FB5] =	sst s0;
	s0 =	simm.s32 @!p2 $0x0  }
0x16: {  	s3 =	sld [smem:$0x3FDB];
	s0 =	simm.s32 @p2 $0x1  }
0x17: {  	s4 =	simm.s32 $0x1BF5;
	[smem:$0x3FB7] =	sst s0  }
0x18: {  	s0 =	sld [smem:$0x3F9A];
	_ =	swait.ge [sflag:s4], $0x0  }
0x19: {  	s7 =	sld [smem:$0x3F9B]  }
0x1a: {  	s8 =	sadd.s32 $0xFFFFE003, lr  }
0x1b: {  	s9 =	sadd.s32 $0xFFFFFEF7, lr;
	s5 =	simm.s32 $0xFFFFFFFF;
	p2 =	slt.u32 s8, $0xFFFFF086  }
0x1c: {  	p1 =	slt.u32 s9, $0xF7A;
	s5 =	simm.s32 @!p2 $0x0  }
0x1d: {  	s5 =	simm.s32 @p1 $0x1;
	p0 =	seq.s32 s7, s2  }
0x1e: {  	s7 =	smul.u32 @!p0 $0xF7A, s2;
	p2 =	seq.s32 @!p0 s5, $0x0  }
0x1f: {  	s9 =	smul.u32 $0xF7A, s1;
	s8 =	simm.s32 @!p0 $0x1BF5;
	p2 =	por !p2, p0  }
0x20: {  	[sflag:s8] =	ssyncset.s32 @!p0 $0xFFFFF086;
	s6 =	sadd.s32 @!p0 s3, s7;
	s7 =	simm.s32 @!p0 $0x108  }
0x21: {  	s3 =	sadd.s32 s3, s9;
	s6 =	sadd.s32 @!p0 $0x88, s6;
	s7 =	simm.s32 @p2 $0x1082  }
0x22: {  	[simem:s7], [sflag:s8] =	dma.local @!p0 [hbm:s6], $0xF7A  }
0x23: {  	s9 =	sor.u32 $0xD0000000, s2;
	s6 =	simm.s32 $0x108;
	_ =	swait.ge @!p0 [sflag:s8], $0x0  }
0x24: {  	s3 =	sadd.s32 $0x88, s3;
	s6 =	simm.s32 @!p1 $0x1082;
	[sflag:s4] =	ssyncset.s32 $0xFFFFF086  }
0x25: {  	[simem:s6], [sflag:s4] =	dma.local [hbm:s3], $0xF7A  }
0x26: {  	[smem:$0x3F9B] =	sst s1;
	(tag) =	ssettag s2;
	_ =	strace s9  }
0x27: {  	s1 =	sld [smem:$0x3FAB]  }
0x28: {  	s2 =	sld [smem:$0x3FAC]  }
0x29: {  	s4 =	sld [smem:$0x3FAE]  }
0x2a: {  	p0 =	seq.s32 s5, $0x0;
	s5 =	sld [smem:$0x3FAF]  }
0x2b: {  	s6 =	sld [smem:$0x3FB0]  }
0x2c: {  	s7 =	sld [smem:$0x3FB1]  }
0x2d: {  	s3 =	simm.s32 $0x108;
	s8 =	sld [smem:$0x3FB2]  }
0x2e: {  	s3 =	simm.s32 @!p0 $0x1082;
	s9 =	sld [smem:$0x3FB3]  }
0x2f: {  	lr =	sadd.s32 s0, s3;
	s0 =	sld [smem:$0x3FAA]  }
0x30: {  	s3 =	sld [smem:$0x3FAD]  }
0x31: {  	[smem:$0x3FB6] =	sst s10  }
0x32: {  	s10 =	sld [smem:$0x3FB4];
	_ =	sdelay $0x3  }
0x33: {  	p0 =	seq.s32 s10, $0x1;
	s10 =	sld [smem:$0x3FB6];
	_ =	sdelay $0x3  }
0x34: {  	[smem:$0x3FB6] =	sst s10  }
0x35: {  	s10 =	sld [smem:$0x3FB5];
	_ =	sdelay $0x3  }
0x36: {  	p1 =	seq.s32 s10, $0x1;
	s10 =	sld [smem:$0x3FB6];
	_ =	sdelay $0x3  }
0x37: {  	[smem:$0x3FB6] =	sst s10  }
0x38: {  	s10 =	sld [smem:$0x3FB7]  }
0x39: {  	_ = 	snop;
	(pc) =	sbr.ind lr, $3  }
0x3a: {  	_ = 	snop  }
0x3b: {  	_ = 	snop  }
0x3c: {  	p2 =	seq.s32 s10, $0x1;
	s10 =	sld [smem:$0x3FB6]  }
0x3d: {  	_ =	shalt  }
0x3e: {  	_ =	shalt  }
0x3f: {  	_ =	shalt  }
0x40: {  	_ =	shalt  }
0x41: {  	_ =	shalt  }
0x42: {  	_ =	shalt  }
0x43: {  	_ =	shalt  }
0x44: {  	_ =	shalt  }
0x45: {  	_ =	shalt  }
0x46: {  	_ =	shalt  }
0x47: {  	_ =	shalt  }
0x48: {  	_ =	shalt  }
0x49: {  	_ =	shalt  }
0x4a: {  	_ =	shalt  }
0x4b: {  	_ =	shalt  }
0x4c: {  	_ =	shalt  }
0x4d: {  	_ =	shalt  }
0x4e: {  	_ =	shalt  }
0x4f: {  	_ =	shalt  }
0x50: {  	_ =	shalt  }
0x51: {  	_ =	shalt  }
0x52: {  	_ =	shalt  }
0x53: {  	_ =	shalt  }
0x54: {  	_ =	shalt  }
0x55: {  	_ =	shalt  }
0x56: {  	_ =	shalt  }
0x57: {  	_ =	shalt  }
0x58: {  	_ =	shalt  }
0x59: {  	_ =	shalt  }
0x5a: {  	_ =	shalt  }
0x5b: {  	_ =	shalt  }
0x5c: {  	_ =	shalt  }
0x5d: {  	_ =	shalt  }
0x5e: {  	_ =	shalt  }
0x5f: {  	_ =	shalt  }
0x60: {  	_ =	shalt  }
0x61: {  	_ =	shalt  }
0x62: {  	_ =	shalt  }
0x63: {  	_ =	shalt  }
0x64: {  	_ =	shalt  }
0x65: {  	_ =	shalt  }
0x66: {  	_ =	shalt  }
0x67: {  	_ =	shalt  }
0x68: {  	_ =	shalt  }
0x69: {  	_ =	shalt  }
0x6a: {  	_ =	shalt  }
0x6b: {  	_ =	shalt  }
0x6c: {  	_ =	shalt  }
0x6d: {  	_ =	shalt  }
0x6e: {  	_ =	shalt  }
0x6f: {  	_ =	shalt  }
0x70: {  	_ =	shalt  }
0x71: {  	_ =	shalt  }
0x72: {  	_ =	shalt  }
0x73: {  	_ =	shalt  }
0x74: {  	_ =	shalt  }
0x75: {  	_ =	shalt  }
0x76: {  	_ =	shalt  }
0x77: {  	_ =	shalt  }
0x78: {  	_ =	shalt  }
0x79: {  	_ =	shalt  }
0x7a: {  	_ =	shalt  }
0x7b: {  	_ =	shalt  }
0x7c: {  	_ =	shalt  }
0x7d: {  	_ =	shalt  }
0x7e: {  	_ =	shalt  }
0x7f: {  	_ =	shalt  }
0x80: {  	_ =	shalt  }
0x81: {  	_ =	shalt  }
0x82: {  	_ =	shalt  }
0x83: {  	_ =	shalt  }
0x84: {  	_ =	shalt  }
0x85: {  	_ =	shalt  }
0x86: {  	_ =	shalt  }
0x87: {  	_ =	shalt  }
.Lfunc_end0:
.L_simem_size_0:
called_computation_lowered:
.L_overlay_start_0:
0x88: {  	s2 =	sld [smem:$0x3FD9]  }
0x89: {  	s3 =	sld [smem:$0x3FFE];
	_ =	sdelay $0x1  }
0x8a: {  	s1 =	srdreg.scid  }
0x8b: {  	s0 =	sand.u32 $0x1, s1  }
0x8c: {  	s17 =	sshll.u32 s0, $0xA;
	s2 =	sadd.s32 s3, s2  }
0x8d: {  	s2 =	sadd.s32 s2, s17  }
0x8e: {  	[smem:$0x3FC2] =	sst s2  }
0x8f: {  	_ = 	snop  }
0x90: {  	s2 =	sld [smem:$0x3FD0];
	(tm) =	ssettm $0x1  }
0x91: {  	s18 =	sld [smem:$0x3FFB];
	_ =	sdelay $0x3  }
0x92: {  	_ =	strace s18  }
0x93: {  	s3 =	sld [smem:$0x3FFC];
	_ =	sdelay $0x3  }
0x94: {  	_ =	strace s3  }
0x95: {  	s3 =	sld [smem:$0x3FFD];
	_ =	sdelay $0x3  }
0x96: {  	_ =	strace s3  }
0x97: {  	_ =	strace $0x8FFFFFFF  }
0x98: {  	s19 =	sld [smem:$0x3FDB];
	_ =	sdelay $0x1  }
0x99: {  	s4 =	simm.s32 $_scs_section_size  }
0x9a: {  	s5 =	simm.s32 $_size__tile_overlayer_lowered;
	s6 =	simm.s32 $_tile_overlayer_lowered  }
0x9b: {  	s22 =	simm.s32 $0x1BFF;
	s21 =	sshll.u32 s6, $0x1;
	s3 =	sadd.s32 s4, s19  }
0x9c: {  	s7 =	simm.s32 $0x0;
	s20 =	sshll.u32 s5, $0x1;
	s5 =	sadd.s32 s21, s3  }
0x9d: {  	[timem:s7], [sflag:s22] =	dma.local [hbm:s5], s20  }
0x9e: {  	_ =	swait.ge [sflag:s22], s20  }
0x9f: {  	s4 =	ssub.s32 $0x0, s20;
	[sflag:s22] =	ssyncset.done $0x0  }
0xa0: {  	[sflag:s22] =	ssyncadd.s32 s4;
	_ =	sdelay $0x1  }
0xa1: {  	s23 =	simm.s32 $0x1B8B  }
0xa2: {  	_ =	swait.ge [sflag:s23], $0x1  }
0xa3: {  	[sflag:s23] =	ssyncset.done $0x0  }
0xa4: {  	s25 =	simm.s32 $0x1B8E;
	s24 =	sld [smem:$0x3FFE];
	[sflag:s23] =	ssyncadd.s32 $0xFFFFFFFF  }
0xa5: {  	s26 =	simm.s32 $execute0_lowered;
	[smem:$0x3FD2] =	sst s25  }
0xa6: {  	s5 =	sshll.u32 s26, $0x1;
	_ =	strace $0x80000046;
	[dreg:$0x1] =	wrdreg $0xFFFFFFFF  }
0xa7: {  	s28 =	simm.s32 $_size_execute0_lowered;
	s3 =	sadd.s32 s3, s5;
	[dreg:$0x0] =	wrdreg $0x0  }
0xa8: {  	s5 =	sshll.u32 s28, $0x1;
	[dreg:$0x2] =	wrdreg s3  }
0xa9: {  	[dreg:$0x3] =	wrdreg s5  }
0xaa: {  	[dreg:$0x4] =	wrdreg $0xC0  }
0xab: {  	_ =	task [dreg:s7], $0x5FFFF  }
0xac: {  	[dreg:$0x1] =	wrdreg $0xFFFFFFFF  }
0xad: {  	[dreg:$0x0] =	wrdreg $0x60  }
0xae: {  	[dreg:$0x2] =	wrdreg s2  }
0xaf: {  	[dreg:$0x3] =	wrdreg s24  }
0xb0: {  	[dreg:$0x4] =	wrdreg $0x58000  }
0xb1: {  	[dreg:$0x5] =	wrdreg $0x9  }
0xb2: {  	_ =	task.clear_ibuf [dreg:s7], $0x6FFFF;
	_ =	strace $0x90000046  }
0xb3: {  	s29 =	simm.s32 $0x9;
	_ =	strace $0x80000048  }
0xb4: {  	_ =	swait.ge [sflag:s29], $0x1  }
0xb5: {  	[sflag:s29] =	ssyncadd.s32 $0xFFFFFFFF  }
0xb6: {  	_ =	strace $0x90000048  }
0xb7: {  	_ =	sfence  }
0xb8: {  	s30 =	sld [smem:$0x0];
	_ =	sdelay $0x2  }
0xb9: {  	s31 =	sshll.u32 s1, $0xD;
	s1 =	sshrl.u32 s1, $0x2  }
0xba: {  	s3 =	sand.u32 $0x4000, s31;
	s1 =	sadd.s32 s1, s30  }
0xbb: {  	s0 =	sor.u32 s3, s0;
	s1 =	sshll.u32 s1, $0x11  }
0xbc: {  	s0 =	sor.u32 s1, s0  }
0xbd: {  	s0 =	sadd.s32 $0x8F2B, s0  }
0xbe: {  	[sflag:s0] =	ssyncadd.remote.s32 $0x1  }
0xbf: {  	_ =	sfence.sel $0xFFFF  }
0xc0: {  	[dreg:$0x0] =	wrdreg $0xFFFFFFFF;
	(pc) =	sbr.abs _section_cstart, $3  }
0xc1: {  	[dreg:$0x1] =	wrdreg $0xFFFFFFFF  }
0xc2: {  	_ =	task.clear_ibuf [dreg:s7], $0x2FFFF;
	_ =	strace $0x9FFFFFFF  }
0xc3: {  	(tm) =	ssettm $0x7FFFFFFF  }
tec
execute0_lowered:
.L_overlay_start_1:
0x0: {  	(tag) =	ssettag $0x1  }
0x1: {  	s7 =	rddreg [dreg:$0x0]  }
0x2: {  	s6 =	rddreg [dreg:$0x1]  }
0x3: {  	s1 =	rddreg [dreg:$0x2]  }
0x4: {  	s0 =	rddreg [dreg:$0x3];
	s3 =	simm.s32 $0x0;
	s5 =	srdreg.scid  }
0x5: {  	s2 =	stileid.u32;
	s13 =	simm.s32 $0x80;
	s14 =	simm.s32 $0x0  }
0x6: {  	[smem:$0x7FF] =	sst s3;
	s4 =	sadd.s32 $0x2000, s6;
	s9 =	smul.u32 $0x500, s2  }
0x7: {  	s8 =	sand.u32 $0x1, s5;
	s5 =	sadd.s32 $0x2600, s6;
	s12 =	smul.u32 $0xA000, s2  }
0x8: {  	s10 =	smul.u32 $0x5000, s8;
	s11 =	sshll.u32 s8, $0x4;
	s8 =	ssub.s32 $0x2, s8  }
0x9: {  	_ =	strace $0x80000047;
	s11 =	sor.u32 s2, s11;
	s30 =	sshrl.u32 s8, $0x1  }
0xa: {  	s31 =	sshrl.u32 s12, $0x2;
	s9 =	sadd.s32 s9, s10;
	s11 =	smul.u32 $0x500, s11  }
0xb: {  	s12 =	simm.s32 $0x2800;
	s10 =	ssub.s32 s8, s30;
	s9 =	sadd.s32 s9, s6  }
0xc: {  	s6 =	sadd.s32 s31, s1;
	s7 =	sadd.s32 s7, s11;
	s8 =	sadd.s32 $0x2800, s9  }
0xd: {  	s9 =	smax.u32 s10, $0x1;
	s10 =	simm.s32 $0x3000;
	s11 =	simm.s32 $0x1  }
.LBB2_1:
0xe: {  	[tilespmem:s10], [sflag:$0x1] =	stream.linear.gather [hbm4b:s4+s3], $0x2800, $0x38;
	[tilespmem:$0x8000] =	vst v63  }
0xf: {  	_ =	swait.ge [sflag:s11], $0x2800  }
0x10: {  	[sflag:s11] =	ssyncset.done $0x0  }
0x11: {  	[sflag:s11] =	ssyncadd.s32 $0xFFFFD800  }
0x12: {  	[tilespmem:s12], [sflag:$0x1] =	stream.linear.gather [hbm4b:s5+s3], $0x800, $0x38;
	[tilespmem:$0x8000] =	vst v63  }
0x13: {  	_ =	swait.ge [sflag:s11], $0x800  }
0x14: {  	[sflag:s11] =	ssyncset.done $0x0  }
0x15: {  	[sflag:s11] =	ssyncadd.s32 $0xFFFFF800  }
0x16: {  	[spmem:s6] =	stream.linear.scatter [tilespmem:s10], [sflag:$0x1], $0x2800, $0x38;
	[tilespmem:$0x8000] =	vst v63  }
0x17: {  	_ =	swait.ge [sflag:s11], $0x2800  }
0x18: {  	[sflag:s11] =	ssyncset.done $0x0  }
0x19: {  	[sflag:s11] =	ssyncadd.s32 $0xFFFFD800  }
0x1a: {  	[bflag:$0x0] =	sbarrier.arrive $0xFFFF  }
0x1b: {  	[tilespmem:s3], [sflag:$0x1] =	stream.linear.gather [hbm4b:s7+s3], $0x2800, $0x38;
	[tilespmem:$0x8000] =	vst v63  }
0x1c: {  	_ =	swait.ge [sflag:s11], $0x2800  }
0x1d: {  	[sflag:s11] =	ssyncset.done $0x0  }
0x1e: {  	s15 =	simm.s32 $0x0;
	[sflag:s11] =	ssyncadd.s32 $0xFFFFD800  }
0x1f: {  	[spmem:s1] =	stream.indirect.scatter.add.f32 [tilespmem:s12], [sflag:$0x1], $0x10, s15, s13, $0xb8;
	[tilespmem:$0x8000] =	vst v63  }
0x20: {  	_ =	swait.ge [sflag:s11], $0x800  }
0x21: {  	s15 =	simm.s32 $0x200;
	[sflag:s11] =	ssyncset.done $0x0  }
.LBB2_2:
0x22: {  	s16 =	sshra.s32 s15, $0x2;
	[sflag:s11] =	ssyncadd.s32 $0xFFFFF800;
	p0 =	sne.s32 s15, $0x9E00  }
0x23: {  	[spmem:s1] =	stream.indirect.scatter.add.f32 [tilespmem:s12], [sflag:$0x1], $0x10, s16, s13, $0xb8;
	[tilespmem:$0x8000] =	vst v63  }
.Ltmp0:
0x24: {  	_ = 	snop;
	(pc) =	sbr.rel @p0 .LBB2_2-.Ltmp0, $4  }
0x25: {  	_ = 	snop  }
0x26: {  	s15 =	sadd.s32 $0x200, s15  }
0x27: {  	_ =	swait.ge [sflag:s11], $0x800  }
0x28: {  	[sflag:s11] =	ssyncset.done $0x0  }
0x29: {  	[sflag:s11] =	ssyncadd.s32 $0xFFFFF800  }
0x2a: {  	[bflag:$0x0] =	sbarrier.arrive $0xFFFF  }
0x2b: {  	[tilespmem:s10], [sflag:$0x1] =	stream.linear.gather [spmem:s6], $0x2800, $0x38;
	[tilespmem:$0x8000] =	vst v63  }
0x2c: {  	s14 =	sadd.s32 $0x1, s14;
	_ =	swait.ge [sflag:s11], $0x2800  }
0x2d: {  	p0 =	sne.s32 s14, s9;
	[sflag:s11] =	ssyncset.done $0x0  }
.Ltmp1:
0x2e: {  	[sflag:s11] =	ssyncadd.s32 $0xFFFFD800;
	(pc) =	sbr.rel @p0 .LBB2_1-.Ltmp1, $4  }
0x2f: {  	[hbm4b:s8+s3] =	stream.linear.scatter [tilespmem:s10], [sflag:$0x1], $0x2800, $0x38;
	[tilespmem:$0x8000] =	vst v63  }
0x30: {  	_ =	swait.ge [sflag:s11], $0x2800  }
0x31: {  	[sflag:s11] =	ssyncset.done $0x0  }
0x32: {  	[sflag:s11] =	ssyncadd.s32 $0xFFFFD800  }
0x33: {  	_ =	sfence.sel $0x180000  }
0x34: {  	[bflag:$0x0] =	sbarrier.arrive $0xFFFF  }
0x35: {  	p0 =	sne.s32 s2, $0x0;
	_ =	strace $0x90000047  }
0x36: {  	s0 =	sadd.s32 @!p0 $0x100000, s0;
	[bflag:$0x2] =	sbarrier.arrive $0xFFFF  }
0x37: {  	[sflag:s0] =	ssyncadd.tile.s32 @!p0 $0x1;
	_ =	shalt  }
.Lfunc_end2:
_tile_overlayer_lowered:
.L_overlay_start_2:
0x38: {  	(tag) =	ssettag $0x2  }
0x39: {  	s0 =	rddreg [dreg:$0x0];
	s2 =	stileid.u32  }
0x3a: {  	s1 =	rddreg [dreg:$0x1];
	p0 =	sne.s32 s2, $0x0  }
0x3b: {  	s3 =	rddreg [dreg:$0x2];
	[bflag:$0x3] =	sbarrier.arrive $0xFFFF;
	s2 =	simm.s32 @!p0 $0x1C01  }
0x3c: {  	[timem:s3], [sflag:s2] =	dma.local @!p0 [hbm:s0], s1  }
0x3d: {  	s0 =	simm.s32 @!p0 $0x1  }
0x3e: {  	_ =	swait.ge @!p0 [sflag:s0], s1  }
0x3f: {  	s1 =	ssub.s32 @!p0 $0x0, s1;
	[sflag:s0] =	ssyncset.done @!p0 $0x0  }
0x40: {  	[sflag:s0] =	ssyncadd.s32 @!p0 s1  }
0x41: {  	[bflag:$0x3] =	sbarrier.arrive $0xFFFF  }
0x42: {  	_ =	shalt  }

</sc_bundles>
